<compile_context>
chip_gen: v7x
topology: tpu7x:2x2x1
jax: 0.10.2.dev20260603
libtpu: 0.0.44.dev20260713+nightly
codegen_flags: <defaults>
</compile_context>

<pallas_src>
import jax
import jax.numpy as jnp
from jax import lax
from jax.experimental import pallas as pl
from jax.experimental.pallas import tpu as pltpu
from jax.experimental.pallas import tpu_sc as plsc

N = 1000000
D = 64
DIM = 100000
HALF = DIM // 2
NS = 16
EV = N // NS
EV_PAD = 62504
TBUF = 62512
W = 4000
NWIN = 15
TAIL = 2504
TAIL_CHUNKS = 157
TMP = 2000
BLK = 2000
NBLK = HALF // BLK
G = 128
NG = BLK // G
IDS = 2048
NBLK2 = DIM // BLK


def _tile_lo(s):
    return (s * EV) // 8 * 8


def _k1_body(idx_hbm, t_hbm, ids_hbm, arg_sp, t_sp):
    c = lax.axis_index("c")
    s = lax.axis_index("s")
    lo = _tile_lo(s)
    hi = _tile_lo(s + 1)
    seg_base = c * HALF
    stage_row = c * NS + s
    iota = lax.iota(jnp.int32, 16)

    def phase1(arg_tbl, t_chunk, idxw, tmp):
        neg1 = jnp.full((16,), -1, jnp.int32)

        def init_body(i, _):
            arg_tbl[pl.ds(i * 16, 16)] = neg1
            return 0
        lax.fori_loop(0, HALF // 16, init_body, 0)

        pltpu.sync_copy(t_hbm.at[pl.ds(lo, EV_PAD)], t_chunk.at[pl.ds(0, EV_PAD)])

        def chunk_body(local_base, idx_vec):
            i_vec = lo + local_base + iota
            off = idx_vec - seg_base
            active = (i_vec < hi) & (off >= 0) & (off < HALF)
            t_vec = t_chunk[pl.ds(local_base, 16)]

            def one_round(act):
                offs = jnp.where(act, off, 0)
                cur_a = plsc.load_gather(arg_tbl, [offs])
                hasc = act & (cur_a >= 0)
                lp = jnp.where(hasc, cur_a - lo, 0)
                cur_t = plsc.load_gather(t_chunk, [lp])
                beat = (~hasc) | (t_vec > cur_t) | ((t_vec == cur_t) & (i_vec > cur_a))
                win = act & beat
                plsc.store_scatter(arg_tbl, [offs], i_vec, mask=win)
                a2 = plsc.load_gather(arg_tbl, [offs])
                return win & (a2 != i_vec)

            lost = one_round(active)

            @pl.when(jnp.any(lost))
            def _():
                bit = jnp.int32(1) << iota

                def rb(_, mbits):
                    act = ((mbits >> iota) & 1) != 0
                    l2 = one_round(act)
                    return jnp.sum(jnp.where(l2, bit, 0))
                lax.fori_loop(0, 15, rb,
                              jnp.sum(jnp.where(lost, bit, 0)))

        def win_body(w, _):
            pltpu.sync_copy(idx_hbm.at[pl.ds(lo + w * W, W)], idxw)

            def cb(k, _):
                chunk_body(w * W + k * 16, idxw[pl.ds(k * 16, 16)])
                return 0
            lax.fori_loop(0, W // 16, cb, 0)
            return 0
        lax.fori_loop(0, NWIN, win_body, 0)

        pltpu.sync_copy(idx_hbm.at[pl.ds(lo + NWIN * W, TAIL)],
                        idxw.at[pl.ds(0, TAIL)])

        def cbt(k, _):
            chunk_body(NWIN * W + k * 16, idxw[pl.ds(k * 16, 16)])
            return 0
        lax.fori_loop(0, TAIL_CHUNKS, cbt, 0)

        pltpu.sync_copy(arg_tbl, arg_sp.at[stage_row])

        def stage_body(it, _):
            def g(gi, _):
                a = arg_tbl[pl.ds(it * TMP + gi * 16, 16)]
                hasv = a >= 0
                lp = jnp.where(hasv, a - lo, 0)
                tv = plsc.load_gather(t_chunk, [lp])
                tmp[pl.ds(gi * 16, 16)] = jnp.where(hasv, tv, jnp.float32(-1.0))
                return 0
            lax.fori_loop(0, TMP // 16, g, 0)
            pltpu.sync_copy(tmp, t_sp.at[stage_row, pl.ds(it * TMP, TMP)])
            return 0
        lax.fori_loop(0, HALF // TMP, stage_body, 0)

    pl.run_scoped(
        phase1,
        pltpu.VMEM((HALF,), jnp.int32),
        pltpu.VMEM((TBUF,), jnp.float32),
        pltpu.VMEM((W,), jnp.int32),
        pltpu.VMEM((TMP,), jnp.float32),
    )

    plsc.subcore_barrier()

    def phase2(marg, mt, ids_buf):
        def do_block(b):
            pltpu.sync_copy(
                arg_sp.at[pl.ds(c * NS, NS), pl.ds(b * BLK, BLK)], marg)
            pltpu.sync_copy(
                t_sp.at[pl.ds(c * NS, NS), pl.ds(b * BLK, BLK)], mt)

            def mg(v, _):
                best_t = mt[0, pl.ds(v * 16, 16)]
                best_a = marg[0, pl.ds(v * 16, 16)]
                for j in range(1, NS):
                    ta = mt[j, pl.ds(v * 16, 16)]
                    aa = marg[j, pl.ds(v * 16, 16)]
                    upd = (ta > best_t) | ((ta == best_t) & (aa > best_a))
                    best_t = jnp.where(upd, ta, best_t)
                    best_a = jnp.where(upd, aa, best_a)
                ids_buf[pl.ds(v * 16, 16)] = best_a
                return 0
            lax.fori_loop(0, BLK // 16, mg, 0)

            pltpu.sync_copy(ids_buf,
                            ids_hbm.at[pl.ds(seg_base + b * BLK, BLK)])

        def blk_loop(k, _):
            b = s + k * NS

            @pl.when(b < NBLK)
            def _():
                do_block(b)
            return 0
        lax.fori_loop(0, (NBLK + NS - 1) // NS, blk_loop, 0)

    pl.run_scoped(
        phase2,
        pltpu.VMEM((NS, BLK), jnp.int32),
        pltpu.VMEM((NS, BLK), jnp.float32),
        pltpu.VMEM((BLK,), jnp.int32),
    )


def _k2_body(msg_hbm, ids_hbm, out_hbm, sem_a, sem_b):
    c = lax.axis_index("c")
    s = lax.axis_index("s")
    wid = c * NS + s
    iota = lax.iota(jnp.int32, 16)
    NGRP = (BLK + G - 1) // G

    def gather_phase(ids_buf, vld_buf, rows_a, rows_b):
        def do_block(b):
            pltpu.sync_copy(ids_hbm.at[pl.ds(b * BLK, BLK)],
                            ids_buf.at[pl.ds(0, BLK)])

            def clamp(v, _):
                a = ids_buf[pl.ds(v * 16, 16)]
                valid = a >= 0
                ids_buf[pl.ds(v * 16, 16)] = jnp.where(valid, a, 0)
                vld_buf[pl.ds(v * 16, 16)] = jnp.where(valid, 1, 0)
                return 0
            lax.fori_loop(0, BLK // 16, clamp, 0)

            zero16 = jnp.zeros((16,), jnp.int32)
            one16 = jnp.full((16,), 1, jnp.int32)
            for p in range((IDS - BLK) // 16):
                ids_buf[pl.ds(BLK + p * 16, 16)] = zero16
                vld_buf[pl.ds(BLK + p * 16, 16)] = one16

            def issue(g, rows, sem):
                return pltpu.async_copy(
                    msg_hbm.at[ids_buf.at[pl.ds(g * G, G)]], rows, sem)

            def fix_write(g, rows, nrows):
                def fix_h(h, _):
                    bad = vld_buf[pl.ds(g * G + h * 16, 16)] == 0

                    @pl.when(jnp.any(bad))
                    def _():
                        def fix_lane(l, _):
                            @pl.when(jnp.any((iota == l) & bad))
                            def _():
                                z = jnp.zeros((16,), jnp.float32)
                                r = h * 16 + l
                                for q in range(4):
                                    rows[r, pl.ds(q * 16, 16)] = z
                            return 0
                        lax.fori_loop(0, 16, fix_lane, 0)
                    return 0
                lax.fori_loop(0, G // 16, fix_h, 0)

                row0 = b * BLK + g * G
                pltpu.sync_copy(rows.at[pl.ds(0, nrows)],
                                out_hbm.at[pl.ds(row0, nrows)])

            bufs = (rows_a, rows_b)
            sems = (sem_a, sem_b)
            descs = [None] * NGRP
            descs[0] = issue(0, bufs[0], sems[0])
            for g in range(NGRP):
                if g + 1 < NGRP:
                    descs[g + 1] = issue(g + 1, bufs[(g + 1) % 2],
                                         sems[(g + 1) % 2])
                descs[g].wait()
                fix_write(g, bufs[g % 2],
                          G if g < NGRP - 1 else BLK - (NGRP - 1) * G)

        def blk_loop(k, _):
            b = wid + k * 2 * NS

            @pl.when(b < NBLK2)
            def _():
                do_block(b)
            return 0
        lax.fori_loop(0, (NBLK2 + 2 * NS - 1) // (2 * NS), blk_loop, 0)

    pl.run_scoped(
        gather_phase,
        pltpu.VMEM((IDS,), jnp.int32),
        pltpu.VMEM((IDS,), jnp.int32),
        pltpu.VMEM((G, D), jnp.float32),
        pltpu.VMEM((G, D), jnp.float32),
    )


def kernel(msg, index, t, dim_size, args):
    mesh = plsc.VectorSubcoreMesh(core_axis_name="c", subcore_axis_name="s")
    params = pltpu.CompilerParams(
        needs_layout_passes=False, use_tc_tiling_on_sc=False)
    k1 = pl.kernel(
        _k1_body,
        out_type=jax.ShapeDtypeStruct((DIM,), jnp.int32),
        mesh=mesh,
        compiler_params=params,
        scratch_types=[
            pltpu.HBM((2 * NS, HALF), jnp.int32),
            pltpu.HBM((2 * NS, HALF), jnp.float32),
        ],
    )
    k2 = pl.kernel(
        _k2_body,
        out_type=jax.ShapeDtypeStruct((DIM, D), jnp.float32),
        mesh=mesh,
        compiler_params=params,
        scratch_types=[pltpu.SemaphoreType.DMA,
                       pltpu.SemaphoreType.DMA],
    )
    ids = k1(index, t)
    return k2(msg, ids)

# --- scband reference (transcript-rebuilt; emitter-appended) ---
"""Pipeline reference for scband-last-aggregator-48447231098887 (READ-ONLY COPY).

The authoritative reference and input builder live on the scoring server;
editing this copy changes nothing except your own understanding.
"""

import jax, jax.numpy as jnp
import numpy as np

N = 1000000
D = 64
DIM_SIZE = 100000

def setup_inputs(seed: int = 0) -> dict:
    key = jax.random.key(seed)
    k1, k2, k3 = jax.random.split(key, 3)
    msg = jax.random.normal(k1, (N, D), dtype=jnp.float32)
    index = jax.random.randint(k2, (N,), 0, DIM_SIZE, dtype=jnp.int32)
    t = jax.random.uniform(k3, (N,), dtype=jnp.float32)
    return {"msg": msg, "index": index, "t": t, "dim_size": DIM_SIZE, "args": 0}

def reference(msg, index, t, dim_size, args):
    # scatter_max(t, index) -> (max_t, argmax) emulation
    n = msg.shape[0]
    index = index + jnp.asarray(dim_size, dtype=index.dtype) * jnp.int32(0)
    max_t = jax.ops.segment_max(t, index, num_segments=DIM_SIZE)
    is_max = t == max_t[index]
    cand = jnp.where(is_max, jnp.arange(n, dtype=jnp.int32), jnp.int32(-1))
    argmax = jax.ops.segment_max(cand, index, num_segments=DIM_SIZE)
    # empty segments: segment_max yields iinfo.min (< 0) -> invalid, like argmax >= msg.size(0) in torch
    valid = argmax >= 0
    safe_idx = jnp.where(valid, argmax, 0)
    gathered = jnp.take(msg, safe_idx, axis=0)
    out = jnp.where(valid[:, None], gathered, jnp.zeros((), dtype=msg.dtype))
    return out

if __name__ == "__main__":
    import jax
    _d = setup_inputs()
    print(jax.jit(kernel)(*tuple(_d.values())))

</pallas_src>

<mosaic_0001>
#map = affine_map<(d0, d1) -> (0)>
module attributes {stable_mosaic.version = 14 : i64} {
  func.func @_k1_body(%arg0: i32, %arg1: i32, %arg2: memref<1000000xi32, #tpu.memory_space<hbm>>, %arg3: memref<1000000xf32, #tpu.memory_space<hbm>>, %arg4: memref<100000xi32, #tpu.memory_space<hbm>>, %arg5: memref<32x50000xi32, #tpu.memory_space<hbm>>, %arg6: memref<32x50000xf32, #tpu.memory_space<hbm>>) attributes {dimension_semantics = [#tpu.dimension_semantics<core_parallel>, #tpu.dimension_semantics<subcore_parallel>], iteration_bounds = array<i64: 2, 16>, scalar_prefetch = 0 : i64, scratch_operands = 2 : i64, tpu.core_type = #tpu.core_type<sc_vector_subcore>, window_params = [{transform_indices = #map}, {transform_indices = #map}, {transform_indices = #map}]} {
    %mul3A = arith.constant 62500 : i32
    %mul3A_0 = arith.muli %arg1, %mul3A : i32
    %jit3A = arith.constant 8 : i32
    %div3A = arith.divsi %mul3A_0, %jit3A : i32
    %sign3A = arith.constant 0 : i32
    %sign3A_1 = arith.cmpi sgt, %mul3A_0, %sign3A : i32
    %sign3A_2 = arith.extui %sign3A_1 : i1 to i32
    %sign3A_3 = arith.constant 0 : i32
    %sign3A_4 = arith.cmpi slt, %mul3A_0, %sign3A_3 : i32
    %sign3A_5 = arith.extui %sign3A_4 : i1 to i32
    %sign3A_6 = arith.subi %sign3A_2, %sign3A_5 : i32
    %sign3A_7 = arith.constant 0 : i32
    %sign3A_8 = arith.cmpi sgt, %jit3A, %sign3A_7 : i32
    %sign3A_9 = arith.extui %sign3A_8 : i1 to i32
    %sign3A_10 = arith.constant 0 : i32
    %sign3A_11 = arith.cmpi slt, %jit3A, %sign3A_10 : i32
    %sign3A_12 = arith.extui %sign3A_11 : i1 to i32
    %sign3A_13 = arith.subi %sign3A_9, %sign3A_12 : i32
    %ne3A = arith.cmpi ne, %sign3A_6, %sign3A_13 : i32
    %rem3A = arith.remsi %mul3A_0, %jit3A : i32
    %ne3A_14 = arith.constant 0 : i32
    %ne3A_15 = arith.cmpi ne, %rem3A, %ne3A_14 : i32
    %and3A = arith.andi %ne3A, %ne3A_15 : i1
    %sub3A = arith.constant 1 : i32
    %sub3A_16 = arith.subi %div3A, %sub3A : i32
    %select_n3A = arith.select %and3A, %sub3A_16, %div3A : i32
    %mul3A_17 = arith.constant 8 : i32
    %mul3A_18 = arith.muli %select_n3A, %mul3A_17 : i32
    %add3A = arith.constant 1 : i32
    %add3A_19 = arith.addi %arg1, %add3A : i32
    %mul3A_20 = arith.constant 62500 : i32
    %mul3A_21 = arith.muli %add3A_19, %mul3A_20 : i32
    %jit3A_22 = arith.constant 8 : i32
    %div3A_23 = arith.divsi %mul3A_21, %jit3A_22 : i32
    %sign3A_24 = arith.constant 0 : i32
    %sign3A_25 = arith.cmpi sgt, %mul3A_21, %sign3A_24 : i32
    %sign3A_26 = arith.extui %sign3A_25 : i1 to i32
    %sign3A_27 = arith.constant 0 : i32
    %sign3A_28 = arith.cmpi slt, %mul3A_21, %sign3A_27 : i32
    %sign3A_29 = arith.extui %sign3A_28 : i1 to i32
    %sign3A_30 = arith.subi %sign3A_26, %sign3A_29 : i32
    %sign3A_31 = arith.constant 0 : i32
    %sign3A_32 = arith.cmpi sgt, %jit3A_22, %sign3A_31 : i32
    %sign3A_33 = arith.extui %sign3A_32 : i1 to i32
    %sign3A_34 = arith.constant 0 : i32
    %sign3A_35 = arith.cmpi slt, %jit3A_22, %sign3A_34 : i32
    %sign3A_36 = arith.extui %sign3A_35 : i1 to i32
    %sign3A_37 = arith.subi %sign3A_33, %sign3A_36 : i32
    %ne3A_38 = arith.cmpi ne, %sign3A_30, %sign3A_37 : i32
    %rem3A_39 = arith.remsi %mul3A_21, %jit3A_22 : i32
    %ne3A_40 = arith.constant 0 : i32
    %ne3A_41 = arith.cmpi ne, %rem3A_39, %ne3A_40 : i32
    %and3A_42 = arith.andi %ne3A_38, %ne3A_41 : i1
    %sub3A_43 = arith.constant 1 : i32
    %sub3A_44 = arith.subi %div3A_23, %sub3A_43 : i32
    %select_n3A_45 = arith.select %and3A_42, %sub3A_44, %div3A_23 : i32
    %mul3A_46 = arith.constant 8 : i32
    %mul3A_47 = arith.muli %select_n3A_45, %mul3A_46 : i32
    %mul3A_48 = arith.constant 50000 : i32
    %mul3A_49 = arith.muli %arg0, %mul3A_48 : i32
    %mul3A_50 = arith.constant 16 : i32
    %mul3A_51 = arith.muli %arg0, %mul3A_50 : i32
    %add3A_52 = arith.addi %mul3A_51, %arg1 : i32
    %iota3A = tpu.iota {dimensions = array<i32: 0>} : vector<16xi32>
    "tpu.region"() ({
      %run_scoped3A = memref.alloca() : memref<50000xi32, #tpu.memory_space<vmem>>
      %run_scoped3A_53 = memref.alloca() : memref<62512xf32, #tpu.memory_space<vmem>>
      %run_scoped3A_54 = memref.alloca() : memref<4000xi32, #tpu.memory_space<vmem>>
      %run_scoped3A_55 = memref.alloca() : memref<2000xf32, #tpu.memory_space<vmem>>
      %broadcast_in_dim3A = arith.constant -1 : i32
      %broadcast_in_dim3A_56 = vector.broadcast %broadcast_in_dim3A : i32 to vector<16xi32>
      %scan3A = arith.constant 0 : i32
      %scan3A_57 = arith.constant 0 : i32
      %scan3A_58 = arith.constant 3125 : i32
      %scan3A_59 = arith.addi %scan3A_57, %scan3A_58 : i32
      %scan3A_60 = arith.constant 1 : i32
      %scan3A_61 = scf.for %scan3A_86 = %scan3A_57 to %scan3A_59 step %scan3A_60 iter_args(%scan3A_87 = %scan3A) -> (i32)  : i32 {
        %mul3A_88 = arith.constant 16 : i32
        %mul3A_89 = arith.muli %scan3A_86, %mul3A_88 : i32
        %swap3A = arith.index_cast %mul3A_89 : i32 to index
        %swap3A_90 = tpu.vector_load %run_scoped3A[%swap3A] {strides = array<i32>} : memref<50000xi32, #tpu.memory_space<vmem>>, vector<16xi32>,
        tpu.vector_store %run_scoped3A[%swap3A], %broadcast_in_dim3A_56 {strides = array<i32>} : memref<50000xi32, #tpu.memory_space<vmem>>, vector<16xi32>,
        %scan3A_91 = arith.constant 0 : i32
        scf.yield %scan3A_91 : i32
      }
      %scan3A_62 = arith.constant 3125 : i32
      "tpu.region"() ({
        %run_scoped3A_86 = tpu.sem_alloc : memref<!tpu.dma_semaphore, #tpu.memory_space<semaphore_mem>>
        %dma_start3A = arith.constant 0 : i32
        %dma_start3A_87 = tpu.memref_slice %run_scoped3A_53[%dma_start3A] : memref<62512xf32, #tpu.memory_space<vmem>> -> memref<62504xf32, #tpu.memory_space<vmem>>
        %dma_start3A_88 = tpu.memref_slice %arg3[%mul3A_18] : memref<1000000xf32, #tpu.memory_space<hbm>> -> memref<62504xf32, #tpu.memory_space<hbm>>
        %dma_start3A_89 = arith.constant 0 : i32
        %dma_start3A_90 = tpu.memref_slice %run_scoped3A_53[%dma_start3A_89] : memref<62512xf32, #tpu.memory_space<vmem>> -> memref<62504xf32, #tpu.memory_space<vmem>>
        %dma_start3A_91 = tpu.memref_slice %arg3[%mul3A_18] : memref<1000000xf32, #tpu.memory_space<hbm>> -> memref<62504xf32, #tpu.memory_space<hbm>>
        tpu.enqueue_dma source(%dma_start3A_91 : memref<62504xf32, #tpu.memory_space<hbm>>) target(%dma_start3A_90 : memref<62504xf32, #tpu.memory_space<vmem>>) target_semaphore(%run_scoped3A_86 : memref<!tpu.dma_semaphore, #tpu.memory_space<semaphore_mem>>)
        %dma_wait3A = arith.constant 0 : i32
        %dma_wait3A_92 = tpu.memref_slice %run_scoped3A_53[%dma_wait3A] : memref<62512xf32, #tpu.memory_space<vmem>> -> memref<62504xf32, #tpu.memory_space<vmem>>
        %dma_wait3A_93 = tpu.memref_slice %arg3[%mul3A_18] : memref<1000000xf32, #tpu.memory_space<hbm>> -> memref<62504xf32, #tpu.memory_space<hbm>>
        %dma_wait3A_94 = arith.constant 0 : i32
        %dma_wait3A_95 = tpu.memref_slice %run_scoped3A_53[%dma_wait3A_94] : memref<62512xf32, #tpu.memory_space<vmem>> -> memref<62504xf32, #tpu.memory_space<vmem>>
        %dma_wait3A_96 = tpu.memref_slice %arg3[%mul3A_18] : memref<1000000xf32, #tpu.memory_space<hbm>> -> memref<62504xf32, #tpu.memory_space<hbm>>
        tpu.wait_dma2 semaphore(%run_scoped3A_86 : memref<!tpu.dma_semaphore, #tpu.memory_space<semaphore_mem>>) src(%dma_wait3A_96 : memref<62504xf32, #tpu.memory_space<hbm>>) dst(%dma_wait3A_95 : memref<62504xf32, #tpu.memory_space<vmem>>)
        tpu.yield
      }) : () -> ()
      %scan3A_63 = arith.constant 0 : i32
      %scan3A_64 = arith.constant 0 : i32
      %scan3A_65 = arith.constant 15 : i32
      %scan3A_66 = arith.addi %scan3A_64, %scan3A_65 : i32
      %scan3A_67 = arith.constant 1 : i32
      %scan3A_68 = scf.for %scan3A_86 = %scan3A_64 to %scan3A_66 step %scan3A_67 iter_args(%scan3A_87 = %scan3A_63) -> (i32)  : i32 {
        %mul3A_88 = arith.constant 4000 : i32
        %mul3A_89 = arith.muli %scan3A_86, %mul3A_88 : i32
        %add3A_90 = arith.addi %mul3A_18, %mul3A_89 : i32
        "tpu.region"() ({
          %run_scoped3A_99 = tpu.sem_alloc : memref<!tpu.dma_semaphore, #tpu.memory_space<semaphore_mem>>
          %dma_start3A = tpu.memref_slice %arg2[%add3A_90] : memref<1000000xi32, #tpu.memory_space<hbm>> -> memref<4000xi32, #tpu.memory_space<hbm>>
          %dma_start3A_100 = tpu.memref_slice %arg2[%add3A_90] : memref<1000000xi32, #tpu.memory_space<hbm>> -> memref<4000xi32, #tpu.memory_space<hbm>>
          tpu.enqueue_dma source(%dma_start3A_100 : memref<4000xi32, #tpu.memory_space<hbm>>) target(%run_scoped3A_54 : memref<4000xi32, #tpu.memory_space<vmem>>) target_semaphore(%run_scoped3A_99 : memref<!tpu.dma_semaphore, #tpu.memory_space<semaphore_mem>>)
          %dma_wait3A = tpu.memref_slice %arg2[%add3A_90] : memref<1000000xi32, #tpu.memory_space<hbm>> -> memref<4000xi32, #tpu.memory_space<hbm>>
          %dma_wait3A_101 = tpu.memref_slice %arg2[%add3A_90] : memref<1000000xi32, #tpu.memory_space<hbm>> -> memref<4000xi32, #tpu.memory_space<hbm>>
          tpu.wait_dma2 semaphore(%run_scoped3A_99 : memref<!tpu.dma_semaphore, #tpu.memory_space<semaphore_mem>>) src(%dma_wait3A_101 : memref<4000xi32, #tpu.memory_space<hbm>>) dst(%run_scoped3A_54 : memref<4000xi32, #tpu.memory_space<vmem>>)
          tpu.yield
        }) : () -> ()
        %scan3A_91 = arith.constant 0 : i32
        %scan3A_92 = arith.constant 0 : i32
        %scan3A_93 = arith.constant 250 : i32
        %scan3A_94 = arith.addi %scan3A_92, %scan3A_93 : i32
        %scan3A_95 = arith.constant 1 : i32
        %scan3A_96 = scf.for %scan3A_99 = %scan3A_92 to %scan3A_94 step %scan3A_95 iter_args(%scan3A_100 = %scan3A_91) -> (i32)  : i32 {
          %mul3A_101 = arith.constant 4000 : i32
          %mul3A_102 = arith.muli %scan3A_86, %mul3A_101 : i32
          %mul3A_103 = arith.constant 16 : i32
          %mul3A_104 = arith.muli %scan3A_99, %mul3A_103 : i32
          %add3A_105 = arith.addi %mul3A_102, %mul3A_104 : i32
          %mul3A_106 = arith.constant 16 : i32
          %mul3A_107 = arith.muli %scan3A_99, %mul3A_106 : i32
          %get3A = arith.index_cast %mul3A_107 : i32 to index
          %get3A_108 = tpu.vector_load %run_scoped3A_54[%get3A] {strides = array<i32>} : memref<4000xi32, #tpu.memory_space<vmem>>, vector<16xi32>,
          %add3A_109 = arith.addi %mul3A_18, %add3A_105 : i32
          %add3A_110 = vector.broadcast %add3A_109 : i32 to vector<16xi32>
          %add3A_111 = arith.addi %add3A_110, %iota3A : vector<16xi32>
          %sub3A_112 = vector.broadcast %mul3A_49 : i32 to vector<16xi32>
          %sub3A_113 = arith.subi %get3A_108, %sub3A_112 : vector<16xi32>
          %lt3A = vector.broadcast %mul3A_47 : i32 to vector<16xi32>
          %lt3A_114 = arith.cmpi slt, %add3A_111, %lt3A : vector<16xi32>
          %ge3A = arith.constant 0 : i32
          %ge3A_115 = vector.broadcast %ge3A : i32 to vector<16xi32>
          %ge3A_116 = arith.cmpi sge, %sub3A_113, %ge3A_115 : vector<16xi32>
          %and3A_117 = arith.andi %lt3A_114, %ge3A_116 : vector<16xi1>
          %lt3A_118 = arith.constant 50000 : i32
          %lt3A_119 = vector.broadcast %lt3A_118 : i32 to vector<16xi32>
          %lt3A_120 = arith.cmpi slt, %sub3A_113, %lt3A_119 : vector<16xi32>
          %and3A_121 = arith.andi %and3A_117, %lt3A_120 : vector<16xi1>
          %get3A_122 = arith.index_cast %add3A_105 : i32 to index
          %get3A_123 = tpu.vector_load %run_scoped3A_53[%get3A_122] {strides = array<i32>} : memref<62512xf32, #tpu.memory_space<vmem>>, vector<16xf32>,
          %jit3A_124 = arith.constant 0 : i32
          %broadcast_in_dim3A_125 = vector.broadcast %jit3A_124 : i32 to vector<16xi32>
          %select_n3A_126 = arith.select %and3A_121, %sub3A_113, %broadcast_in_dim3A_125 : vector<16xi1>, vector<16xi32>
          %gather3A = tpu.vector_load_idx %run_scoped3A[%select_n3A_126] : memref<50000xi32, #tpu.memory_space<vmem>>[vector<16xi32>], vector<16xi32>,
          %ge3A_127 = arith.constant 0 : i32
          %ge3A_128 = vector.broadcast %ge3A_127 : i32 to vector<16xi32>
          %ge3A_129 = arith.cmpi sge, %gather3A, %ge3A_128 : vector<16xi32>
          %and3A_130 = arith.andi %and3A_121, %ge3A_129 : vector<16xi1>
          %sub3A_131 = vector.broadcast %mul3A_18 : i32 to vector<16xi32>
          %sub3A_132 = arith.subi %gather3A, %sub3A_131 : vector<16xi32>
          %jit3A_133 = arith.constant 0 : i32
          %broadcast_in_dim3A_134 = vector.broadcast %jit3A_133 : i32 to vector<16xi32>
          %select_n3A_135 = arith.select %and3A_130, %sub3A_132, %broadcast_in_dim3A_134 : vector<16xi1>, vector<16xi32>
          %gather3A_136 = tpu.vector_load_idx %run_scoped3A_53[%select_n3A_135] : memref<62512xf32, #tpu.memory_space<vmem>>[vector<16xi32>], vector<16xf32>,
          %not3A = arith.constant dense<true> : vector<16xi1>
          %not3A_137 = arith.xori %and3A_130, %not3A : vector<16xi1>
          %gt3A = arith.cmpf ogt, %get3A_123, %gather3A_136 : vector<16xf32>
          %or3A = arith.ori %not3A_137, %gt3A : vector<16xi1>
          %eq3A = arith.cmpf oeq, %get3A_123, %gather3A_136 : vector<16xf32>
          %gt3A_138 = arith.cmpi sgt, %add3A_111, %gather3A : vector<16xi32>
          %and3A_139 = arith.andi %eq3A, %gt3A_138 : vector<16xi1>
          %or3A_140 = arith.ori %or3A, %and3A_139 : vector<16xi1>
          %and3A_141 = arith.andi %and3A_121, %or3A_140 : vector<16xi1>
          tpu.vector_store_idx %run_scoped3A[%select_n3A_126], %add3A_111 masked %and3A_141 : memref<50000xi32, #tpu.memory_space<vmem>>[vector<16xi32>], vector<16xi32>, vector<16xi1>
          %gather3A_142 = tpu.vector_load_idx %run_scoped3A[%select_n3A_126] : memref<50000xi32, #tpu.memory_space<vmem>>[vector<16xi32>], vector<16xi32>,
          %ne3A_143 = arith.cmpi ne, %gather3A_142, %add3A_111 : vector<16xi32>
          %and3A_144 = arith.andi %and3A_141, %ne3A_143 : vector<16xi1>
          %reduce_or3A = arith.constant 1.000000e+00 : f32
          %reduce_or3A_145 = arith.constant 0.000000e+00 : f32
          %reduce_or3A_146 = vector.broadcast %reduce_or3A : f32 to vector<16xf32>
          %reduce_or3A_147 = vector.broadcast %reduce_or3A_145 : f32 to vector<16xf32>
          %reduce_or3A_148 = arith.select %and3A_144, %reduce_or3A_146, %reduce_or3A_147 : vector<16xi1>, vector<16xf32>
          %reduce_or3A_149 = arith.constant true
          %reduce_or3A_150 = vector.broadcast %reduce_or3A_149 : i1 to vector<16xi1>
          %reduce_or3A_151 = tpu.scan <max>, %reduce_or3A_148 masked %reduce_or3A_150 : vector<16xf32>, vector<16xi1> -> vector<16xf32>
          %reduce_or3A_152 = vector.extract %reduce_or3A_151[15] : f32 from vector<16xf32>
          %reduce_or3A_153 = arith.constant 0.000000e+00 : f32
          %reduce_or3A_154 = arith.cmpf ogt, %reduce_or3A_152, %reduce_or3A_153 : f32
          %convert_element_type3A = arith.extui %reduce_or3A_154 : i1 to i32
          %cond3A = arith.constant 0 : i32
          %cond3A_155 = arith.cmpi ne, %convert_element_type3A, %cond3A : i32
          scf.if %cond3A_155 {
            %shift_left3A = arith.constant 1 : i32
            %shift_left3A_157 = vector.broadcast %shift_left3A : i32 to vector<16xi32>
            %shift_left3A_158 = arith.shli %shift_left3A_157, %iota3A : vector<16xi32>
            %jit3A_159 = arith.constant 0 : i32
            %broadcast_in_dim3A_160 = vector.broadcast %jit3A_159 : i32 to vector<16xi32>
            %select_n3A_161 = arith.select %and3A_144, %shift_left3A_158, %broadcast_in_dim3A_160 : vector<16xi1>, vector<16xi32>
            %reduce_sum3A = arith.constant true
            %reduce_sum3A_162 = vector.broadcast %reduce_sum3A : i1 to vector<16xi1>
            %reduce_sum3A_163 = tpu.scan <sum>, %select_n3A_161 masked %reduce_sum3A_162 : vector<16xi32>, vector<16xi1> -> vector<16xi32>
            %reduce_sum3A_164 = vector.extract %reduce_sum3A_163[15] : i32 from vector<16xi32>
            %scan3A_165 = arith.constant 0 : i32
            %scan3A_166 = arith.constant 15 : i32
            %scan3A_167 = arith.addi %scan3A_165, %scan3A_166 : i32
            %scan3A_168 = arith.constant 1 : i32
            %scan3A_169 = scf.for %scan3A_171 = %scan3A_165 to %scan3A_167 step %scan3A_168 iter_args(%scan3A_172 = %reduce_sum3A_164) -> (i32)  : i32 {
              %shift_right_arithmetic3A = vector.broadcast %scan3A_172 : i32 to vector<16xi32>
              %shift_right_arithmetic3A_173 = arith.shrsi %shift_right_arithmetic3A, %iota3A : vector<16xi32>
              %and3A_174 = arith.constant 1 : i32
              %and3A_175 = vector.broadcast %and3A_174 : i32 to vector<16xi32>
              %and3A_176 = arith.andi %shift_right_arithmetic3A_173, %and3A_175 : vector<16xi32>
              %ne3A_177 = arith.constant 0 : i32
              %ne3A_178 = vector.broadcast %ne3A_177 : i32 to vector<16xi32>
              %ne3A_179 = arith.cmpi ne, %and3A_176, %ne3A_178 : vector<16xi32>
              %jit3A_180 = arith.constant 0 : i32
              %broadcast_in_dim3A_181 = vector.broadcast %jit3A_180 : i32 to vector<16xi32>
              %select_n3A_182 = arith.select %ne3A_179, %sub3A_113, %broadcast_in_dim3A_181 : vector<16xi1>, vector<16xi32>
              %gather3A_183 = tpu.vector_load_idx %run_scoped3A[%select_n3A_182] : memref<50000xi32, #tpu.memory_space<vmem>>[vector<16xi32>], vector<16xi32>,
              %ge3A_184 = arith.constant 0 : i32
              %ge3A_185 = vector.broadcast %ge3A_184 : i32 to vector<16xi32>
              %ge3A_186 = arith.cmpi sge, %gather3A_183, %ge3A_185 : vector<16xi32>
              %and3A_187 = arith.andi %ne3A_179, %ge3A_186 : vector<16xi1>
              %sub3A_188 = vector.broadcast %mul3A_18 : i32 to vector<16xi32>
              %sub3A_189 = arith.subi %gather3A_183, %sub3A_188 : vector<16xi32>
              %jit3A_190 = arith.constant 0 : i32
              %broadcast_in_dim3A_191 = vector.broadcast %jit3A_190 : i32 to vector<16xi32>
              %select_n3A_192 = arith.select %and3A_187, %sub3A_189, %broadcast_in_dim3A_191 : vector<16xi1>, vector<16xi32>
              %gather3A_193 = tpu.vector_load_idx %run_scoped3A_53[%select_n3A_192] : memref<62512xf32, #tpu.memory_space<vmem>>[vector<16xi32>], vector<16xf32>,
              %not3A_194 = arith.constant dense<true> : vector<16xi1>
              %not3A_195 = arith.xori %and3A_187, %not3A_194 : vector<16xi1>
              %gt3A_196 = arith.cmpf ogt, %get3A_123, %gather3A_193 : vector<16xf32>
              %or3A_197 = arith.ori %not3A_195, %gt3A_196 : vector<16xi1>
              %eq3A_198 = arith.cmpf oeq, %get3A_123, %gather3A_193 : vector<16xf32>
              %gt3A_199 = arith.cmpi sgt, %add3A_111, %gather3A_183 : vector<16xi32>
              %and3A_200 = arith.andi %eq3A_198, %gt3A_199 : vector<16xi1>
              %or3A_201 = arith.ori %or3A_197, %and3A_200 : vector<16xi1>
              %and3A_202 = arith.andi %ne3A_179, %or3A_201 : vector<16xi1>
              tpu.vector_store_idx %run_scoped3A[%select_n3A_182], %add3A_111 masked %and3A_202 : memref<50000xi32, #tpu.memory_space<vmem>>[vector<16xi32>], vector<16xi32>, vector<16xi1>
              %gather3A_203 = tpu.vector_load_idx %run_scoped3A[%select_n3A_182] : memref<50000xi32, #tpu.memory_space<vmem>>[vector<16xi32>], vector<16xi32>,
              %ne3A_204 = arith.cmpi ne, %gather3A_203, %add3A_111 : vector<16xi32>
              %and3A_205 = arith.andi %and3A_202, %ne3A_204 : vector<16xi1>
              %jit3A_206 = arith.constant 0 : i32
              %broadcast_in_dim3A_207 = vector.broadcast %jit3A_206 : i32 to vector<16xi32>
              %select_n3A_208 = arith.select %and3A_205, %shift_left3A_158, %broadcast_in_dim3A_207 : vector<16xi1>, vector<16xi32>
              %reduce_sum3A_209 = arith.constant true
              %reduce_sum3A_210 = vector.broadcast %reduce_sum3A_209 : i1 to vector<16xi1>
              %reduce_sum3A_211 = tpu.scan <sum>, %select_n3A_208 masked %reduce_sum3A_210 : vector<16xi32>, vector<16xi1> -> vector<16xi32>
              %reduce_sum3A_212 = vector.extract %reduce_sum3A_211[15] : i32 from vector<16xi32>
              scf.yield %reduce_sum3A_212 : i32
            }
            %scan3A_170 = arith.constant 15 : i32
          } else {
          }
          %scan3A_156 = arith.constant 0 : i32
          scf.yield %scan3A_156 : i32
        }
        %scan3A_97 = arith.constant 250 : i32
        %scan3A_98 = arith.constant 0 : i32
        scf.yield %scan3A_98 : i32
      }
      %scan3A_69 = arith.constant 15 : i32
      %add3A_70 = arith.constant 60000 : i32
      %add3A_71 = arith.addi %mul3A_18, %add3A_70 : i32
      "tpu.region"() ({
        %run_scoped3A_86 = tpu.sem_alloc : memref<!tpu.dma_semaphore, #tpu.memory_space<semaphore_mem>>
        %dma_start3A = arith.constant 0 : i32
        %dma_start3A_87 = tpu.memref_slice %run_scoped3A_54[%dma_start3A] : memref<4000xi32, #tpu.memory_space<vmem>> -> memref<2504xi32, #tpu.memory_space<vmem>>
        %dma_start3A_88 = tpu.memref_slice %arg2[%add3A_71] : memref<1000000xi32, #tpu.memory_space<hbm>> -> memref<2504xi32, #tpu.memory_space<hbm>>
        %dma_start3A_89 = arith.constant 0 : i32
        %dma_start3A_90 = tpu.memref_slice %run_scoped3A_54[%dma_start3A_89] : memref<4000xi32, #tpu.memory_space<vmem>> -> memref<2504xi32, #tpu.memory_space<vmem>>
        %dma_start3A_91 = tpu.memref_slice %arg2[%add3A_71] : memref<1000000xi32, #tpu.memory_space<hbm>> -> memref<2504xi32, #tpu.memory_space<hbm>>
        tpu.enqueue_dma source(%dma_start3A_91 : memref<2504xi32, #tpu.memory_space<hbm>>) target(%dma_start3A_90 : memref<2504xi32, #tpu.memory_space<vmem>>) target_semaphore(%run_scoped3A_86 : memref<!tpu.dma_semaphore, #tpu.memory_space<semaphore_mem>>)
        %dma_wait3A = arith.constant 0 : i32
        %dma_wait3A_92 = tpu.memref_slice %run_scoped3A_54[%dma_wait3A] : memref<4000xi32, #tpu.memory_space<vmem>> -> memref<2504xi32, #tpu.memory_space<vmem>>
        %dma_wait3A_93 = tpu.memref_slice %arg2[%add3A_71] : memref<1000000xi32, #tpu.memory_space<hbm>> -> memref<2504xi32, #tpu.memory_space<hbm>>
        %dma_wait3A_94 = arith.constant 0 : i32
        %dma_wait3A_95 = tpu.memref_slice %run_scoped3A_54[%dma_wait3A_94] : memref<4000xi32, #tpu.memory_space<vmem>> -> memref<2504xi32, #tpu.memory_space<vmem>>
        %dma_wait3A_96 = tpu.memref_slice %arg2[%add3A_71] : memref<1000000xi32, #tpu.memory_space<hbm>> -> memref<2504xi32, #tpu.memory_space<hbm>>
        tpu.wait_dma2 semaphore(%run_scoped3A_86 : memref<!tpu.dma_semaphore, #tpu.memory_space<semaphore_mem>>) src(%dma_wait3A_96 : memref<2504xi32, #tpu.memory_space<hbm>>) dst(%dma_wait3A_95 : memref<2504xi32, #tpu.memory_space<vmem>>)
        tpu.yield
      }) : () -> ()
      %scan3A_72 = arith.constant 0 : i32
      %scan3A_73 = arith.constant 0 : i32
      %scan3A_74 = arith.constant 157 : i32
      %scan3A_75 = arith.addi %scan3A_73, %scan3A_74 : i32
      %scan3A_76 = arith.constant 1 : i32
      %scan3A_77 = scf.for %scan3A_86 = %scan3A_73 to %scan3A_75 step %scan3A_76 iter_args(%scan3A_87 = %scan3A_72) -> (i32)  : i32 {
        %mul3A_88 = arith.constant 16 : i32
        %mul3A_89 = arith.muli %scan3A_86, %mul3A_88 : i32
        %add3A_90 = arith.constant 60000 : i32
        %add3A_91 = arith.addi %add3A_90, %mul3A_89 : i32
        %mul3A_92 = arith.constant 16 : i32
        %mul3A_93 = arith.muli %scan3A_86, %mul3A_92 : i32
        %get3A = arith.index_cast %mul3A_93 : i32 to index
        %get3A_94 = tpu.vector_load %run_scoped3A_54[%get3A] {strides = array<i32>} : memref<4000xi32, #tpu.memory_space<vmem>>, vector<16xi32>,
        %add3A_95 = arith.addi %mul3A_18, %add3A_91 : i32
        %add3A_96 = vector.broadcast %add3A_95 : i32 to vector<16xi32>
        %add3A_97 = arith.addi %add3A_96, %iota3A : vector<16xi32>
        %sub3A_98 = vector.broadcast %mul3A_49 : i32 to vector<16xi32>
        %sub3A_99 = arith.subi %get3A_94, %sub3A_98 : vector<16xi32>
        %lt3A = vector.broadcast %mul3A_47 : i32 to vector<16xi32>
        %lt3A_100 = arith.cmpi slt, %add3A_97, %lt3A : vector<16xi32>
        %ge3A = arith.constant 0 : i32
        %ge3A_101 = vector.broadcast %ge3A : i32 to vector<16xi32>
        %ge3A_102 = arith.cmpi sge, %sub3A_99, %ge3A_101 : vector<16xi32>
        %and3A_103 = arith.andi %lt3A_100, %ge3A_102 : vector<16xi1>
        %lt3A_104 = arith.constant 50000 : i32
        %lt3A_105 = vector.broadcast %lt3A_104 : i32 to vector<16xi32>
        %lt3A_106 = arith.cmpi slt, %sub3A_99, %lt3A_105 : vector<16xi32>
        %and3A_107 = arith.andi %and3A_103, %lt3A_106 : vector<16xi1>
        %get3A_108 = arith.index_cast %add3A_91 : i32 to index
        %get3A_109 = tpu.vector_load %run_scoped3A_53[%get3A_108] {strides = array<i32>} : memref<62512xf32, #tpu.memory_space<vmem>>, vector<16xf32>,
        %jit3A_110 = arith.constant 0 : i32
        %broadcast_in_dim3A_111 = vector.broadcast %jit3A_110 : i32 to vector<16xi32>
        %select_n3A_112 = arith.select %and3A_107, %sub3A_99, %broadcast_in_dim3A_111 : vector<16xi1>, vector<16xi32>
        %gather3A = tpu.vector_load_idx %run_scoped3A[%select_n3A_112] : memref<50000xi32, #tpu.memory_space<vmem>>[vector<16xi32>], vector<16xi32>,
        %ge3A_113 = arith.constant 0 : i32
        %ge3A_114 = vector.broadcast %ge3A_113 : i32 to vector<16xi32>
        %ge3A_115 = arith.cmpi sge, %gather3A, %ge3A_114 : vector<16xi32>
        %and3A_116 = arith.andi %and3A_107, %ge3A_115 : vector<16xi1>
        %sub3A_117 = vector.broadcast %mul3A_18 : i32 to vector<16xi32>
        %sub3A_118 = arith.subi %gather3A, %sub3A_117 : vector<16xi32>
        %jit3A_119 = arith.constant 0 : i32
        %broadcast_in_dim3A_120 = vector.broadcast %jit3A_119 : i32 to vector<16xi32>
        %select_n3A_121 = arith.select %and3A_116, %sub3A_118, %broadcast_in_dim3A_120 : vector<16xi1>, vector<16xi32>
        %gather3A_122 = tpu.vector_load_idx %run_scoped3A_53[%select_n3A_121] : memref<62512xf32, #tpu.memory_space<vmem>>[vector<16xi32>], vector<16xf32>,
        %not3A = arith.constant dense<true> : vector<16xi1>
        %not3A_123 = arith.xori %and3A_116, %not3A : vector<16xi1>
        %gt3A = arith.cmpf ogt, %get3A_109, %gather3A_122 : vector<16xf32>
        %or3A = arith.ori %not3A_123, %gt3A : vector<16xi1>
        %eq3A = arith.cmpf oeq, %get3A_109, %gather3A_122 : vector<16xf32>
        %gt3A_124 = arith.cmpi sgt, %add3A_97, %gather3A : vector<16xi32>
        %and3A_125 = arith.andi %eq3A, %gt3A_124 : vector<16xi1>
        %or3A_126 = arith.ori %or3A, %and3A_125 : vector<16xi1>
        %and3A_127 = arith.andi %and3A_107, %or3A_126 : vector<16xi1>
        tpu.vector_store_idx %run_scoped3A[%select_n3A_112], %add3A_97 masked %and3A_127 : memref<50000xi32, #tpu.memory_space<vmem>>[vector<16xi32>], vector<16xi32>, vector<16xi1>
        %gather3A_128 = tpu.vector_load_idx %run_scoped3A[%select_n3A_112] : memref<50000xi32, #tpu.memory_space<vmem>>[vector<16xi32>], vector<16xi32>,
        %ne3A_129 = arith.cmpi ne, %gather3A_128, %add3A_97 : vector<16xi32>
        %and3A_130 = arith.andi %and3A_127, %ne3A_129 : vector<16xi1>
        %reduce_or3A = arith.constant 1.000000e+00 : f32
        %reduce_or3A_131 = arith.constant 0.000000e+00 : f32
        %reduce_or3A_132 = vector.broadcast %reduce_or3A : f32 to vector<16xf32>
        %reduce_or3A_133 = vector.broadcast %reduce_or3A_131 : f32 to vector<16xf32>
        %reduce_or3A_134 = arith.select %and3A_130, %reduce_or3A_132, %reduce_or3A_133 : vector<16xi1>, vector<16xf32>
        %reduce_or3A_135 = arith.constant true
        %reduce_or3A_136 = vector.broadcast %reduce_or3A_135 : i1 to vector<16xi1>
        %reduce_or3A_137 = tpu.scan <max>, %reduce_or3A_134 masked %reduce_or3A_136 : vector<16xf32>, vector<16xi1> -> vector<16xf32>
        %reduce_or3A_138 = vector.extract %reduce_or3A_137[15] : f32 from vector<16xf32>
        %reduce_or3A_139 = arith.constant 0.000000e+00 : f32
        %reduce_or3A_140 = arith.cmpf ogt, %reduce_or3A_138, %reduce_or3A_139 : f32
        %convert_element_type3A = arith.extui %reduce_or3A_140 : i1 to i32
        %cond3A = arith.constant 0 : i32
        %cond3A_141 = arith.cmpi ne, %convert_element_type3A, %cond3A : i32
        scf.if %cond3A_141 {
          %shift_left3A = arith.constant 1 : i32
          %shift_left3A_143 = vector.broadcast %shift_left3A : i32 to vector<16xi32>
          %shift_left3A_144 = arith.shli %shift_left3A_143, %iota3A : vector<16xi32>
          %jit3A_145 = arith.constant 0 : i32
          %broadcast_in_dim3A_146 = vector.broadcast %jit3A_145 : i32 to vector<16xi32>
          %select_n3A_147 = arith.select %and3A_130, %shift_left3A_144, %broadcast_in_dim3A_146 : vector<16xi1>, vector<16xi32>
          %reduce_sum3A = arith.constant true
          %reduce_sum3A_148 = vector.broadcast %reduce_sum3A : i1 to vector<16xi1>
          %reduce_sum3A_149 = tpu.scan <sum>, %select_n3A_147 masked %reduce_sum3A_148 : vector<16xi32>, vector<16xi1> -> vector<16xi32>
          %reduce_sum3A_150 = vector.extract %reduce_sum3A_149[15] : i32 from vector<16xi32>
          %scan3A_151 = arith.constant 0 : i32
          %scan3A_152 = arith.constant 15 : i32
          %scan3A_153 = arith.addi %scan3A_151, %scan3A_152 : i32
          %scan3A_154 = arith.constant 1 : i32
          %scan3A_155 = scf.for %scan3A_157 = %scan3A_151 to %scan3A_153 step %scan3A_154 iter_args(%scan3A_158 = %reduce_sum3A_150) -> (i32)  : i32 {
            %shift_right_arithmetic3A = vector.broadcast %scan3A_158 : i32 to vector<16xi32>
            %shift_right_arithmetic3A_159 = arith.shrsi %shift_right_arithmetic3A, %iota3A : vector<16xi32>
            %and3A_160 = arith.constant 1 : i32
            %and3A_161 = vector.broadcast %and3A_160 : i32 to vector<16xi32>
            %and3A_162 = arith.andi %shift_right_arithmetic3A_159, %and3A_161 : vector<16xi32>
            %ne3A_163 = arith.constant 0 : i32
            %ne3A_164 = vector.broadcast %ne3A_163 : i32 to vector<16xi32>
            %ne3A_165 = arith.cmpi ne, %and3A_162, %ne3A_164 : vector<16xi32>
            %jit3A_166 = arith.constant 0 : i32
            %broadcast_in_dim3A_167 = vector.broadcast %jit3A_166 : i32 to vector<16xi32>
            %select_n3A_168 = arith.select %ne3A_165, %sub3A_99, %broadcast_in_dim3A_167 : vector<16xi1>, vector<16xi32>
            %gather3A_169 = tpu.vector_load_idx %run_scoped3A[%select_n3A_168] : memref<50000xi32, #tpu.memory_space<vmem>>[vector<16xi32>], vector<16xi32>,
            %ge3A_170 = arith.constant 0 : i32
            %ge3A_171 = vector.broadcast %ge3A_170 : i32 to vector<16xi32>
            %ge3A_172 = arith.cmpi sge, %gather3A_169, %ge3A_171 : vector<16xi32>
            %and3A_173 = arith.andi %ne3A_165, %ge3A_172 : vector<16xi1>
            %sub3A_174 = vector.broadcast %mul3A_18 : i32 to vector<16xi32>
            %sub3A_175 = arith.subi %gather3A_169, %sub3A_174 : vector<16xi32>
            %jit3A_176 = arith.constant 0 : i32
            %broadcast_in_dim3A_177 = vector.broadcast %jit3A_176 : i32 to vector<16xi32>
            %select_n3A_178 = arith.select %and3A_173, %sub3A_175, %broadcast_in_dim3A_177 : vector<16xi1>, vector<16xi32>
            %gather3A_179 = tpu.vector_load_idx %run_scoped3A_53[%select_n3A_178] : memref<62512xf32, #tpu.memory_space<vmem>>[vector<16xi32>], vector<16xf32>,
            %not3A_180 = arith.constant dense<true> : vector<16xi1>
            %not3A_181 = arith.xori %and3A_173, %not3A_180 : vector<16xi1>
            %gt3A_182 = arith.cmpf ogt, %get3A_109, %gather3A_179 : vector<16xf32>
            %or3A_183 = arith.ori %not3A_181, %gt3A_182 : vector<16xi1>
            %eq3A_184 = arith.cmpf oeq, %get3A_109, %gather3A_179 : vector<16xf32>
            %gt3A_185 = arith.cmpi sgt, %add3A_97, %gather3A_169 : vector<16xi32>
            %and3A_186 = arith.andi %eq3A_184, %gt3A_185 : vector<16xi1>
            %or3A_187 = arith.ori %or3A_183, %and3A_186 : vector<16xi1>
            %and3A_188 = arith.andi %ne3A_165, %or3A_187 : vector<16xi1>
            tpu.vector_store_idx %run_scoped3A[%select_n3A_168], %add3A_97 masked %and3A_188 : memref<50000xi32, #tpu.memory_space<vmem>>[vector<16xi32>], vector<16xi32>, vector<16xi1>
            %gather3A_189 = tpu.vector_load_idx %run_scoped3A[%select_n3A_168] : memref<50000xi32, #tpu.memory_space<vmem>>[vector<16xi32>], vector<16xi32>,
            %ne3A_190 = arith.cmpi ne, %gather3A_189, %add3A_97 : vector<16xi32>
            %and3A_191 = arith.andi %and3A_188, %ne3A_190 : vector<16xi1>
            %jit3A_192 = arith.constant 0 : i32
            %broadcast_in_dim3A_193 = vector.broadcast %jit3A_192 : i32 to vector<16xi32>
            %select_n3A_194 = arith.select %and3A_191, %shift_left3A_144, %broadcast_in_dim3A_193 : vector<16xi1>, vector<16xi32>
            %reduce_sum3A_195 = arith.constant true
            %reduce_sum3A_196 = vector.broadcast %reduce_sum3A_195 : i1 to vector<16xi1>
            %reduce_sum3A_197 = tpu.scan <sum>, %select_n3A_194 masked %reduce_sum3A_196 : vector<16xi32>, vector<16xi1> -> vector<16xi32>
            %reduce_sum3A_198 = vector.extract %reduce_sum3A_197[15] : i32 from vector<16xi32>
            scf.yield %reduce_sum3A_198 : i32
          }
          %scan3A_156 = arith.constant 15 : i32
        } else {
        }
        %scan3A_142 = arith.constant 0 : i32
        scf.yield %scan3A_142 : i32
      }
      %scan3A_78 = arith.constant 157 : i32
      "tpu.region"() ({
        %run_scoped3A_86 = tpu.sem_alloc : memref<!tpu.dma_semaphore, #tpu.memory_space<semaphore_mem>>
        %dma_start3A = arith.constant 0 : i32
        %dma_start3A_87 = tpu.memref_slice %arg5[%add3A_52, %dma_start3A] : memref<32x50000xi32, #tpu.memory_space<hbm>> -> memref<1x50000xi32, #tpu.memory_space<hbm>>
        %dma_start3A_88 = tpu.memref_squeeze %dma_start3A_87 : memref<1x50000xi32, #tpu.memory_space<hbm>> -> memref<50000xi32, #tpu.memory_space<hbm>>
        %dma_start3A_89 = arith.constant 0 : i32
        %dma_start3A_90 = tpu.memref_slice %arg5[%add3A_52, %dma_start3A_89] : memref<32x50000xi32, #tpu.memory_space<hbm>> -> memref<1x50000xi32, #tpu.memory_space<hbm>>
        %dma_start3A_91 = tpu.memref_squeeze %dma_start3A_90 : memref<1x50000xi32, #tpu.memory_space<hbm>> -> memref<50000xi32, #tpu.memory_space<hbm>>
        tpu.enqueue_dma source(%run_scoped3A : memref<50000xi32, #tpu.memory_space<vmem>>) target(%dma_start3A_91 : memref<50000xi32, #tpu.memory_space<hbm>>) target_semaphore(%run_scoped3A_86 : memref<!tpu.dma_semaphore, #tpu.memory_space<semaphore_mem>>)
        %dma_wait3A = arith.constant 0 : i32
        %dma_wait3A_92 = tpu.memref_slice %arg5[%add3A_52, %dma_wait3A] : memref<32x50000xi32, #tpu.memory_space<hbm>> -> memref<1x50000xi32, #tpu.memory_space<hbm>>
        %dma_wait3A_93 = tpu.memref_squeeze %dma_wait3A_92 : memref<1x50000xi32, #tpu.memory_space<hbm>> -> memref<50000xi32, #tpu.memory_space<hbm>>
        %dma_wait3A_94 = arith.constant 0 : i32
        %dma_wait3A_95 = tpu.memref_slice %arg5[%add3A_52, %dma_wait3A_94] : memref<32x50000xi32, #tpu.memory_space<hbm>> -> memref<1x50000xi32, #tpu.memory_space<hbm>>
        %dma_wait3A_96 = tpu.memref_squeeze %dma_wait3A_95 : memref<1x50000xi32, #tpu.memory_space<hbm>> -> memref<50000xi32, #tpu.memory_space<hbm>>
        tpu.wait_dma2 semaphore(%run_scoped3A_86 : memref<!tpu.dma_semaphore, #tpu.memory_space<semaphore_mem>>) src(%run_scoped3A : memref<50000xi32, #tpu.memory_space<vmem>>) dst(%dma_wait3A_96 : memref<50000xi32, #tpu.memory_space<hbm>>)
        tpu.yield
      }) : () -> ()
      %scan3A_79 = arith.constant 0 : i32
      %scan3A_80 = arith.constant 0 : i32
      %scan3A_81 = arith.constant 25 : i32
      %scan3A_82 = arith.addi %scan3A_80, %scan3A_81 : i32
      %scan3A_83 = arith.constant 1 : i32
      %scan3A_84 = scf.for %scan3A_86 = %scan3A_80 to %scan3A_82 step %scan3A_83 iter_args(%scan3A_87 = %scan3A_79) -> (i32)  : i32 {
        %scan3A_88 = arith.constant 0 : i32
        %scan3A_89 = arith.constant 0 : i32
        %scan3A_90 = arith.constant 125 : i32
        %scan3A_91 = arith.addi %scan3A_89, %scan3A_90 : i32
        %scan3A_92 = arith.constant 1 : i32
        %scan3A_93 = scf.for %scan3A_98 = %scan3A_89 to %scan3A_91 step %scan3A_92 iter_args(%scan3A_99 = %scan3A_88) -> (i32)  : i32 {
          %mul3A_100 = arith.constant 2000 : i32
          %mul3A_101 = arith.muli %scan3A_86, %mul3A_100 : i32
          %mul3A_102 = arith.constant 16 : i32
          %mul3A_103 = arith.muli %scan3A_98, %mul3A_102 : i32
          %add3A_104 = arith.addi %mul3A_101, %mul3A_103 : i32
          %get3A = arith.index_cast %add3A_104 : i32 to index
          %get3A_105 = tpu.vector_load %run_scoped3A[%get3A] {strides = array<i32>} : memref<50000xi32, #tpu.memory_space<vmem>>, vector<16xi32>,
          %ge3A = arith.constant 0 : i32
          %ge3A_106 = vector.broadcast %ge3A : i32 to vector<16xi32>
          %ge3A_107 = arith.cmpi sge, %get3A_105, %ge3A_106 : vector<16xi32>
          %sub3A_108 = vector.broadcast %mul3A_18 : i32 to vector<16xi32>
          %sub3A_109 = arith.subi %get3A_105, %sub3A_108 : vector<16xi32>
          %jit3A_110 = arith.constant 0 : i32
          %broadcast_in_dim3A_111 = vector.broadcast %jit3A_110 : i32 to vector<16xi32>
          %select_n3A_112 = arith.select %ge3A_107, %sub3A_109, %broadcast_in_dim3A_111 : vector<16xi1>, vector<16xi32>
          %gather3A = tpu.vector_load_idx %run_scoped3A_53[%select_n3A_112] : memref<62512xf32, #tpu.memory_space<vmem>>[vector<16xi32>], vector<16xf32>,
          %jit3A_113 = arith.constant -1.000000e+00 : f32
          %broadcast_in_dim3A_114 = vector.broadcast %jit3A_113 : f32 to vector<16xf32>
          %select_n3A_115 = arith.select %ge3A_107, %gather3A, %broadcast_in_dim3A_114 : vector<16xi1>, vector<16xf32>
          %mul3A_116 = arith.constant 16 : i32
          %mul3A_117 = arith.muli %scan3A_98, %mul3A_116 : i32
          %swap3A = arith.index_cast %mul3A_117 : i32 to index
          %swap3A_118 = tpu.vector_load %run_scoped3A_55[%swap3A] {strides = array<i32>} : memref<2000xf32, #tpu.memory_space<vmem>>, vector<16xf32>,
          tpu.vector_store %run_scoped3A_55[%swap3A], %select_n3A_115 {strides = array<i32>} : memref<2000xf32, #tpu.memory_space<vmem>>, vector<16xf32>,
          %scan3A_119 = arith.constant 0 : i32
          scf.yield %scan3A_119 : i32
        }
        %scan3A_94 = arith.constant 125 : i32
        %mul3A_95 = arith.constant 2000 : i32
        %mul3A_96 = arith.muli %scan3A_86, %mul3A_95 : i32
        "tpu.region"() ({
          %run_scoped3A_98 = tpu.sem_alloc : memref<!tpu.dma_semaphore, #tpu.memory_space<semaphore_mem>>
          %dma_start3A = tpu.memref_slice %arg6[%add3A_52, %mul3A_96] : memref<32x50000xf32, #tpu.memory_space<hbm>> -> memref<1x2000xf32, #tpu.memory_space<hbm>>
          %dma_start3A_99 = tpu.memref_squeeze %dma_start3A : memref<1x2000xf32, #tpu.memory_space<hbm>> -> memref<2000xf32, #tpu.memory_space<hbm>>
          %dma_start3A_100 = tpu.memref_slice %arg6[%add3A_52, %mul3A_96] : memref<32x50000xf32, #tpu.memory_space<hbm>> -> memref<1x2000xf32, #tpu.memory_space<hbm>>
          %dma_start3A_101 = tpu.memref_squeeze %dma_start3A_100 : memref<1x2000xf32, #tpu.memory_space<hbm>> -> memref<2000xf32, #tpu.memory_space<hbm>>
          tpu.enqueue_dma source(%run_scoped3A_55 : memref<2000xf32, #tpu.memory_space<vmem>>) target(%dma_start3A_101 : memref<2000xf32, #tpu.memory_space<hbm>>) target_semaphore(%run_scoped3A_98 : memref<!tpu.dma_semaphore, #tpu.memory_space<semaphore_mem>>)
          %dma_wait3A = tpu.memref_slice %arg6[%add3A_52, %mul3A_96] : memref<32x50000xf32, #tpu.memory_space<hbm>> -> memref<1x2000xf32, #tpu.memory_space<hbm>>
          %dma_wait3A_102 = tpu.memref_squeeze %dma_wait3A : memref<1x2000xf32, #tpu.memory_space<hbm>> -> memref<2000xf32, #tpu.memory_space<hbm>>
          %dma_wait3A_103 = tpu.memref_slice %arg6[%add3A_52, %mul3A_96] : memref<32x50000xf32, #tpu.memory_space<hbm>> -> memref<1x2000xf32, #tpu.memory_space<hbm>>
          %dma_wait3A_104 = tpu.memref_squeeze %dma_wait3A_103 : memref<1x2000xf32, #tpu.memory_space<hbm>> -> memref<2000xf32, #tpu.memory_space<hbm>>
          tpu.wait_dma2 semaphore(%run_scoped3A_98 : memref<!tpu.dma_semaphore, #tpu.memory_space<semaphore_mem>>) src(%run_scoped3A_55 : memref<2000xf32, #tpu.memory_space<vmem>>) dst(%dma_wait3A_104 : memref<2000xf32, #tpu.memory_space<hbm>>)
          tpu.yield
        }) : () -> ()
        %scan3A_97 = arith.constant 0 : i32
        scf.yield %scan3A_97 : i32
      }
      %scan3A_85 = arith.constant 25 : i32
      tpu.yield
    }) : () -> ()
    %barrier3A = arith.constant 0 : index
    tpu.barrier barrier_id(%barrier3A)
    "tpu.region"() ({
      %run_scoped3A = memref.alloca() : memref<16x2000xi32, #tpu.memory_space<vmem>>
      %run_scoped3A_53 = memref.alloca() : memref<16x2000xf32, #tpu.memory_space<vmem>>
      %run_scoped3A_54 = memref.alloca() : memref<2000xi32, #tpu.memory_space<vmem>>
      %scan3A = arith.constant 0 : i32
      %scan3A_55 = arith.constant 0 : i32
      %scan3A_56 = arith.constant 2 : i32
      %scan3A_57 = arith.addi %scan3A_55, %scan3A_56 : i32
      %scan3A_58 = arith.constant 1 : i32
      %scan3A_59 = scf.for %scan3A_61 = %scan3A_55 to %scan3A_57 step %scan3A_58 iter_args(%scan3A_62 = %scan3A) -> (i32)  : i32 {
        %mul3A_63 = arith.constant 16 : i32
        %mul3A_64 = arith.muli %scan3A_61, %mul3A_63 : i32
        %add3A_65 = arith.addi %arg1, %mul3A_64 : i32
        %lt3A = arith.constant 25 : i32
        %lt3A_66 = arith.cmpi slt, %add3A_65, %lt3A : i32
        %convert_element_type3A = arith.extui %lt3A_66 : i1 to i32
        %cond3A = arith.constant 0 : i32
        %cond3A_67 = arith.cmpi ne, %convert_element_type3A, %cond3A : i32
        scf.if %cond3A_67 {
          %mul3A_69 = arith.constant 16 : i32
          %mul3A_70 = arith.muli %arg0, %mul3A_69 : i32
          %mul3A_71 = arith.constant 2000 : i32
          %mul3A_72 = arith.muli %add3A_65, %mul3A_71 : i32
          "tpu.region"() ({
            %run_scoped3A_87 = tpu.sem_alloc : memref<!tpu.dma_semaphore, #tpu.memory_space<semaphore_mem>>
            %dma_start3A = tpu.memref_slice %arg5[%mul3A_70, %mul3A_72] : memref<32x50000xi32, #tpu.memory_space<hbm>> -> memref<16x2000xi32, #tpu.memory_space<hbm>>
            %dma_start3A_88 = tpu.memref_slice %arg5[%mul3A_70, %mul3A_72] : memref<32x50000xi32, #tpu.memory_space<hbm>> -> memref<16x2000xi32, #tpu.memory_space<hbm>>
            tpu.enqueue_dma source(%dma_start3A_88 : memref<16x2000xi32, #tpu.memory_space<hbm>>) target(%run_scoped3A : memref<16x2000xi32, #tpu.memory_space<vmem>>) target_semaphore(%run_scoped3A_87 : memref<!tpu.dma_semaphore, #tpu.memory_space<semaphore_mem>>)
            %dma_wait3A = tpu.memref_slice %arg5[%mul3A_70, %mul3A_72] : memref<32x50000xi32, #tpu.memory_space<hbm>> -> memref<16x2000xi32, #tpu.memory_space<hbm>>
            %dma_wait3A_89 = tpu.memref_slice %arg5[%mul3A_70, %mul3A_72] : memref<32x50000xi32, #tpu.memory_space<hbm>> -> memref<16x2000xi32, #tpu.memory_space<hbm>>
            tpu.wait_dma2 semaphore(%run_scoped3A_87 : memref<!tpu.dma_semaphore, #tpu.memory_space<semaphore_mem>>) src(%dma_wait3A_89 : memref<16x2000xi32, #tpu.memory_space<hbm>>) dst(%run_scoped3A : memref<16x2000xi32, #tpu.memory_space<vmem>>)
            tpu.yield
          }) : () -> ()
          %mul3A_73 = arith.constant 16 : i32
          %mul3A_74 = arith.muli %arg0, %mul3A_73 : i32
          %mul3A_75 = arith.constant 2000 : i32
          %mul3A_76 = arith.muli %add3A_65, %mul3A_75 : i32
          "tpu.region"() ({
            %run_scoped3A_87 = tpu.sem_alloc : memref<!tpu.dma_semaphore, #tpu.memory_space<semaphore_mem>>
            %dma_start3A = tpu.memref_slice %arg6[%mul3A_74, %mul3A_76] : memref<32x50000xf32, #tpu.memory_space<hbm>> -> memref<16x2000xf32, #tpu.memory_space<hbm>>
            %dma_start3A_88 = tpu.memref_slice %arg6[%mul3A_74, %mul3A_76] : memref<32x50000xf32, #tpu.memory_space<hbm>> -> memref<16x2000xf32, #tpu.memory_space<hbm>>
            tpu.enqueue_dma source(%dma_start3A_88 : memref<16x2000xf32, #tpu.memory_space<hbm>>) target(%run_scoped3A_53 : memref<16x2000xf32, #tpu.memory_space<vmem>>) target_semaphore(%run_scoped3A_87 : memref<!tpu.dma_semaphore, #tpu.memory_space<semaphore_mem>>)
            %dma_wait3A = tpu.memref_slice %arg6[%mul3A_74, %mul3A_76] : memref<32x50000xf32, #tpu.memory_space<hbm>> -> memref<16x2000xf32, #tpu.memory_space<hbm>>
            %dma_wait3A_89 = tpu.memref_slice %arg6[%mul3A_74, %mul3A_76] : memref<32x50000xf32, #tpu.memory_space<hbm>> -> memref<16x2000xf32, #tpu.memory_space<hbm>>
            tpu.wait_dma2 semaphore(%run_scoped3A_87 : memref<!tpu.dma_semaphore, #tpu.memory_space<semaphore_mem>>) src(%dma_wait3A_89 : memref<16x2000xf32, #tpu.memory_space<hbm>>) dst(%run_scoped3A_53 : memref<16x2000xf32, #tpu.memory_space<vmem>>)
            tpu.yield
          }) : () -> ()
          %scan3A_77 = arith.constant 0 : i32
          %scan3A_78 = arith.constant 0 : i32
          %scan3A_79 = arith.constant 125 : i32
          %scan3A_80 = arith.addi %scan3A_78, %scan3A_79 : i32
          %scan3A_81 = arith.constant 1 : i32
          %scan3A_82 = scf.for %scan3A_87 = %scan3A_78 to %scan3A_80 step %scan3A_81 iter_args(%scan3A_88 = %scan3A_77) -> (i32)  : i32 {
            %mul3A_89 = arith.constant 16 : i32
            %mul3A_90 = arith.muli %scan3A_87, %mul3A_89 : i32
            %get3A = arith.constant 0 : i32
            %get3A_91 = arith.index_cast %get3A : i32 to index
            %get3A_92 = arith.index_cast %mul3A_90 : i32 to index
            %get3A_93 = tpu.vector_load %run_scoped3A_53[%get3A_91, %get3A_92] {strides = array<i32>} : memref<16x2000xf32, #tpu.memory_space<vmem>>, vector<16xf32>,
            %mul3A_94 = arith.constant 16 : i32
            %mul3A_95 = arith.muli %scan3A_87, %mul3A_94 : i32
            %get3A_96 = arith.constant 0 : i32
            %get3A_97 = arith.index_cast %get3A_96 : i32 to index
            %get3A_98 = arith.index_cast %mul3A_95 : i32 to index
            %get3A_99 = tpu.vector_load %run_scoped3A[%get3A_97, %get3A_98] {strides = array<i32>} : memref<16x2000xi32, #tpu.memory_space<vmem>>, vector<16xi32>,
            %mul3A_100 = arith.constant 16 : i32
            %mul3A_101 = arith.muli %scan3A_87, %mul3A_100 : i32
            %get3A_102 = arith.constant 1 : i32
            %get3A_103 = arith.index_cast %get3A_102 : i32 to index
            %get3A_104 = arith.index_cast %mul3A_101 : i32 to index
            %get3A_105 = tpu.vector_load %run_scoped3A_53[%get3A_103, %get3A_104] {strides = array<i32>} : memref<16x2000xf32, #tpu.memory_space<vmem>>, vector<16xf32>,
            %mul3A_106 = arith.constant 16 : i32
            %mul3A_107 = arith.muli %scan3A_87, %mul3A_106 : i32
            %get3A_108 = arith.constant 1 : i32
            %get3A_109 = arith.index_cast %get3A_108 : i32 to index
            %get3A_110 = arith.index_cast %mul3A_107 : i32 to index
            %get3A_111 = tpu.vector_load %run_scoped3A[%get3A_109, %get3A_110] {strides = array<i32>} : memref<16x2000xi32, #tpu.memory_space<vmem>>, vector<16xi32>,
            %gt3A = arith.cmpf ogt, %get3A_105, %get3A_93 : vector<16xf32>
            %eq3A = arith.cmpf oeq, %get3A_105, %get3A_93 : vector<16xf32>
            %gt3A_112 = arith.cmpi sgt, %get3A_111, %get3A_99 : vector<16xi32>
            %and3A_113 = arith.andi %eq3A, %gt3A_112 : vector<16xi1>
            %or3A = arith.ori %gt3A, %and3A_113 : vector<16xi1>
            %select_n3A_114 = arith.select %or3A, %get3A_105, %get3A_93 : vector<16xi1>, vector<16xf32>
            %select_n3A_115 = arith.select %or3A, %get3A_111, %get3A_99 : vector<16xi1>, vector<16xi32>
            %mul3A_116 = arith.constant 16 : i32
            %mul3A_117 = arith.muli %scan3A_87, %mul3A_116 : i32
            %get3A_118 = arith.constant 2 : i32
            %get3A_119 = arith.index_cast %get3A_118 : i32 to index
            %get3A_120 = arith.index_cast %mul3A_117 : i32 to index
            %get3A_121 = tpu.vector_load %run_scoped3A_53[%get3A_119, %get3A_120] {strides = array<i32>} : memref<16x2000xf32, #tpu.memory_space<vmem>>, vector<16xf32>,
            %mul3A_122 = arith.constant 16 : i32
            %mul3A_123 = arith.muli %scan3A_87, %mul3A_122 : i32
            %get3A_124 = arith.constant 2 : i32
            %get3A_125 = arith.index_cast %get3A_124 : i32 to index
            %get3A_126 = arith.index_cast %mul3A_123 : i32 to index
            %get3A_127 = tpu.vector_load %run_scoped3A[%get3A_125, %get3A_126] {strides = array<i32>} : memref<16x2000xi32, #tpu.memory_space<vmem>>, vector<16xi32>,
            %gt3A_128 = arith.cmpf ogt, %get3A_121, %select_n3A_114 : vector<16xf32>
            %eq3A_129 = arith.cmpf oeq, %get3A_121, %select_n3A_114 : vector<16xf32>
            %gt3A_130 = arith.cmpi sgt, %get3A_127, %select_n3A_115 : vector<16xi32>
            %and3A_131 = arith.andi %eq3A_129, %gt3A_130 : vector<16xi1>
            %or3A_132 = arith.ori %gt3A_128, %and3A_131 : vector<16xi1>
            %select_n3A_133 = arith.select %or3A_132, %get3A_121, %select_n3A_114 : vector<16xi1>, vector<16xf32>
            %select_n3A_134 = arith.select %or3A_132, %get3A_127, %select_n3A_115 : vector<16xi1>, vector<16xi32>
            %mul3A_135 = arith.constant 16 : i32
            %mul3A_136 = arith.muli %scan3A_87, %mul3A_135 : i32
            %get3A_137 = arith.constant 3 : i32
            %get3A_138 = arith.index_cast %get3A_137 : i32 to index
            %get3A_139 = arith.index_cast %mul3A_136 : i32 to index
            %get3A_140 = tpu.vector_load %run_scoped3A_53[%get3A_138, %get3A_139] {strides = array<i32>} : memref<16x2000xf32, #tpu.memory_space<vmem>>, vector<16xf32>,
            %mul3A_141 = arith.constant 16 : i32
            %mul3A_142 = arith.muli %scan3A_87, %mul3A_141 : i32
            %get3A_143 = arith.constant 3 : i32
            %get3A_144 = arith.index_cast %get3A_143 : i32 to index
            %get3A_145 = arith.index_cast %mul3A_142 : i32 to index
            %get3A_146 = tpu.vector_load %run_scoped3A[%get3A_144, %get3A_145] {strides = array<i32>} : memref<16x2000xi32, #tpu.memory_space<vmem>>, vector<16xi32>,
            %gt3A_147 = arith.cmpf ogt, %get3A_140, %select_n3A_133 : vector<16xf32>
            %eq3A_148 = arith.cmpf oeq, %get3A_140, %select_n3A_133 : vector<16xf32>
            %gt3A_149 = arith.cmpi sgt, %get3A_146, %select_n3A_134 : vector<16xi32>
            %and3A_150 = arith.andi %eq3A_148, %gt3A_149 : vector<16xi1>
            %or3A_151 = arith.ori %gt3A_147, %and3A_150 : vector<16xi1>
            %select_n3A_152 = arith.select %or3A_151, %get3A_140, %select_n3A_133 : vector<16xi1>, vector<16xf32>
            %select_n3A_153 = arith.select %or3A_151, %get3A_146, %select_n3A_134 : vector<16xi1>, vector<16xi32>
            %mul3A_154 = arith.constant 16 : i32
            %mul3A_155 = arith.muli %scan3A_87, %mul3A_154 : i32
            %get3A_156 = arith.constant 4 : i32
            %get3A_157 = arith.index_cast %get3A_156 : i32 to index
            %get3A_158 = arith.index_cast %mul3A_155 : i32 to index
            %get3A_159 = tpu.vector_load %run_scoped3A_53[%get3A_157, %get3A_158] {strides = array<i32>} : memref<16x2000xf32, #tpu.memory_space<vmem>>, vector<16xf32>,
            %mul3A_160 = arith.constant 16 : i32
            %mul3A_161 = arith.muli %scan3A_87, %mul3A_160 : i32
            %get3A_162 = arith.constant 4 : i32
            %get3A_163 = arith.index_cast %get3A_162 : i32 to index
            %get3A_164 = arith.index_cast %mul3A_161 : i32 to index
            %get3A_165 = tpu.vector_load %run_scoped3A[%get3A_163, %get3A_164] {strides = array<i32>} : memref<16x2000xi32, #tpu.memory_space<vmem>>, vector<16xi32>,
            %gt3A_166 = arith.cmpf ogt, %get3A_159, %select_n3A_152 : vector<16xf32>
            %eq3A_167 = arith.cmpf oeq, %get3A_159, %select_n3A_152 : vector<16xf32>
            %gt3A_168 = arith.cmpi sgt, %get3A_165, %select_n3A_153 : vector<16xi32>
            %and3A_169 = arith.andi %eq3A_167, %gt3A_168 : vector<16xi1>
            %or3A_170 = arith.ori %gt3A_166, %and3A_169 : vector<16xi1>
            %select_n3A_171 = arith.select %or3A_170, %get3A_159, %select_n3A_152 : vector<16xi1>, vector<16xf32>
            %select_n3A_172 = arith.select %or3A_170, %get3A_165, %select_n3A_153 : vector<16xi1>, vector<16xi32>
            %mul3A_173 = arith.constant 16 : i32
            %mul3A_174 = arith.muli %scan3A_87, %mul3A_173 : i32
            %get3A_175 = arith.constant 5 : i32
            %get3A_176 = arith.index_cast %get3A_175 : i32 to index
            %get3A_177 = arith.index_cast %mul3A_174 : i32 to index
            %get3A_178 = tpu.vector_load %run_scoped3A_53[%get3A_176, %get3A_177] {strides = array<i32>} : memref<16x2000xf32, #tpu.memory_space<vmem>>, vector<16xf32>,
            %mul3A_179 = arith.constant 16 : i32
            %mul3A_180 = arith.muli %scan3A_87, %mul3A_179 : i32
            %get3A_181 = arith.constant 5 : i32
            %get3A_182 = arith.index_cast %get3A_181 : i32 to index
            %get3A_183 = arith.index_cast %mul3A_180 : i32 to index
            %get3A_184 = tpu.vector_load %run_scoped3A[%get3A_182, %get3A_183] {strides = array<i32>} : memref<16x2000xi32, #tpu.memory_space<vmem>>, vector<16xi32>,
            %gt3A_185 = arith.cmpf ogt, %get3A_178, %select_n3A_171 : vector<16xf32>
            %eq3A_186 = arith.cmpf oeq, %get3A_178, %select_n3A_171 : vector<16xf32>
            %gt3A_187 = arith.cmpi sgt, %get3A_184, %select_n3A_172 : vector<16xi32>
            %and3A_188 = arith.andi %eq3A_186, %gt3A_187 : vector<16xi1>
            %or3A_189 = arith.ori %gt3A_185, %and3A_188 : vector<16xi1>
            %select_n3A_190 = arith.select %or3A_189, %get3A_178, %select_n3A_171 : vector<16xi1>, vector<16xf32>
            %select_n3A_191 = arith.select %or3A_189, %get3A_184, %select_n3A_172 : vector<16xi1>, vector<16xi32>
            %mul3A_192 = arith.constant 16 : i32
            %mul3A_193 = arith.muli %scan3A_87, %mul3A_192 : i32
            %get3A_194 = arith.constant 6 : i32
            %get3A_195 = arith.index_cast %get3A_194 : i32 to index
            %get3A_196 = arith.index_cast %mul3A_193 : i32 to index
            %get3A_197 = tpu.vector_load %run_scoped3A_53[%get3A_195, %get3A_196] {strides = array<i32>} : memref<16x2000xf32, #tpu.memory_space<vmem>>, vector<16xf32>,
            %mul3A_198 = arith.constant 16 : i32
            %mul3A_199 = arith.muli %scan3A_87, %mul3A_198 : i32
            %get3A_200 = arith.constant 6 : i32
            %get3A_201 = arith.index_cast %get3A_200 : i32 to index
            %get3A_202 = arith.index_cast %mul3A_199 : i32 to index
            %get3A_203 = tpu.vector_load %run_scoped3A[%get3A_201, %get3A_202] {strides = array<i32>} : memref<16x2000xi32, #tpu.memory_space<vmem>>, vector<16xi32>,
            %gt3A_204 = arith.cmpf ogt, %get3A_197, %select_n3A_190 : vector<16xf32>
            %eq3A_205 = arith.cmpf oeq, %get3A_197, %select_n3A_190 : vector<16xf32>
            %gt3A_206 = arith.cmpi sgt, %get3A_203, %select_n3A_191 : vector<16xi32>
            %and3A_207 = arith.andi %eq3A_205, %gt3A_206 : vector<16xi1>
            %or3A_208 = arith.ori %gt3A_204, %and3A_207 : vector<16xi1>
            %select_n3A_209 = arith.select %or3A_208, %get3A_197, %select_n3A_190 : vector<16xi1>, vector<16xf32>
            %select_n3A_210 = arith.select %or3A_208, %get3A_203, %select_n3A_191 : vector<16xi1>, vector<16xi32>
            %mul3A_211 = arith.constant 16 : i32
            %mul3A_212 = arith.muli %scan3A_87, %mul3A_211 : i32
            %get3A_213 = arith.constant 7 : i32
            %get3A_214 = arith.index_cast %get3A_213 : i32 to index
            %get3A_215 = arith.index_cast %mul3A_212 : i32 to index
            %get3A_216 = tpu.vector_load %run_scoped3A_53[%get3A_214, %get3A_215] {strides = array<i32>} : memref<16x2000xf32, #tpu.memory_space<vmem>>, vector<16xf32>,
            %mul3A_217 = arith.constant 16 : i32
            %mul3A_218 = arith.muli %scan3A_87, %mul3A_217 : i32
            %get3A_219 = arith.constant 7 : i32
            %get3A_220 = arith.index_cast %get3A_219 : i32 to index
            %get3A_221 = arith.index_cast %mul3A_218 : i32 to index
            %get3A_222 = tpu.vector_load %run_scoped3A[%get3A_220, %get3A_221] {strides = array<i32>} : memref<16x2000xi32, #tpu.memory_space<vmem>>, vector<16xi32>,
            %gt3A_223 = arith.cmpf ogt, %get3A_216, %select_n3A_209 : vector<16xf32>
            %eq3A_224 = arith.cmpf oeq, %get3A_216, %select_n3A_209 : vector<16xf32>
            %gt3A_225 = arith.cmpi sgt, %get3A_222, %select_n3A_210 : vector<16xi32>
            %and3A_226 = arith.andi %eq3A_224, %gt3A_225 : vector<16xi1>
            %or3A_227 = arith.ori %gt3A_223, %and3A_226 : vector<16xi1>
            %select_n3A_228 = arith.select %or3A_227, %get3A_216, %select_n3A_209 : vector<16xi1>, vector<16xf32>
            %select_n3A_229 = arith.select %or3A_227, %get3A_222, %select_n3A_210 : vector<16xi1>, vector<16xi32>
            %mul3A_230 = arith.constant 16 : i32
            %mul3A_231 = arith.muli %scan3A_87, %mul3A_230 : i32
            %get3A_232 = arith.constant 8 : i32
            %get3A_233 = arith.index_cast %get3A_232 : i32 to index
            %get3A_234 = arith.index_cast %mul3A_231 : i32 to index
            %get3A_235 = tpu.vector_load %run_scoped3A_53[%get3A_233, %get3A_234] {strides = array<i32>} : memref<16x2000xf32, #tpu.memory_space<vmem>>, vector<16xf32>,
            %mul3A_236 = arith.constant 16 : i32
            %mul3A_237 = arith.muli %scan3A_87, %mul3A_236 : i32
            %get3A_238 = arith.constant 8 : i32
            %get3A_239 = arith.index_cast %get3A_238 : i32 to index
            %get3A_240 = arith.index_cast %mul3A_237 : i32 to index
            %get3A_241 = tpu.vector_load %run_scoped3A[%get3A_239, %get3A_240] {strides = array<i32>} : memref<16x2000xi32, #tpu.memory_space<vmem>>, vector<16xi32>,
            %gt3A_242 = arith.cmpf ogt, %get3A_235, %select_n3A_228 : vector<16xf32>
            %eq3A_243 = arith.cmpf oeq, %get3A_235, %select_n3A_228 : vector<16xf32>
            %gt3A_244 = arith.cmpi sgt, %get3A_241, %select_n3A_229 : vector<16xi32>
            %and3A_245 = arith.andi %eq3A_243, %gt3A_244 : vector<16xi1>
            %or3A_246 = arith.ori %gt3A_242, %and3A_245 : vector<16xi1>
            %select_n3A_247 = arith.select %or3A_246, %get3A_235, %select_n3A_228 : vector<16xi1>, vector<16xf32>
            %select_n3A_248 = arith.select %or3A_246, %get3A_241, %select_n3A_229 : vector<16xi1>, vector<16xi32>
            %mul3A_249 = arith.constant 16 : i32
            %mul3A_250 = arith.muli %scan3A_87, %mul3A_249 : i32
            %get3A_251 = arith.constant 9 : i32
            %get3A_252 = arith.index_cast %get3A_251 : i32 to index
            %get3A_253 = arith.index_cast %mul3A_250 : i32 to index
            %get3A_254 = tpu.vector_load %run_scoped3A_53[%get3A_252, %get3A_253] {strides = array<i32>} : memref<16x2000xf32, #tpu.memory_space<vmem>>, vector<16xf32>,
            %mul3A_255 = arith.constant 16 : i32
            %mul3A_256 = arith.muli %scan3A_87, %mul3A_255 : i32
            %get3A_257 = arith.constant 9 : i32
            %get3A_258 = arith.index_cast %get3A_257 : i32 to index
            %get3A_259 = arith.index_cast %mul3A_256 : i32 to index
            %get3A_260 = tpu.vector_load %run_scoped3A[%get3A_258, %get3A_259] {strides = array<i32>} : memref<16x2000xi32, #tpu.memory_space<vmem>>, vector<16xi32>,
            %gt3A_261 = arith.cmpf ogt, %get3A_254, %select_n3A_247 : vector<16xf32>
            %eq3A_262 = arith.cmpf oeq, %get3A_254, %select_n3A_247 : vector<16xf32>
            %gt3A_263 = arith.cmpi sgt, %get3A_260, %select_n3A_248 : vector<16xi32>
            %and3A_264 = arith.andi %eq3A_262, %gt3A_263 : vector<16xi1>
            %or3A_265 = arith.ori %gt3A_261, %and3A_264 : vector<16xi1>
            %select_n3A_266 = arith.select %or3A_265, %get3A_254, %select_n3A_247 : vector<16xi1>, vector<16xf32>
            %select_n3A_267 = arith.select %or3A_265, %get3A_260, %select_n3A_248 : vector<16xi1>, vector<16xi32>
            %mul3A_268 = arith.constant 16 : i32
            %mul3A_269 = arith.muli %scan3A_87, %mul3A_268 : i32
            %get3A_270 = arith.constant 10 : i32
            %get3A_271 = arith.index_cast %get3A_270 : i32 to index
            %get3A_272 = arith.index_cast %mul3A_269 : i32 to index
            %get3A_273 = tpu.vector_load %run_scoped3A_53[%get3A_271, %get3A_272] {strides = array<i32>} : memref<16x2000xf32, #tpu.memory_space<vmem>>, vector<16xf32>,
            %mul3A_274 = arith.constant 16 : i32
            %mul3A_275 = arith.muli %scan3A_87, %mul3A_274 : i32
            %get3A_276 = arith.constant 10 : i32
            %get3A_277 = arith.index_cast %get3A_276 : i32 to index
            %get3A_278 = arith.index_cast %mul3A_275 : i32 to index
            %get3A_279 = tpu.vector_load %run_scoped3A[%get3A_277, %get3A_278] {strides = array<i32>} : memref<16x2000xi32, #tpu.memory_space<vmem>>, vector<16xi32>,
            %gt3A_280 = arith.cmpf ogt, %get3A_273, %select_n3A_266 : vector<16xf32>
            %eq3A_281 = arith.cmpf oeq, %get3A_273, %select_n3A_266 : vector<16xf32>
            %gt3A_282 = arith.cmpi sgt, %get3A_279, %select_n3A_267 : vector<16xi32>
            %and3A_283 = arith.andi %eq3A_281, %gt3A_282 : vector<16xi1>
            %or3A_284 = arith.ori %gt3A_280, %and3A_283 : vector<16xi1>
            %select_n3A_285 = arith.select %or3A_284, %get3A_273, %select_n3A_266 : vector<16xi1>, vector<16xf32>
            %select_n3A_286 = arith.select %or3A_284, %get3A_279, %select_n3A_267 : vector<16xi1>, vector<16xi32>
            %mul3A_287 = arith.constant 16 : i32
            %mul3A_288 = arith.muli %scan3A_87, %mul3A_287 : i32
            %get3A_289 = arith.constant 11 : i32
            %get3A_290 = arith.index_cast %get3A_289 : i32 to index
            %get3A_291 = arith.index_cast %mul3A_288 : i32 to index
            %get3A_292 = tpu.vector_load %run_scoped3A_53[%get3A_290, %get3A_291] {strides = array<i32>} : memref<16x2000xf32, #tpu.memory_space<vmem>>, vector<16xf32>,
            %mul3A_293 = arith.constant 16 : i32
            %mul3A_294 = arith.muli %scan3A_87, %mul3A_293 : i32
            %get3A_295 = arith.constant 11 : i32
            %get3A_296 = arith.index_cast %get3A_295 : i32 to index
            %get3A_297 = arith.index_cast %mul3A_294 : i32 to index
            %get3A_298 = tpu.vector_load %run_scoped3A[%get3A_296, %get3A_297] {strides = array<i32>} : memref<16x2000xi32, #tpu.memory_space<vmem>>, vector<16xi32>,
            %gt3A_299 = arith.cmpf ogt, %get3A_292, %select_n3A_285 : vector<16xf32>
            %eq3A_300 = arith.cmpf oeq, %get3A_292, %select_n3A_285 : vector<16xf32>
            %gt3A_301 = arith.cmpi sgt, %get3A_298, %select_n3A_286 : vector<16xi32>
            %and3A_302 = arith.andi %eq3A_300, %gt3A_301 : vector<16xi1>
            %or3A_303 = arith.ori %gt3A_299, %and3A_302 : vector<16xi1>
            %select_n3A_304 = arith.select %or3A_303, %get3A_292, %select_n3A_285 : vector<16xi1>, vector<16xf32>
            %select_n3A_305 = arith.select %or3A_303, %get3A_298, %select_n3A_286 : vector<16xi1>, vector<16xi32>
            %mul3A_306 = arith.constant 16 : i32
            %mul3A_307 = arith.muli %scan3A_87, %mul3A_306 : i32
            %get3A_308 = arith.constant 12 : i32
            %get3A_309 = arith.index_cast %get3A_308 : i32 to index
            %get3A_310 = arith.index_cast %mul3A_307 : i32 to index
            %get3A_311 = tpu.vector_load %run_scoped3A_53[%get3A_309, %get3A_310] {strides = array<i32>} : memref<16x2000xf32, #tpu.memory_space<vmem>>, vector<16xf32>,
            %mul3A_312 = arith.constant 16 : i32
            %mul3A_313 = arith.muli %scan3A_87, %mul3A_312 : i32
            %get3A_314 = arith.constant 12 : i32
            %get3A_315 = arith.index_cast %get3A_314 : i32 to index
            %get3A_316 = arith.index_cast %mul3A_313 : i32 to index
            %get3A_317 = tpu.vector_load %run_scoped3A[%get3A_315, %get3A_316] {strides = array<i32>} : memref<16x2000xi32, #tpu.memory_space<vmem>>, vector<16xi32>,
            %gt3A_318 = arith.cmpf ogt, %get3A_311, %select_n3A_304 : vector<16xf32>
            %eq3A_319 = arith.cmpf oeq, %get3A_311, %select_n3A_304 : vector<16xf32>
            %gt3A_320 = arith.cmpi sgt, %get3A_317, %select_n3A_305 : vector<16xi32>
            %and3A_321 = arith.andi %eq3A_319, %gt3A_320 : vector<16xi1>
            %or3A_322 = arith.ori %gt3A_318, %and3A_321 : vector<16xi1>
            %select_n3A_323 = arith.select %or3A_322, %get3A_311, %select_n3A_304 : vector<16xi1>, vector<16xf32>
            %select_n3A_324 = arith.select %or3A_322, %get3A_317, %select_n3A_305 : vector<16xi1>, vector<16xi32>
            %mul3A_325 = arith.constant 16 : i32
            %mul3A_326 = arith.muli %scan3A_87, %mul3A_325 : i32
            %get3A_327 = arith.constant 13 : i32
            %get3A_328 = arith.index_cast %get3A_327 : i32 to index
            %get3A_329 = arith.index_cast %mul3A_326 : i32 to index
            %get3A_330 = tpu.vector_load %run_scoped3A_53[%get3A_328, %get3A_329] {strides = array<i32>} : memref<16x2000xf32, #tpu.memory_space<vmem>>, vector<16xf32>,
            %mul3A_331 = arith.constant 16 : i32
            %mul3A_332 = arith.muli %scan3A_87, %mul3A_331 : i32
            %get3A_333 = arith.constant 13 : i32
            %get3A_334 = arith.index_cast %get3A_333 : i32 to index
            %get3A_335 = arith.index_cast %mul3A_332 : i32 to index
            %get3A_336 = tpu.vector_load %run_scoped3A[%get3A_334, %get3A_335] {strides = array<i32>} : memref<16x2000xi32, #tpu.memory_space<vmem>>, vector<16xi32>,
            %gt3A_337 = arith.cmpf ogt, %get3A_330, %select_n3A_323 : vector<16xf32>
            %eq3A_338 = arith.cmpf oeq, %get3A_330, %select_n3A_323 : vector<16xf32>
            %gt3A_339 = arith.cmpi sgt, %get3A_336, %select_n3A_324 : vector<16xi32>
            %and3A_340 = arith.andi %eq3A_338, %gt3A_339 : vector<16xi1>
            %or3A_341 = arith.ori %gt3A_337, %and3A_340 : vector<16xi1>
            %select_n3A_342 = arith.select %or3A_341, %get3A_330, %select_n3A_323 : vector<16xi1>, vector<16xf32>
            %select_n3A_343 = arith.select %or3A_341, %get3A_336, %select_n3A_324 : vector<16xi1>, vector<16xi32>
            %mul3A_344 = arith.constant 16 : i32
            %mul3A_345 = arith.muli %scan3A_87, %mul3A_344 : i32
            %get3A_346 = arith.constant 14 : i32
            %get3A_347 = arith.index_cast %get3A_346 : i32 to index
            %get3A_348 = arith.index_cast %mul3A_345 : i32 to index
            %get3A_349 = tpu.vector_load %run_scoped3A_53[%get3A_347, %get3A_348] {strides = array<i32>} : memref<16x2000xf32, #tpu.memory_space<vmem>>, vector<16xf32>,
            %mul3A_350 = arith.constant 16 : i32
            %mul3A_351 = arith.muli %scan3A_87, %mul3A_350 : i32
            %get3A_352 = arith.constant 14 : i32
            %get3A_353 = arith.index_cast %get3A_352 : i32 to index
            %get3A_354 = arith.index_cast %mul3A_351 : i32 to index
            %get3A_355 = tpu.vector_load %run_scoped3A[%get3A_353, %get3A_354] {strides = array<i32>} : memref<16x2000xi32, #tpu.memory_space<vmem>>, vector<16xi32>,
            %gt3A_356 = arith.cmpf ogt, %get3A_349, %select_n3A_342 : vector<16xf32>
            %eq3A_357 = arith.cmpf oeq, %get3A_349, %select_n3A_342 : vector<16xf32>
            %gt3A_358 = arith.cmpi sgt, %get3A_355, %select_n3A_343 : vector<16xi32>
            %and3A_359 = arith.andi %eq3A_357, %gt3A_358 : vector<16xi1>
            %or3A_360 = arith.ori %gt3A_356, %and3A_359 : vector<16xi1>
            %select_n3A_361 = arith.select %or3A_360, %get3A_349, %select_n3A_342 : vector<16xi1>, vector<16xf32>
            %select_n3A_362 = arith.select %or3A_360, %get3A_355, %select_n3A_343 : vector<16xi1>, vector<16xi32>
            %mul3A_363 = arith.constant 16 : i32
            %mul3A_364 = arith.muli %scan3A_87, %mul3A_363 : i32
            %get3A_365 = arith.constant 15 : i32
            %get3A_366 = arith.index_cast %get3A_365 : i32 to index
            %get3A_367 = arith.index_cast %mul3A_364 : i32 to index
            %get3A_368 = tpu.vector_load %run_scoped3A_53[%get3A_366, %get3A_367] {strides = array<i32>} : memref<16x2000xf32, #tpu.memory_space<vmem>>, vector<16xf32>,
            %mul3A_369 = arith.constant 16 : i32
            %mul3A_370 = arith.muli %scan3A_87, %mul3A_369 : i32
            %get3A_371 = arith.constant 15 : i32
            %get3A_372 = arith.index_cast %get3A_371 : i32 to index
            %get3A_373 = arith.index_cast %mul3A_370 : i32 to index
            %get3A_374 = tpu.vector_load %run_scoped3A[%get3A_372, %get3A_373] {strides = array<i32>} : memref<16x2000xi32, #tpu.memory_space<vmem>>, vector<16xi32>,
            %gt3A_375 = arith.cmpf ogt, %get3A_368, %select_n3A_361 : vector<16xf32>
            %eq3A_376 = arith.cmpf oeq, %get3A_368, %select_n3A_361 : vector<16xf32>
            %gt3A_377 = arith.cmpi sgt, %get3A_374, %select_n3A_362 : vector<16xi32>
            %and3A_378 = arith.andi %eq3A_376, %gt3A_377 : vector<16xi1>
            %or3A_379 = arith.ori %gt3A_375, %and3A_378 : vector<16xi1>
            %select_n3A_380 = arith.select %or3A_379, %get3A_368, %select_n3A_361 : vector<16xi1>, vector<16xf32>
            %select_n3A_381 = arith.select %or3A_379, %get3A_374, %select_n3A_362 : vector<16xi1>, vector<16xi32>
            %mul3A_382 = arith.constant 16 : i32
            %mul3A_383 = arith.muli %scan3A_87, %mul3A_382 : i32
            %swap3A = arith.index_cast %mul3A_383 : i32 to index
            %swap3A_384 = tpu.vector_load %run_scoped3A_54[%swap3A] {strides = array<i32>} : memref<2000xi32, #tpu.memory_space<vmem>>, vector<16xi32>,
            tpu.vector_store %run_scoped3A_54[%swap3A], %select_n3A_381 {strides = array<i32>} : memref<2000xi32, #tpu.memory_space<vmem>>, vector<16xi32>,
            %scan3A_385 = arith.constant 0 : i32
            scf.yield %scan3A_385 : i32
          }
          %scan3A_83 = arith.constant 125 : i32
          %mul3A_84 = arith.constant 2000 : i32
          %mul3A_85 = arith.muli %add3A_65, %mul3A_84 : i32
          %add3A_86 = arith.addi %mul3A_49, %mul3A_85 : i32
          "tpu.region"() ({
            %run_scoped3A_87 = tpu.sem_alloc : memref<!tpu.dma_semaphore, #tpu.memory_space<semaphore_mem>>
            %dma_start3A = tpu.memref_slice %arg4[%add3A_86] : memref<100000xi32, #tpu.memory_space<hbm>> -> memref<2000xi32, #tpu.memory_space<hbm>>
            %dma_start3A_88 = tpu.memref_slice %arg4[%add3A_86] : memref<100000xi32, #tpu.memory_space<hbm>> -> memref<2000xi32, #tpu.memory_space<hbm>>
            tpu.enqueue_dma source(%run_scoped3A_54 : memref<2000xi32, #tpu.memory_space<vmem>>) target(%dma_start3A_88 : memref<2000xi32, #tpu.memory_space<hbm>>) target_semaphore(%run_scoped3A_87 : memref<!tpu.dma_semaphore, #tpu.memory_space<semaphore_mem>>)
            %dma_wait3A = tpu.memref_slice %arg4[%add3A_86] : memref<100000xi32, #tpu.memory_space<hbm>> -> memref<2000xi32, #tpu.memory_space<hbm>>
            %dma_wait3A_89 = tpu.memref_slice %arg4[%add3A_86] : memref<100000xi32, #tpu.memory_space<hbm>> -> memref<2000xi32, #tpu.memory_space<hbm>>
            tpu.wait_dma2 semaphore(%run_scoped3A_87 : memref<!tpu.dma_semaphore, #tpu.memory_space<semaphore_mem>>) src(%run_scoped3A_54 : memref<2000xi32, #tpu.memory_space<vmem>>) dst(%dma_wait3A_89 : memref<2000xi32, #tpu.memory_space<hbm>>)
            tpu.yield
          }) : () -> ()
        } else {
        }
        %scan3A_68 = arith.constant 0 : i32
        scf.yield %scan3A_68 : i32
      }
      %scan3A_60 = arith.constant 2 : i32
      tpu.yield
    }) : () -> ()
    return
  }
}

#map = affine_map<(d0, d1) -> (0, 0)>
#map1 = affine_map<(d0, d1) -> (0)>
module attributes {stable_mosaic.version = 14 : i64} {
  func.func @_k2_body(%arg0: i32, %arg1: i32, %arg2: memref<1000000x64xf32, #tpu.memory_space<hbm>>, %arg3: memref<100000xi32, #tpu.memory_space<hbm>>, %arg4: memref<100000x64xf32, #tpu.memory_space<hbm>>, %arg5: memref<!tpu.dma_semaphore, #tpu.memory_space<semaphore_mem>>, %arg6: memref<!tpu.dma_semaphore, #tpu.memory_space<semaphore_mem>>) attributes {dimension_semantics = [#tpu.dimension_semantics<core_parallel>, #tpu.dimension_semantics<subcore_parallel>], iteration_bounds = array<i64: 2, 16>, scalar_prefetch = 0 : i64, scratch_operands = 2 : i64, tpu.core_type = #tpu.core_type<sc_vector_subcore>, window_params = [{transform_indices = #map}, {transform_indices = #map1}, {transform_indices = #map}]} {
    %mul3A = arith.constant 16 : i32
    %mul3A_0 = arith.muli %arg0, %mul3A : i32
    %add3A = arith.addi %mul3A_0, %arg1 : i32
    %iota3A = tpu.iota {dimensions = array<i32: 0>} : vector<16xi32>
    "tpu.region"() ({
      %run_scoped3A = memref.alloca() : memref<2048xi32, #tpu.memory_space<vmem>>
      %run_scoped3A_1 = memref.alloca() : memref<2048xi32, #tpu.memory_space<vmem>>
      %run_scoped3A_2 = memref.alloca() : memref<128x64xf32, #tpu.memory_space<vmem>>
      %run_scoped3A_3 = memref.alloca() : memref<128x64xf32, #tpu.memory_space<vmem>>
      %scan3A = arith.constant 0 : i32
      %scan3A_4 = arith.constant 0 : i32
      %scan3A_5 = arith.constant 2 : i32
      %scan3A_6 = arith.addi %scan3A_4, %scan3A_5 : i32
      %scan3A_7 = arith.constant 1 : i32
      %scan3A_8 = scf.for %scan3A_10 = %scan3A_4 to %scan3A_6 step %scan3A_7 iter_args(%scan3A_11 = %scan3A) -> (i32)  : i32 {
        %mul3A_12 = arith.constant 2 : i32
        %mul3A_13 = arith.muli %scan3A_10, %mul3A_12 : i32
        %mul3A_14 = arith.constant 16 : i32
        %mul3A_15 = arith.muli %mul3A_13, %mul3A_14 : i32
        %add3A_16 = arith.addi %add3A, %mul3A_15 : i32
        %lt3A = arith.constant 50 : i32
        %lt3A_17 = arith.cmpi slt, %add3A_16, %lt3A : i32
        %convert_element_type3A = arith.extui %lt3A_17 : i1 to i32
        %cond3A = arith.constant 0 : i32
        %cond3A_18 = arith.cmpi ne, %convert_element_type3A, %cond3A : i32
        scf.if %cond3A_18 {
          %mul3A_20 = arith.constant 2000 : i32
          %mul3A_21 = arith.muli %add3A_16, %mul3A_20 : i32
          "tpu.region"() ({
            %run_scoped3A_377 = tpu.sem_alloc : memref<!tpu.dma_semaphore, #tpu.memory_space<semaphore_mem>>
            %dma_start3A_378 = arith.constant 0 : i32
            %dma_start3A_379 = tpu.memref_slice %run_scoped3A[%dma_start3A_378] : memref<2048xi32, #tpu.memory_space<vmem>> -> memref<2000xi32, #tpu.memory_space<vmem>>
            %dma_start3A_380 = tpu.memref_slice %arg3[%mul3A_21] : memref<100000xi32, #tpu.memory_space<hbm>> -> memref<2000xi32, #tpu.memory_space<hbm>>
            %dma_start3A_381 = arith.constant 0 : i32
            %dma_start3A_382 = tpu.memref_slice %run_scoped3A[%dma_start3A_381] : memref<2048xi32, #tpu.memory_space<vmem>> -> memref<2000xi32, #tpu.memory_space<vmem>>
            %dma_start3A_383 = tpu.memref_slice %arg3[%mul3A_21] : memref<100000xi32, #tpu.memory_space<hbm>> -> memref<2000xi32, #tpu.memory_space<hbm>>
            tpu.enqueue_dma source(%dma_start3A_383 : memref<2000xi32, #tpu.memory_space<hbm>>) target(%dma_start3A_382 : memref<2000xi32, #tpu.memory_space<vmem>>) target_semaphore(%run_scoped3A_377 : memref<!tpu.dma_semaphore, #tpu.memory_space<semaphore_mem>>)
            %dma_wait3A_384 = arith.constant 0 : i32
            %dma_wait3A_385 = tpu.memref_slice %run_scoped3A[%dma_wait3A_384] : memref<2048xi32, #tpu.memory_space<vmem>> -> memref<2000xi32, #tpu.memory_space<vmem>>
            %dma_wait3A_386 = tpu.memref_slice %arg3[%mul3A_21] : memref<100000xi32, #tpu.memory_space<hbm>> -> memref<2000xi32, #tpu.memory_space<hbm>>
            %dma_wait3A_387 = arith.constant 0 : i32
            %dma_wait3A_388 = tpu.memref_slice %run_scoped3A[%dma_wait3A_387] : memref<2048xi32, #tpu.memory_space<vmem>> -> memref<2000xi32, #tpu.memory_space<vmem>>
            %dma_wait3A_389 = tpu.memref_slice %arg3[%mul3A_21] : memref<100000xi32, #tpu.memory_space<hbm>> -> memref<2000xi32, #tpu.memory_space<hbm>>
            tpu.wait_dma2 semaphore(%run_scoped3A_377 : memref<!tpu.dma_semaphore, #tpu.memory_space<semaphore_mem>>) src(%dma_wait3A_389 : memref<2000xi32, #tpu.memory_space<hbm>>) dst(%dma_wait3A_388 : memref<2000xi32, #tpu.memory_space<vmem>>)
            tpu.yield
          }) : () -> ()
          %scan3A_22 = arith.constant 0 : i32
          %scan3A_23 = arith.constant 0 : i32
          %scan3A_24 = arith.constant 125 : i32
          %scan3A_25 = arith.addi %scan3A_23, %scan3A_24 : i32
          %scan3A_26 = arith.constant 1 : i32
          %scan3A_27 = scf.for %scan3A_377 = %scan3A_23 to %scan3A_25 step %scan3A_26 iter_args(%scan3A_378 = %scan3A_22) -> (i32)  : i32 {
            %mul3A_379 = arith.constant 16 : i32
            %mul3A_380 = arith.muli %scan3A_377, %mul3A_379 : i32
            %get3A = arith.index_cast %mul3A_380 : i32 to index
            %get3A_381 = tpu.vector_load %run_scoped3A[%get3A] {strides = array<i32>} : memref<2048xi32, #tpu.memory_space<vmem>>, vector<16xi32>,
            %ge3A = arith.constant 0 : i32
            %ge3A_382 = vector.broadcast %ge3A : i32 to vector<16xi32>
            %ge3A_383 = arith.cmpi sge, %get3A_381, %ge3A_382 : vector<16xi32>
            %jit3A = arith.constant 0 : i32
            %broadcast_in_dim3A_384 = vector.broadcast %jit3A : i32 to vector<16xi32>
            %select_n3A = arith.select %ge3A_383, %get3A_381, %broadcast_in_dim3A_384 : vector<16xi1>, vector<16xi32>
            %mul3A_385 = arith.constant 16 : i32
            %mul3A_386 = arith.muli %scan3A_377, %mul3A_385 : i32
            %swap3A_387 = arith.index_cast %mul3A_386 : i32 to index
            %swap3A_388 = tpu.vector_load %run_scoped3A[%swap3A_387] {strides = array<i32>} : memref<2048xi32, #tpu.memory_space<vmem>>, vector<16xi32>,
            tpu.vector_store %run_scoped3A[%swap3A_387], %select_n3A {strides = array<i32>} : memref<2048xi32, #tpu.memory_space<vmem>>, vector<16xi32>,
            %jit3A_389 = arith.constant 1 : i32
            %jit3A_390 = arith.constant 0 : i32
            %broadcast_in_dim3A_391 = vector.broadcast %jit3A_389 : i32 to vector<16xi32>
            %broadcast_in_dim3A_392 = vector.broadcast %jit3A_390 : i32 to vector<16xi32>
            %select_n3A_393 = arith.select %ge3A_383, %broadcast_in_dim3A_391, %broadcast_in_dim3A_392 : vector<16xi1>, vector<16xi32>
            %mul3A_394 = arith.constant 16 : i32
            %mul3A_395 = arith.muli %scan3A_377, %mul3A_394 : i32
            %swap3A_396 = arith.index_cast %mul3A_395 : i32 to index
            %swap3A_397 = tpu.vector_load %run_scoped3A_1[%swap3A_396] {strides = array<i32>} : memref<2048xi32, #tpu.memory_space<vmem>>, vector<16xi32>,
            tpu.vector_store %run_scoped3A_1[%swap3A_396], %select_n3A_393 {strides = array<i32>} : memref<2048xi32, #tpu.memory_space<vmem>>, vector<16xi32>,
            %scan3A_398 = arith.constant 0 : i32
            scf.yield %scan3A_398 : i32
          }
          %scan3A_28 = arith.constant 125 : i32
          %broadcast_in_dim3A = arith.constant 0 : i32
          %broadcast_in_dim3A_29 = vector.broadcast %broadcast_in_dim3A : i32 to vector<16xi32>
          %broadcast_in_dim3A_30 = arith.constant 1 : i32
          %broadcast_in_dim3A_31 = vector.broadcast %broadcast_in_dim3A_30 : i32 to vector<16xi32>
          %swap3A = arith.constant 2000 : index
          %swap3A_32 = tpu.vector_load %run_scoped3A[%swap3A] {strides = array<i32>} : memref<2048xi32, #tpu.memory_space<vmem>>, vector<16xi32>,
          tpu.vector_store %run_scoped3A[%swap3A], %broadcast_in_dim3A_29 {strides = array<i32>} : memref<2048xi32, #tpu.memory_space<vmem>>, vector<16xi32>,
          %swap3A_33 = arith.constant 2000 : index
          %swap3A_34 = tpu.vector_load %run_scoped3A_1[%swap3A_33] {strides = array<i32>} : memref<2048xi32, #tpu.memory_space<vmem>>, vector<16xi32>,
          tpu.vector_store %run_scoped3A_1[%swap3A_33], %broadcast_in_dim3A_31 {strides = array<i32>} : memref<2048xi32, #tpu.memory_space<vmem>>, vector<16xi32>,
          %swap3A_35 = arith.constant 2016 : index
          %swap3A_36 = tpu.vector_load %run_scoped3A[%swap3A_35] {strides = array<i32>} : memref<2048xi32, #tpu.memory_space<vmem>>, vector<16xi32>,
          tpu.vector_store %run_scoped3A[%swap3A_35], %broadcast_in_dim3A_29 {strides = array<i32>} : memref<2048xi32, #tpu.memory_space<vmem>>, vector<16xi32>,
          %swap3A_37 = arith.constant 2016 : index
          %swap3A_38 = tpu.vector_load %run_scoped3A_1[%swap3A_37] {strides = array<i32>} : memref<2048xi32, #tpu.memory_space<vmem>>, vector<16xi32>,
          tpu.vector_store %run_scoped3A_1[%swap3A_37], %broadcast_in_dim3A_31 {strides = array<i32>} : memref<2048xi32, #tpu.memory_space<vmem>>, vector<16xi32>,
          %swap3A_39 = arith.constant 2032 : index
          %swap3A_40 = tpu.vector_load %run_scoped3A[%swap3A_39] {strides = array<i32>} : memref<2048xi32, #tpu.memory_space<vmem>>, vector<16xi32>,
          tpu.vector_store %run_scoped3A[%swap3A_39], %broadcast_in_dim3A_29 {strides = array<i32>} : memref<2048xi32, #tpu.memory_space<vmem>>, vector<16xi32>,
          %swap3A_41 = arith.constant 2032 : index
          %swap3A_42 = tpu.vector_load %run_scoped3A_1[%swap3A_41] {strides = array<i32>} : memref<2048xi32, #tpu.memory_space<vmem>>, vector<16xi32>,
          tpu.vector_store %run_scoped3A_1[%swap3A_41], %broadcast_in_dim3A_31 {strides = array<i32>} : memref<2048xi32, #tpu.memory_space<vmem>>, vector<16xi32>,
          %dma_start3A = arith.constant 0 : i32
          %dma_start3A_43 = tpu.memref_slice %run_scoped3A[%dma_start3A] : memref<2048xi32, #tpu.memory_space<vmem>> -> memref<128xi32, #tpu.memory_space<vmem>>
          %dma_start3A_44 = arith.constant 0 : i32
          %dma_start3A_45 = arith.constant 0 : i32
          %dma_start3A_46 = tpu.memref_slice %arg2[%dma_start3A_44, %dma_start3A_45] : memref<1000000x64xf32, #tpu.memory_space<hbm>> -> memref<1000000x64xf32, #tpu.memory_space<hbm>>
          tpu.enqueue_indirect_dma source(%dma_start3A_46 : memref<1000000x64xf32, #tpu.memory_space<hbm>>) target(%run_scoped3A_2 : memref<128x64xf32, #tpu.memory_space<vmem>>) offsets(%dma_start3A_43 : memref<128xi32, #tpu.memory_space<vmem>>) semaphore(%arg5 : memref<!tpu.dma_semaphore, #tpu.memory_space<semaphore_mem>>)
          %dma_start3A_47 = arith.constant 128 : i32
          %dma_start3A_48 = tpu.memref_slice %run_scoped3A[%dma_start3A_47] : memref<2048xi32, #tpu.memory_space<vmem>> -> memref<128xi32, #tpu.memory_space<vmem>>
          %dma_start3A_49 = arith.constant 0 : i32
          %dma_start3A_50 = arith.constant 0 : i32
          %dma_start3A_51 = tpu.memref_slice %arg2[%dma_start3A_49, %dma_start3A_50] : memref<1000000x64xf32, #tpu.memory_space<hbm>> -> memref<1000000x64xf32, #tpu.memory_space<hbm>>
          tpu.enqueue_indirect_dma source(%dma_start3A_51 : memref<1000000x64xf32, #tpu.memory_space<hbm>>) target(%run_scoped3A_3 : memref<128x64xf32, #tpu.memory_space<vmem>>) offsets(%dma_start3A_48 : memref<128xi32, #tpu.memory_space<vmem>>) semaphore(%arg6 : memref<!tpu.dma_semaphore, #tpu.memory_space<semaphore_mem>>)
          %dma_wait3A = arith.constant 0 : i32
          %dma_wait3A_52 = tpu.memref_slice %run_scoped3A[%dma_wait3A] : memref<2048xi32, #tpu.memory_space<vmem>> -> memref<128xi32, #tpu.memory_space<vmem>>
          %dma_wait3A_53 = arith.constant 0 : i32
          %dma_wait3A_54 = arith.constant 0 : i32
          %dma_wait3A_55 = tpu.memref_slice %arg2[%dma_wait3A_53, %dma_wait3A_54] : memref<1000000x64xf32, #tpu.memory_space<hbm>> -> memref<1000000x64xf32, #tpu.memory_space<hbm>>
          tpu.wait_indirect_dma semaphore(%arg5 : memref<!tpu.dma_semaphore, #tpu.memory_space<semaphore_mem>>) src(%dma_wait3A_55 : memref<1000000x64xf32, #tpu.memory_space<hbm>>) dst(%run_scoped3A_2 : memref<128x64xf32, #tpu.memory_space<vmem>>)
          %scan3A_56 = arith.constant 0 : i32
          %scan3A_57 = arith.constant 0 : i32
          %scan3A_58 = arith.constant 8 : i32
          %scan3A_59 = arith.addi %scan3A_57, %scan3A_58 : i32
          %scan3A_60 = arith.constant 1 : i32
          %scan3A_61 = scf.for %scan3A_377 = %scan3A_57 to %scan3A_59 step %scan3A_60 iter_args(%scan3A_378 = %scan3A_56) -> (i32)  : i32 {
            %mul3A_379 = arith.constant 16 : i32
            %mul3A_380 = arith.muli %scan3A_377, %mul3A_379 : i32
            %add3A_381 = arith.constant 0 : i32
            %add3A_382 = arith.addi %add3A_381, %mul3A_380 : i32
            %get3A = arith.index_cast %add3A_382 : i32 to index
            %get3A_383 = tpu.vector_load %run_scoped3A_1[%get3A] {strides = array<i32>} : memref<2048xi32, #tpu.memory_space<vmem>>, vector<16xi32>,
            %eq3A = arith.constant 0 : i32
            %eq3A_384 = vector.broadcast %eq3A : i32 to vector<16xi32>
            %eq3A_385 = arith.cmpi eq, %get3A_383, %eq3A_384 : vector<16xi32>
            %reduce_or3A = arith.constant 1.000000e+00 : f32
            %reduce_or3A_386 = arith.constant 0.000000e+00 : f32
            %reduce_or3A_387 = vector.broadcast %reduce_or3A : f32 to vector<16xf32>
            %reduce_or3A_388 = vector.broadcast %reduce_or3A_386 : f32 to vector<16xf32>
            %reduce_or3A_389 = arith.select %eq3A_385, %reduce_or3A_387, %reduce_or3A_388 : vector<16xi1>, vector<16xf32>
            %reduce_or3A_390 = arith.constant true
            %reduce_or3A_391 = vector.broadcast %reduce_or3A_390 : i1 to vector<16xi1>
            %reduce_or3A_392 = tpu.scan <max>, %reduce_or3A_389 masked %reduce_or3A_391 : vector<16xf32>, vector<16xi1> -> vector<16xf32>
            %reduce_or3A_393 = vector.extract %reduce_or3A_392[15] : f32 from vector<16xf32>
            %reduce_or3A_394 = arith.constant 0.000000e+00 : f32
            %reduce_or3A_395 = arith.cmpf ogt, %reduce_or3A_393, %reduce_or3A_394 : f32
            %convert_element_type3A_396 = arith.extui %reduce_or3A_395 : i1 to i32
            %cond3A_397 = arith.constant 0 : i32
            %cond3A_398 = arith.cmpi ne, %convert_element_type3A_396, %cond3A_397 : i32
            scf.if %cond3A_398 {
              %scan3A_400 = arith.constant 0 : i32
              %scan3A_401 = arith.constant 0 : i32
              %scan3A_402 = arith.constant 16 : i32
              %scan3A_403 = arith.addi %scan3A_401, %scan3A_402 : i32
              %scan3A_404 = arith.constant 1 : i32
              %scan3A_405 = scf.for %scan3A_407 = %scan3A_401 to %scan3A_403 step %scan3A_404 iter_args(%scan3A_408 = %scan3A_400) -> (i32)  : i32 {
                %eq3A_409 = vector.broadcast %scan3A_407 : i32 to vector<16xi32>
                %eq3A_410 = arith.cmpi eq, %iota3A, %eq3A_409 : vector<16xi32>
                %and3A = arith.andi %eq3A_410, %eq3A_385 : vector<16xi1>
                %reduce_or3A_411 = arith.constant 1.000000e+00 : f32
                %reduce_or3A_412 = arith.constant 0.000000e+00 : f32
                %reduce_or3A_413 = vector.broadcast %reduce_or3A_411 : f32 to vector<16xf32>
                %reduce_or3A_414 = vector.broadcast %reduce_or3A_412 : f32 to vector<16xf32>
                %reduce_or3A_415 = arith.select %and3A, %reduce_or3A_413, %reduce_or3A_414 : vector<16xi1>, vector<16xf32>
                %reduce_or3A_416 = arith.constant true
                %reduce_or3A_417 = vector.broadcast %reduce_or3A_416 : i1 to vector<16xi1>
                %reduce_or3A_418 = tpu.scan <max>, %reduce_or3A_415 masked %reduce_or3A_417 : vector<16xf32>, vector<16xi1> -> vector<16xf32>
                %reduce_or3A_419 = vector.extract %reduce_or3A_418[15] : f32 from vector<16xf32>
                %reduce_or3A_420 = arith.constant 0.000000e+00 : f32
                %reduce_or3A_421 = arith.cmpf ogt, %reduce_or3A_419, %reduce_or3A_420 : f32
                %convert_element_type3A_422 = arith.extui %reduce_or3A_421 : i1 to i32
                %cond3A_423 = arith.constant 0 : i32
                %cond3A_424 = arith.cmpi ne, %convert_element_type3A_422, %cond3A_423 : i32
                scf.if %cond3A_424 {
                  %broadcast_in_dim3A_426 = arith.constant 0.000000e+00 : f32
                  %broadcast_in_dim3A_427 = vector.broadcast %broadcast_in_dim3A_426 : f32 to vector<16xf32>
                  %mul3A_428 = arith.constant 16 : i32
                  %mul3A_429 = arith.muli %scan3A_377, %mul3A_428 : i32
                  %add3A_430 = arith.addi %mul3A_429, %scan3A_407 : i32
                  %swap3A_431 = arith.index_cast %add3A_430 : i32 to index
                  %swap3A_432 = arith.constant 0 : index
                  %swap3A_433 = tpu.vector_load %run_scoped3A_2[%swap3A_431, %swap3A_432] {strides = array<i32>} : memref<128x64xf32, #tpu.memory_space<vmem>>, vector<16xf32>,
                  tpu.vector_store %run_scoped3A_2[%swap3A_431, %swap3A_432], %broadcast_in_dim3A_427 {strides = array<i32>} : memref<128x64xf32, #tpu.memory_space<vmem>>, vector<16xf32>,
                  %swap3A_434 = arith.index_cast %add3A_430 : i32 to index
                  %swap3A_435 = arith.constant 16 : index
                  %swap3A_436 = tpu.vector_load %run_scoped3A_2[%swap3A_434, %swap3A_435] {strides = array<i32>} : memref<128x64xf32, #tpu.memory_space<vmem>>, vector<16xf32>,
                  tpu.vector_store %run_scoped3A_2[%swap3A_434, %swap3A_435], %broadcast_in_dim3A_427 {strides = array<i32>} : memref<128x64xf32, #tpu.memory_space<vmem>>, vector<16xf32>,
                  %swap3A_437 = arith.index_cast %add3A_430 : i32 to index
                  %swap3A_438 = arith.constant 32 : index
                  %swap3A_439 = tpu.vector_load %run_scoped3A_2[%swap3A_437, %swap3A_438] {strides = array<i32>} : memref<128x64xf32, #tpu.memory_space<vmem>>, vector<16xf32>,
                  tpu.vector_store %run_scoped3A_2[%swap3A_437, %swap3A_438], %broadcast_in_dim3A_427 {strides = array<i32>} : memref<128x64xf32, #tpu.memory_space<vmem>>, vector<16xf32>,
                  %swap3A_440 = arith.index_cast %add3A_430 : i32 to index
                  %swap3A_441 = arith.constant 48 : index
                  %swap3A_442 = tpu.vector_load %run_scoped3A_2[%swap3A_440, %swap3A_441] {strides = array<i32>} : memref<128x64xf32, #tpu.memory_space<vmem>>, vector<16xf32>,
                  tpu.vector_store %run_scoped3A_2[%swap3A_440, %swap3A_441], %broadcast_in_dim3A_427 {strides = array<i32>} : memref<128x64xf32, #tpu.memory_space<vmem>>, vector<16xf32>,
                } else {
                }
                %scan3A_425 = arith.constant 0 : i32
                scf.yield %scan3A_425 : i32
              }
              %scan3A_406 = arith.constant 16 : i32
            } else {
            }
            %scan3A_399 = arith.constant 0 : i32
            scf.yield %scan3A_399 : i32
          }
          %scan3A_62 = arith.constant 8 : i32
          %mul3A_63 = arith.constant 2000 : i32
          %mul3A_64 = arith.muli %add3A_16, %mul3A_63 : i32
          %add3A_65 = arith.constant 0 : i32
          %add3A_66 = arith.addi %mul3A_64, %add3A_65 : i32
          "tpu.region"() ({
            %run_scoped3A_377 = tpu.sem_alloc : memref<!tpu.dma_semaphore, #tpu.memory_space<semaphore_mem>>
            %dma_start3A_378 = arith.constant 0 : i32
            %dma_start3A_379 = arith.constant 0 : i32
            %dma_start3A_380 = tpu.memref_slice %run_scoped3A_2[%dma_start3A_378, %dma_start3A_379] : memref<128x64xf32, #tpu.memory_space<vmem>> -> memref<128x64xf32, #tpu.memory_space<vmem>>
            %dma_start3A_381 = arith.constant 0 : i32
            %dma_start3A_382 = tpu.memref_slice %arg4[%add3A_66, %dma_start3A_381] : memref<100000x64xf32, #tpu.memory_space<hbm>> -> memref<128x64xf32, #tpu.memory_space<hbm>>
            %dma_start3A_383 = arith.constant 0 : i32
            %dma_start3A_384 = tpu.memref_slice %arg4[%add3A_66, %dma_start3A_383] : memref<100000x64xf32, #tpu.memory_space<hbm>> -> memref<128x64xf32, #tpu.memory_space<hbm>>
            %dma_start3A_385 = arith.constant 0 : i32
            %dma_start3A_386 = arith.constant 0 : i32
            %dma_start3A_387 = tpu.memref_slice %run_scoped3A_2[%dma_start3A_385, %dma_start3A_386] : memref<128x64xf32, #tpu.memory_space<vmem>> -> memref<128x64xf32, #tpu.memory_space<vmem>>
            tpu.enqueue_dma source(%dma_start3A_387 : memref<128x64xf32, #tpu.memory_space<vmem>>) target(%dma_start3A_384 : memref<128x64xf32, #tpu.memory_space<hbm>>) target_semaphore(%run_scoped3A_377 : memref<!tpu.dma_semaphore, #tpu.memory_space<semaphore_mem>>)
            %dma_wait3A_388 = arith.constant 0 : i32
            %dma_wait3A_389 = arith.constant 0 : i32
            %dma_wait3A_390 = tpu.memref_slice %run_scoped3A_2[%dma_wait3A_388, %dma_wait3A_389] : memref<128x64xf32, #tpu.memory_space<vmem>> -> memref<128x64xf32, #tpu.memory_space<vmem>>
            %dma_wait3A_391 = arith.constant 0 : i32
            %dma_wait3A_392 = tpu.memref_slice %arg4[%add3A_66, %dma_wait3A_391] : memref<100000x64xf32, #tpu.memory_space<hbm>> -> memref<128x64xf32, #tpu.memory_space<hbm>>
            %dma_wait3A_393 = arith.constant 0 : i32
            %dma_wait3A_394 = tpu.memref_slice %arg4[%add3A_66, %dma_wait3A_393] : memref<100000x64xf32, #tpu.memory_space<hbm>> -> memref<128x64xf32, #tpu.memory_space<hbm>>
            %dma_wait3A_395 = arith.constant 0 : i32
            %dma_wait3A_396 = arith.constant 0 : i32
            %dma_wait3A_397 = tpu.memref_slice %run_scoped3A_2[%dma_wait3A_395, %dma_wait3A_396] : memref<128x64xf32, #tpu.memory_space<vmem>> -> memref<128x64xf32, #tpu.memory_space<vmem>>
            tpu.wait_dma2 semaphore(%run_scoped3A_377 : memref<!tpu.dma_semaphore, #tpu.memory_space<semaphore_mem>>) src(%dma_wait3A_397 : memref<128x64xf32, #tpu.memory_space<vmem>>) dst(%dma_wait3A_394 : memref<128x64xf32, #tpu.memory_space<hbm>>)
            tpu.yield
          }) : () -> ()
          %dma_start3A_67 = arith.constant 256 : i32
          %dma_start3A_68 = tpu.memref_slice %run_scoped3A[%dma_start3A_67] : memref<2048xi32, #tpu.memory_space<vmem>> -> memref<128xi32, #tpu.memory_space<vmem>>
          %dma_start3A_69 = arith.constant 0 : i32
          %dma_start3A_70 = arith.constant 0 : i32
          %dma_start3A_71 = tpu.memref_slice %arg2[%dma_start3A_69, %dma_start3A_70] : memref<1000000x64xf32, #tpu.memory_space<hbm>> -> memref<1000000x64xf32, #tpu.memory_space<hbm>>
          tpu.enqueue_indirect_dma source(%dma_start3A_71 : memref<1000000x64xf32, #tpu.memory_space<hbm>>) target(%run_scoped3A_2 : memref<128x64xf32, #tpu.memory_space<vmem>>) offsets(%dma_start3A_68 : memref<128xi32, #tpu.memory_space<vmem>>) semaphore(%arg5 : memref<!tpu.dma_semaphore, #tpu.memory_space<semaphore_mem>>)
          %dma_wait3A_72 = arith.constant 128 : i32
          %dma_wait3A_73 = tpu.memref_slice %run_scoped3A[%dma_wait3A_72] : memref<2048xi32, #tpu.memory_space<vmem>> -> memref<128xi32, #tpu.memory_space<vmem>>
          %dma_wait3A_74 = arith.constant 0 : i32
          %dma_wait3A_75 = arith.constant 0 : i32
          %dma_wait3A_76 = tpu.memref_slice %arg2[%dma_wait3A_74, %dma_wait3A_75] : memref<1000000x64xf32, #tpu.memory_space<hbm>> -> memref<1000000x64xf32, #tpu.memory_space<hbm>>
          tpu.wait_indirect_dma semaphore(%arg6 : memref<!tpu.dma_semaphore, #tpu.memory_space<semaphore_mem>>) src(%dma_wait3A_76 : memref<1000000x64xf32, #tpu.memory_space<hbm>>) dst(%run_scoped3A_3 : memref<128x64xf32, #tpu.memory_space<vmem>>)
          %scan3A_77 = arith.constant 0 : i32
          %scan3A_78 = arith.constant 0 : i32
          %scan3A_79 = arith.constant 8 : i32
          %scan3A_80 = arith.addi %scan3A_78, %scan3A_79 : i32
          %scan3A_81 = arith.constant 1 : i32
          %scan3A_82 = scf.for %scan3A_377 = %scan3A_78 to %scan3A_80 step %scan3A_81 iter_args(%scan3A_378 = %scan3A_77) -> (i32)  : i32 {
            %mul3A_379 = arith.constant 16 : i32
            %mul3A_380 = arith.muli %scan3A_377, %mul3A_379 : i32
            %add3A_381 = arith.constant 128 : i32
            %add3A_382 = arith.addi %add3A_381, %mul3A_380 : i32
            %get3A = arith.index_cast %add3A_382 : i32 to index
            %get3A_383 = tpu.vector_load %run_scoped3A_1[%get3A] {strides = array<i32>} : memref<2048xi32, #tpu.memory_space<vmem>>, vector<16xi32>,
            %eq3A = arith.constant 0 : i32
            %eq3A_384 = vector.broadcast %eq3A : i32 to vector<16xi32>
            %eq3A_385 = arith.cmpi eq, %get3A_383, %eq3A_384 : vector<16xi32>
            %reduce_or3A = arith.constant 1.000000e+00 : f32
            %reduce_or3A_386 = arith.constant 0.000000e+00 : f32
            %reduce_or3A_387 = vector.broadcast %reduce_or3A : f32 to vector<16xf32>
            %reduce_or3A_388 = vector.broadcast %reduce_or3A_386 : f32 to vector<16xf32>
            %reduce_or3A_389 = arith.select %eq3A_385, %reduce_or3A_387, %reduce_or3A_388 : vector<16xi1>, vector<16xf32>
            %reduce_or3A_390 = arith.constant true
            %reduce_or3A_391 = vector.broadcast %reduce_or3A_390 : i1 to vector<16xi1>
            %reduce_or3A_392 = tpu.scan <max>, %reduce_or3A_389 masked %reduce_or3A_391 : vector<16xf32>, vector<16xi1> -> vector<16xf32>
            %reduce_or3A_393 = vector.extract %reduce_or3A_392[15] : f32 from vector<16xf32>
            %reduce_or3A_394 = arith.constant 0.000000e+00 : f32
            %reduce_or3A_395 = arith.cmpf ogt, %reduce_or3A_393, %reduce_or3A_394 : f32
            %convert_element_type3A_396 = arith.extui %reduce_or3A_395 : i1 to i32
            %cond3A_397 = arith.constant 0 : i32
            %cond3A_398 = arith.cmpi ne, %convert_element_type3A_396, %cond3A_397 : i32
            scf.if %cond3A_398 {
              %scan3A_400 = arith.constant 0 : i32
              %scan3A_401 = arith.constant 0 : i32
              %scan3A_402 = arith.constant 16 : i32
              %scan3A_403 = arith.addi %scan3A_401, %scan3A_402 : i32
              %scan3A_404 = arith.constant 1 : i32
              %scan3A_405 = scf.for %scan3A_407 = %scan3A_401 to %scan3A_403 step %scan3A_404 iter_args(%scan3A_408 = %scan3A_400) -> (i32)  : i32 {
                %eq3A_409 = vector.broadcast %scan3A_407 : i32 to vector<16xi32>
                %eq3A_410 = arith.cmpi eq, %iota3A, %eq3A_409 : vector<16xi32>
                %and3A = arith.andi %eq3A_410, %eq3A_385 : vector<16xi1>
                %reduce_or3A_411 = arith.constant 1.000000e+00 : f32
                %reduce_or3A_412 = arith.constant 0.000000e+00 : f32
                %reduce_or3A_413 = vector.broadcast %reduce_or3A_411 : f32 to vector<16xf32>
                %reduce_or3A_414 = vector.broadcast %reduce_or3A_412 : f32 to vector<16xf32>
                %reduce_or3A_415 = arith.select %and3A, %reduce_or3A_413, %reduce_or3A_414 : vector<16xi1>, vector<16xf32>
                %reduce_or3A_416 = arith.constant true
                %reduce_or3A_417 = vector.broadcast %reduce_or3A_416 : i1 to vector<16xi1>
                %reduce_or3A_418 = tpu.scan <max>, %reduce_or3A_415 masked %reduce_or3A_417 : vector<16xf32>, vector<16xi1> -> vector<16xf32>
                %reduce_or3A_419 = vector.extract %reduce_or3A_418[15] : f32 from vector<16xf32>
                %reduce_or3A_420 = arith.constant 0.000000e+00 : f32
                %reduce_or3A_421 = arith.cmpf ogt, %reduce_or3A_419, %reduce_or3A_420 : f32
                %convert_element_type3A_422 = arith.extui %reduce_or3A_421 : i1 to i32
                %cond3A_423 = arith.constant 0 : i32
                %cond3A_424 = arith.cmpi ne, %convert_element_type3A_422, %cond3A_423 : i32
                scf.if %cond3A_424 {
                  %broadcast_in_dim3A_426 = arith.constant 0.000000e+00 : f32
                  %broadcast_in_dim3A_427 = vector.broadcast %broadcast_in_dim3A_426 : f32 to vector<16xf32>
                  %mul3A_428 = arith.constant 16 : i32
                  %mul3A_429 = arith.muli %scan3A_377, %mul3A_428 : i32
                  %add3A_430 = arith.addi %mul3A_429, %scan3A_407 : i32
                  %swap3A_431 = arith.index_cast %add3A_430 : i32 to index
                  %swap3A_432 = arith.constant 0 : index
                  %swap3A_433 = tpu.vector_load %run_scoped3A_3[%swap3A_431, %swap3A_432] {strides = array<i32>} : memref<128x64xf32, #tpu.memory_space<vmem>>, vector<16xf32>,
                  tpu.vector_store %run_scoped3A_3[%swap3A_431, %swap3A_432], %broadcast_in_dim3A_427 {strides = array<i32>} : memref<128x64xf32, #tpu.memory_space<vmem>>, vector<16xf32>,
                  %swap3A_434 = arith.index_cast %add3A_430 : i32 to index
                  %swap3A_435 = arith.constant 16 : index
                  %swap3A_436 = tpu.vector_load %run_scoped3A_3[%swap3A_434, %swap3A_435] {strides = array<i32>} : memref<128x64xf32, #tpu.memory_space<vmem>>, vector<16xf32>,
                  tpu.vector_store %run_scoped3A_3[%swap3A_434, %swap3A_435], %broadcast_in_dim3A_427 {strides = array<i32>} : memref<128x64xf32, #tpu.memory_space<vmem>>, vector<16xf32>,
                  %swap3A_437 = arith.index_cast %add3A_430 : i32 to index
                  %swap3A_438 = arith.constant 32 : index
                  %swap3A_439 = tpu.vector_load %run_scoped3A_3[%swap3A_437, %swap3A_438] {strides = array<i32>} : memref<128x64xf32, #tpu.memory_space<vmem>>, vector<16xf32>,
                  tpu.vector_store %run_scoped3A_3[%swap3A_437, %swap3A_438], %broadcast_in_dim3A_427 {strides = array<i32>} : memref<128x64xf32, #tpu.memory_space<vmem>>, vector<16xf32>,
                  %swap3A_440 = arith.index_cast %add3A_430 : i32 to index
                  %swap3A_441 = arith.constant 48 : index
                  %swap3A_442 = tpu.vector_load %run_scoped3A_3[%swap3A_440, %swap3A_441] {strides = array<i32>} : memref<128x64xf32, #tpu.memory_space<vmem>>, vector<16xf32>,
                  tpu.vector_store %run_scoped3A_3[%swap3A_440, %swap3A_441], %broadcast_in_dim3A_427 {strides = array<i32>} : memref<128x64xf32, #tpu.memory_space<vmem>>, vector<16xf32>,
                } else {
                }
                %scan3A_425 = arith.constant 0 : i32
                scf.yield %scan3A_425 : i32
              }
              %scan3A_406 = arith.constant 16 : i32
            } else {
            }
            %scan3A_399 = arith.constant 0 : i32
            scf.yield %scan3A_399 : i32
          }
          %scan3A_83 = arith.constant 8 : i32
          %mul3A_84 = arith.constant 2000 : i32
          %mul3A_85 = arith.muli %add3A_16, %mul3A_84 : i32
          %add3A_86 = arith.constant 128 : i32
          %add3A_87 = arith.addi %mul3A_85, %add3A_86 : i32
          "tpu.region"() ({
            %run_scoped3A_377 = tpu.sem_alloc : memref<!tpu.dma_semaphore, #tpu.memory_space<semaphore_mem>>
            %dma_start3A_378 = arith.constant 0 : i32
            %dma_start3A_379 = arith.constant 0 : i32
            %dma_start3A_380 = tpu.memref_slice %run_scoped3A_3[%dma_start3A_378, %dma_start3A_379] : memref<128x64xf32, #tpu.memory_space<vmem>> -> memref<128x64xf32, #tpu.memory_space<vmem>>
            %dma_start3A_381 = arith.constant 0 : i32
            %dma_start3A_382 = tpu.memref_slice %arg4[%add3A_87, %dma_start3A_381] : memref<100000x64xf32, #tpu.memory_space<hbm>> -> memref<128x64xf32, #tpu.memory_space<hbm>>
            %dma_start3A_383 = arith.constant 0 : i32
            %dma_start3A_384 = tpu.memref_slice %arg4[%add3A_87, %dma_start3A_383] : memref<100000x64xf32, #tpu.memory_space<hbm>> -> memref<128x64xf32, #tpu.memory_space<hbm>>
            %dma_start3A_385 = arith.constant 0 : i32
            %dma_start3A_386 = arith.constant 0 : i32
            %dma_start3A_387 = tpu.memref_slice %run_scoped3A_3[%dma_start3A_385, %dma_start3A_386] : memref<128x64xf32, #tpu.memory_space<vmem>> -> memref<128x64xf32, #tpu.memory_space<vmem>>
            tpu.enqueue_dma source(%dma_start3A_387 : memref<128x64xf32, #tpu.memory_space<vmem>>) target(%dma_start3A_384 : memref<128x64xf32, #tpu.memory_space<hbm>>) target_semaphore(%run_scoped3A_377 : memref<!tpu.dma_semaphore, #tpu.memory_space<semaphore_mem>>)
            %dma_wait3A_388 = arith.constant 0 : i32
            %dma_wait3A_389 = arith.constant 0 : i32
            %dma_wait3A_390 = tpu.memref_slice %run_scoped3A_3[%dma_wait3A_388, %dma_wait3A_389] : memref<128x64xf32, #tpu.memory_space<vmem>> -> memref<128x64xf32, #tpu.memory_space<vmem>>
            %dma_wait3A_391 = arith.constant 0 : i32
            %dma_wait3A_392 = tpu.memref_slice %arg4[%add3A_87, %dma_wait3A_391] : memref<100000x64xf32, #tpu.memory_space<hbm>> -> memref<128x64xf32, #tpu.memory_space<hbm>>
            %dma_wait3A_393 = arith.constant 0 : i32
            %dma_wait3A_394 = tpu.memref_slice %arg4[%add3A_87, %dma_wait3A_393] : memref<100000x64xf32, #tpu.memory_space<hbm>> -> memref<128x64xf32, #tpu.memory_space<hbm>>
            %dma_wait3A_395 = arith.constant 0 : i32
            %dma_wait3A_396 = arith.constant 0 : i32
            %dma_wait3A_397 = tpu.memref_slice %run_scoped3A_3[%dma_wait3A_395, %dma_wait3A_396] : memref<128x64xf32, #tpu.memory_space<vmem>> -> memref<128x64xf32, #tpu.memory_space<vmem>>
            tpu.wait_dma2 semaphore(%run_scoped3A_377 : memref<!tpu.dma_semaphore, #tpu.memory_space<semaphore_mem>>) src(%dma_wait3A_397 : memref<128x64xf32, #tpu.memory_space<vmem>>) dst(%dma_wait3A_394 : memref<128x64xf32, #tpu.memory_space<hbm>>)
            tpu.yield
          }) : () -> ()
          %dma_start3A_88 = arith.constant 384 : i32
          %dma_start3A_89 = tpu.memref_slice %run_scoped3A[%dma_start3A_88] : memref<2048xi32, #tpu.memory_space<vmem>> -> memref<128xi32, #tpu.memory_space<vmem>>
          %dma_start3A_90 = arith.constant 0 : i32
          %dma_start3A_91 = arith.constant 0 : i32
          %dma_start3A_92 = tpu.memref_slice %arg2[%dma_start3A_90, %dma_start3A_91] : memref<1000000x64xf32, #tpu.memory_space<hbm>> -> memref<1000000x64xf32, #tpu.memory_space<hbm>>
          tpu.enqueue_indirect_dma source(%dma_start3A_92 : memref<1000000x64xf32, #tpu.memory_space<hbm>>) target(%run_scoped3A_3 : memref<128x64xf32, #tpu.memory_space<vmem>>) offsets(%dma_start3A_89 : memref<128xi32, #tpu.memory_space<vmem>>) semaphore(%arg6 : memref<!tpu.dma_semaphore, #tpu.memory_space<semaphore_mem>>)
          %dma_wait3A_93 = arith.constant 256 : i32
          %dma_wait3A_94 = tpu.memref_slice %run_scoped3A[%dma_wait3A_93] : memref<2048xi32, #tpu.memory_space<vmem>> -> memref<128xi32, #tpu.memory_space<vmem>>
          %dma_wait3A_95 = arith.constant 0 : i32
          %dma_wait3A_96 = arith.constant 0 : i32
          %dma_wait3A_97 = tpu.memref_slice %arg2[%dma_wait3A_95, %dma_wait3A_96] : memref<1000000x64xf32, #tpu.memory_space<hbm>> -> memref<1000000x64xf32, #tpu.memory_space<hbm>>
          tpu.wait_indirect_dma semaphore(%arg5 : memref<!tpu.dma_semaphore, #tpu.memory_space<semaphore_mem>>) src(%dma_wait3A_97 : memref<1000000x64xf32, #tpu.memory_space<hbm>>) dst(%run_scoped3A_2 : memref<128x64xf32, #tpu.memory_space<vmem>>)
          %scan3A_98 = arith.constant 0 : i32
          %scan3A_99 = arith.constant 0 : i32
          %scan3A_100 = arith.constant 8 : i32
          %scan3A_101 = arith.addi %scan3A_99, %scan3A_100 : i32
          %scan3A_102 = arith.constant 1 : i32
          %scan3A_103 = scf.for %scan3A_377 = %scan3A_99 to %scan3A_101 step %scan3A_102 iter_args(%scan3A_378 = %scan3A_98) -> (i32)  : i32 {
            %mul3A_379 = arith.constant 16 : i32
            %mul3A_380 = arith.muli %scan3A_377, %mul3A_379 : i32
            %add3A_381 = arith.constant 256 : i32
            %add3A_382 = arith.addi %add3A_381, %mul3A_380 : i32
            %get3A = arith.index_cast %add3A_382 : i32 to index
            %get3A_383 = tpu.vector_load %run_scoped3A_1[%get3A] {strides = array<i32>} : memref<2048xi32, #tpu.memory_space<vmem>>, vector<16xi32>,
            %eq3A = arith.constant 0 : i32
            %eq3A_384 = vector.broadcast %eq3A : i32 to vector<16xi32>
            %eq3A_385 = arith.cmpi eq, %get3A_383, %eq3A_384 : vector<16xi32>
            %reduce_or3A = arith.constant 1.000000e+00 : f32
            %reduce_or3A_386 = arith.constant 0.000000e+00 : f32
            %reduce_or3A_387 = vector.broadcast %reduce_or3A : f32 to vector<16xf32>
            %reduce_or3A_388 = vector.broadcast %reduce_or3A_386 : f32 to vector<16xf32>
            %reduce_or3A_389 = arith.select %eq3A_385, %reduce_or3A_387, %reduce_or3A_388 : vector<16xi1>, vector<16xf32>
            %reduce_or3A_390 = arith.constant true
            %reduce_or3A_391 = vector.broadcast %reduce_or3A_390 : i1 to vector<16xi1>
            %reduce_or3A_392 = tpu.scan <max>, %reduce_or3A_389 masked %reduce_or3A_391 : vector<16xf32>, vector<16xi1> -> vector<16xf32>
            %reduce_or3A_393 = vector.extract %reduce_or3A_392[15] : f32 from vector<16xf32>
            %reduce_or3A_394 = arith.constant 0.000000e+00 : f32
            %reduce_or3A_395 = arith.cmpf ogt, %reduce_or3A_393, %reduce_or3A_394 : f32
            %convert_element_type3A_396 = arith.extui %reduce_or3A_395 : i1 to i32
            %cond3A_397 = arith.constant 0 : i32
            %cond3A_398 = arith.cmpi ne, %convert_element_type3A_396, %cond3A_397 : i32
            scf.if %cond3A_398 {
              %scan3A_400 = arith.constant 0 : i32
              %scan3A_401 = arith.constant 0 : i32
              %scan3A_402 = arith.constant 16 : i32
              %scan3A_403 = arith.addi %scan3A_401, %scan3A_402 : i32
              %scan3A_404 = arith.constant 1 : i32
              %scan3A_405 = scf.for %scan3A_407 = %scan3A_401 to %scan3A_403 step %scan3A_404 iter_args(%scan3A_408 = %scan3A_400) -> (i32)  : i32 {
                %eq3A_409 = vector.broadcast %scan3A_407 : i32 to vector<16xi32>
                %eq3A_410 = arith.cmpi eq, %iota3A, %eq3A_409 : vector<16xi32>
                %and3A = arith.andi %eq3A_410, %eq3A_385 : vector<16xi1>
                %reduce_or3A_411 = arith.constant 1.000000e+00 : f32
                %reduce_or3A_412 = arith.constant 0.000000e+00 : f32
                %reduce_or3A_413 = vector.broadcast %reduce_or3A_411 : f32 to vector<16xf32>
                %reduce_or3A_414 = vector.broadcast %reduce_or3A_412 : f32 to vector<16xf32>
                %reduce_or3A_415 = arith.select %and3A, %reduce_or3A_413, %reduce_or3A_414 : vector<16xi1>, vector<16xf32>
                %reduce_or3A_416 = arith.constant true
                %reduce_or3A_417 = vector.broadcast %reduce_or3A_416 : i1 to vector<16xi1>
                %reduce_or3A_418 = tpu.scan <max>, %reduce_or3A_415 masked %reduce_or3A_417 : vector<16xf32>, vector<16xi1> -> vector<16xf32>
                %reduce_or3A_419 = vector.extract %reduce_or3A_418[15] : f32 from vector<16xf32>
                %reduce_or3A_420 = arith.constant 0.000000e+00 : f32
                %reduce_or3A_421 = arith.cmpf ogt, %reduce_or3A_419, %reduce_or3A_420 : f32
                %convert_element_type3A_422 = arith.extui %reduce_or3A_421 : i1 to i32
                %cond3A_423 = arith.constant 0 : i32
                %cond3A_424 = arith.cmpi ne, %convert_element_type3A_422, %cond3A_423 : i32
                scf.if %cond3A_424 {
                  %broadcast_in_dim3A_426 = arith.constant 0.000000e+00 : f32
                  %broadcast_in_dim3A_427 = vector.broadcast %broadcast_in_dim3A_426 : f32 to vector<16xf32>
                  %mul3A_428 = arith.constant 16 : i32
                  %mul3A_429 = arith.muli %scan3A_377, %mul3A_428 : i32
                  %add3A_430 = arith.addi %mul3A_429, %scan3A_407 : i32
                  %swap3A_431 = arith.index_cast %add3A_430 : i32 to index
                  %swap3A_432 = arith.constant 0 : index
                  %swap3A_433 = tpu.vector_load %run_scoped3A_2[%swap3A_431, %swap3A_432] {strides = array<i32>} : memref<128x64xf32, #tpu.memory_space<vmem>>, vector<16xf32>,
                  tpu.vector_store %run_scoped3A_2[%swap3A_431, %swap3A_432], %broadcast_in_dim3A_427 {strides = array<i32>} : memref<128x64xf32, #tpu.memory_space<vmem>>, vector<16xf32>,
                  %swap3A_434 = arith.index_cast %add3A_430 : i32 to index
                  %swap3A_435 = arith.constant 16 : index
                  %swap3A_436 = tpu.vector_load %run_scoped3A_2[%swap3A_434, %swap3A_435] {strides = array<i32>} : memref<128x64xf32, #tpu.memory_space<vmem>>, vector<16xf32>,
                  tpu.vector_store %run_scoped3A_2[%swap3A_434, %swap3A_435], %broadcast_in_dim3A_427 {strides = array<i32>} : memref<128x64xf32, #tpu.memory_space<vmem>>, vector<16xf32>,
                  %swap3A_437 = arith.index_cast %add3A_430 : i32 to index
                  %swap3A_438 = arith.constant 32 : index
                  %swap3A_439 = tpu.vector_load %run_scoped3A_2[%swap3A_437, %swap3A_438] {strides = array<i32>} : memref<128x64xf32, #tpu.memory_space<vmem>>, vector<16xf32>,
                  tpu.vector_store %run_scoped3A_2[%swap3A_437, %swap3A_438], %broadcast_in_dim3A_427 {strides = array<i32>} : memref<128x64xf32, #tpu.memory_space<vmem>>, vector<16xf32>,
                  %swap3A_440 = arith.index_cast %add3A_430 : i32 to index
                  %swap3A_441 = arith.constant 48 : index
                  %swap3A_442 = tpu.vector_load %run_scoped3A_2[%swap3A_440, %swap3A_441] {strides = array<i32>} : memref<128x64xf32, #tpu.memory_space<vmem>>, vector<16xf32>,
                  tpu.vector_store %run_scoped3A_2[%swap3A_440, %swap3A_441], %broadcast_in_dim3A_427 {strides = array<i32>} : memref<128x64xf32, #tpu.memory_space<vmem>>, vector<16xf32>,
                } else {
                }
                %scan3A_425 = arith.constant 0 : i32
                scf.yield %scan3A_425 : i32
              }
              %scan3A_406 = arith.constant 16 : i32
            } else {
            }
            %scan3A_399 = arith.constant 0 : i32
            scf.yield %scan3A_399 : i32
          }
          %scan3A_104 = arith.constant 8 : i32
          %mul3A_105 = arith.constant 2000 : i32
          %mul3A_106 = arith.muli %add3A_16, %mul3A_105 : i32
          %add3A_107 = arith.constant 256 : i32
          %add3A_108 = arith.addi %mul3A_106, %add3A_107 : i32
          "tpu.region"() ({
            %run_scoped3A_377 = tpu.sem_alloc : memref<!tpu.dma_semaphore, #tpu.memory_space<semaphore_mem>>
            %dma_start3A_378 = arith.constant 0 : i32
            %dma_start3A_379 = arith.constant 0 : i32
            %dma_start3A_380 = tpu.memref_slice %run_scoped3A_2[%dma_start3A_378, %dma_start3A_379] : memref<128x64xf32, #tpu.memory_space<vmem>> -> memref<128x64xf32, #tpu.memory_space<vmem>>
            %dma_start3A_381 = arith.constant 0 : i32
            %dma_start3A_382 = tpu.memref_slice %arg4[%add3A_108, %dma_start3A_381] : memref<100000x64xf32, #tpu.memory_space<hbm>> -> memref<128x64xf32, #tpu.memory_space<hbm>>
            %dma_start3A_383 = arith.constant 0 : i32
            %dma_start3A_384 = tpu.memref_slice %arg4[%add3A_108, %dma_start3A_383] : memref<100000x64xf32, #tpu.memory_space<hbm>> -> memref<128x64xf32, #tpu.memory_space<hbm>>
            %dma_start3A_385 = arith.constant 0 : i32
            %dma_start3A_386 = arith.constant 0 : i32
            %dma_start3A_387 = tpu.memref_slice %run_scoped3A_2[%dma_start3A_385, %dma_start3A_386] : memref<128x64xf32, #tpu.memory_space<vmem>> -> memref<128x64xf32, #tpu.memory_space<vmem>>
            tpu.enqueue_dma source(%dma_start3A_387 : memref<128x64xf32, #tpu.memory_space<vmem>>) target(%dma_start3A_384 : memref<128x64xf32, #tpu.memory_space<hbm>>) target_semaphore(%run_scoped3A_377 : memref<!tpu.dma_semaphore, #tpu.memory_space<semaphore_mem>>)
            %dma_wait3A_388 = arith.constant 0 : i32
            %dma_wait3A_389 = arith.constant 0 : i32
            %dma_wait3A_390 = tpu.memref_slice %run_scoped3A_2[%dma_wait3A_388, %dma_wait3A_389] : memref<128x64xf32, #tpu.memory_space<vmem>> -> memref<128x64xf32, #tpu.memory_space<vmem>>
            %dma_wait3A_391 = arith.constant 0 : i32
            %dma_wait3A_392 = tpu.memref_slice %arg4[%add3A_108, %dma_wait3A_391] : memref<100000x64xf32, #tpu.memory_space<hbm>> -> memref<128x64xf32, #tpu.memory_space<hbm>>
            %dma_wait3A_393 = arith.constant 0 : i32
            %dma_wait3A_394 = tpu.memref_slice %arg4[%add3A_108, %dma_wait3A_393] : memref<100000x64xf32, #tpu.memory_space<hbm>> -> memref<128x64xf32, #tpu.memory_space<hbm>>
            %dma_wait3A_395 = arith.constant 0 : i32
            %dma_wait3A_396 = arith.constant 0 : i32
            %dma_wait3A_397 = tpu.memref_slice %run_scoped3A_2[%dma_wait3A_395, %dma_wait3A_396] : memref<128x64xf32, #tpu.memory_space<vmem>> -> memref<128x64xf32, #tpu.memory_space<vmem>>
            tpu.wait_dma2 semaphore(%run_scoped3A_377 : memref<!tpu.dma_semaphore, #tpu.memory_space<semaphore_mem>>) src(%dma_wait3A_397 : memref<128x64xf32, #tpu.memory_space<vmem>>) dst(%dma_wait3A_394 : memref<128x64xf32, #tpu.memory_space<hbm>>)
            tpu.yield
          }) : () -> ()
          %dma_start3A_109 = arith.constant 512 : i32
          %dma_start3A_110 = tpu.memref_slice %run_scoped3A[%dma_start3A_109] : memref<2048xi32, #tpu.memory_space<vmem>> -> memref<128xi32, #tpu.memory_space<vmem>>
          %dma_start3A_111 = arith.constant 0 : i32
          %dma_start3A_112 = arith.constant 0 : i32
          %dma_start3A_113 = tpu.memref_slice %arg2[%dma_start3A_111, %dma_start3A_112] : memref<1000000x64xf32, #tpu.memory_space<hbm>> -> memref<1000000x64xf32, #tpu.memory_space<hbm>>
          tpu.enqueue_indirect_dma source(%dma_start3A_113 : memref<1000000x64xf32, #tpu.memory_space<hbm>>) target(%run_scoped3A_2 : memref<128x64xf32, #tpu.memory_space<vmem>>) offsets(%dma_start3A_110 : memref<128xi32, #tpu.memory_space<vmem>>) semaphore(%arg5 : memref<!tpu.dma_semaphore, #tpu.memory_space<semaphore_mem>>)
          %dma_wait3A_114 = arith.constant 384 : i32
          %dma_wait3A_115 = tpu.memref_slice %run_scoped3A[%dma_wait3A_114] : memref<2048xi32, #tpu.memory_space<vmem>> -> memref<128xi32, #tpu.memory_space<vmem>>
          %dma_wait3A_116 = arith.constant 0 : i32
          %dma_wait3A_117 = arith.constant 0 : i32
          %dma_wait3A_118 = tpu.memref_slice %arg2[%dma_wait3A_116, %dma_wait3A_117] : memref<1000000x64xf32, #tpu.memory_space<hbm>> -> memref<1000000x64xf32, #tpu.memory_space<hbm>>
          tpu.wait_indirect_dma semaphore(%arg6 : memref<!tpu.dma_semaphore, #tpu.memory_space<semaphore_mem>>) src(%dma_wait3A_118 : memref<1000000x64xf32, #tpu.memory_space<hbm>>) dst(%run_scoped3A_3 : memref<128x64xf32, #tpu.memory_space<vmem>>)
          %scan3A_119 = arith.constant 0 : i32
          %scan3A_120 = arith.constant 0 : i32
          %scan3A_121 = arith.constant 8 : i32
          %scan3A_122 = arith.addi %scan3A_120, %scan3A_121 : i32
          %scan3A_123 = arith.constant 1 : i32
          %scan3A_124 = scf.for %scan3A_377 = %scan3A_120 to %scan3A_122 step %scan3A_123 iter_args(%scan3A_378 = %scan3A_119) -> (i32)  : i32 {
            %mul3A_379 = arith.constant 16 : i32
            %mul3A_380 = arith.muli %scan3A_377, %mul3A_379 : i32
            %add3A_381 = arith.constant 384 : i32
            %add3A_382 = arith.addi %add3A_381, %mul3A_380 : i32
            %get3A = arith.index_cast %add3A_382 : i32 to index
            %get3A_383 = tpu.vector_load %run_scoped3A_1[%get3A] {strides = array<i32>} : memref<2048xi32, #tpu.memory_space<vmem>>, vector<16xi32>,
            %eq3A = arith.constant 0 : i32
            %eq3A_384 = vector.broadcast %eq3A : i32 to vector<16xi32>
            %eq3A_385 = arith.cmpi eq, %get3A_383, %eq3A_384 : vector<16xi32>
            %reduce_or3A = arith.constant 1.000000e+00 : f32
            %reduce_or3A_386 = arith.constant 0.000000e+00 : f32
            %reduce_or3A_387 = vector.broadcast %reduce_or3A : f32 to vector<16xf32>
            %reduce_or3A_388 = vector.broadcast %reduce_or3A_386 : f32 to vector<16xf32>
            %reduce_or3A_389 = arith.select %eq3A_385, %reduce_or3A_387, %reduce_or3A_388 : vector<16xi1>, vector<16xf32>
            %reduce_or3A_390 = arith.constant true
            %reduce_or3A_391 = vector.broadcast %reduce_or3A_390 : i1 to vector<16xi1>
            %reduce_or3A_392 = tpu.scan <max>, %reduce_or3A_389 masked %reduce_or3A_391 : vector<16xf32>, vector<16xi1> -> vector<16xf32>
            %reduce_or3A_393 = vector.extract %reduce_or3A_392[15] : f32 from vector<16xf32>
            %reduce_or3A_394 = arith.constant 0.000000e+00 : f32
            %reduce_or3A_395 = arith.cmpf ogt, %reduce_or3A_393, %reduce_or3A_394 : f32
            %convert_element_type3A_396 = arith.extui %reduce_or3A_395 : i1 to i32
            %cond3A_397 = arith.constant 0 : i32
            %cond3A_398 = arith.cmpi ne, %convert_element_type3A_396, %cond3A_397 : i32
            scf.if %cond3A_398 {
              %scan3A_400 = arith.constant 0 : i32
              %scan3A_401 = arith.constant 0 : i32
              %scan3A_402 = arith.constant 16 : i32
              %scan3A_403 = arith.addi %scan3A_401, %scan3A_402 : i32
              %scan3A_404 = arith.constant 1 : i32
              %scan3A_405 = scf.for %scan3A_407 = %scan3A_401 to %scan3A_403 step %scan3A_404 iter_args(%scan3A_408 = %scan3A_400) -> (i32)  : i32 {
                %eq3A_409 = vector.broadcast %scan3A_407 : i32 to vector<16xi32>
                %eq3A_410 = arith.cmpi eq, %iota3A, %eq3A_409 : vector<16xi32>
                %and3A = arith.andi %eq3A_410, %eq3A_385 : vector<16xi1>
                %reduce_or3A_411 = arith.constant 1.000000e+00 : f32
                %reduce_or3A_412 = arith.constant 0.000000e+00 : f32
                %reduce_or3A_413 = vector.broadcast %reduce_or3A_411 : f32 to vector<16xf32>
                %reduce_or3A_414 = vector.broadcast %reduce_or3A_412 : f32 to vector<16xf32>
                %reduce_or3A_415 = arith.select %and3A, %reduce_or3A_413, %reduce_or3A_414 : vector<16xi1>, vector<16xf32>
                %reduce_or3A_416 = arith.constant true
                %reduce_or3A_417 = vector.broadcast %reduce_or3A_416 : i1 to vector<16xi1>
                %reduce_or3A_418 = tpu.scan <max>, %reduce_or3A_415 masked %reduce_or3A_417 : vector<16xf32>, vector<16xi1> -> vector<16xf32>
                %reduce_or3A_419 = vector.extract %reduce_or3A_418[15] : f32 from vector<16xf32>
                %reduce_or3A_420 = arith.constant 0.000000e+00 : f32
                %reduce_or3A_421 = arith.cmpf ogt, %reduce_or3A_419, %reduce_or3A_420 : f32
                %convert_element_type3A_422 = arith.extui %reduce_or3A_421 : i1 to i32
                %cond3A_423 = arith.constant 0 : i32
                %cond3A_424 = arith.cmpi ne, %convert_element_type3A_422, %cond3A_423 : i32
                scf.if %cond3A_424 {
                  %broadcast_in_dim3A_426 = arith.constant 0.000000e+00 : f32
                  %broadcast_in_dim3A_427 = vector.broadcast %broadcast_in_dim3A_426 : f32 to vector<16xf32>
                  %mul3A_428 = arith.constant 16 : i32
                  %mul3A_429 = arith.muli %scan3A_377, %mul3A_428 : i32
                  %add3A_430 = arith.addi %mul3A_429, %scan3A_407 : i32
                  %swap3A_431 = arith.index_cast %add3A_430 : i32 to index
                  %swap3A_432 = arith.constant 0 : index
                  %swap3A_433 = tpu.vector_load %run_scoped3A_3[%swap3A_431, %swap3A_432] {strides = array<i32>} : memref<128x64xf32, #tpu.memory_space<vmem>>, vector<16xf32>,
                  tpu.vector_store %run_scoped3A_3[%swap3A_431, %swap3A_432], %broadcast_in_dim3A_427 {strides = array<i32>} : memref<128x64xf32, #tpu.memory_space<vmem>>, vector<16xf32>,
                  %swap3A_434 = arith.index_cast %add3A_430 : i32 to index
                  %swap3A_435 = arith.constant 16 : index
                  %swap3A_436 = tpu.vector_load %run_scoped3A_3[%swap3A_434, %swap3A_435] {strides = array<i32>} : memref<128x64xf32, #tpu.memory_space<vmem>>, vector<16xf32>,
                  tpu.vector_store %run_scoped3A_3[%swap3A_434, %swap3A_435], %broadcast_in_dim3A_427 {strides = array<i32>} : memref<128x64xf32, #tpu.memory_space<vmem>>, vector<16xf32>,
                  %swap3A_437 = arith.index_cast %add3A_430 : i32 to index
                  %swap3A_438 = arith.constant 32 : index
                  %swap3A_439 = tpu.vector_load %run_scoped3A_3[%swap3A_437, %swap3A_438] {strides = array<i32>} : memref<128x64xf32, #tpu.memory_space<vmem>>, vector<16xf32>,
                  tpu.vector_store %run_scoped3A_3[%swap3A_437, %swap3A_438], %broadcast_in_dim3A_427 {strides = array<i32>} : memref<128x64xf32, #tpu.memory_space<vmem>>, vector<16xf32>,
                  %swap3A_440 = arith.index_cast %add3A_430 : i32 to index
                  %swap3A_441 = arith.constant 48 : index
                  %swap3A_442 = tpu.vector_load %run_scoped3A_3[%swap3A_440, %swap3A_441] {strides = array<i32>} : memref<128x64xf32, #tpu.memory_space<vmem>>, vector<16xf32>,
                  tpu.vector_store %run_scoped3A_3[%swap3A_440, %swap3A_441], %broadcast_in_dim3A_427 {strides = array<i32>} : memref<128x64xf32, #tpu.memory_space<vmem>>, vector<16xf32>,
                } else {
                }
                %scan3A_425 = arith.constant 0 : i32
                scf.yield %scan3A_425 : i32
              }
              %scan3A_406 = arith.constant 16 : i32
            } else {
            }
            %scan3A_399 = arith.constant 0 : i32
            scf.yield %scan3A_399 : i32
          }
          %scan3A_125 = arith.constant 8 : i32
          %mul3A_126 = arith.constant 2000 : i32
          %mul3A_127 = arith.muli %add3A_16, %mul3A_126 : i32
          %add3A_128 = arith.constant 384 : i32
          %add3A_129 = arith.addi %mul3A_127, %add3A_128 : i32
          "tpu.region"() ({
            %run_scoped3A_377 = tpu.sem_alloc : memref<!tpu.dma_semaphore, #tpu.memory_space<semaphore_mem>>
            %dma_start3A_378 = arith.constant 0 : i32
            %dma_start3A_379 = arith.constant 0 : i32
            %dma_start3A_380 = tpu.memref_slice %run_scoped3A_3[%dma_start3A_378, %dma_start3A_379] : memref<128x64xf32, #tpu.memory_space<vmem>> -> memref<128x64xf32, #tpu.memory_space<vmem>>
            %dma_start3A_381 = arith.constant 0 : i32
            %dma_start3A_382 = tpu.memref_slice %arg4[%add3A_129, %dma_start3A_381] : memref<100000x64xf32, #tpu.memory_space<hbm>> -> memref<128x64xf32, #tpu.memory_space<hbm>>
            %dma_start3A_383 = arith.constant 0 : i32
            %dma_start3A_384 = tpu.memref_slice %arg4[%add3A_129, %dma_start3A_383] : memref<100000x64xf32, #tpu.memory_space<hbm>> -> memref<128x64xf32, #tpu.memory_space<hbm>>
            %dma_start3A_385 = arith.constant 0 : i32
            %dma_start3A_386 = arith.constant 0 : i32
            %dma_start3A_387 = tpu.memref_slice %run_scoped3A_3[%dma_start3A_385, %dma_start3A_386] : memref<128x64xf32, #tpu.memory_space<vmem>> -> memref<128x64xf32, #tpu.memory_space<vmem>>
            tpu.enqueue_dma source(%dma_start3A_387 : memref<128x64xf32, #tpu.memory_space<vmem>>) target(%dma_start3A_384 : memref<128x64xf32, #tpu.memory_space<hbm>>) target_semaphore(%run_scoped3A_377 : memref<!tpu.dma_semaphore, #tpu.memory_space<semaphore_mem>>)
            %dma_wait3A_388 = arith.constant 0 : i32
            %dma_wait3A_389 = arith.constant 0 : i32
            %dma_wait3A_390 = tpu.memref_slice %run_scoped3A_3[%dma_wait3A_388, %dma_wait3A_389] : memref<128x64xf32, #tpu.memory_space<vmem>> -> memref<128x64xf32, #tpu.memory_space<vmem>>
            %dma_wait3A_391 = arith.constant 0 : i32
            %dma_wait3A_392 = tpu.memref_slice %arg4[%add3A_129, %dma_wait3A_391] : memref<100000x64xf32, #tpu.memory_space<hbm>> -> memref<128x64xf32, #tpu.memory_space<hbm>>
            %dma_wait3A_393 = arith.constant 0 : i32
            %dma_wait3A_394 = tpu.memref_slice %arg4[%add3A_129, %dma_wait3A_393] : memref<100000x64xf32, #tpu.memory_space<hbm>> -> memref<128x64xf32, #tpu.memory_space<hbm>>
            %dma_wait3A_395 = arith.constant 0 : i32
            %dma_wait3A_396 = arith.constant 0 : i32
            %dma_wait3A_397 = tpu.memref_slice %run_scoped3A_3[%dma_wait3A_395, %dma_wait3A_396] : memref<128x64xf32, #tpu.memory_space<vmem>> -> memref<128x64xf32, #tpu.memory_space<vmem>>
            tpu.wait_dma2 semaphore(%run_scoped3A_377 : memref<!tpu.dma_semaphore, #tpu.memory_space<semaphore_mem>>) src(%dma_wait3A_397 : memref<128x64xf32, #tpu.memory_space<vmem>>) dst(%dma_wait3A_394 : memref<128x64xf32, #tpu.memory_space<hbm>>)
            tpu.yield
          }) : () -> ()
          %dma_start3A_130 = arith.constant 640 : i32
          %dma_start3A_131 = tpu.memref_slice %run_scoped3A[%dma_start3A_130] : memref<2048xi32, #tpu.memory_space<vmem>> -> memref<128xi32, #tpu.memory_space<vmem>>
          %dma_start3A_132 = arith.constant 0 : i32
          %dma_start3A_133 = arith.constant 0 : i32
          %dma_start3A_134 = tpu.memref_slice %arg2[%dma_start3A_132, %dma_start3A_133] : memref<1000000x64xf32, #tpu.memory_space<hbm>> -> memref<1000000x64xf32, #tpu.memory_space<hbm>>
          tpu.enqueue_indirect_dma source(%dma_start3A_134 : memref<1000000x64xf32, #tpu.memory_space<hbm>>) target(%run_scoped3A_3 : memref<128x64xf32, #tpu.memory_space<vmem>>) offsets(%dma_start3A_131 : memref<128xi32, #tpu.memory_space<vmem>>) semaphore(%arg6 : memref<!tpu.dma_semaphore, #tpu.memory_space<semaphore_mem>>)
          %dma_wait3A_135 = arith.constant 512 : i32
          %dma_wait3A_136 = tpu.memref_slice %run_scoped3A[%dma_wait3A_135] : memref<2048xi32, #tpu.memory_space<vmem>> -> memref<128xi32, #tpu.memory_space<vmem>>
          %dma_wait3A_137 = arith.constant 0 : i32
          %dma_wait3A_138 = arith.constant 0 : i32
          %dma_wait3A_139 = tpu.memref_slice %arg2[%dma_wait3A_137, %dma_wait3A_138] : memref<1000000x64xf32, #tpu.memory_space<hbm>> -> memref<1000000x64xf32, #tpu.memory_space<hbm>>
          tpu.wait_indirect_dma semaphore(%arg5 : memref<!tpu.dma_semaphore, #tpu.memory_space<semaphore_mem>>) src(%dma_wait3A_139 : memref<1000000x64xf32, #tpu.memory_space<hbm>>) dst(%run_scoped3A_2 : memref<128x64xf32, #tpu.memory_space<vmem>>)
          %scan3A_140 = arith.constant 0 : i32
          %scan3A_141 = arith.constant 0 : i32
          %scan3A_142 = arith.constant 8 : i32
          %scan3A_143 = arith.addi %scan3A_141, %scan3A_142 : i32
          %scan3A_144 = arith.constant 1 : i32
          %scan3A_145 = scf.for %scan3A_377 = %scan3A_141 to %scan3A_143 step %scan3A_144 iter_args(%scan3A_378 = %scan3A_140) -> (i32)  : i32 {
            %mul3A_379 = arith.constant 16 : i32
            %mul3A_380 = arith.muli %scan3A_377, %mul3A_379 : i32
            %add3A_381 = arith.constant 512 : i32
            %add3A_382 = arith.addi %add3A_381, %mul3A_380 : i32
            %get3A = arith.index_cast %add3A_382 : i32 to index
            %get3A_383 = tpu.vector_load %run_scoped3A_1[%get3A] {strides = array<i32>} : memref<2048xi32, #tpu.memory_space<vmem>>, vector<16xi32>,
            %eq3A = arith.constant 0 : i32
            %eq3A_384 = vector.broadcast %eq3A : i32 to vector<16xi32>
            %eq3A_385 = arith.cmpi eq, %get3A_383, %eq3A_384 : vector<16xi32>
            %reduce_or3A = arith.constant 1.000000e+00 : f32
            %reduce_or3A_386 = arith.constant 0.000000e+00 : f32
            %reduce_or3A_387 = vector.broadcast %reduce_or3A : f32 to vector<16xf32>
            %reduce_or3A_388 = vector.broadcast %reduce_or3A_386 : f32 to vector<16xf32>
            %reduce_or3A_389 = arith.select %eq3A_385, %reduce_or3A_387, %reduce_or3A_388 : vector<16xi1>, vector<16xf32>
            %reduce_or3A_390 = arith.constant true
            %reduce_or3A_391 = vector.broadcast %reduce_or3A_390 : i1 to vector<16xi1>
            %reduce_or3A_392 = tpu.scan <max>, %reduce_or3A_389 masked %reduce_or3A_391 : vector<16xf32>, vector<16xi1> -> vector<16xf32>
            %reduce_or3A_393 = vector.extract %reduce_or3A_392[15] : f32 from vector<16xf32>
            %reduce_or3A_394 = arith.constant 0.000000e+00 : f32
            %reduce_or3A_395 = arith.cmpf ogt, %reduce_or3A_393, %reduce_or3A_394 : f32
            %convert_element_type3A_396 = arith.extui %reduce_or3A_395 : i1 to i32
            %cond3A_397 = arith.constant 0 : i32
            %cond3A_398 = arith.cmpi ne, %convert_element_type3A_396, %cond3A_397 : i32
            scf.if %cond3A_398 {
              %scan3A_400 = arith.constant 0 : i32
              %scan3A_401 = arith.constant 0 : i32
              %scan3A_402 = arith.constant 16 : i32
              %scan3A_403 = arith.addi %scan3A_401, %scan3A_402 : i32
              %scan3A_404 = arith.constant 1 : i32
              %scan3A_405 = scf.for %scan3A_407 = %scan3A_401 to %scan3A_403 step %scan3A_404 iter_args(%scan3A_408 = %scan3A_400) -> (i32)  : i32 {
                %eq3A_409 = vector.broadcast %scan3A_407 : i32 to vector<16xi32>
                %eq3A_410 = arith.cmpi eq, %iota3A, %eq3A_409 : vector<16xi32>
                %and3A = arith.andi %eq3A_410, %eq3A_385 : vector<16xi1>
                %reduce_or3A_411 = arith.constant 1.000000e+00 : f32
                %reduce_or3A_412 = arith.constant 0.000000e+00 : f32
                %reduce_or3A_413 = vector.broadcast %reduce_or3A_411 : f32 to vector<16xf32>
                %reduce_or3A_414 = vector.broadcast %reduce_or3A_412 : f32 to vector<16xf32>
                %reduce_or3A_415 = arith.select %and3A, %reduce_or3A_413, %reduce_or3A_414 : vector<16xi1>, vector<16xf32>
                %reduce_or3A_416 = arith.constant true
                %reduce_or3A_417 = vector.broadcast %reduce_or3A_416 : i1 to vector<16xi1>
                %reduce_or3A_418 = tpu.scan <max>, %reduce_or3A_415 masked %reduce_or3A_417 : vector<16xf32>, vector<16xi1> -> vector<16xf32>
                %reduce_or3A_419 = vector.extract %reduce_or3A_418[15] : f32 from vector<16xf32>
                %reduce_or3A_420 = arith.constant 0.000000e+00 : f32
                %reduce_or3A_421 = arith.cmpf ogt, %reduce_or3A_419, %reduce_or3A_420 : f32
                %convert_element_type3A_422 = arith.extui %reduce_or3A_421 : i1 to i32
                %cond3A_423 = arith.constant 0 : i32
                %cond3A_424 = arith.cmpi ne, %convert_element_type3A_422, %cond3A_423 : i32
                scf.if %cond3A_424 {
                  %broadcast_in_dim3A_426 = arith.constant 0.000000e+00 : f32
                  %broadcast_in_dim3A_427 = vector.broadcast %broadcast_in_dim3A_426 : f32 to vector<16xf32>
                  %mul3A_428 = arith.constant 16 : i32
                  %mul3A_429 = arith.muli %scan3A_377, %mul3A_428 : i32
                  %add3A_430 = arith.addi %mul3A_429, %scan3A_407 : i32
                  %swap3A_431 = arith.index_cast %add3A_430 : i32 to index
                  %swap3A_432 = arith.constant 0 : index
                  %swap3A_433 = tpu.vector_load %run_scoped3A_2[%swap3A_431, %swap3A_432] {strides = array<i32>} : memref<128x64xf32, #tpu.memory_space<vmem>>, vector<16xf32>,
                  tpu.vector_store %run_scoped3A_2[%swap3A_431, %swap3A_432], %broadcast_in_dim3A_427 {strides = array<i32>} : memref<128x64xf32, #tpu.memory_space<vmem>>, vector<16xf32>,
                  %swap3A_434 = arith.index_cast %add3A_430 : i32 to index
                  %swap3A_435 = arith.constant 16 : index
                  %swap3A_436 = tpu.vector_load %run_scoped3A_2[%swap3A_434, %swap3A_435] {strides = array<i32>} : memref<128x64xf32, #tpu.memory_space<vmem>>, vector<16xf32>,
                  tpu.vector_store %run_scoped3A_2[%swap3A_434, %swap3A_435], %broadcast_in_dim3A_427 {strides = array<i32>} : memref<128x64xf32, #tpu.memory_space<vmem>>, vector<16xf32>,
                  %swap3A_437 = arith.index_cast %add3A_430 : i32 to index
                  %swap3A_438 = arith.constant 32 : index
                  %swap3A_439 = tpu.vector_load %run_scoped3A_2[%swap3A_437, %swap3A_438] {strides = array<i32>} : memref<128x64xf32, #tpu.memory_space<vmem>>, vector<16xf32>,
                  tpu.vector_store %run_scoped3A_2[%swap3A_437, %swap3A_438], %broadcast_in_dim3A_427 {strides = array<i32>} : memref<128x64xf32, #tpu.memory_space<vmem>>, vector<16xf32>,
                  %swap3A_440 = arith.index_cast %add3A_430 : i32 to index
                  %swap3A_441 = arith.constant 48 : index
                  %swap3A_442 = tpu.vector_load %run_scoped3A_2[%swap3A_440, %swap3A_441] {strides = array<i32>} : memref<128x64xf32, #tpu.memory_space<vmem>>, vector<16xf32>,
                  tpu.vector_store %run_scoped3A_2[%swap3A_440, %swap3A_441], %broadcast_in_dim3A_427 {strides = array<i32>} : memref<128x64xf32, #tpu.memory_space<vmem>>, vector<16xf32>,
                } else {
                }
                %scan3A_425 = arith.constant 0 : i32
                scf.yield %scan3A_425 : i32
              }
              %scan3A_406 = arith.constant 16 : i32
            } else {
            }
            %scan3A_399 = arith.constant 0 : i32
            scf.yield %scan3A_399 : i32
          }
          %scan3A_146 = arith.constant 8 : i32
          %mul3A_147 = arith.constant 2000 : i32
          %mul3A_148 = arith.muli %add3A_16, %mul3A_147 : i32
          %add3A_149 = arith.constant 512 : i32
          %add3A_150 = arith.addi %mul3A_148, %add3A_149 : i32
          "tpu.region"() ({
            %run_scoped3A_377 = tpu.sem_alloc : memref<!tpu.dma_semaphore, #tpu.memory_space<semaphore_mem>>
            %dma_start3A_378 = arith.constant 0 : i32
            %dma_start3A_379 = arith.constant 0 : i32
            %dma_start3A_380 = tpu.memref_slice %run_scoped3A_2[%dma_start3A_378, %dma_start3A_379] : memref<128x64xf32, #tpu.memory_space<vmem>> -> memref<128x64xf32, #tpu.memory_space<vmem>>
            %dma_start3A_381 = arith.constant 0 : i32
            %dma_start3A_382 = tpu.memref_slice %arg4[%add3A_150, %dma_start3A_381] : memref<100000x64xf32, #tpu.memory_space<hbm>> -> memref<128x64xf32, #tpu.memory_space<hbm>>
            %dma_start3A_383 = arith.constant 0 : i32
            %dma_start3A_384 = tpu.memref_slice %arg4[%add3A_150, %dma_start3A_383] : memref<100000x64xf32, #tpu.memory_space<hbm>> -> memref<128x64xf32, #tpu.memory_space<hbm>>
            %dma_start3A_385 = arith.constant 0 : i32
            %dma_start3A_386 = arith.constant 0 : i32
            %dma_start3A_387 = tpu.memref_slice %run_scoped3A_2[%dma_start3A_385, %dma_start3A_386] : memref<128x64xf32, #tpu.memory_space<vmem>> -> memref<128x64xf32, #tpu.memory_space<vmem>>
            tpu.enqueue_dma source(%dma_start3A_387 : memref<128x64xf32, #tpu.memory_space<vmem>>) target(%dma_start3A_384 : memref<128x64xf32, #tpu.memory_space<hbm>>) target_semaphore(%run_scoped3A_377 : memref<!tpu.dma_semaphore, #tpu.memory_space<semaphore_mem>>)
            %dma_wait3A_388 = arith.constant 0 : i32
            %dma_wait3A_389 = arith.constant 0 : i32
            %dma_wait3A_390 = tpu.memref_slice %run_scoped3A_2[%dma_wait3A_388, %dma_wait3A_389] : memref<128x64xf32, #tpu.memory_space<vmem>> -> memref<128x64xf32, #tpu.memory_space<vmem>>
            %dma_wait3A_391 = arith.constant 0 : i32
            %dma_wait3A_392 = tpu.memref_slice %arg4[%add3A_150, %dma_wait3A_391] : memref<100000x64xf32, #tpu.memory_space<hbm>> -> memref<128x64xf32, #tpu.memory_space<hbm>>
            %dma_wait3A_393 = arith.constant 0 : i32
            %dma_wait3A_394 = tpu.memref_slice %arg4[%add3A_150, %dma_wait3A_393] : memref<100000x64xf32, #tpu.memory_space<hbm>> -> memref<128x64xf32, #tpu.memory_space<hbm>>
            %dma_wait3A_395 = arith.constant 0 : i32
            %dma_wait3A_396 = arith.constant 0 : i32
            %dma_wait3A_397 = tpu.memref_slice %run_scoped3A_2[%dma_wait3A_395, %dma_wait3A_396] : memref<128x64xf32, #tpu.memory_space<vmem>> -> memref<128x64xf32, #tpu.memory_space<vmem>>
            tpu.wait_dma2 semaphore(%run_scoped3A_377 : memref<!tpu.dma_semaphore, #tpu.memory_space<semaphore_mem>>) src(%dma_wait3A_397 : memref<128x64xf32, #tpu.memory_space<vmem>>) dst(%dma_wait3A_394 : memref<128x64xf32, #tpu.memory_space<hbm>>)
            tpu.yield
          }) : () -> ()
          %dma_start3A_151 = arith.constant 768 : i32
          %dma_start3A_152 = tpu.memref_slice %run_scoped3A[%dma_start3A_151] : memref<2048xi32, #tpu.memory_space<vmem>> -> memref<128xi32, #tpu.memory_space<vmem>>
          %dma_start3A_153 = arith.constant 0 : i32
          %dma_start3A_154 = arith.constant 0 : i32
          %dma_start3A_155 = tpu.memref_slice %arg2[%dma_start3A_153, %dma_start3A_154] : memref<1000000x64xf32, #tpu.memory_space<hbm>> -> memref<1000000x64xf32, #tpu.memory_space<hbm>>
          tpu.enqueue_indirect_dma source(%dma_start3A_155 : memref<1000000x64xf32, #tpu.memory_space<hbm>>) target(%run_scoped3A_2 : memref<128x64xf32, #tpu.memory_space<vmem>>) offsets(%dma_start3A_152 : memref<128xi32, #tpu.memory_space<vmem>>) semaphore(%arg5 : memref<!tpu.dma_semaphore, #tpu.memory_space<semaphore_mem>>)
          %dma_wait3A_156 = arith.constant 640 : i32
          %dma_wait3A_157 = tpu.memref_slice %run_scoped3A[%dma_wait3A_156] : memref<2048xi32, #tpu.memory_space<vmem>> -> memref<128xi32, #tpu.memory_space<vmem>>
          %dma_wait3A_158 = arith.constant 0 : i32
          %dma_wait3A_159 = arith.constant 0 : i32
          %dma_wait3A_160 = tpu.memref_slice %arg2[%dma_wait3A_158, %dma_wait3A_159] : memref<1000000x64xf32, #tpu.memory_space<hbm>> -> memref<1000000x64xf32, #tpu.memory_space<hbm>>
          tpu.wait_indirect_dma semaphore(%arg6 : memref<!tpu.dma_semaphore, #tpu.memory_space<semaphore_mem>>) src(%dma_wait3A_160 : memref<1000000x64xf32, #tpu.memory_space<hbm>>) dst(%run_scoped3A_3 : memref<128x64xf32, #tpu.memory_space<vmem>>)
          %scan3A_161 = arith.constant 0 : i32
          %scan3A_162 = arith.constant 0 : i32
          %scan3A_163 = arith.constant 8 : i32
          %scan3A_164 = arith.addi %scan3A_162, %scan3A_163 : i32
          %scan3A_165 = arith.constant 1 : i32
          %scan3A_166 = scf.for %scan3A_377 = %scan3A_162 to %scan3A_164 step %scan3A_165 iter_args(%scan3A_378 = %scan3A_161) -> (i32)  : i32 {
            %mul3A_379 = arith.constant 16 : i32
            %mul3A_380 = arith.muli %scan3A_377, %mul3A_379 : i32
            %add3A_381 = arith.constant 640 : i32
            %add3A_382 = arith.addi %add3A_381, %mul3A_380 : i32
            %get3A = arith.index_cast %add3A_382 : i32 to index
            %get3A_383 = tpu.vector_load %run_scoped3A_1[%get3A] {strides = array<i32>} : memref<2048xi32, #tpu.memory_space<vmem>>, vector<16xi32>,
            %eq3A = arith.constant 0 : i32
            %eq3A_384 = vector.broadcast %eq3A : i32 to vector<16xi32>
            %eq3A_385 = arith.cmpi eq, %get3A_383, %eq3A_384 : vector<16xi32>
            %reduce_or3A = arith.constant 1.000000e+00 : f32
            %reduce_or3A_386 = arith.constant 0.000000e+00 : f32
            %reduce_or3A_387 = vector.broadcast %reduce_or3A : f32 to vector<16xf32>
            %reduce_or3A_388 = vector.broadcast %reduce_or3A_386 : f32 to vector<16xf32>
            %reduce_or3A_389 = arith.select %eq3A_385, %reduce_or3A_387, %reduce_or3A_388 : vector<16xi1>, vector<16xf32>
            %reduce_or3A_390 = arith.constant true
            %reduce_or3A_391 = vector.broadcast %reduce_or3A_390 : i1 to vector<16xi1>
            %reduce_or3A_392 = tpu.scan <max>, %reduce_or3A_389 masked %reduce_or3A_391 : vector<16xf32>, vector<16xi1> -> vector<16xf32>
            %reduce_or3A_393 = vector.extract %reduce_or3A_392[15] : f32 from vector<16xf32>
            %reduce_or3A_394 = arith.constant 0.000000e+00 : f32
            %reduce_or3A_395 = arith.cmpf ogt, %reduce_or3A_393, %reduce_or3A_394 : f32
            %convert_element_type3A_396 = arith.extui %reduce_or3A_395 : i1 to i32
            %cond3A_397 = arith.constant 0 : i32
            %cond3A_398 = arith.cmpi ne, %convert_element_type3A_396, %cond3A_397 : i32
            scf.if %cond3A_398 {
              %scan3A_400 = arith.constant 0 : i32
              %scan3A_401 = arith.constant 0 : i32
              %scan3A_402 = arith.constant 16 : i32
              %scan3A_403 = arith.addi %scan3A_401, %scan3A_402 : i32
              %scan3A_404 = arith.constant 1 : i32
              %scan3A_405 = scf.for %scan3A_407 = %scan3A_401 to %scan3A_403 step %scan3A_404 iter_args(%scan3A_408 = %scan3A_400) -> (i32)  : i32 {
                %eq3A_409 = vector.broadcast %scan3A_407 : i32 to vector<16xi32>
                %eq3A_410 = arith.cmpi eq, %iota3A, %eq3A_409 : vector<16xi32>
                %and3A = arith.andi %eq3A_410, %eq3A_385 : vector<16xi1>
                %reduce_or3A_411 = arith.constant 1.000000e+00 : f32
                %reduce_or3A_412 = arith.constant 0.000000e+00 : f32
                %reduce_or3A_413 = vector.broadcast %reduce_or3A_411 : f32 to vector<16xf32>
                %reduce_or3A_414 = vector.broadcast %reduce_or3A_412 : f32 to vector<16xf32>
                %reduce_or3A_415 = arith.select %and3A, %reduce_or3A_413, %reduce_or3A_414 : vector<16xi1>, vector<16xf32>
                %reduce_or3A_416 = arith.constant true
                %reduce_or3A_417 = vector.broadcast %reduce_or3A_416 : i1 to vector<16xi1>
                %reduce_or3A_418 = tpu.scan <max>, %reduce_or3A_415 masked %reduce_or3A_417 : vector<16xf32>, vector<16xi1> -> vector<16xf32>
                %reduce_or3A_419 = vector.extract %reduce_or3A_418[15] : f32 from vector<16xf32>
                %reduce_or3A_420 = arith.constant 0.000000e+00 : f32
                %reduce_or3A_421 = arith.cmpf ogt, %reduce_or3A_419, %reduce_or3A_420 : f32
                %convert_element_type3A_422 = arith.extui %reduce_or3A_421 : i1 to i32
                %cond3A_423 = arith.constant 0 : i32
                %cond3A_424 = arith.cmpi ne, %convert_element_type3A_422, %cond3A_423 : i32
                scf.if %cond3A_424 {
                  %broadcast_in_dim3A_426 = arith.constant 0.000000e+00 : f32
                  %broadcast_in_dim3A_427 = vector.broadcast %broadcast_in_dim3A_426 : f32 to vector<16xf32>
                  %mul3A_428 = arith.constant 16 : i32
                  %mul3A_429 = arith.muli %scan3A_377, %mul3A_428 : i32
                  %add3A_430 = arith.addi %mul3A_429, %scan3A_407 : i32
                  %swap3A_431 = arith.index_cast %add3A_430 : i32 to index
                  %swap3A_432 = arith.constant 0 : index
                  %swap3A_433 = tpu.vector_load %run_scoped3A_3[%swap3A_431, %swap3A_432] {strides = array<i32>} : memref<128x64xf32, #tpu.memory_space<vmem>>, vector<16xf32>,
                  tpu.vector_store %run_scoped3A_3[%swap3A_431, %swap3A_432], %broadcast_in_dim3A_427 {strides = array<i32>} : memref<128x64xf32, #tpu.memory_space<vmem>>, vector<16xf32>,
                  %swap3A_434 = arith.index_cast %add3A_430 : i32 to index
                  %swap3A_435 = arith.constant 16 : index
                  %swap3A_436 = tpu.vector_load %run_scoped3A_3[%swap3A_434, %swap3A_435] {strides = array<i32>} : memref<128x64xf32, #tpu.memory_space<vmem>>, vector<16xf32>,
                  tpu.vector_store %run_scoped3A_3[%swap3A_434, %swap3A_435], %broadcast_in_dim3A_427 {strides = array<i32>} : memref<128x64xf32, #tpu.memory_space<vmem>>, vector<16xf32>,
                  %swap3A_437 = arith.index_cast %add3A_430 : i32 to index
                  %swap3A_438 = arith.constant 32 : index
                  %swap3A_439 = tpu.vector_load %run_scoped3A_3[%swap3A_437, %swap3A_438] {strides = array<i32>} : memref<128x64xf32, #tpu.memory_space<vmem>>, vector<16xf32>,
                  tpu.vector_store %run_scoped3A_3[%swap3A_437, %swap3A_438], %broadcast_in_dim3A_427 {strides = array<i32>} : memref<128x64xf32, #tpu.memory_space<vmem>>, vector<16xf32>,
                  %swap3A_440 = arith.index_cast %add3A_430 : i32 to index
                  %swap3A_441 = arith.constant 48 : index
                  %swap3A_442 = tpu.vector_load %run_scoped3A_3[%swap3A_440, %swap3A_441] {strides = array<i32>} : memref<128x64xf32, #tpu.memory_space<vmem>>, vector<16xf32>,
                  tpu.vector_store %run_scoped3A_3[%swap3A_440, %swap3A_441], %broadcast_in_dim3A_427 {strides = array<i32>} : memref<128x64xf32, #tpu.memory_space<vmem>>, vector<16xf32>,
                } else {
                }
                %scan3A_425 = arith.constant 0 : i32
                scf.yield %scan3A_425 : i32
              }
              %scan3A_406 = arith.constant 16 : i32
            } else {
            }
            %scan3A_399 = arith.constant 0 : i32
            scf.yield %scan3A_399 : i32
          }
          %scan3A_167 = arith.constant 8 : i32
          %mul3A_168 = arith.constant 2000 : i32
          %mul3A_169 = arith.muli %add3A_16, %mul3A_168 : i32
          %add3A_170 = arith.constant 640 : i32
          %add3A_171 = arith.addi %mul3A_169, %add3A_170 : i32
          "tpu.region"() ({
            %run_scoped3A_377 = tpu.sem_alloc : memref<!tpu.dma_semaphore, #tpu.memory_space<semaphore_mem>>
            %dma_start3A_378 = arith.constant 0 : i32
            %dma_start3A_379 = arith.constant 0 : i32
            %dma_start3A_380 = tpu.memref_slice %run_scoped3A_3[%dma_start3A_378, %dma_start3A_379] : memref<128x64xf32, #tpu.memory_space<vmem>> -> memref<128x64xf32, #tpu.memory_space<vmem>>
            %dma_start3A_381 = arith.constant 0 : i32
            %dma_start3A_382 = tpu.memref_slice %arg4[%add3A_171, %dma_start3A_381] : memref<100000x64xf32, #tpu.memory_space<hbm>> -> memref<128x64xf32, #tpu.memory_space<hbm>>
            %dma_start3A_383 = arith.constant 0 : i32
            %dma_start3A_384 = tpu.memref_slice %arg4[%add3A_171, %dma_start3A_383] : memref<100000x64xf32, #tpu.memory_space<hbm>> -> memref<128x64xf32, #tpu.memory_space<hbm>>
            %dma_start3A_385 = arith.constant 0 : i32
            %dma_start3A_386 = arith.constant 0 : i32
            %dma_start3A_387 = tpu.memref_slice %run_scoped3A_3[%dma_start3A_385, %dma_start3A_386] : memref<128x64xf32, #tpu.memory_space<vmem>> -> memref<128x64xf32, #tpu.memory_space<vmem>>
            tpu.enqueue_dma source(%dma_start3A_387 : memref<128x64xf32, #tpu.memory_space<vmem>>) target(%dma_start3A_384 : memref<128x64xf32, #tpu.memory_space<hbm>>) target_semaphore(%run_scoped3A_377 : memref<!tpu.dma_semaphore, #tpu.memory_space<semaphore_mem>>)
            %dma_wait3A_388 = arith.constant 0 : i32
            %dma_wait3A_389 = arith.constant 0 : i32
            %dma_wait3A_390 = tpu.memref_slice %run_scoped3A_3[%dma_wait3A_388, %dma_wait3A_389] : memref<128x64xf32, #tpu.memory_space<vmem>> -> memref<128x64xf32, #tpu.memory_space<vmem>>
            %dma_wait3A_391 = arith.constant 0 : i32
            %dma_wait3A_392 = tpu.memref_slice %arg4[%add3A_171, %dma_wait3A_391] : memref<100000x64xf32, #tpu.memory_space<hbm>> -> memref<128x64xf32, #tpu.memory_space<hbm>>
            %dma_wait3A_393 = arith.constant 0 : i32
            %dma_wait3A_394 = tpu.memref_slice %arg4[%add3A_171, %dma_wait3A_393] : memref<100000x64xf32, #tpu.memory_space<hbm>> -> memref<128x64xf32, #tpu.memory_space<hbm>>
            %dma_wait3A_395 = arith.constant 0 : i32
            %dma_wait3A_396 = arith.constant 0 : i32
            %dma_wait3A_397 = tpu.memref_slice %run_scoped3A_3[%dma_wait3A_395, %dma_wait3A_396] : memref<128x64xf32, #tpu.memory_space<vmem>> -> memref<128x64xf32, #tpu.memory_space<vmem>>
            tpu.wait_dma2 semaphore(%run_scoped3A_377 : memref<!tpu.dma_semaphore, #tpu.memory_space<semaphore_mem>>) src(%dma_wait3A_397 : memref<128x64xf32, #tpu.memory_space<vmem>>) dst(%dma_wait3A_394 : memref<128x64xf32, #tpu.memory_space<hbm>>)
            tpu.yield
          }) : () -> ()
          %dma_start3A_172 = arith.constant 896 : i32
          %dma_start3A_173 = tpu.memref_slice %run_scoped3A[%dma_start3A_172] : memref<2048xi32, #tpu.memory_space<vmem>> -> memref<128xi32, #tpu.memory_space<vmem>>
          %dma_start3A_174 = arith.constant 0 : i32
          %dma_start3A_175 = arith.constant 0 : i32
          %dma_start3A_176 = tpu.memref_slice %arg2[%dma_start3A_174, %dma_start3A_175] : memref<1000000x64xf32, #tpu.memory_space<hbm>> -> memref<1000000x64xf32, #tpu.memory_space<hbm>>
          tpu.enqueue_indirect_dma source(%dma_start3A_176 : memref<1000000x64xf32, #tpu.memory_space<hbm>>) target(%run_scoped3A_3 : memref<128x64xf32, #tpu.memory_space<vmem>>) offsets(%dma_start3A_173 : memref<128xi32, #tpu.memory_space<vmem>>) semaphore(%arg6 : memref<!tpu.dma_semaphore, #tpu.memory_space<semaphore_mem>>)
          %dma_wait3A_177 = arith.constant 768 : i32
          %dma_wait3A_178 = tpu.memref_slice %run_scoped3A[%dma_wait3A_177] : memref<2048xi32, #tpu.memory_space<vmem>> -> memref<128xi32, #tpu.memory_space<vmem>>
          %dma_wait3A_179 = arith.constant 0 : i32
          %dma_wait3A_180 = arith.constant 0 : i32
          %dma_wait3A_181 = tpu.memref_slice %arg2[%dma_wait3A_179, %dma_wait3A_180] : memref<1000000x64xf32, #tpu.memory_space<hbm>> -> memref<1000000x64xf32, #tpu.memory_space<hbm>>
          tpu.wait_indirect_dma semaphore(%arg5 : memref<!tpu.dma_semaphore, #tpu.memory_space<semaphore_mem>>) src(%dma_wait3A_181 : memref<1000000x64xf32, #tpu.memory_space<hbm>>) dst(%run_scoped3A_2 : memref<128x64xf32, #tpu.memory_space<vmem>>)
          %scan3A_182 = arith.constant 0 : i32
          %scan3A_183 = arith.constant 0 : i32
          %scan3A_184 = arith.constant 8 : i32
          %scan3A_185 = arith.addi %scan3A_183, %scan3A_184 : i32
          %scan3A_186 = arith.constant 1 : i32
          %scan3A_187 = scf.for %scan3A_377 = %scan3A_183 to %scan3A_185 step %scan3A_186 iter_args(%scan3A_378 = %scan3A_182) -> (i32)  : i32 {
            %mul3A_379 = arith.constant 16 : i32
            %mul3A_380 = arith.muli %scan3A_377, %mul3A_379 : i32
            %add3A_381 = arith.constant 768 : i32
            %add3A_382 = arith.addi %add3A_381, %mul3A_380 : i32
            %get3A = arith.index_cast %add3A_382 : i32 to index
            %get3A_383 = tpu.vector_load %run_scoped3A_1[%get3A] {strides = array<i32>} : memref<2048xi32, #tpu.memory_space<vmem>>, vector<16xi32>,
            %eq3A = arith.constant 0 : i32
            %eq3A_384 = vector.broadcast %eq3A : i32 to vector<16xi32>
            %eq3A_385 = arith.cmpi eq, %get3A_383, %eq3A_384 : vector<16xi32>
            %reduce_or3A = arith.constant 1.000000e+00 : f32
            %reduce_or3A_386 = arith.constant 0.000000e+00 : f32
            %reduce_or3A_387 = vector.broadcast %reduce_or3A : f32 to vector<16xf32>
            %reduce_or3A_388 = vector.broadcast %reduce_or3A_386 : f32 to vector<16xf32>
            %reduce_or3A_389 = arith.select %eq3A_385, %reduce_or3A_387, %reduce_or3A_388 : vector<16xi1>, vector<16xf32>
            %reduce_or3A_390 = arith.constant true
            %reduce_or3A_391 = vector.broadcast %reduce_or3A_390 : i1 to vector<16xi1>
            %reduce_or3A_392 = tpu.scan <max>, %reduce_or3A_389 masked %reduce_or3A_391 : vector<16xf32>, vector<16xi1> -> vector<16xf32>
            %reduce_or3A_393 = vector.extract %reduce_or3A_392[15] : f32 from vector<16xf32>
            %reduce_or3A_394 = arith.constant 0.000000e+00 : f32
            %reduce_or3A_395 = arith.cmpf ogt, %reduce_or3A_393, %reduce_or3A_394 : f32
            %convert_element_type3A_396 = arith.extui %reduce_or3A_395 : i1 to i32
            %cond3A_397 = arith.constant 0 : i32
            %cond3A_398 = arith.cmpi ne, %convert_element_type3A_396, %cond3A_397 : i32
            scf.if %cond3A_398 {
              %scan3A_400 = arith.constant 0 : i32
              %scan3A_401 = arith.constant 0 : i32
              %scan3A_402 = arith.constant 16 : i32
              %scan3A_403 = arith.addi %scan3A_401, %scan3A_402 : i32
              %scan3A_404 = arith.constant 1 : i32
              %scan3A_405 = scf.for %scan3A_407 = %scan3A_401 to %scan3A_403 step %scan3A_404 iter_args(%scan3A_408 = %scan3A_400) -> (i32)  : i32 {
                %eq3A_409 = vector.broadcast %scan3A_407 : i32 to vector<16xi32>
                %eq3A_410 = arith.cmpi eq, %iota3A, %eq3A_409 : vector<16xi32>
                %and3A = arith.andi %eq3A_410, %eq3A_385 : vector<16xi1>
                %reduce_or3A_411 = arith.constant 1.000000e+00 : f32
                %reduce_or3A_412 = arith.constant 0.000000e+00 : f32
                %reduce_or3A_413 = vector.broadcast %reduce_or3A_411 : f32 to vector<16xf32>
                %reduce_or3A_414 = vector.broadcast %reduce_or3A_412 : f32 to vector<16xf32>
                %reduce_or3A_415 = arith.select %and3A, %reduce_or3A_413, %reduce_or3A_414 : vector<16xi1>, vector<16xf32>
                %reduce_or3A_416 = arith.constant true
                %reduce_or3A_417 = vector.broadcast %reduce_or3A_416 : i1 to vector<16xi1>
                %reduce_or3A_418 = tpu.scan <max>, %reduce_or3A_415 masked %reduce_or3A_417 : vector<16xf32>, vector<16xi1> -> vector<16xf32>
                %reduce_or3A_419 = vector.extract %reduce_or3A_418[15] : f32 from vector<16xf32>
                %reduce_or3A_420 = arith.constant 0.000000e+00 : f32
                %reduce_or3A_421 = arith.cmpf ogt, %reduce_or3A_419, %reduce_or3A_420 : f32
                %convert_element_type3A_422 = arith.extui %reduce_or3A_421 : i1 to i32
                %cond3A_423 = arith.constant 0 : i32
                %cond3A_424 = arith.cmpi ne, %convert_element_type3A_422, %cond3A_423 : i32
                scf.if %cond3A_424 {
                  %broadcast_in_dim3A_426 = arith.constant 0.000000e+00 : f32
                  %broadcast_in_dim3A_427 = vector.broadcast %broadcast_in_dim3A_426 : f32 to vector<16xf32>
                  %mul3A_428 = arith.constant 16 : i32
                  %mul3A_429 = arith.muli %scan3A_377, %mul3A_428 : i32
                  %add3A_430 = arith.addi %mul3A_429, %scan3A_407 : i32
                  %swap3A_431 = arith.index_cast %add3A_430 : i32 to index
                  %swap3A_432 = arith.constant 0 : index
                  %swap3A_433 = tpu.vector_load %run_scoped3A_2[%swap3A_431, %swap3A_432] {strides = array<i32>} : memref<128x64xf32, #tpu.memory_space<vmem>>, vector<16xf32>,
                  tpu.vector_store %run_scoped3A_2[%swap3A_431, %swap3A_432], %broadcast_in_dim3A_427 {strides = array<i32>} : memref<128x64xf32, #tpu.memory_space<vmem>>, vector<16xf32>,
                  %swap3A_434 = arith.index_cast %add3A_430 : i32 to index
                  %swap3A_435 = arith.constant 16 : index
                  %swap3A_436 = tpu.vector_load %run_scoped3A_2[%swap3A_434, %swap3A_435] {strides = array<i32>} : memref<128x64xf32, #tpu.memory_space<vmem>>, vector<16xf32>,
                  tpu.vector_store %run_scoped3A_2[%swap3A_434, %swap3A_435], %broadcast_in_dim3A_427 {strides = array<i32>} : memref<128x64xf32, #tpu.memory_space<vmem>>, vector<16xf32>,
                  %swap3A_437 = arith.index_cast %add3A_430 : i32 to index
                  %swap3A_438 = arith.constant 32 : index
                  %swap3A_439 = tpu.vector_load %run_scoped3A_2[%swap3A_437, %swap3A_438] {strides = array<i32>} : memref<128x64xf32, #tpu.memory_space<vmem>>, vector<16xf32>,
                  tpu.vector_store %run_scoped3A_2[%swap3A_437, %swap3A_438], %broadcast_in_dim3A_427 {strides = array<i32>} : memref<128x64xf32, #tpu.memory_space<vmem>>, vector<16xf32>,
                  %swap3A_440 = arith.index_cast %add3A_430 : i32 to index
                  %swap3A_441 = arith.constant 48 : index
                  %swap3A_442 = tpu.vector_load %run_scoped3A_2[%swap3A_440, %swap3A_441] {strides = array<i32>} : memref<128x64xf32, #tpu.memory_space<vmem>>, vector<16xf32>,
                  tpu.vector_store %run_scoped3A_2[%swap3A_440, %swap3A_441], %broadcast_in_dim3A_427 {strides = array<i32>} : memref<128x64xf32, #tpu.memory_space<vmem>>, vector<16xf32>,
                } else {
                }
                %scan3A_425 = arith.constant 0 : i32
                scf.yield %scan3A_425 : i32
              }
              %scan3A_406 = arith.constant 16 : i32
            } else {
            }
            %scan3A_399 = arith.constant 0 : i32
            scf.yield %scan3A_399 : i32
          }
          %scan3A_188 = arith.constant 8 : i32
          %mul3A_189 = arith.constant 2000 : i32
          %mul3A_190 = arith.muli %add3A_16, %mul3A_189 : i32
          %add3A_191 = arith.constant 768 : i32
          %add3A_192 = arith.addi %mul3A_190, %add3A_191 : i32
          "tpu.region"() ({
            %run_scoped3A_377 = tpu.sem_alloc : memref<!tpu.dma_semaphore, #tpu.memory_space<semaphore_mem>>
            %dma_start3A_378 = arith.constant 0 : i32
            %dma_start3A_379 = arith.constant 0 : i32
            %dma_start3A_380 = tpu.memref_slice %run_scoped3A_2[%dma_start3A_378, %dma_start3A_379] : memref<128x64xf32, #tpu.memory_space<vmem>> -> memref<128x64xf32, #tpu.memory_space<vmem>>
            %dma_start3A_381 = arith.constant 0 : i32
            %dma_start3A_382 = tpu.memref_slice %arg4[%add3A_192, %dma_start3A_381] : memref<100000x64xf32, #tpu.memory_space<hbm>> -> memref<128x64xf32, #tpu.memory_space<hbm>>
            %dma_start3A_383 = arith.constant 0 : i32
            %dma_start3A_384 = tpu.memref_slice %arg4[%add3A_192, %dma_start3A_383] : memref<100000x64xf32, #tpu.memory_space<hbm>> -> memref<128x64xf32, #tpu.memory_space<hbm>>
            %dma_start3A_385 = arith.constant 0 : i32
            %dma_start3A_386 = arith.constant 0 : i32
            %dma_start3A_387 = tpu.memref_slice %run_scoped3A_2[%dma_start3A_385, %dma_start3A_386] : memref<128x64xf32, #tpu.memory_space<vmem>> -> memref<128x64xf32, #tpu.memory_space<vmem>>
            tpu.enqueue_dma source(%dma_start3A_387 : memref<128x64xf32, #tpu.memory_space<vmem>>) target(%dma_start3A_384 : memref<128x64xf32, #tpu.memory_space<hbm>>) target_semaphore(%run_scoped3A_377 : memref<!tpu.dma_semaphore, #tpu.memory_space<semaphore_mem>>)
            %dma_wait3A_388 = arith.constant 0 : i32
            %dma_wait3A_389 = arith.constant 0 : i32
            %dma_wait3A_390 = tpu.memref_slice %run_scoped3A_2[%dma_wait3A_388, %dma_wait3A_389] : memref<128x64xf32, #tpu.memory_space<vmem>> -> memref<128x64xf32, #tpu.memory_space<vmem>>
            %dma_wait3A_391 = arith.constant 0 : i32
            %dma_wait3A_392 = tpu.memref_slice %arg4[%add3A_192, %dma_wait3A_391] : memref<100000x64xf32, #tpu.memory_space<hbm>> -> memref<128x64xf32, #tpu.memory_space<hbm>>
            %dma_wait3A_393 = arith.constant 0 : i32
            %dma_wait3A_394 = tpu.memref_slice %arg4[%add3A_192, %dma_wait3A_393] : memref<100000x64xf32, #tpu.memory_space<hbm>> -> memref<128x64xf32, #tpu.memory_space<hbm>>
            %dma_wait3A_395 = arith.constant 0 : i32
            %dma_wait3A_396 = arith.constant 0 : i32
            %dma_wait3A_397 = tpu.memref_slice %run_scoped3A_2[%dma_wait3A_395, %dma_wait3A_396] : memref<128x64xf32, #tpu.memory_space<vmem>> -> memref<128x64xf32, #tpu.memory_space<vmem>>
            tpu.wait_dma2 semaphore(%run_scoped3A_377 : memref<!tpu.dma_semaphore, #tpu.memory_space<semaphore_mem>>) src(%dma_wait3A_397 : memref<128x64xf32, #tpu.memory_space<vmem>>) dst(%dma_wait3A_394 : memref<128x64xf32, #tpu.memory_space<hbm>>)
            tpu.yield
          }) : () -> ()
          %dma_start3A_193 = arith.constant 1024 : i32
          %dma_start3A_194 = tpu.memref_slice %run_scoped3A[%dma_start3A_193] : memref<2048xi32, #tpu.memory_space<vmem>> -> memref<128xi32, #tpu.memory_space<vmem>>
          %dma_start3A_195 = arith.constant 0 : i32
          %dma_start3A_196 = arith.constant 0 : i32
          %dma_start3A_197 = tpu.memref_slice %arg2[%dma_start3A_195, %dma_start3A_196] : memref<1000000x64xf32, #tpu.memory_space<hbm>> -> memref<1000000x64xf32, #tpu.memory_space<hbm>>
          tpu.enqueue_indirect_dma source(%dma_start3A_197 : memref<1000000x64xf32, #tpu.memory_space<hbm>>) target(%run_scoped3A_2 : memref<128x64xf32, #tpu.memory_space<vmem>>) offsets(%dma_start3A_194 : memref<128xi32, #tpu.memory_space<vmem>>) semaphore(%arg5 : memref<!tpu.dma_semaphore, #tpu.memory_space<semaphore_mem>>)
          %dma_wait3A_198 = arith.constant 896 : i32
          %dma_wait3A_199 = tpu.memref_slice %run_scoped3A[%dma_wait3A_198] : memref<2048xi32, #tpu.memory_space<vmem>> -> memref<128xi32, #tpu.memory_space<vmem>>
          %dma_wait3A_200 = arith.constant 0 : i32
          %dma_wait3A_201 = arith.constant 0 : i32
          %dma_wait3A_202 = tpu.memref_slice %arg2[%dma_wait3A_200, %dma_wait3A_201] : memref<1000000x64xf32, #tpu.memory_space<hbm>> -> memref<1000000x64xf32, #tpu.memory_space<hbm>>
          tpu.wait_indirect_dma semaphore(%arg6 : memref<!tpu.dma_semaphore, #tpu.memory_space<semaphore_mem>>) src(%dma_wait3A_202 : memref<1000000x64xf32, #tpu.memory_space<hbm>>) dst(%run_scoped3A_3 : memref<128x64xf32, #tpu.memory_space<vmem>>)
          %scan3A_203 = arith.constant 0 : i32
          %scan3A_204 = arith.constant 0 : i32
          %scan3A_205 = arith.constant 8 : i32
          %scan3A_206 = arith.addi %scan3A_204, %scan3A_205 : i32
          %scan3A_207 = arith.constant 1 : i32
          %scan3A_208 = scf.for %scan3A_377 = %scan3A_204 to %scan3A_206 step %scan3A_207 iter_args(%scan3A_378 = %scan3A_203) -> (i32)  : i32 {
            %mul3A_379 = arith.constant 16 : i32
            %mul3A_380 = arith.muli %scan3A_377, %mul3A_379 : i32
            %add3A_381 = arith.constant 896 : i32
            %add3A_382 = arith.addi %add3A_381, %mul3A_380 : i32
            %get3A = arith.index_cast %add3A_382 : i32 to index
            %get3A_383 = tpu.vector_load %run_scoped3A_1[%get3A] {strides = array<i32>} : memref<2048xi32, #tpu.memory_space<vmem>>, vector<16xi32>,
            %eq3A = arith.constant 0 : i32
            %eq3A_384 = vector.broadcast %eq3A : i32 to vector<16xi32>
            %eq3A_385 = arith.cmpi eq, %get3A_383, %eq3A_384 : vector<16xi32>
            %reduce_or3A = arith.constant 1.000000e+00 : f32
            %reduce_or3A_386 = arith.constant 0.000000e+00 : f32
            %reduce_or3A_387 = vector.broadcast %reduce_or3A : f32 to vector<16xf32>
            %reduce_or3A_388 = vector.broadcast %reduce_or3A_386 : f32 to vector<16xf32>
            %reduce_or3A_389 = arith.select %eq3A_385, %reduce_or3A_387, %reduce_or3A_388 : vector<16xi1>, vector<16xf32>
            %reduce_or3A_390 = arith.constant true
            %reduce_or3A_391 = vector.broadcast %reduce_or3A_390 : i1 to vector<16xi1>
            %reduce_or3A_392 = tpu.scan <max>, %reduce_or3A_389 masked %reduce_or3A_391 : vector<16xf32>, vector<16xi1> -> vector<16xf32>
            %reduce_or3A_393 = vector.extract %reduce_or3A_392[15] : f32 from vector<16xf32>
            %reduce_or3A_394 = arith.constant 0.000000e+00 : f32
            %reduce_or3A_395 = arith.cmpf ogt, %reduce_or3A_393, %reduce_or3A_394 : f32
            %convert_element_type3A_396 = arith.extui %reduce_or3A_395 : i1 to i32
            %cond3A_397 = arith.constant 0 : i32
            %cond3A_398 = arith.cmpi ne, %convert_element_type3A_396, %cond3A_397 : i32
            scf.if %cond3A_398 {
              %scan3A_400 = arith.constant 0 : i32
              %scan3A_401 = arith.constant 0 : i32
              %scan3A_402 = arith.constant 16 : i32
              %scan3A_403 = arith.addi %scan3A_401, %scan3A_402 : i32
              %scan3A_404 = arith.constant 1 : i32
              %scan3A_405 = scf.for %scan3A_407 = %scan3A_401 to %scan3A_403 step %scan3A_404 iter_args(%scan3A_408 = %scan3A_400) -> (i32)  : i32 {
                %eq3A_409 = vector.broadcast %scan3A_407 : i32 to vector<16xi32>
                %eq3A_410 = arith.cmpi eq, %iota3A, %eq3A_409 : vector<16xi32>
                %and3A = arith.andi %eq3A_410, %eq3A_385 : vector<16xi1>
                %reduce_or3A_411 = arith.constant 1.000000e+00 : f32
                %reduce_or3A_412 = arith.constant 0.000000e+00 : f32
                %reduce_or3A_413 = vector.broadcast %reduce_or3A_411 : f32 to vector<16xf32>
                %reduce_or3A_414 = vector.broadcast %reduce_or3A_412 : f32 to vector<16xf32>
                %reduce_or3A_415 = arith.select %and3A, %reduce_or3A_413, %reduce_or3A_414 : vector<16xi1>, vector<16xf32>
                %reduce_or3A_416 = arith.constant true
                %reduce_or3A_417 = vector.broadcast %reduce_or3A_416 : i1 to vector<16xi1>
                %reduce_or3A_418 = tpu.scan <max>, %reduce_or3A_415 masked %reduce_or3A_417 : vector<16xf32>, vector<16xi1> -> vector<16xf32>
                %reduce_or3A_419 = vector.extract %reduce_or3A_418[15] : f32 from vector<16xf32>
                %reduce_or3A_420 = arith.constant 0.000000e+00 : f32
                %reduce_or3A_421 = arith.cmpf ogt, %reduce_or3A_419, %reduce_or3A_420 : f32
                %convert_element_type3A_422 = arith.extui %reduce_or3A_421 : i1 to i32
                %cond3A_423 = arith.constant 0 : i32
                %cond3A_424 = arith.cmpi ne, %convert_element_type3A_422, %cond3A_423 : i32
                scf.if %cond3A_424 {
                  %broadcast_in_dim3A_426 = arith.constant 0.000000e+00 : f32
                  %broadcast_in_dim3A_427 = vector.broadcast %broadcast_in_dim3A_426 : f32 to vector<16xf32>
                  %mul3A_428 = arith.constant 16 : i32
                  %mul3A_429 = arith.muli %scan3A_377, %mul3A_428 : i32
                  %add3A_430 = arith.addi %mul3A_429, %scan3A_407 : i32
                  %swap3A_431 = arith.index_cast %add3A_430 : i32 to index
                  %swap3A_432 = arith.constant 0 : index
                  %swap3A_433 = tpu.vector_load %run_scoped3A_3[%swap3A_431, %swap3A_432] {strides = array<i32>} : memref<128x64xf32, #tpu.memory_space<vmem>>, vector<16xf32>,
                  tpu.vector_store %run_scoped3A_3[%swap3A_431, %swap3A_432], %broadcast_in_dim3A_427 {strides = array<i32>} : memref<128x64xf32, #tpu.memory_space<vmem>>, vector<16xf32>,
                  %swap3A_434 = arith.index_cast %add3A_430 : i32 to index
                  %swap3A_435 = arith.constant 16 : index
                  %swap3A_436 = tpu.vector_load %run_scoped3A_3[%swap3A_434, %swap3A_435] {strides = array<i32>} : memref<128x64xf32, #tpu.memory_space<vmem>>, vector<16xf32>,
                  tpu.vector_store %run_scoped3A_3[%swap3A_434, %swap3A_435], %broadcast_in_dim3A_427 {strides = array<i32>} : memref<128x64xf32, #tpu.memory_space<vmem>>, vector<16xf32>,
                  %swap3A_437 = arith.index_cast %add3A_430 : i32 to index
                  %swap3A_438 = arith.constant 32 : index
                  %swap3A_439 = tpu.vector_load %run_scoped3A_3[%swap3A_437, %swap3A_438] {strides = array<i32>} : memref<128x64xf32, #tpu.memory_space<vmem>>, vector<16xf32>,
                  tpu.vector_store %run_scoped3A_3[%swap3A_437, %swap3A_438], %broadcast_in_dim3A_427 {strides = array<i32>} : memref<128x64xf32, #tpu.memory_space<vmem>>, vector<16xf32>,
                  %swap3A_440 = arith.index_cast %add3A_430 : i32 to index
                  %swap3A_441 = arith.constant 48 : index
                  %swap3A_442 = tpu.vector_load %run_scoped3A_3[%swap3A_440, %swap3A_441] {strides = array<i32>} : memref<128x64xf32, #tpu.memory_space<vmem>>, vector<16xf32>,
                  tpu.vector_store %run_scoped3A_3[%swap3A_440, %swap3A_441], %broadcast_in_dim3A_427 {strides = array<i32>} : memref<128x64xf32, #tpu.memory_space<vmem>>, vector<16xf32>,
                } else {
                }
                %scan3A_425 = arith.constant 0 : i32
                scf.yield %scan3A_425 : i32
              }
              %scan3A_406 = arith.constant 16 : i32
            } else {
            }
            %scan3A_399 = arith.constant 0 : i32
            scf.yield %scan3A_399 : i32
          }
          %scan3A_209 = arith.constant 8 : i32
          %mul3A_210 = arith.constant 2000 : i32
          %mul3A_211 = arith.muli %add3A_16, %mul3A_210 : i32
          %add3A_212 = arith.constant 896 : i32
          %add3A_213 = arith.addi %mul3A_211, %add3A_212 : i32
          "tpu.region"() ({
            %run_scoped3A_377 = tpu.sem_alloc : memref<!tpu.dma_semaphore, #tpu.memory_space<semaphore_mem>>
            %dma_start3A_378 = arith.constant 0 : i32
            %dma_start3A_379 = arith.constant 0 : i32
            %dma_start3A_380 = tpu.memref_slice %run_scoped3A_3[%dma_start3A_378, %dma_start3A_379] : memref<128x64xf32, #tpu.memory_space<vmem>> -> memref<128x64xf32, #tpu.memory_space<vmem>>
            %dma_start3A_381 = arith.constant 0 : i32
            %dma_start3A_382 = tpu.memref_slice %arg4[%add3A_213, %dma_start3A_381] : memref<100000x64xf32, #tpu.memory_space<hbm>> -> memref<128x64xf32, #tpu.memory_space<hbm>>
            %dma_start3A_383 = arith.constant 0 : i32
            %dma_start3A_384 = tpu.memref_slice %arg4[%add3A_213, %dma_start3A_383] : memref<100000x64xf32, #tpu.memory_space<hbm>> -> memref<128x64xf32, #tpu.memory_space<hbm>>
            %dma_start3A_385 = arith.constant 0 : i32
            %dma_start3A_386 = arith.constant 0 : i32
            %dma_start3A_387 = tpu.memref_slice %run_scoped3A_3[%dma_start3A_385, %dma_start3A_386] : memref<128x64xf32, #tpu.memory_space<vmem>> -> memref<128x64xf32, #tpu.memory_space<vmem>>
            tpu.enqueue_dma source(%dma_start3A_387 : memref<128x64xf32, #tpu.memory_space<vmem>>) target(%dma_start3A_384 : memref<128x64xf32, #tpu.memory_space<hbm>>) target_semaphore(%run_scoped3A_377 : memref<!tpu.dma_semaphore, #tpu.memory_space<semaphore_mem>>)
            %dma_wait3A_388 = arith.constant 0 : i32
            %dma_wait3A_389 = arith.constant 0 : i32
            %dma_wait3A_390 = tpu.memref_slice %run_scoped3A_3[%dma_wait3A_388, %dma_wait3A_389] : memref<128x64xf32, #tpu.memory_space<vmem>> -> memref<128x64xf32, #tpu.memory_space<vmem>>
            %dma_wait3A_391 = arith.constant 0 : i32
            %dma_wait3A_392 = tpu.memref_slice %arg4[%add3A_213, %dma_wait3A_391] : memref<100000x64xf32, #tpu.memory_space<hbm>> -> memref<128x64xf32, #tpu.memory_space<hbm>>
            %dma_wait3A_393 = arith.constant 0 : i32
            %dma_wait3A_394 = tpu.memref_slice %arg4[%add3A_213, %dma_wait3A_393] : memref<100000x64xf32, #tpu.memory_space<hbm>> -> memref<128x64xf32, #tpu.memory_space<hbm>>
            %dma_wait3A_395 = arith.constant 0 : i32
            %dma_wait3A_396 = arith.constant 0 : i32
            %dma_wait3A_397 = tpu.memref_slice %run_scoped3A_3[%dma_wait3A_395, %dma_wait3A_396] : memref<128x64xf32, #tpu.memory_space<vmem>> -> memref<128x64xf32, #tpu.memory_space<vmem>>
            tpu.wait_dma2 semaphore(%run_scoped3A_377 : memref<!tpu.dma_semaphore, #tpu.memory_space<semaphore_mem>>) src(%dma_wait3A_397 : memref<128x64xf32, #tpu.memory_space<vmem>>) dst(%dma_wait3A_394 : memref<128x64xf32, #tpu.memory_space<hbm>>)
            tpu.yield
          }) : () -> ()
          %dma_start3A_214 = arith.constant 1152 : i32
          %dma_start3A_215 = tpu.memref_slice %run_scoped3A[%dma_start3A_214] : memref<2048xi32, #tpu.memory_space<vmem>> -> memref<128xi32, #tpu.memory_space<vmem>>
          %dma_start3A_216 = arith.constant 0 : i32
          %dma_start3A_217 = arith.constant 0 : i32
          %dma_start3A_218 = tpu.memref_slice %arg2[%dma_start3A_216, %dma_start3A_217] : memref<1000000x64xf32, #tpu.memory_space<hbm>> -> memref<1000000x64xf32, #tpu.memory_space<hbm>>
          tpu.enqueue_indirect_dma source(%dma_start3A_218 : memref<1000000x64xf32, #tpu.memory_space<hbm>>) target(%run_scoped3A_3 : memref<128x64xf32, #tpu.memory_space<vmem>>) offsets(%dma_start3A_215 : memref<128xi32, #tpu.memory_space<vmem>>) semaphore(%arg6 : memref<!tpu.dma_semaphore, #tpu.memory_space<semaphore_mem>>)
          %dma_wait3A_219 = arith.constant 1024 : i32
          %dma_wait3A_220 = tpu.memref_slice %run_scoped3A[%dma_wait3A_219] : memref<2048xi32, #tpu.memory_space<vmem>> -> memref<128xi32, #tpu.memory_space<vmem>>
          %dma_wait3A_221 = arith.constant 0 : i32
          %dma_wait3A_222 = arith.constant 0 : i32
          %dma_wait3A_223 = tpu.memref_slice %arg2[%dma_wait3A_221, %dma_wait3A_222] : memref<1000000x64xf32, #tpu.memory_space<hbm>> -> memref<1000000x64xf32, #tpu.memory_space<hbm>>
          tpu.wait_indirect_dma semaphore(%arg5 : memref<!tpu.dma_semaphore, #tpu.memory_space<semaphore_mem>>) src(%dma_wait3A_223 : memref<1000000x64xf32, #tpu.memory_space<hbm>>) dst(%run_scoped3A_2 : memref<128x64xf32, #tpu.memory_space<vmem>>)
          %scan3A_224 = arith.constant 0 : i32
          %scan3A_225 = arith.constant 0 : i32
          %scan3A_226 = arith.constant 8 : i32
          %scan3A_227 = arith.addi %scan3A_225, %scan3A_226 : i32
          %scan3A_228 = arith.constant 1 : i32
          %scan3A_229 = scf.for %scan3A_377 = %scan3A_225 to %scan3A_227 step %scan3A_228 iter_args(%scan3A_378 = %scan3A_224) -> (i32)  : i32 {
            %mul3A_379 = arith.constant 16 : i32
            %mul3A_380 = arith.muli %scan3A_377, %mul3A_379 : i32
            %add3A_381 = arith.constant 1024 : i32
            %add3A_382 = arith.addi %add3A_381, %mul3A_380 : i32
            %get3A = arith.index_cast %add3A_382 : i32 to index
            %get3A_383 = tpu.vector_load %run_scoped3A_1[%get3A] {strides = array<i32>} : memref<2048xi32, #tpu.memory_space<vmem>>, vector<16xi32>,
            %eq3A = arith.constant 0 : i32
            %eq3A_384 = vector.broadcast %eq3A : i32 to vector<16xi32>
            %eq3A_385 = arith.cmpi eq, %get3A_383, %eq3A_384 : vector<16xi32>
            %reduce_or3A = arith.constant 1.000000e+00 : f32
            %reduce_or3A_386 = arith.constant 0.000000e+00 : f32
            %reduce_or3A_387 = vector.broadcast %reduce_or3A : f32 to vector<16xf32>
            %reduce_or3A_388 = vector.broadcast %reduce_or3A_386 : f32 to vector<16xf32>
            %reduce_or3A_389 = arith.select %eq3A_385, %reduce_or3A_387, %reduce_or3A_388 : vector<16xi1>, vector<16xf32>
            %reduce_or3A_390 = arith.constant true
            %reduce_or3A_391 = vector.broadcast %reduce_or3A_390 : i1 to vector<16xi1>
            %reduce_or3A_392 = tpu.scan <max>, %reduce_or3A_389 masked %reduce_or3A_391 : vector<16xf32>, vector<16xi1> -> vector<16xf32>
            %reduce_or3A_393 = vector.extract %reduce_or3A_392[15] : f32 from vector<16xf32>
            %reduce_or3A_394 = arith.constant 0.000000e+00 : f32
            %reduce_or3A_395 = arith.cmpf ogt, %reduce_or3A_393, %reduce_or3A_394 : f32
            %convert_element_type3A_396 = arith.extui %reduce_or3A_395 : i1 to i32
            %cond3A_397 = arith.constant 0 : i32
            %cond3A_398 = arith.cmpi ne, %convert_element_type3A_396, %cond3A_397 : i32
            scf.if %cond3A_398 {
              %scan3A_400 = arith.constant 0 : i32
              %scan3A_401 = arith.constant 0 : i32
              %scan3A_402 = arith.constant 16 : i32
              %scan3A_403 = arith.addi %scan3A_401, %scan3A_402 : i32
              %scan3A_404 = arith.constant 1 : i32
              %scan3A_405 = scf.for %scan3A_407 = %scan3A_401 to %scan3A_403 step %scan3A_404 iter_args(%scan3A_408 = %scan3A_400) -> (i32)  : i32 {
                %eq3A_409 = vector.broadcast %scan3A_407 : i32 to vector<16xi32>
                %eq3A_410 = arith.cmpi eq, %iota3A, %eq3A_409 : vector<16xi32>
                %and3A = arith.andi %eq3A_410, %eq3A_385 : vector<16xi1>
                %reduce_or3A_411 = arith.constant 1.000000e+00 : f32
                %reduce_or3A_412 = arith.constant 0.000000e+00 : f32
                %reduce_or3A_413 = vector.broadcast %reduce_or3A_411 : f32 to vector<16xf32>
                %reduce_or3A_414 = vector.broadcast %reduce_or3A_412 : f32 to vector<16xf32>
                %reduce_or3A_415 = arith.select %and3A, %reduce_or3A_413, %reduce_or3A_414 : vector<16xi1>, vector<16xf32>
                %reduce_or3A_416 = arith.constant true
                %reduce_or3A_417 = vector.broadcast %reduce_or3A_416 : i1 to vector<16xi1>
                %reduce_or3A_418 = tpu.scan <max>, %reduce_or3A_415 masked %reduce_or3A_417 : vector<16xf32>, vector<16xi1> -> vector<16xf32>
                %reduce_or3A_419 = vector.extract %reduce_or3A_418[15] : f32 from vector<16xf32>
                %reduce_or3A_420 = arith.constant 0.000000e+00 : f32
                %reduce_or3A_421 = arith.cmpf ogt, %reduce_or3A_419, %reduce_or3A_420 : f32
                %convert_element_type3A_422 = arith.extui %reduce_or3A_421 : i1 to i32
                %cond3A_423 = arith.constant 0 : i32
                %cond3A_424 = arith.cmpi ne, %convert_element_type3A_422, %cond3A_423 : i32
                scf.if %cond3A_424 {
                  %broadcast_in_dim3A_426 = arith.constant 0.000000e+00 : f32
                  %broadcast_in_dim3A_427 = vector.broadcast %broadcast_in_dim3A_426 : f32 to vector<16xf32>
                  %mul3A_428 = arith.constant 16 : i32
                  %mul3A_429 = arith.muli %scan3A_377, %mul3A_428 : i32
                  %add3A_430 = arith.addi %mul3A_429, %scan3A_407 : i32
                  %swap3A_431 = arith.index_cast %add3A_430 : i32 to index
                  %swap3A_432 = arith.constant 0 : index
                  %swap3A_433 = tpu.vector_load %run_scoped3A_2[%swap3A_431, %swap3A_432] {strides = array<i32>} : memref<128x64xf32, #tpu.memory_space<vmem>>, vector<16xf32>,
                  tpu.vector_store %run_scoped3A_2[%swap3A_431, %swap3A_432], %broadcast_in_dim3A_427 {strides = array<i32>} : memref<128x64xf32, #tpu.memory_space<vmem>>, vector<16xf32>,
                  %swap3A_434 = arith.index_cast %add3A_430 : i32 to index
                  %swap3A_435 = arith.constant 16 : index
                  %swap3A_436 = tpu.vector_load %run_scoped3A_2[%swap3A_434, %swap3A_435] {strides = array<i32>} : memref<128x64xf32, #tpu.memory_space<vmem>>, vector<16xf32>,
                  tpu.vector_store %run_scoped3A_2[%swap3A_434, %swap3A_435], %broadcast_in_dim3A_427 {strides = array<i32>} : memref<128x64xf32, #tpu.memory_space<vmem>>, vector<16xf32>,
                  %swap3A_437 = arith.index_cast %add3A_430 : i32 to index
                  %swap3A_438 = arith.constant 32 : index
                  %swap3A_439 = tpu.vector_load %run_scoped3A_2[%swap3A_437, %swap3A_438] {strides = array<i32>} : memref<128x64xf32, #tpu.memory_space<vmem>>, vector<16xf32>,
                  tpu.vector_store %run_scoped3A_2[%swap3A_437, %swap3A_438], %broadcast_in_dim3A_427 {strides = array<i32>} : memref<128x64xf32, #tpu.memory_space<vmem>>, vector<16xf32>,
                  %swap3A_440 = arith.index_cast %add3A_430 : i32 to index
                  %swap3A_441 = arith.constant 48 : index
                  %swap3A_442 = tpu.vector_load %run_scoped3A_2[%swap3A_440, %swap3A_441] {strides = array<i32>} : memref<128x64xf32, #tpu.memory_space<vmem>>, vector<16xf32>,
                  tpu.vector_store %run_scoped3A_2[%swap3A_440, %swap3A_441], %broadcast_in_dim3A_427 {strides = array<i32>} : memref<128x64xf32, #tpu.memory_space<vmem>>, vector<16xf32>,
                } else {
                }
                %scan3A_425 = arith.constant 0 : i32
                scf.yield %scan3A_425 : i32
              }
              %scan3A_406 = arith.constant 16 : i32
            } else {
            }
            %scan3A_399 = arith.constant 0 : i32
            scf.yield %scan3A_399 : i32
          }
          %scan3A_230 = arith.constant 8 : i32
          %mul3A_231 = arith.constant 2000 : i32
          %mul3A_232 = arith.muli %add3A_16, %mul3A_231 : i32
          %add3A_233 = arith.constant 1024 : i32
          %add3A_234 = arith.addi %mul3A_232, %add3A_233 : i32
          "tpu.region"() ({
            %run_scoped3A_377 = tpu.sem_alloc : memref<!tpu.dma_semaphore, #tpu.memory_space<semaphore_mem>>
            %dma_start3A_378 = arith.constant 0 : i32
            %dma_start3A_379 = arith.constant 0 : i32
            %dma_start3A_380 = tpu.memref_slice %run_scoped3A_2[%dma_start3A_378, %dma_start3A_379] : memref<128x64xf32, #tpu.memory_space<vmem>> -> memref<128x64xf32, #tpu.memory_space<vmem>>
            %dma_start3A_381 = arith.constant 0 : i32
            %dma_start3A_382 = tpu.memref_slice %arg4[%add3A_234, %dma_start3A_381] : memref<100000x64xf32, #tpu.memory_space<hbm>> -> memref<128x64xf32, #tpu.memory_space<hbm>>
            %dma_start3A_383 = arith.constant 0 : i32
            %dma_start3A_384 = tpu.memref_slice %arg4[%add3A_234, %dma_start3A_383] : memref<100000x64xf32, #tpu.memory_space<hbm>> -> memref<128x64xf32, #tpu.memory_space<hbm>>
            %dma_start3A_385 = arith.constant 0 : i32
            %dma_start3A_386 = arith.constant 0 : i32
            %dma_start3A_387 = tpu.memref_slice %run_scoped3A_2[%dma_start3A_385, %dma_start3A_386] : memref<128x64xf32, #tpu.memory_space<vmem>> -> memref<128x64xf32, #tpu.memory_space<vmem>>
            tpu.enqueue_dma source(%dma_start3A_387 : memref<128x64xf32, #tpu.memory_space<vmem>>) target(%dma_start3A_384 : memref<128x64xf32, #tpu.memory_space<hbm>>) target_semaphore(%run_scoped3A_377 : memref<!tpu.dma_semaphore, #tpu.memory_space<semaphore_mem>>)
            %dma_wait3A_388 = arith.constant 0 : i32
            %dma_wait3A_389 = arith.constant 0 : i32
            %dma_wait3A_390 = tpu.memref_slice %run_scoped3A_2[%dma_wait3A_388, %dma_wait3A_389] : memref<128x64xf32, #tpu.memory_space<vmem>> -> memref<128x64xf32, #tpu.memory_space<vmem>>
            %dma_wait3A_391 = arith.constant 0 : i32
            %dma_wait3A_392 = tpu.memref_slice %arg4[%add3A_234, %dma_wait3A_391] : memref<100000x64xf32, #tpu.memory_space<hbm>> -> memref<128x64xf32, #tpu.memory_space<hbm>>
            %dma_wait3A_393 = arith.constant 0 : i32
            %dma_wait3A_394 = tpu.memref_slice %arg4[%add3A_234, %dma_wait3A_393] : memref<100000x64xf32, #tpu.memory_space<hbm>> -> memref<128x64xf32, #tpu.memory_space<hbm>>
            %dma_wait3A_395 = arith.constant 0 : i32
            %dma_wait3A_396 = arith.constant 0 : i32
            %dma_wait3A_397 = tpu.memref_slice %run_scoped3A_2[%dma_wait3A_395, %dma_wait3A_396] : memref<128x64xf32, #tpu.memory_space<vmem>> -> memref<128x64xf32, #tpu.memory_space<vmem>>
            tpu.wait_dma2 semaphore(%run_scoped3A_377 : memref<!tpu.dma_semaphore, #tpu.memory_space<semaphore_mem>>) src(%dma_wait3A_397 : memref<128x64xf32, #tpu.memory_space<vmem>>) dst(%dma_wait3A_394 : memref<128x64xf32, #tpu.memory_space<hbm>>)
            tpu.yield
          }) : () -> ()
          %dma_start3A_235 = arith.constant 1280 : i32
          %dma_start3A_236 = tpu.memref_slice %run_scoped3A[%dma_start3A_235] : memref<2048xi32, #tpu.memory_space<vmem>> -> memref<128xi32, #tpu.memory_space<vmem>>
          %dma_start3A_237 = arith.constant 0 : i32
          %dma_start3A_238 = arith.constant 0 : i32
          %dma_start3A_239 = tpu.memref_slice %arg2[%dma_start3A_237, %dma_start3A_238] : memref<1000000x64xf32, #tpu.memory_space<hbm>> -> memref<1000000x64xf32, #tpu.memory_space<hbm>>
          tpu.enqueue_indirect_dma source(%dma_start3A_239 : memref<1000000x64xf32, #tpu.memory_space<hbm>>) target(%run_scoped3A_2 : memref<128x64xf32, #tpu.memory_space<vmem>>) offsets(%dma_start3A_236 : memref<128xi32, #tpu.memory_space<vmem>>) semaphore(%arg5 : memref<!tpu.dma_semaphore, #tpu.memory_space<semaphore_mem>>)
          %dma_wait3A_240 = arith.constant 1152 : i32
          %dma_wait3A_241 = tpu.memref_slice %run_scoped3A[%dma_wait3A_240] : memref<2048xi32, #tpu.memory_space<vmem>> -> memref<128xi32, #tpu.memory_space<vmem>>
          %dma_wait3A_242 = arith.constant 0 : i32
          %dma_wait3A_243 = arith.constant 0 : i32
          %dma_wait3A_244 = tpu.memref_slice %arg2[%dma_wait3A_242, %dma_wait3A_243] : memref<1000000x64xf32, #tpu.memory_space<hbm>> -> memref<1000000x64xf32, #tpu.memory_space<hbm>>
          tpu.wait_indirect_dma semaphore(%arg6 : memref<!tpu.dma_semaphore, #tpu.memory_space<semaphore_mem>>) src(%dma_wait3A_244 : memref<1000000x64xf32, #tpu.memory_space<hbm>>) dst(%run_scoped3A_3 : memref<128x64xf32, #tpu.memory_space<vmem>>)
          %scan3A_245 = arith.constant 0 : i32
          %scan3A_246 = arith.constant 0 : i32
          %scan3A_247 = arith.constant 8 : i32
          %scan3A_248 = arith.addi %scan3A_246, %scan3A_247 : i32
          %scan3A_249 = arith.constant 1 : i32
          %scan3A_250 = scf.for %scan3A_377 = %scan3A_246 to %scan3A_248 step %scan3A_249 iter_args(%scan3A_378 = %scan3A_245) -> (i32)  : i32 {
            %mul3A_379 = arith.constant 16 : i32
            %mul3A_380 = arith.muli %scan3A_377, %mul3A_379 : i32
            %add3A_381 = arith.constant 1152 : i32
            %add3A_382 = arith.addi %add3A_381, %mul3A_380 : i32
            %get3A = arith.index_cast %add3A_382 : i32 to index
            %get3A_383 = tpu.vector_load %run_scoped3A_1[%get3A] {strides = array<i32>} : memref<2048xi32, #tpu.memory_space<vmem>>, vector<16xi32>,
            %eq3A = arith.constant 0 : i32
            %eq3A_384 = vector.broadcast %eq3A : i32 to vector<16xi32>
            %eq3A_385 = arith.cmpi eq, %get3A_383, %eq3A_384 : vector<16xi32>
            %reduce_or3A = arith.constant 1.000000e+00 : f32
            %reduce_or3A_386 = arith.constant 0.000000e+00 : f32
            %reduce_or3A_387 = vector.broadcast %reduce_or3A : f32 to vector<16xf32>
            %reduce_or3A_388 = vector.broadcast %reduce_or3A_386 : f32 to vector<16xf32>
            %reduce_or3A_389 = arith.select %eq3A_385, %reduce_or3A_387, %reduce_or3A_388 : vector<16xi1>, vector<16xf32>
            %reduce_or3A_390 = arith.constant true
            %reduce_or3A_391 = vector.broadcast %reduce_or3A_390 : i1 to vector<16xi1>
            %reduce_or3A_392 = tpu.scan <max>, %reduce_or3A_389 masked %reduce_or3A_391 : vector<16xf32>, vector<16xi1> -> vector<16xf32>
            %reduce_or3A_393 = vector.extract %reduce_or3A_392[15] : f32 from vector<16xf32>
            %reduce_or3A_394 = arith.constant 0.000000e+00 : f32
            %reduce_or3A_395 = arith.cmpf ogt, %reduce_or3A_393, %reduce_or3A_394 : f32
            %convert_element_type3A_396 = arith.extui %reduce_or3A_395 : i1 to i32
            %cond3A_397 = arith.constant 0 : i32
            %cond3A_398 = arith.cmpi ne, %convert_element_type3A_396, %cond3A_397 : i32
            scf.if %cond3A_398 {
              %scan3A_400 = arith.constant 0 : i32
              %scan3A_401 = arith.constant 0 : i32
              %scan3A_402 = arith.constant 16 : i32
              %scan3A_403 = arith.addi %scan3A_401, %scan3A_402 : i32
              %scan3A_404 = arith.constant 1 : i32
              %scan3A_405 = scf.for %scan3A_407 = %scan3A_401 to %scan3A_403 step %scan3A_404 iter_args(%scan3A_408 = %scan3A_400) -> (i32)  : i32 {
                %eq3A_409 = vector.broadcast %scan3A_407 : i32 to vector<16xi32>
                %eq3A_410 = arith.cmpi eq, %iota3A, %eq3A_409 : vector<16xi32>
                %and3A = arith.andi %eq3A_410, %eq3A_385 : vector<16xi1>
                %reduce_or3A_411 = arith.constant 1.000000e+00 : f32
                %reduce_or3A_412 = arith.constant 0.000000e+00 : f32
                %reduce_or3A_413 = vector.broadcast %reduce_or3A_411 : f32 to vector<16xf32>
                %reduce_or3A_414 = vector.broadcast %reduce_or3A_412 : f32 to vector<16xf32>
                %reduce_or3A_415 = arith.select %and3A, %reduce_or3A_413, %reduce_or3A_414 : vector<16xi1>, vector<16xf32>
                %reduce_or3A_416 = arith.constant true
                %reduce_or3A_417 = vector.broadcast %reduce_or3A_416 : i1 to vector<16xi1>
                %reduce_or3A_418 = tpu.scan <max>, %reduce_or3A_415 masked %reduce_or3A_417 : vector<16xf32>, vector<16xi1> -> vector<16xf32>
                %reduce_or3A_419 = vector.extract %reduce_or3A_418[15] : f32 from vector<16xf32>
                %reduce_or3A_420 = arith.constant 0.000000e+00 : f32
                %reduce_or3A_421 = arith.cmpf ogt, %reduce_or3A_419, %reduce_or3A_420 : f32
                %convert_element_type3A_422 = arith.extui %reduce_or3A_421 : i1 to i32
                %cond3A_423 = arith.constant 0 : i32
                %cond3A_424 = arith.cmpi ne, %convert_element_type3A_422, %cond3A_423 : i32
                scf.if %cond3A_424 {
                  %broadcast_in_dim3A_426 = arith.constant 0.000000e+00 : f32
                  %broadcast_in_dim3A_427 = vector.broadcast %broadcast_in_dim3A_426 : f32 to vector<16xf32>
                  %mul3A_428 = arith.constant 16 : i32
                  %mul3A_429 = arith.muli %scan3A_377, %mul3A_428 : i32
                  %add3A_430 = arith.addi %mul3A_429, %scan3A_407 : i32
                  %swap3A_431 = arith.index_cast %add3A_430 : i32 to index
                  %swap3A_432 = arith.constant 0 : index
                  %swap3A_433 = tpu.vector_load %run_scoped3A_3[%swap3A_431, %swap3A_432] {strides = array<i32>} : memref<128x64xf32, #tpu.memory_space<vmem>>, vector<16xf32>,
                  tpu.vector_store %run_scoped3A_3[%swap3A_431, %swap3A_432], %broadcast_in_dim3A_427 {strides = array<i32>} : memref<128x64xf32, #tpu.memory_space<vmem>>, vector<16xf32>,
                  %swap3A_434 = arith.index_cast %add3A_430 : i32 to index
                  %swap3A_435 = arith.constant 16 : index
                  %swap3A_436 = tpu.vector_load %run_scoped3A_3[%swap3A_434, %swap3A_435] {strides = array<i32>} : memref<128x64xf32, #tpu.memory_space<vmem>>, vector<16xf32>,
                  tpu.vector_store %run_scoped3A_3[%swap3A_434, %swap3A_435], %broadcast_in_dim3A_427 {strides = array<i32>} : memref<128x64xf32, #tpu.memory_space<vmem>>, vector<16xf32>,
                  %swap3A_437 = arith.index_cast %add3A_430 : i32 to index
                  %swap3A_438 = arith.constant 32 : index
                  %swap3A_439 = tpu.vector_load %run_scoped3A_3[%swap3A_437, %swap3A_438] {strides = array<i32>} : memref<128x64xf32, #tpu.memory_space<vmem>>, vector<16xf32>,
                  tpu.vector_store %run_scoped3A_3[%swap3A_437, %swap3A_438], %broadcast_in_dim3A_427 {strides = array<i32>} : memref<128x64xf32, #tpu.memory_space<vmem>>, vector<16xf32>,
                  %swap3A_440 = arith.index_cast %add3A_430 : i32 to index
                  %swap3A_441 = arith.constant 48 : index
                  %swap3A_442 = tpu.vector_load %run_scoped3A_3[%swap3A_440, %swap3A_441] {strides = array<i32>} : memref<128x64xf32, #tpu.memory_space<vmem>>, vector<16xf32>,
                  tpu.vector_store %run_scoped3A_3[%swap3A_440, %swap3A_441], %broadcast_in_dim3A_427 {strides = array<i32>} : memref<128x64xf32, #tpu.memory_space<vmem>>, vector<16xf32>,
                } else {
                }
                %scan3A_425 = arith.constant 0 : i32
                scf.yield %scan3A_425 : i32
              }
              %scan3A_406 = arith.constant 16 : i32
            } else {
            }
            %scan3A_399 = arith.constant 0 : i32
            scf.yield %scan3A_399 : i32
          }
          %scan3A_251 = arith.constant 8 : i32
          %mul3A_252 = arith.constant 2000 : i32
          %mul3A_253 = arith.muli %add3A_16, %mul3A_252 : i32
          %add3A_254 = arith.constant 1152 : i32
          %add3A_255 = arith.addi %mul3A_253, %add3A_254 : i32
          "tpu.region"() ({
            %run_scoped3A_377 = tpu.sem_alloc : memref<!tpu.dma_semaphore, #tpu.memory_space<semaphore_mem>>
            %dma_start3A_378 = arith.constant 0 : i32
            %dma_start3A_379 = arith.constant 0 : i32
            %dma_start3A_380 = tpu.memref_slice %run_scoped3A_3[%dma_start3A_378, %dma_start3A_379] : memref<128x64xf32, #tpu.memory_space<vmem>> -> memref<128x64xf32, #tpu.memory_space<vmem>>
            %dma_start3A_381 = arith.constant 0 : i32
            %dma_start3A_382 = tpu.memref_slice %arg4[%add3A_255, %dma_start3A_381] : memref<100000x64xf32, #tpu.memory_space<hbm>> -> memref<128x64xf32, #tpu.memory_space<hbm>>
            %dma_start3A_383 = arith.constant 0 : i32
            %dma_start3A_384 = tpu.memref_slice %arg4[%add3A_255, %dma_start3A_383] : memref<100000x64xf32, #tpu.memory_space<hbm>> -> memref<128x64xf32, #tpu.memory_space<hbm>>
            %dma_start3A_385 = arith.constant 0 : i32
            %dma_start3A_386 = arith.constant 0 : i32
            %dma_start3A_387 = tpu.memref_slice %run_scoped3A_3[%dma_start3A_385, %dma_start3A_386] : memref<128x64xf32, #tpu.memory_space<vmem>> -> memref<128x64xf32, #tpu.memory_space<vmem>>
            tpu.enqueue_dma source(%dma_start3A_387 : memref<128x64xf32, #tpu.memory_space<vmem>>) target(%dma_start3A_384 : memref<128x64xf32, #tpu.memory_space<hbm>>) target_semaphore(%run_scoped3A_377 : memref<!tpu.dma_semaphore, #tpu.memory_space<semaphore_mem>>)
            %dma_wait3A_388 = arith.constant 0 : i32
            %dma_wait3A_389 = arith.constant 0 : i32
            %dma_wait3A_390 = tpu.memref_slice %run_scoped3A_3[%dma_wait3A_388, %dma_wait3A_389] : memref<128x64xf32, #tpu.memory_space<vmem>> -> memref<128x64xf32, #tpu.memory_space<vmem>>
            %dma_wait3A_391 = arith.constant 0 : i32
            %dma_wait3A_392 = tpu.memref_slice %arg4[%add3A_255, %dma_wait3A_391] : memref<100000x64xf32, #tpu.memory_space<hbm>> -> memref<128x64xf32, #tpu.memory_space<hbm>>
            %dma_wait3A_393 = arith.constant 0 : i32
            %dma_wait3A_394 = tpu.memref_slice %arg4[%add3A_255, %dma_wait3A_393] : memref<100000x64xf32, #tpu.memory_space<hbm>> -> memref<128x64xf32, #tpu.memory_space<hbm>>
            %dma_wait3A_395 = arith.constant 0 : i32
            %dma_wait3A_396 = arith.constant 0 : i32
            %dma_wait3A_397 = tpu.memref_slice %run_scoped3A_3[%dma_wait3A_395, %dma_wait3A_396] : memref<128x64xf32, #tpu.memory_space<vmem>> -> memref<128x64xf32, #tpu.memory_space<vmem>>
            tpu.wait_dma2 semaphore(%run_scoped3A_377 : memref<!tpu.dma_semaphore, #tpu.memory_space<semaphore_mem>>) src(%dma_wait3A_397 : memref<128x64xf32, #tpu.memory_space<vmem>>) dst(%dma_wait3A_394 : memref<128x64xf32, #tpu.memory_space<hbm>>)
            tpu.yield
          }) : () -> ()
          %dma_start3A_256 = arith.constant 1408 : i32
          %dma_start3A_257 = tpu.memref_slice %run_scoped3A[%dma_start3A_256] : memref<2048xi32, #tpu.memory_space<vmem>> -> memref<128xi32, #tpu.memory_space<vmem>>
          %dma_start3A_258 = arith.constant 0 : i32
          %dma_start3A_259 = arith.constant 0 : i32
          %dma_start3A_260 = tpu.memref_slice %arg2[%dma_start3A_258, %dma_start3A_259] : memref<1000000x64xf32, #tpu.memory_space<hbm>> -> memref<1000000x64xf32, #tpu.memory_space<hbm>>
          tpu.enqueue_indirect_dma source(%dma_start3A_260 : memref<1000000x64xf32, #tpu.memory_space<hbm>>) target(%run_scoped3A_3 : memref<128x64xf32, #tpu.memory_space<vmem>>) offsets(%dma_start3A_257 : memref<128xi32, #tpu.memory_space<vmem>>) semaphore(%arg6 : memref<!tpu.dma_semaphore, #tpu.memory_space<semaphore_mem>>)
          %dma_wait3A_261 = arith.constant 1280 : i32
          %dma_wait3A_262 = tpu.memref_slice %run_scoped3A[%dma_wait3A_261] : memref<2048xi32, #tpu.memory_space<vmem>> -> memref<128xi32, #tpu.memory_space<vmem>>
          %dma_wait3A_263 = arith.constant 0 : i32
          %dma_wait3A_264 = arith.constant 0 : i32
          %dma_wait3A_265 = tpu.memref_slice %arg2[%dma_wait3A_263, %dma_wait3A_264] : memref<1000000x64xf32, #tpu.memory_space<hbm>> -> memref<1000000x64xf32, #tpu.memory_space<hbm>>
          tpu.wait_indirect_dma semaphore(%arg5 : memref<!tpu.dma_semaphore, #tpu.memory_space<semaphore_mem>>) src(%dma_wait3A_265 : memref<1000000x64xf32, #tpu.memory_space<hbm>>) dst(%run_scoped3A_2 : memref<128x64xf32, #tpu.memory_space<vmem>>)
          %scan3A_266 = arith.constant 0 : i32
          %scan3A_267 = arith.constant 0 : i32
          %scan3A_268 = arith.constant 8 : i32
          %scan3A_269 = arith.addi %scan3A_267, %scan3A_268 : i32
          %scan3A_270 = arith.constant 1 : i32
          %scan3A_271 = scf.for %scan3A_377 = %scan3A_267 to %scan3A_269 step %scan3A_270 iter_args(%scan3A_378 = %scan3A_266) -> (i32)  : i32 {
            %mul3A_379 = arith.constant 16 : i32
            %mul3A_380 = arith.muli %scan3A_377, %mul3A_379 : i32
            %add3A_381 = arith.constant 1280 : i32
            %add3A_382 = arith.addi %add3A_381, %mul3A_380 : i32
            %get3A = arith.index_cast %add3A_382 : i32 to index
            %get3A_383 = tpu.vector_load %run_scoped3A_1[%get3A] {strides = array<i32>} : memref<2048xi32, #tpu.memory_space<vmem>>, vector<16xi32>,
            %eq3A = arith.constant 0 : i32
            %eq3A_384 = vector.broadcast %eq3A : i32 to vector<16xi32>
            %eq3A_385 = arith.cmpi eq, %get3A_383, %eq3A_384 : vector<16xi32>
            %reduce_or3A = arith.constant 1.000000e+00 : f32
            %reduce_or3A_386 = arith.constant 0.000000e+00 : f32
            %reduce_or3A_387 = vector.broadcast %reduce_or3A : f32 to vector<16xf32>
            %reduce_or3A_388 = vector.broadcast %reduce_or3A_386 : f32 to vector<16xf32>
            %reduce_or3A_389 = arith.select %eq3A_385, %reduce_or3A_387, %reduce_or3A_388 : vector<16xi1>, vector<16xf32>
            %reduce_or3A_390 = arith.constant true
            %reduce_or3A_391 = vector.broadcast %reduce_or3A_390 : i1 to vector<16xi1>
            %reduce_or3A_392 = tpu.scan <max>, %reduce_or3A_389 masked %reduce_or3A_391 : vector<16xf32>, vector<16xi1> -> vector<16xf32>
            %reduce_or3A_393 = vector.extract %reduce_or3A_392[15] : f32 from vector<16xf32>
            %reduce_or3A_394 = arith.constant 0.000000e+00 : f32
            %reduce_or3A_395 = arith.cmpf ogt, %reduce_or3A_393, %reduce_or3A_394 : f32
            %convert_element_type3A_396 = arith.extui %reduce_or3A_395 : i1 to i32
            %cond3A_397 = arith.constant 0 : i32
            %cond3A_398 = arith.cmpi ne, %convert_element_type3A_396, %cond3A_397 : i32
            scf.if %cond3A_398 {
              %scan3A_400 = arith.constant 0 : i32
              %scan3A_401 = arith.constant 0 : i32
              %scan3A_402 = arith.constant 16 : i32
              %scan3A_403 = arith.addi %scan3A_401, %scan3A_402 : i32
              %scan3A_404 = arith.constant 1 : i32
              %scan3A_405 = scf.for %scan3A_407 = %scan3A_401 to %scan3A_403 step %scan3A_404 iter_args(%scan3A_408 = %scan3A_400) -> (i32)  : i32 {
                %eq3A_409 = vector.broadcast %scan3A_407 : i32 to vector<16xi32>
                %eq3A_410 = arith.cmpi eq, %iota3A, %eq3A_409 : vector<16xi32>
                %and3A = arith.andi %eq3A_410, %eq3A_385 : vector<16xi1>
                %reduce_or3A_411 = arith.constant 1.000000e+00 : f32
                %reduce_or3A_412 = arith.constant 0.000000e+00 : f32
                %reduce_or3A_413 = vector.broadcast %reduce_or3A_411 : f32 to vector<16xf32>
                %reduce_or3A_414 = vector.broadcast %reduce_or3A_412 : f32 to vector<16xf32>
                %reduce_or3A_415 = arith.select %and3A, %reduce_or3A_413, %reduce_or3A_414 : vector<16xi1>, vector<16xf32>
                %reduce_or3A_416 = arith.constant true
                %reduce_or3A_417 = vector.broadcast %reduce_or3A_416 : i1 to vector<16xi1>
                %reduce_or3A_418 = tpu.scan <max>, %reduce_or3A_415 masked %reduce_or3A_417 : vector<16xf32>, vector<16xi1> -> vector<16xf32>
                %reduce_or3A_419 = vector.extract %reduce_or3A_418[15] : f32 from vector<16xf32>
                %reduce_or3A_420 = arith.constant 0.000000e+00 : f32
                %reduce_or3A_421 = arith.cmpf ogt, %reduce_or3A_419, %reduce_or3A_420 : f32
                %convert_element_type3A_422 = arith.extui %reduce_or3A_421 : i1 to i32
                %cond3A_423 = arith.constant 0 : i32
                %cond3A_424 = arith.cmpi ne, %convert_element_type3A_422, %cond3A_423 : i32
                scf.if %cond3A_424 {
                  %broadcast_in_dim3A_426 = arith.constant 0.000000e+00 : f32
                  %broadcast_in_dim3A_427 = vector.broadcast %broadcast_in_dim3A_426 : f32 to vector<16xf32>
                  %mul3A_428 = arith.constant 16 : i32
                  %mul3A_429 = arith.muli %scan3A_377, %mul3A_428 : i32
                  %add3A_430 = arith.addi %mul3A_429, %scan3A_407 : i32
                  %swap3A_431 = arith.index_cast %add3A_430 : i32 to index
                  %swap3A_432 = arith.constant 0 : index
                  %swap3A_433 = tpu.vector_load %run_scoped3A_2[%swap3A_431, %swap3A_432] {strides = array<i32>} : memref<128x64xf32, #tpu.memory_space<vmem>>, vector<16xf32>,
                  tpu.vector_store %run_scoped3A_2[%swap3A_431, %swap3A_432], %broadcast_in_dim3A_427 {strides = array<i32>} : memref<128x64xf32, #tpu.memory_space<vmem>>, vector<16xf32>,
                  %swap3A_434 = arith.index_cast %add3A_430 : i32 to index
                  %swap3A_435 = arith.constant 16 : index
                  %swap3A_436 = tpu.vector_load %run_scoped3A_2[%swap3A_434, %swap3A_435] {strides = array<i32>} : memref<128x64xf32, #tpu.memory_space<vmem>>, vector<16xf32>,
                  tpu.vector_store %run_scoped3A_2[%swap3A_434, %swap3A_435], %broadcast_in_dim3A_427 {strides = array<i32>} : memref<128x64xf32, #tpu.memory_space<vmem>>, vector<16xf32>,
                  %swap3A_437 = arith.index_cast %add3A_430 : i32 to index
                  %swap3A_438 = arith.constant 32 : index
                  %swap3A_439 = tpu.vector_load %run_scoped3A_2[%swap3A_437, %swap3A_438] {strides = array<i32>} : memref<128x64xf32, #tpu.memory_space<vmem>>, vector<16xf32>,
                  tpu.vector_store %run_scoped3A_2[%swap3A_437, %swap3A_438], %broadcast_in_dim3A_427 {strides = array<i32>} : memref<128x64xf32, #tpu.memory_space<vmem>>, vector<16xf32>,
                  %swap3A_440 = arith.index_cast %add3A_430 : i32 to index
                  %swap3A_441 = arith.constant 48 : index
                  %swap3A_442 = tpu.vector_load %run_scoped3A_2[%swap3A_440, %swap3A_441] {strides = array<i32>} : memref<128x64xf32, #tpu.memory_space<vmem>>, vector<16xf32>,
                  tpu.vector_store %run_scoped3A_2[%swap3A_440, %swap3A_441], %broadcast_in_dim3A_427 {strides = array<i32>} : memref<128x64xf32, #tpu.memory_space<vmem>>, vector<16xf32>,
                } else {
                }
                %scan3A_425 = arith.constant 0 : i32
                scf.yield %scan3A_425 : i32
              }
              %scan3A_406 = arith.constant 16 : i32
            } else {
            }
            %scan3A_399 = arith.constant 0 : i32
            scf.yield %scan3A_399 : i32
          }
          %scan3A_272 = arith.constant 8 : i32
          %mul3A_273 = arith.constant 2000 : i32
          %mul3A_274 = arith.muli %add3A_16, %mul3A_273 : i32
          %add3A_275 = arith.constant 1280 : i32
          %add3A_276 = arith.addi %mul3A_274, %add3A_275 : i32
          "tpu.region"() ({
            %run_scoped3A_377 = tpu.sem_alloc : memref<!tpu.dma_semaphore, #tpu.memory_space<semaphore_mem>>
            %dma_start3A_378 = arith.constant 0 : i32
            %dma_start3A_379 = arith.constant 0 : i32
            %dma_start3A_380 = tpu.memref_slice %run_scoped3A_2[%dma_start3A_378, %dma_start3A_379] : memref<128x64xf32, #tpu.memory_space<vmem>> -> memref<128x64xf32, #tpu.memory_space<vmem>>
            %dma_start3A_381 = arith.constant 0 : i32
            %dma_start3A_382 = tpu.memref_slice %arg4[%add3A_276, %dma_start3A_381] : memref<100000x64xf32, #tpu.memory_space<hbm>> -> memref<128x64xf32, #tpu.memory_space<hbm>>
            %dma_start3A_383 = arith.constant 0 : i32
            %dma_start3A_384 = tpu.memref_slice %arg4[%add3A_276, %dma_start3A_383] : memref<100000x64xf32, #tpu.memory_space<hbm>> -> memref<128x64xf32, #tpu.memory_space<hbm>>
            %dma_start3A_385 = arith.constant 0 : i32
            %dma_start3A_386 = arith.constant 0 : i32
            %dma_start3A_387 = tpu.memref_slice %run_scoped3A_2[%dma_start3A_385, %dma_start3A_386] : memref<128x64xf32, #tpu.memory_space<vmem>> -> memref<128x64xf32, #tpu.memory_space<vmem>>
            tpu.enqueue_dma source(%dma_start3A_387 : memref<128x64xf32, #tpu.memory_space<vmem>>) target(%dma_start3A_384 : memref<128x64xf32, #tpu.memory_space<hbm>>) target_semaphore(%run_scoped3A_377 : memref<!tpu.dma_semaphore, #tpu.memory_space<semaphore_mem>>)
            %dma_wait3A_388 = arith.constant 0 : i32
            %dma_wait3A_389 = arith.constant 0 : i32
            %dma_wait3A_390 = tpu.memref_slice %run_scoped3A_2[%dma_wait3A_388, %dma_wait3A_389] : memref<128x64xf32, #tpu.memory_space<vmem>> -> memref<128x64xf32, #tpu.memory_space<vmem>>
            %dma_wait3A_391 = arith.constant 0 : i32
            %dma_wait3A_392 = tpu.memref_slice %arg4[%add3A_276, %dma_wait3A_391] : memref<100000x64xf32, #tpu.memory_space<hbm>> -> memref<128x64xf32, #tpu.memory_space<hbm>>
            %dma_wait3A_393 = arith.constant 0 : i32
            %dma_wait3A_394 = tpu.memref_slice %arg4[%add3A_276, %dma_wait3A_393] : memref<100000x64xf32, #tpu.memory_space<hbm>> -> memref<128x64xf32, #tpu.memory_space<hbm>>
            %dma_wait3A_395 = arith.constant 0 : i32
            %dma_wait3A_396 = arith.constant 0 : i32
            %dma_wait3A_397 = tpu.memref_slice %run_scoped3A_2[%dma_wait3A_395, %dma_wait3A_396] : memref<128x64xf32, #tpu.memory_space<vmem>> -> memref<128x64xf32, #tpu.memory_space<vmem>>
            tpu.wait_dma2 semaphore(%run_scoped3A_377 : memref<!tpu.dma_semaphore, #tpu.memory_space<semaphore_mem>>) src(%dma_wait3A_397 : memref<128x64xf32, #tpu.memory_space<vmem>>) dst(%dma_wait3A_394 : memref<128x64xf32, #tpu.memory_space<hbm>>)
            tpu.yield
          }) : () -> ()
          %dma_start3A_277 = arith.constant 1536 : i32
          %dma_start3A_278 = tpu.memref_slice %run_scoped3A[%dma_start3A_277] : memref<2048xi32, #tpu.memory_space<vmem>> -> memref<128xi32, #tpu.memory_space<vmem>>
          %dma_start3A_279 = arith.constant 0 : i32
          %dma_start3A_280 = arith.constant 0 : i32
          %dma_start3A_281 = tpu.memref_slice %arg2[%dma_start3A_279, %dma_start3A_280] : memref<1000000x64xf32, #tpu.memory_space<hbm>> -> memref<1000000x64xf32, #tpu.memory_space<hbm>>
          tpu.enqueue_indirect_dma source(%dma_start3A_281 : memref<1000000x64xf32, #tpu.memory_space<hbm>>) target(%run_scoped3A_2 : memref<128x64xf32, #tpu.memory_space<vmem>>) offsets(%dma_start3A_278 : memref<128xi32, #tpu.memory_space<vmem>>) semaphore(%arg5 : memref<!tpu.dma_semaphore, #tpu.memory_space<semaphore_mem>>)
          %dma_wait3A_282 = arith.constant 1408 : i32
          %dma_wait3A_283 = tpu.memref_slice %run_scoped3A[%dma_wait3A_282] : memref<2048xi32, #tpu.memory_space<vmem>> -> memref<128xi32, #tpu.memory_space<vmem>>
          %dma_wait3A_284 = arith.constant 0 : i32
          %dma_wait3A_285 = arith.constant 0 : i32
          %dma_wait3A_286 = tpu.memref_slice %arg2[%dma_wait3A_284, %dma_wait3A_285] : memref<1000000x64xf32, #tpu.memory_space<hbm>> -> memref<1000000x64xf32, #tpu.memory_space<hbm>>
          tpu.wait_indirect_dma semaphore(%arg6 : memref<!tpu.dma_semaphore, #tpu.memory_space<semaphore_mem>>) src(%dma_wait3A_286 : memref<1000000x64xf32, #tpu.memory_space<hbm>>) dst(%run_scoped3A_3 : memref<128x64xf32, #tpu.memory_space<vmem>>)
          %scan3A_287 = arith.constant 0 : i32
          %scan3A_288 = arith.constant 0 : i32
          %scan3A_289 = arith.constant 8 : i32
          %scan3A_290 = arith.addi %scan3A_288, %scan3A_289 : i32
          %scan3A_291 = arith.constant 1 : i32
          %scan3A_292 = scf.for %scan3A_377 = %scan3A_288 to %scan3A_290 step %scan3A_291 iter_args(%scan3A_378 = %scan3A_287) -> (i32)  : i32 {
            %mul3A_379 = arith.constant 16 : i32
            %mul3A_380 = arith.muli %scan3A_377, %mul3A_379 : i32
            %add3A_381 = arith.constant 1408 : i32
            %add3A_382 = arith.addi %add3A_381, %mul3A_380 : i32
            %get3A = arith.index_cast %add3A_382 : i32 to index
            %get3A_383 = tpu.vector_load %run_scoped3A_1[%get3A] {strides = array<i32>} : memref<2048xi32, #tpu.memory_space<vmem>>, vector<16xi32>,
            %eq3A = arith.constant 0 : i32
            %eq3A_384 = vector.broadcast %eq3A : i32 to vector<16xi32>
            %eq3A_385 = arith.cmpi eq, %get3A_383, %eq3A_384 : vector<16xi32>
            %reduce_or3A = arith.constant 1.000000e+00 : f32
            %reduce_or3A_386 = arith.constant 0.000000e+00 : f32
            %reduce_or3A_387 = vector.broadcast %reduce_or3A : f32 to vector<16xf32>
            %reduce_or3A_388 = vector.broadcast %reduce_or3A_386 : f32 to vector<16xf32>
            %reduce_or3A_389 = arith.select %eq3A_385, %reduce_or3A_387, %reduce_or3A_388 : vector<16xi1>, vector<16xf32>
            %reduce_or3A_390 = arith.constant true
            %reduce_or3A_391 = vector.broadcast %reduce_or3A_390 : i1 to vector<16xi1>
            %reduce_or3A_392 = tpu.scan <max>, %reduce_or3A_389 masked %reduce_or3A_391 : vector<16xf32>, vector<16xi1> -> vector<16xf32>
            %reduce_or3A_393 = vector.extract %reduce_or3A_392[15] : f32 from vector<16xf32>
            %reduce_or3A_394 = arith.constant 0.000000e+00 : f32
            %reduce_or3A_395 = arith.cmpf ogt, %reduce_or3A_393, %reduce_or3A_394 : f32
            %convert_element_type3A_396 = arith.extui %reduce_or3A_395 : i1 to i32
            %cond3A_397 = arith.constant 0 : i32
            %cond3A_398 = arith.cmpi ne, %convert_element_type3A_396, %cond3A_397 : i32
            scf.if %cond3A_398 {
              %scan3A_400 = arith.constant 0 : i32
              %scan3A_401 = arith.constant 0 : i32
              %scan3A_402 = arith.constant 16 : i32
              %scan3A_403 = arith.addi %scan3A_401, %scan3A_402 : i32
              %scan3A_404 = arith.constant 1 : i32
              %scan3A_405 = scf.for %scan3A_407 = %scan3A_401 to %scan3A_403 step %scan3A_404 iter_args(%scan3A_408 = %scan3A_400) -> (i32)  : i32 {
                %eq3A_409 = vector.broadcast %scan3A_407 : i32 to vector<16xi32>
                %eq3A_410 = arith.cmpi eq, %iota3A, %eq3A_409 : vector<16xi32>
                %and3A = arith.andi %eq3A_410, %eq3A_385 : vector<16xi1>
                %reduce_or3A_411 = arith.constant 1.000000e+00 : f32
                %reduce_or3A_412 = arith.constant 0.000000e+00 : f32
                %reduce_or3A_413 = vector.broadcast %reduce_or3A_411 : f32 to vector<16xf32>
                %reduce_or3A_414 = vector.broadcast %reduce_or3A_412 : f32 to vector<16xf32>
                %reduce_or3A_415 = arith.select %and3A, %reduce_or3A_413, %reduce_or3A_414 : vector<16xi1>, vector<16xf32>
                %reduce_or3A_416 = arith.constant true
                %reduce_or3A_417 = vector.broadcast %reduce_or3A_416 : i1 to vector<16xi1>
                %reduce_or3A_418 = tpu.scan <max>, %reduce_or3A_415 masked %reduce_or3A_417 : vector<16xf32>, vector<16xi1> -> vector<16xf32>
                %reduce_or3A_419 = vector.extract %reduce_or3A_418[15] : f32 from vector<16xf32>
                %reduce_or3A_420 = arith.constant 0.000000e+00 : f32
                %reduce_or3A_421 = arith.cmpf ogt, %reduce_or3A_419, %reduce_or3A_420 : f32
                %convert_element_type3A_422 = arith.extui %reduce_or3A_421 : i1 to i32
                %cond3A_423 = arith.constant 0 : i32
                %cond3A_424 = arith.cmpi ne, %convert_element_type3A_422, %cond3A_423 : i32
                scf.if %cond3A_424 {
                  %broadcast_in_dim3A_426 = arith.constant 0.000000e+00 : f32
                  %broadcast_in_dim3A_427 = vector.broadcast %broadcast_in_dim3A_426 : f32 to vector<16xf32>
                  %mul3A_428 = arith.constant 16 : i32
                  %mul3A_429 = arith.muli %scan3A_377, %mul3A_428 : i32
                  %add3A_430 = arith.addi %mul3A_429, %scan3A_407 : i32
                  %swap3A_431 = arith.index_cast %add3A_430 : i32 to index
                  %swap3A_432 = arith.constant 0 : index
                  %swap3A_433 = tpu.vector_load %run_scoped3A_3[%swap3A_431, %swap3A_432] {strides = array<i32>} : memref<128x64xf32, #tpu.memory_space<vmem>>, vector<16xf32>,
                  tpu.vector_store %run_scoped3A_3[%swap3A_431, %swap3A_432], %broadcast_in_dim3A_427 {strides = array<i32>} : memref<128x64xf32, #tpu.memory_space<vmem>>, vector<16xf32>,
                  %swap3A_434 = arith.index_cast %add3A_430 : i32 to index
                  %swap3A_435 = arith.constant 16 : index
                  %swap3A_436 = tpu.vector_load %run_scoped3A_3[%swap3A_434, %swap3A_435] {strides = array<i32>} : memref<128x64xf32, #tpu.memory_space<vmem>>, vector<16xf32>,
                  tpu.vector_store %run_scoped3A_3[%swap3A_434, %swap3A_435], %broadcast_in_dim3A_427 {strides = array<i32>} : memref<128x64xf32, #tpu.memory_space<vmem>>, vector<16xf32>,
                  %swap3A_437 = arith.index_cast %add3A_430 : i32 to index
                  %swap3A_438 = arith.constant 32 : index
                  %swap3A_439 = tpu.vector_load %run_scoped3A_3[%swap3A_437, %swap3A_438] {strides = array<i32>} : memref<128x64xf32, #tpu.memory_space<vmem>>, vector<16xf32>,
                  tpu.vector_store %run_scoped3A_3[%swap3A_437, %swap3A_438], %broadcast_in_dim3A_427 {strides = array<i32>} : memref<128x64xf32, #tpu.memory_space<vmem>>, vector<16xf32>,
                  %swap3A_440 = arith.index_cast %add3A_430 : i32 to index
                  %swap3A_441 = arith.constant 48 : index
                  %swap3A_442 = tpu.vector_load %run_scoped3A_3[%swap3A_440, %swap3A_441] {strides = array<i32>} : memref<128x64xf32, #tpu.memory_space<vmem>>, vector<16xf32>,
                  tpu.vector_store %run_scoped3A_3[%swap3A_440, %swap3A_441], %broadcast_in_dim3A_427 {strides = array<i32>} : memref<128x64xf32, #tpu.memory_space<vmem>>, vector<16xf32>,
                } else {
                }
                %scan3A_425 = arith.constant 0 : i32
                scf.yield %scan3A_425 : i32
              }
              %scan3A_406 = arith.constant 16 : i32
            } else {
            }
            %scan3A_399 = arith.constant 0 : i32
            scf.yield %scan3A_399 : i32
          }
          %scan3A_293 = arith.constant 8 : i32
          %mul3A_294 = arith.constant 2000 : i32
          %mul3A_295 = arith.muli %add3A_16, %mul3A_294 : i32
          %add3A_296 = arith.constant 1408 : i32
          %add3A_297 = arith.addi %mul3A_295, %add3A_296 : i32
          "tpu.region"() ({
            %run_scoped3A_377 = tpu.sem_alloc : memref<!tpu.dma_semaphore, #tpu.memory_space<semaphore_mem>>
            %dma_start3A_378 = arith.constant 0 : i32
            %dma_start3A_379 = arith.constant 0 : i32
            %dma_start3A_380 = tpu.memref_slice %run_scoped3A_3[%dma_start3A_378, %dma_start3A_379] : memref<128x64xf32, #tpu.memory_space<vmem>> -> memref<128x64xf32, #tpu.memory_space<vmem>>
            %dma_start3A_381 = arith.constant 0 : i32
            %dma_start3A_382 = tpu.memref_slice %arg4[%add3A_297, %dma_start3A_381] : memref<100000x64xf32, #tpu.memory_space<hbm>> -> memref<128x64xf32, #tpu.memory_space<hbm>>
            %dma_start3A_383 = arith.constant 0 : i32
            %dma_start3A_384 = tpu.memref_slice %arg4[%add3A_297, %dma_start3A_383] : memref<100000x64xf32, #tpu.memory_space<hbm>> -> memref<128x64xf32, #tpu.memory_space<hbm>>
            %dma_start3A_385 = arith.constant 0 : i32
            %dma_start3A_386 = arith.constant 0 : i32
            %dma_start3A_387 = tpu.memref_slice %run_scoped3A_3[%dma_start3A_385, %dma_start3A_386] : memref<128x64xf32, #tpu.memory_space<vmem>> -> memref<128x64xf32, #tpu.memory_space<vmem>>
            tpu.enqueue_dma source(%dma_start3A_387 : memref<128x64xf32, #tpu.memory_space<vmem>>) target(%dma_start3A_384 : memref<128x64xf32, #tpu.memory_space<hbm>>) target_semaphore(%run_scoped3A_377 : memref<!tpu.dma_semaphore, #tpu.memory_space<semaphore_mem>>)
            %dma_wait3A_388 = arith.constant 0 : i32
            %dma_wait3A_389 = arith.constant 0 : i32
            %dma_wait3A_390 = tpu.memref_slice %run_scoped3A_3[%dma_wait3A_388, %dma_wait3A_389] : memref<128x64xf32, #tpu.memory_space<vmem>> -> memref<128x64xf32, #tpu.memory_space<vmem>>
            %dma_wait3A_391 = arith.constant 0 : i32
            %dma_wait3A_392 = tpu.memref_slice %arg4[%add3A_297, %dma_wait3A_391] : memref<100000x64xf32, #tpu.memory_space<hbm>> -> memref<128x64xf32, #tpu.memory_space<hbm>>
            %dma_wait3A_393 = arith.constant 0 : i32
            %dma_wait3A_394 = tpu.memref_slice %arg4[%add3A_297, %dma_wait3A_393] : memref<100000x64xf32, #tpu.memory_space<hbm>> -> memref<128x64xf32, #tpu.memory_space<hbm>>
            %dma_wait3A_395 = arith.constant 0 : i32
            %dma_wait3A_396 = arith.constant 0 : i32
            %dma_wait3A_397 = tpu.memref_slice %run_scoped3A_3[%dma_wait3A_395, %dma_wait3A_396] : memref<128x64xf32, #tpu.memory_space<vmem>> -> memref<128x64xf32, #tpu.memory_space<vmem>>
            tpu.wait_dma2 semaphore(%run_scoped3A_377 : memref<!tpu.dma_semaphore, #tpu.memory_space<semaphore_mem>>) src(%dma_wait3A_397 : memref<128x64xf32, #tpu.memory_space<vmem>>) dst(%dma_wait3A_394 : memref<128x64xf32, #tpu.memory_space<hbm>>)
            tpu.yield
          }) : () -> ()
          %dma_start3A_298 = arith.constant 1664 : i32
          %dma_start3A_299 = tpu.memref_slice %run_scoped3A[%dma_start3A_298] : memref<2048xi32, #tpu.memory_space<vmem>> -> memref<128xi32, #tpu.memory_space<vmem>>
          %dma_start3A_300 = arith.constant 0 : i32
          %dma_start3A_301 = arith.constant 0 : i32
          %dma_start3A_302 = tpu.memref_slice %arg2[%dma_start3A_300, %dma_start3A_301] : memref<1000000x64xf32, #tpu.memory_space<hbm>> -> memref<1000000x64xf32, #tpu.memory_space<hbm>>
          tpu.enqueue_indirect_dma source(%dma_start3A_302 : memref<1000000x64xf32, #tpu.memory_space<hbm>>) target(%run_scoped3A_3 : memref<128x64xf32, #tpu.memory_space<vmem>>) offsets(%dma_start3A_299 : memref<128xi32, #tpu.memory_space<vmem>>) semaphore(%arg6 : memref<!tpu.dma_semaphore, #tpu.memory_space<semaphore_mem>>)
          %dma_wait3A_303 = arith.constant 1536 : i32
          %dma_wait3A_304 = tpu.memref_slice %run_scoped3A[%dma_wait3A_303] : memref<2048xi32, #tpu.memory_space<vmem>> -> memref<128xi32, #tpu.memory_space<vmem>>
          %dma_wait3A_305 = arith.constant 0 : i32
          %dma_wait3A_306 = arith.constant 0 : i32
          %dma_wait3A_307 = tpu.memref_slice %arg2[%dma_wait3A_305, %dma_wait3A_306] : memref<1000000x64xf32, #tpu.memory_space<hbm>> -> memref<1000000x64xf32, #tpu.memory_space<hbm>>
          tpu.wait_indirect_dma semaphore(%arg5 : memref<!tpu.dma_semaphore, #tpu.memory_space<semaphore_mem>>) src(%dma_wait3A_307 : memref<1000000x64xf32, #tpu.memory_space<hbm>>) dst(%run_scoped3A_2 : memref<128x64xf32, #tpu.memory_space<vmem>>)
          %scan3A_308 = arith.constant 0 : i32
          %scan3A_309 = arith.constant 0 : i32
          %scan3A_310 = arith.constant 8 : i32
          %scan3A_311 = arith.addi %scan3A_309, %scan3A_310 : i32
          %scan3A_312 = arith.constant 1 : i32
          %scan3A_313 = scf.for %scan3A_377 = %scan3A_309 to %scan3A_311 step %scan3A_312 iter_args(%scan3A_378 = %scan3A_308) -> (i32)  : i32 {
            %mul3A_379 = arith.constant 16 : i32
            %mul3A_380 = arith.muli %scan3A_377, %mul3A_379 : i32
            %add3A_381 = arith.constant 1536 : i32
            %add3A_382 = arith.addi %add3A_381, %mul3A_380 : i32
            %get3A = arith.index_cast %add3A_382 : i32 to index
            %get3A_383 = tpu.vector_load %run_scoped3A_1[%get3A] {strides = array<i32>} : memref<2048xi32, #tpu.memory_space<vmem>>, vector<16xi32>,
            %eq3A = arith.constant 0 : i32
            %eq3A_384 = vector.broadcast %eq3A : i32 to vector<16xi32>
            %eq3A_385 = arith.cmpi eq, %get3A_383, %eq3A_384 : vector<16xi32>
            %reduce_or3A = arith.constant 1.000000e+00 : f32
            %reduce_or3A_386 = arith.constant 0.000000e+00 : f32
            %reduce_or3A_387 = vector.broadcast %reduce_or3A : f32 to vector<16xf32>
            %reduce_or3A_388 = vector.broadcast %reduce_or3A_386 : f32 to vector<16xf32>
            %reduce_or3A_389 = arith.select %eq3A_385, %reduce_or3A_387, %reduce_or3A_388 : vector<16xi1>, vector<16xf32>
            %reduce_or3A_390 = arith.constant true
            %reduce_or3A_391 = vector.broadcast %reduce_or3A_390 : i1 to vector<16xi1>
            %reduce_or3A_392 = tpu.scan <max>, %reduce_or3A_389 masked %reduce_or3A_391 : vector<16xf32>, vector<16xi1> -> vector<16xf32>
            %reduce_or3A_393 = vector.extract %reduce_or3A_392[15] : f32 from vector<16xf32>
            %reduce_or3A_394 = arith.constant 0.000000e+00 : f32
            %reduce_or3A_395 = arith.cmpf ogt, %reduce_or3A_393, %reduce_or3A_394 : f32
            %convert_element_type3A_396 = arith.extui %reduce_or3A_395 : i1 to i32
            %cond3A_397 = arith.constant 0 : i32
            %cond3A_398 = arith.cmpi ne, %convert_element_type3A_396, %cond3A_397 : i32
            scf.if %cond3A_398 {
              %scan3A_400 = arith.constant 0 : i32
              %scan3A_401 = arith.constant 0 : i32
              %scan3A_402 = arith.constant 16 : i32
              %scan3A_403 = arith.addi %scan3A_401, %scan3A_402 : i32
              %scan3A_404 = arith.constant 1 : i32
              %scan3A_405 = scf.for %scan3A_407 = %scan3A_401 to %scan3A_403 step %scan3A_404 iter_args(%scan3A_408 = %scan3A_400) -> (i32)  : i32 {
                %eq3A_409 = vector.broadcast %scan3A_407 : i32 to vector<16xi32>
                %eq3A_410 = arith.cmpi eq, %iota3A, %eq3A_409 : vector<16xi32>
                %and3A = arith.andi %eq3A_410, %eq3A_385 : vector<16xi1>
                %reduce_or3A_411 = arith.constant 1.000000e+00 : f32
                %reduce_or3A_412 = arith.constant 0.000000e+00 : f32
                %reduce_or3A_413 = vector.broadcast %reduce_or3A_411 : f32 to vector<16xf32>
                %reduce_or3A_414 = vector.broadcast %reduce_or3A_412 : f32 to vector<16xf32>
                %reduce_or3A_415 = arith.select %and3A, %reduce_or3A_413, %reduce_or3A_414 : vector<16xi1>, vector<16xf32>
                %reduce_or3A_416 = arith.constant true
                %reduce_or3A_417 = vector.broadcast %reduce_or3A_416 : i1 to vector<16xi1>
                %reduce_or3A_418 = tpu.scan <max>, %reduce_or3A_415 masked %reduce_or3A_417 : vector<16xf32>, vector<16xi1> -> vector<16xf32>
                %reduce_or3A_419 = vector.extract %reduce_or3A_418[15] : f32 from vector<16xf32>
                %reduce_or3A_420 = arith.constant 0.000000e+00 : f32
                %reduce_or3A_421 = arith.cmpf ogt, %reduce_or3A_419, %reduce_or3A_420 : f32
                %convert_element_type3A_422 = arith.extui %reduce_or3A_421 : i1 to i32
                %cond3A_423 = arith.constant 0 : i32
                %cond3A_424 = arith.cmpi ne, %convert_element_type3A_422, %cond3A_423 : i32
                scf.if %cond3A_424 {
                  %broadcast_in_dim3A_426 = arith.constant 0.000000e+00 : f32
                  %broadcast_in_dim3A_427 = vector.broadcast %broadcast_in_dim3A_426 : f32 to vector<16xf32>
                  %mul3A_428 = arith.constant 16 : i32
                  %mul3A_429 = arith.muli %scan3A_377, %mul3A_428 : i32
                  %add3A_430 = arith.addi %mul3A_429, %scan3A_407 : i32
                  %swap3A_431 = arith.index_cast %add3A_430 : i32 to index
                  %swap3A_432 = arith.constant 0 : index
                  %swap3A_433 = tpu.vector_load %run_scoped3A_2[%swap3A_431, %swap3A_432] {strides = array<i32>} : memref<128x64xf32, #tpu.memory_space<vmem>>, vector<16xf32>,
                  tpu.vector_store %run_scoped3A_2[%swap3A_431, %swap3A_432], %broadcast_in_dim3A_427 {strides = array<i32>} : memref<128x64xf32, #tpu.memory_space<vmem>>, vector<16xf32>,
                  %swap3A_434 = arith.index_cast %add3A_430 : i32 to index
                  %swap3A_435 = arith.constant 16 : index
                  %swap3A_436 = tpu.vector_load %run_scoped3A_2[%swap3A_434, %swap3A_435] {strides = array<i32>} : memref<128x64xf32, #tpu.memory_space<vmem>>, vector<16xf32>,
                  tpu.vector_store %run_scoped3A_2[%swap3A_434, %swap3A_435], %broadcast_in_dim3A_427 {strides = array<i32>} : memref<128x64xf32, #tpu.memory_space<vmem>>, vector<16xf32>,
                  %swap3A_437 = arith.index_cast %add3A_430 : i32 to index
                  %swap3A_438 = arith.constant 32 : index
                  %swap3A_439 = tpu.vector_load %run_scoped3A_2[%swap3A_437, %swap3A_438] {strides = array<i32>} : memref<128x64xf32, #tpu.memory_space<vmem>>, vector<16xf32>,
                  tpu.vector_store %run_scoped3A_2[%swap3A_437, %swap3A_438], %broadcast_in_dim3A_427 {strides = array<i32>} : memref<128x64xf32, #tpu.memory_space<vmem>>, vector<16xf32>,
                  %swap3A_440 = arith.index_cast %add3A_430 : i32 to index
                  %swap3A_441 = arith.constant 48 : index
                  %swap3A_442 = tpu.vector_load %run_scoped3A_2[%swap3A_440, %swap3A_441] {strides = array<i32>} : memref<128x64xf32, #tpu.memory_space<vmem>>, vector<16xf32>,
                  tpu.vector_store %run_scoped3A_2[%swap3A_440, %swap3A_441], %broadcast_in_dim3A_427 {strides = array<i32>} : memref<128x64xf32, #tpu.memory_space<vmem>>, vector<16xf32>,
                } else {
                }
                %scan3A_425 = arith.constant 0 : i32
                scf.yield %scan3A_425 : i32
              }
              %scan3A_406 = arith.constant 16 : i32
            } else {
            }
            %scan3A_399 = arith.constant 0 : i32
            scf.yield %scan3A_399 : i32
          }
          %scan3A_314 = arith.constant 8 : i32
          %mul3A_315 = arith.constant 2000 : i32
          %mul3A_316 = arith.muli %add3A_16, %mul3A_315 : i32
          %add3A_317 = arith.constant 1536 : i32
          %add3A_318 = arith.addi %mul3A_316, %add3A_317 : i32
          "tpu.region"() ({
            %run_scoped3A_377 = tpu.sem_alloc : memref<!tpu.dma_semaphore, #tpu.memory_space<semaphore_mem>>
            %dma_start3A_378 = arith.constant 0 : i32
            %dma_start3A_379 = arith.constant 0 : i32
            %dma_start3A_380 = tpu.memref_slice %run_scoped3A_2[%dma_start3A_378, %dma_start3A_379] : memref<128x64xf32, #tpu.memory_space<vmem>> -> memref<128x64xf32, #tpu.memory_space<vmem>>
            %dma_start3A_381 = arith.constant 0 : i32
            %dma_start3A_382 = tpu.memref_slice %arg4[%add3A_318, %dma_start3A_381] : memref<100000x64xf32, #tpu.memory_space<hbm>> -> memref<128x64xf32, #tpu.memory_space<hbm>>
            %dma_start3A_383 = arith.constant 0 : i32
            %dma_start3A_384 = tpu.memref_slice %arg4[%add3A_318, %dma_start3A_383] : memref<100000x64xf32, #tpu.memory_space<hbm>> -> memref<128x64xf32, #tpu.memory_space<hbm>>
            %dma_start3A_385 = arith.constant 0 : i32
            %dma_start3A_386 = arith.constant 0 : i32
            %dma_start3A_387 = tpu.memref_slice %run_scoped3A_2[%dma_start3A_385, %dma_start3A_386] : memref<128x64xf32, #tpu.memory_space<vmem>> -> memref<128x64xf32, #tpu.memory_space<vmem>>
            tpu.enqueue_dma source(%dma_start3A_387 : memref<128x64xf32, #tpu.memory_space<vmem>>) target(%dma_start3A_384 : memref<128x64xf32, #tpu.memory_space<hbm>>) target_semaphore(%run_scoped3A_377 : memref<!tpu.dma_semaphore, #tpu.memory_space<semaphore_mem>>)
            %dma_wait3A_388 = arith.constant 0 : i32
            %dma_wait3A_389 = arith.constant 0 : i32
            %dma_wait3A_390 = tpu.memref_slice %run_scoped3A_2[%dma_wait3A_388, %dma_wait3A_389] : memref<128x64xf32, #tpu.memory_space<vmem>> -> memref<128x64xf32, #tpu.memory_space<vmem>>
            %dma_wait3A_391 = arith.constant 0 : i32
            %dma_wait3A_392 = tpu.memref_slice %arg4[%add3A_318, %dma_wait3A_391] : memref<100000x64xf32, #tpu.memory_space<hbm>> -> memref<128x64xf32, #tpu.memory_space<hbm>>
            %dma_wait3A_393 = arith.constant 0 : i32
            %dma_wait3A_394 = tpu.memref_slice %arg4[%add3A_318, %dma_wait3A_393] : memref<100000x64xf32, #tpu.memory_space<hbm>> -> memref<128x64xf32, #tpu.memory_space<hbm>>
            %dma_wait3A_395 = arith.constant 0 : i32
            %dma_wait3A_396 = arith.constant 0 : i32
            %dma_wait3A_397 = tpu.memref_slice %run_scoped3A_2[%dma_wait3A_395, %dma_wait3A_396] : memref<128x64xf32, #tpu.memory_space<vmem>> -> memref<128x64xf32, #tpu.memory_space<vmem>>
            tpu.wait_dma2 semaphore(%run_scoped3A_377 : memref<!tpu.dma_semaphore, #tpu.memory_space<semaphore_mem>>) src(%dma_wait3A_397 : memref<128x64xf32, #tpu.memory_space<vmem>>) dst(%dma_wait3A_394 : memref<128x64xf32, #tpu.memory_space<hbm>>)
            tpu.yield
          }) : () -> ()
          %dma_start3A_319 = arith.constant 1792 : i32
          %dma_start3A_320 = tpu.memref_slice %run_scoped3A[%dma_start3A_319] : memref<2048xi32, #tpu.memory_space<vmem>> -> memref<128xi32, #tpu.memory_space<vmem>>
          %dma_start3A_321 = arith.constant 0 : i32
          %dma_start3A_322 = arith.constant 0 : i32
          %dma_start3A_323 = tpu.memref_slice %arg2[%dma_start3A_321, %dma_start3A_322] : memref<1000000x64xf32, #tpu.memory_space<hbm>> -> memref<1000000x64xf32, #tpu.memory_space<hbm>>
          tpu.enqueue_indirect_dma source(%dma_start3A_323 : memref<1000000x64xf32, #tpu.memory_space<hbm>>) target(%run_scoped3A_2 : memref<128x64xf32, #tpu.memory_space<vmem>>) offsets(%dma_start3A_320 : memref<128xi32, #tpu.memory_space<vmem>>) semaphore(%arg5 : memref<!tpu.dma_semaphore, #tpu.memory_space<semaphore_mem>>)
          %dma_wait3A_324 = arith.constant 1664 : i32
          %dma_wait3A_325 = tpu.memref_slice %run_scoped3A[%dma_wait3A_324] : memref<2048xi32, #tpu.memory_space<vmem>> -> memref<128xi32, #tpu.memory_space<vmem>>
          %dma_wait3A_326 = arith.constant 0 : i32
          %dma_wait3A_327 = arith.constant 0 : i32
          %dma_wait3A_328 = tpu.memref_slice %arg2[%dma_wait3A_326, %dma_wait3A_327] : memref<1000000x64xf32, #tpu.memory_space<hbm>> -> memref<1000000x64xf32, #tpu.memory_space<hbm>>
          tpu.wait_indirect_dma semaphore(%arg6 : memref<!tpu.dma_semaphore, #tpu.memory_space<semaphore_mem>>) src(%dma_wait3A_328 : memref<1000000x64xf32, #tpu.memory_space<hbm>>) dst(%run_scoped3A_3 : memref<128x64xf32, #tpu.memory_space<vmem>>)
          %scan3A_329 = arith.constant 0 : i32
          %scan3A_330 = arith.constant 0 : i32
          %scan3A_331 = arith.constant 8 : i32
          %scan3A_332 = arith.addi %scan3A_330, %scan3A_331 : i32
          %scan3A_333 = arith.constant 1 : i32
          %scan3A_334 = scf.for %scan3A_377 = %scan3A_330 to %scan3A_332 step %scan3A_333 iter_args(%scan3A_378 = %scan3A_329) -> (i32)  : i32 {
            %mul3A_379 = arith.constant 16 : i32
            %mul3A_380 = arith.muli %scan3A_377, %mul3A_379 : i32
            %add3A_381 = arith.constant 1664 : i32
            %add3A_382 = arith.addi %add3A_381, %mul3A_380 : i32
            %get3A = arith.index_cast %add3A_382 : i32 to index
            %get3A_383 = tpu.vector_load %run_scoped3A_1[%get3A] {strides = array<i32>} : memref<2048xi32, #tpu.memory_space<vmem>>, vector<16xi32>,
            %eq3A = arith.constant 0 : i32
            %eq3A_384 = vector.broadcast %eq3A : i32 to vector<16xi32>
            %eq3A_385 = arith.cmpi eq, %get3A_383, %eq3A_384 : vector<16xi32>
            %reduce_or3A = arith.constant 1.000000e+00 : f32
            %reduce_or3A_386 = arith.constant 0.000000e+00 : f32
            %reduce_or3A_387 = vector.broadcast %reduce_or3A : f32 to vector<16xf32>
            %reduce_or3A_388 = vector.broadcast %reduce_or3A_386 : f32 to vector<16xf32>
            %reduce_or3A_389 = arith.select %eq3A_385, %reduce_or3A_387, %reduce_or3A_388 : vector<16xi1>, vector<16xf32>
            %reduce_or3A_390 = arith.constant true
            %reduce_or3A_391 = vector.broadcast %reduce_or3A_390 : i1 to vector<16xi1>
            %reduce_or3A_392 = tpu.scan <max>, %reduce_or3A_389 masked %reduce_or3A_391 : vector<16xf32>, vector<16xi1> -> vector<16xf32>
            %reduce_or3A_393 = vector.extract %reduce_or3A_392[15] : f32 from vector<16xf32>
            %reduce_or3A_394 = arith.constant 0.000000e+00 : f32
            %reduce_or3A_395 = arith.cmpf ogt, %reduce_or3A_393, %reduce_or3A_394 : f32
            %convert_element_type3A_396 = arith.extui %reduce_or3A_395 : i1 to i32
            %cond3A_397 = arith.constant 0 : i32
            %cond3A_398 = arith.cmpi ne, %convert_element_type3A_396, %cond3A_397 : i32
            scf.if %cond3A_398 {
              %scan3A_400 = arith.constant 0 : i32
              %scan3A_401 = arith.constant 0 : i32
              %scan3A_402 = arith.constant 16 : i32
              %scan3A_403 = arith.addi %scan3A_401, %scan3A_402 : i32
              %scan3A_404 = arith.constant 1 : i32
              %scan3A_405 = scf.for %scan3A_407 = %scan3A_401 to %scan3A_403 step %scan3A_404 iter_args(%scan3A_408 = %scan3A_400) -> (i32)  : i32 {
                %eq3A_409 = vector.broadcast %scan3A_407 : i32 to vector<16xi32>
                %eq3A_410 = arith.cmpi eq, %iota3A, %eq3A_409 : vector<16xi32>
                %and3A = arith.andi %eq3A_410, %eq3A_385 : vector<16xi1>
                %reduce_or3A_411 = arith.constant 1.000000e+00 : f32
                %reduce_or3A_412 = arith.constant 0.000000e+00 : f32
                %reduce_or3A_413 = vector.broadcast %reduce_or3A_411 : f32 to vector<16xf32>
                %reduce_or3A_414 = vector.broadcast %reduce_or3A_412 : f32 to vector<16xf32>
                %reduce_or3A_415 = arith.select %and3A, %reduce_or3A_413, %reduce_or3A_414 : vector<16xi1>, vector<16xf32>
                %reduce_or3A_416 = arith.constant true
                %reduce_or3A_417 = vector.broadcast %reduce_or3A_416 : i1 to vector<16xi1>
                %reduce_or3A_418 = tpu.scan <max>, %reduce_or3A_415 masked %reduce_or3A_417 : vector<16xf32>, vector<16xi1> -> vector<16xf32>
                %reduce_or3A_419 = vector.extract %reduce_or3A_418[15] : f32 from vector<16xf32>
                %reduce_or3A_420 = arith.constant 0.000000e+00 : f32
                %reduce_or3A_421 = arith.cmpf ogt, %reduce_or3A_419, %reduce_or3A_420 : f32
                %convert_element_type3A_422 = arith.extui %reduce_or3A_421 : i1 to i32
                %cond3A_423 = arith.constant 0 : i32
                %cond3A_424 = arith.cmpi ne, %convert_element_type3A_422, %cond3A_423 : i32
                scf.if %cond3A_424 {
                  %broadcast_in_dim3A_426 = arith.constant 0.000000e+00 : f32
                  %broadcast_in_dim3A_427 = vector.broadcast %broadcast_in_dim3A_426 : f32 to vector<16xf32>
                  %mul3A_428 = arith.constant 16 : i32
                  %mul3A_429 = arith.muli %scan3A_377, %mul3A_428 : i32
                  %add3A_430 = arith.addi %mul3A_429, %scan3A_407 : i32
                  %swap3A_431 = arith.index_cast %add3A_430 : i32 to index
                  %swap3A_432 = arith.constant 0 : index
                  %swap3A_433 = tpu.vector_load %run_scoped3A_3[%swap3A_431, %swap3A_432] {strides = array<i32>} : memref<128x64xf32, #tpu.memory_space<vmem>>, vector<16xf32>,
                  tpu.vector_store %run_scoped3A_3[%swap3A_431, %swap3A_432], %broadcast_in_dim3A_427 {strides = array<i32>} : memref<128x64xf32, #tpu.memory_space<vmem>>, vector<16xf32>,
                  %swap3A_434 = arith.index_cast %add3A_430 : i32 to index
                  %swap3A_435 = arith.constant 16 : index
                  %swap3A_436 = tpu.vector_load %run_scoped3A_3[%swap3A_434, %swap3A_435] {strides = array<i32>} : memref<128x64xf32, #tpu.memory_space<vmem>>, vector<16xf32>,
                  tpu.vector_store %run_scoped3A_3[%swap3A_434, %swap3A_435], %broadcast_in_dim3A_427 {strides = array<i32>} : memref<128x64xf32, #tpu.memory_space<vmem>>, vector<16xf32>,
                  %swap3A_437 = arith.index_cast %add3A_430 : i32 to index
                  %swap3A_438 = arith.constant 32 : index
                  %swap3A_439 = tpu.vector_load %run_scoped3A_3[%swap3A_437, %swap3A_438] {strides = array<i32>} : memref<128x64xf32, #tpu.memory_space<vmem>>, vector<16xf32>,
                  tpu.vector_store %run_scoped3A_3[%swap3A_437, %swap3A_438], %broadcast_in_dim3A_427 {strides = array<i32>} : memref<128x64xf32, #tpu.memory_space<vmem>>, vector<16xf32>,
                  %swap3A_440 = arith.index_cast %add3A_430 : i32 to index
                  %swap3A_441 = arith.constant 48 : index
                  %swap3A_442 = tpu.vector_load %run_scoped3A_3[%swap3A_440, %swap3A_441] {strides = array<i32>} : memref<128x64xf32, #tpu.memory_space<vmem>>, vector<16xf32>,
                  tpu.vector_store %run_scoped3A_3[%swap3A_440, %swap3A_441], %broadcast_in_dim3A_427 {strides = array<i32>} : memref<128x64xf32, #tpu.memory_space<vmem>>, vector<16xf32>,
                } else {
                }
                %scan3A_425 = arith.constant 0 : i32
                scf.yield %scan3A_425 : i32
              }
              %scan3A_406 = arith.constant 16 : i32
            } else {
            }
            %scan3A_399 = arith.constant 0 : i32
            scf.yield %scan3A_399 : i32
          }
          %scan3A_335 = arith.constant 8 : i32
          %mul3A_336 = arith.constant 2000 : i32
          %mul3A_337 = arith.muli %add3A_16, %mul3A_336 : i32
          %add3A_338 = arith.constant 1664 : i32
          %add3A_339 = arith.addi %mul3A_337, %add3A_338 : i32
          "tpu.region"() ({
            %run_scoped3A_377 = tpu.sem_alloc : memref<!tpu.dma_semaphore, #tpu.memory_space<semaphore_mem>>
            %dma_start3A_378 = arith.constant 0 : i32
            %dma_start3A_379 = arith.constant 0 : i32
            %dma_start3A_380 = tpu.memref_slice %run_scoped3A_3[%dma_start3A_378, %dma_start3A_379] : memref<128x64xf32, #tpu.memory_space<vmem>> -> memref<128x64xf32, #tpu.memory_space<vmem>>
            %dma_start3A_381 = arith.constant 0 : i32
            %dma_start3A_382 = tpu.memref_slice %arg4[%add3A_339, %dma_start3A_381] : memref<100000x64xf32, #tpu.memory_space<hbm>> -> memref<128x64xf32, #tpu.memory_space<hbm>>
            %dma_start3A_383 = arith.constant 0 : i32
            %dma_start3A_384 = tpu.memref_slice %arg4[%add3A_339, %dma_start3A_383] : memref<100000x64xf32, #tpu.memory_space<hbm>> -> memref<128x64xf32, #tpu.memory_space<hbm>>
            %dma_start3A_385 = arith.constant 0 : i32
            %dma_start3A_386 = arith.constant 0 : i32
            %dma_start3A_387 = tpu.memref_slice %run_scoped3A_3[%dma_start3A_385, %dma_start3A_386] : memref<128x64xf32, #tpu.memory_space<vmem>> -> memref<128x64xf32, #tpu.memory_space<vmem>>
            tpu.enqueue_dma source(%dma_start3A_387 : memref<128x64xf32, #tpu.memory_space<vmem>>) target(%dma_start3A_384 : memref<128x64xf32, #tpu.memory_space<hbm>>) target_semaphore(%run_scoped3A_377 : memref<!tpu.dma_semaphore, #tpu.memory_space<semaphore_mem>>)
            %dma_wait3A_388 = arith.constant 0 : i32
            %dma_wait3A_389 = arith.constant 0 : i32
            %dma_wait3A_390 = tpu.memref_slice %run_scoped3A_3[%dma_wait3A_388, %dma_wait3A_389] : memref<128x64xf32, #tpu.memory_space<vmem>> -> memref<128x64xf32, #tpu.memory_space<vmem>>
            %dma_wait3A_391 = arith.constant 0 : i32
            %dma_wait3A_392 = tpu.memref_slice %arg4[%add3A_339, %dma_wait3A_391] : memref<100000x64xf32, #tpu.memory_space<hbm>> -> memref<128x64xf32, #tpu.memory_space<hbm>>
            %dma_wait3A_393 = arith.constant 0 : i32
            %dma_wait3A_394 = tpu.memref_slice %arg4[%add3A_339, %dma_wait3A_393] : memref<100000x64xf32, #tpu.memory_space<hbm>> -> memref<128x64xf32, #tpu.memory_space<hbm>>
            %dma_wait3A_395 = arith.constant 0 : i32
            %dma_wait3A_396 = arith.constant 0 : i32
            %dma_wait3A_397 = tpu.memref_slice %run_scoped3A_3[%dma_wait3A_395, %dma_wait3A_396] : memref<128x64xf32, #tpu.memory_space<vmem>> -> memref<128x64xf32, #tpu.memory_space<vmem>>
            tpu.wait_dma2 semaphore(%run_scoped3A_377 : memref<!tpu.dma_semaphore, #tpu.memory_space<semaphore_mem>>) src(%dma_wait3A_397 : memref<128x64xf32, #tpu.memory_space<vmem>>) dst(%dma_wait3A_394 : memref<128x64xf32, #tpu.memory_space<hbm>>)
            tpu.yield
          }) : () -> ()
          %dma_start3A_340 = arith.constant 1920 : i32
          %dma_start3A_341 = tpu.memref_slice %run_scoped3A[%dma_start3A_340] : memref<2048xi32, #tpu.memory_space<vmem>> -> memref<128xi32, #tpu.memory_space<vmem>>
          %dma_start3A_342 = arith.constant 0 : i32
          %dma_start3A_343 = arith.constant 0 : i32
          %dma_start3A_344 = tpu.memref_slice %arg2[%dma_start3A_342, %dma_start3A_343] : memref<1000000x64xf32, #tpu.memory_space<hbm>> -> memref<1000000x64xf32, #tpu.memory_space<hbm>>
          tpu.enqueue_indirect_dma source(%dma_start3A_344 : memref<1000000x64xf32, #tpu.memory_space<hbm>>) target(%run_scoped3A_3 : memref<128x64xf32, #tpu.memory_space<vmem>>) offsets(%dma_start3A_341 : memref<128xi32, #tpu.memory_space<vmem>>) semaphore(%arg6 : memref<!tpu.dma_semaphore, #tpu.memory_space<semaphore_mem>>)
          %dma_wait3A_345 = arith.constant 1792 : i32
          %dma_wait3A_346 = tpu.memref_slice %run_scoped3A[%dma_wait3A_345] : memref<2048xi32, #tpu.memory_space<vmem>> -> memref<128xi32, #tpu.memory_space<vmem>>
          %dma_wait3A_347 = arith.constant 0 : i32
          %dma_wait3A_348 = arith.constant 0 : i32
          %dma_wait3A_349 = tpu.memref_slice %arg2[%dma_wait3A_347, %dma_wait3A_348] : memref<1000000x64xf32, #tpu.memory_space<hbm>> -> memref<1000000x64xf32, #tpu.memory_space<hbm>>
          tpu.wait_indirect_dma semaphore(%arg5 : memref<!tpu.dma_semaphore, #tpu.memory_space<semaphore_mem>>) src(%dma_wait3A_349 : memref<1000000x64xf32, #tpu.memory_space<hbm>>) dst(%run_scoped3A_2 : memref<128x64xf32, #tpu.memory_space<vmem>>)
          %scan3A_350 = arith.constant 0 : i32
          %scan3A_351 = arith.constant 0 : i32
          %scan3A_352 = arith.constant 8 : i32
          %scan3A_353 = arith.addi %scan3A_351, %scan3A_352 : i32
          %scan3A_354 = arith.constant 1 : i32
          %scan3A_355 = scf.for %scan3A_377 = %scan3A_351 to %scan3A_353 step %scan3A_354 iter_args(%scan3A_378 = %scan3A_350) -> (i32)  : i32 {
            %mul3A_379 = arith.constant 16 : i32
            %mul3A_380 = arith.muli %scan3A_377, %mul3A_379 : i32
            %add3A_381 = arith.constant 1792 : i32
            %add3A_382 = arith.addi %add3A_381, %mul3A_380 : i32
            %get3A = arith.index_cast %add3A_382 : i32 to index
            %get3A_383 = tpu.vector_load %run_scoped3A_1[%get3A] {strides = array<i32>} : memref<2048xi32, #tpu.memory_space<vmem>>, vector<16xi32>,
            %eq3A = arith.constant 0 : i32
            %eq3A_384 = vector.broadcast %eq3A : i32 to vector<16xi32>
            %eq3A_385 = arith.cmpi eq, %get3A_383, %eq3A_384 : vector<16xi32>
            %reduce_or3A = arith.constant 1.000000e+00 : f32
            %reduce_or3A_386 = arith.constant 0.000000e+00 : f32
            %reduce_or3A_387 = vector.broadcast %reduce_or3A : f32 to vector<16xf32>
            %reduce_or3A_388 = vector.broadcast %reduce_or3A_386 : f32 to vector<16xf32>
            %reduce_or3A_389 = arith.select %eq3A_385, %reduce_or3A_387, %reduce_or3A_388 : vector<16xi1>, vector<16xf32>
            %reduce_or3A_390 = arith.constant true
            %reduce_or3A_391 = vector.broadcast %reduce_or3A_390 : i1 to vector<16xi1>
            %reduce_or3A_392 = tpu.scan <max>, %reduce_or3A_389 masked %reduce_or3A_391 : vector<16xf32>, vector<16xi1> -> vector<16xf32>
            %reduce_or3A_393 = vector.extract %reduce_or3A_392[15] : f32 from vector<16xf32>
            %reduce_or3A_394 = arith.constant 0.000000e+00 : f32
            %reduce_or3A_395 = arith.cmpf ogt, %reduce_or3A_393, %reduce_or3A_394 : f32
            %convert_element_type3A_396 = arith.extui %reduce_or3A_395 : i1 to i32
            %cond3A_397 = arith.constant 0 : i32
            %cond3A_398 = arith.cmpi ne, %convert_element_type3A_396, %cond3A_397 : i32
            scf.if %cond3A_398 {
              %scan3A_400 = arith.constant 0 : i32
              %scan3A_401 = arith.constant 0 : i32
              %scan3A_402 = arith.constant 16 : i32
              %scan3A_403 = arith.addi %scan3A_401, %scan3A_402 : i32
              %scan3A_404 = arith.constant 1 : i32
              %scan3A_405 = scf.for %scan3A_407 = %scan3A_401 to %scan3A_403 step %scan3A_404 iter_args(%scan3A_408 = %scan3A_400) -> (i32)  : i32 {
                %eq3A_409 = vector.broadcast %scan3A_407 : i32 to vector<16xi32>
                %eq3A_410 = arith.cmpi eq, %iota3A, %eq3A_409 : vector<16xi32>
                %and3A = arith.andi %eq3A_410, %eq3A_385 : vector<16xi1>
                %reduce_or3A_411 = arith.constant 1.000000e+00 : f32
                %reduce_or3A_412 = arith.constant 0.000000e+00 : f32
                %reduce_or3A_413 = vector.broadcast %reduce_or3A_411 : f32 to vector<16xf32>
                %reduce_or3A_414 = vector.broadcast %reduce_or3A_412 : f32 to vector<16xf32>
                %reduce_or3A_415 = arith.select %and3A, %reduce_or3A_413, %reduce_or3A_414 : vector<16xi1>, vector<16xf32>
                %reduce_or3A_416 = arith.constant true
                %reduce_or3A_417 = vector.broadcast %reduce_or3A_416 : i1 to vector<16xi1>
                %reduce_or3A_418 = tpu.scan <max>, %reduce_or3A_415 masked %reduce_or3A_417 : vector<16xf32>, vector<16xi1> -> vector<16xf32>
                %reduce_or3A_419 = vector.extract %reduce_or3A_418[15] : f32 from vector<16xf32>
                %reduce_or3A_420 = arith.constant 0.000000e+00 : f32
                %reduce_or3A_421 = arith.cmpf ogt, %reduce_or3A_419, %reduce_or3A_420 : f32
                %convert_element_type3A_422 = arith.extui %reduce_or3A_421 : i1 to i32
                %cond3A_423 = arith.constant 0 : i32
                %cond3A_424 = arith.cmpi ne, %convert_element_type3A_422, %cond3A_423 : i32
                scf.if %cond3A_424 {
                  %broadcast_in_dim3A_426 = arith.constant 0.000000e+00 : f32
                  %broadcast_in_dim3A_427 = vector.broadcast %broadcast_in_dim3A_426 : f32 to vector<16xf32>
                  %mul3A_428 = arith.constant 16 : i32
                  %mul3A_429 = arith.muli %scan3A_377, %mul3A_428 : i32
                  %add3A_430 = arith.addi %mul3A_429, %scan3A_407 : i32
                  %swap3A_431 = arith.index_cast %add3A_430 : i32 to index
                  %swap3A_432 = arith.constant 0 : index
                  %swap3A_433 = tpu.vector_load %run_scoped3A_2[%swap3A_431, %swap3A_432] {strides = array<i32>} : memref<128x64xf32, #tpu.memory_space<vmem>>, vector<16xf32>,
                  tpu.vector_store %run_scoped3A_2[%swap3A_431, %swap3A_432], %broadcast_in_dim3A_427 {strides = array<i32>} : memref<128x64xf32, #tpu.memory_space<vmem>>, vector<16xf32>,
                  %swap3A_434 = arith.index_cast %add3A_430 : i32 to index
                  %swap3A_435 = arith.constant 16 : index
                  %swap3A_436 = tpu.vector_load %run_scoped3A_2[%swap3A_434, %swap3A_435] {strides = array<i32>} : memref<128x64xf32, #tpu.memory_space<vmem>>, vector<16xf32>,
                  tpu.vector_store %run_scoped3A_2[%swap3A_434, %swap3A_435], %broadcast_in_dim3A_427 {strides = array<i32>} : memref<128x64xf32, #tpu.memory_space<vmem>>, vector<16xf32>,
                  %swap3A_437 = arith.index_cast %add3A_430 : i32 to index
                  %swap3A_438 = arith.constant 32 : index
                  %swap3A_439 = tpu.vector_load %run_scoped3A_2[%swap3A_437, %swap3A_438] {strides = array<i32>} : memref<128x64xf32, #tpu.memory_space<vmem>>, vector<16xf32>,
                  tpu.vector_store %run_scoped3A_2[%swap3A_437, %swap3A_438], %broadcast_in_dim3A_427 {strides = array<i32>} : memref<128x64xf32, #tpu.memory_space<vmem>>, vector<16xf32>,
                  %swap3A_440 = arith.index_cast %add3A_430 : i32 to index
                  %swap3A_441 = arith.constant 48 : index
                  %swap3A_442 = tpu.vector_load %run_scoped3A_2[%swap3A_440, %swap3A_441] {strides = array<i32>} : memref<128x64xf32, #tpu.memory_space<vmem>>, vector<16xf32>,
                  tpu.vector_store %run_scoped3A_2[%swap3A_440, %swap3A_441], %broadcast_in_dim3A_427 {strides = array<i32>} : memref<128x64xf32, #tpu.memory_space<vmem>>, vector<16xf32>,
                } else {
                }
                %scan3A_425 = arith.constant 0 : i32
                scf.yield %scan3A_425 : i32
              }
              %scan3A_406 = arith.constant 16 : i32
            } else {
            }
            %scan3A_399 = arith.constant 0 : i32
            scf.yield %scan3A_399 : i32
          }
          %scan3A_356 = arith.constant 8 : i32
          %mul3A_357 = arith.constant 2000 : i32
          %mul3A_358 = arith.muli %add3A_16, %mul3A_357 : i32
          %add3A_359 = arith.constant 1792 : i32
          %add3A_360 = arith.addi %mul3A_358, %add3A_359 : i32
          "tpu.region"() ({
            %run_scoped3A_377 = tpu.sem_alloc : memref<!tpu.dma_semaphore, #tpu.memory_space<semaphore_mem>>
            %dma_start3A_378 = arith.constant 0 : i32
            %dma_start3A_379 = arith.constant 0 : i32
            %dma_start3A_380 = tpu.memref_slice %run_scoped3A_2[%dma_start3A_378, %dma_start3A_379] : memref<128x64xf32, #tpu.memory_space<vmem>> -> memref<128x64xf32, #tpu.memory_space<vmem>>
            %dma_start3A_381 = arith.constant 0 : i32
            %dma_start3A_382 = tpu.memref_slice %arg4[%add3A_360, %dma_start3A_381] : memref<100000x64xf32, #tpu.memory_space<hbm>> -> memref<128x64xf32, #tpu.memory_space<hbm>>
            %dma_start3A_383 = arith.constant 0 : i32
            %dma_start3A_384 = tpu.memref_slice %arg4[%add3A_360, %dma_start3A_383] : memref<100000x64xf32, #tpu.memory_space<hbm>> -> memref<128x64xf32, #tpu.memory_space<hbm>>
            %dma_start3A_385 = arith.constant 0 : i32
            %dma_start3A_386 = arith.constant 0 : i32
            %dma_start3A_387 = tpu.memref_slice %run_scoped3A_2[%dma_start3A_385, %dma_start3A_386] : memref<128x64xf32, #tpu.memory_space<vmem>> -> memref<128x64xf32, #tpu.memory_space<vmem>>
            tpu.enqueue_dma source(%dma_start3A_387 : memref<128x64xf32, #tpu.memory_space<vmem>>) target(%dma_start3A_384 : memref<128x64xf32, #tpu.memory_space<hbm>>) target_semaphore(%run_scoped3A_377 : memref<!tpu.dma_semaphore, #tpu.memory_space<semaphore_mem>>)
            %dma_wait3A_388 = arith.constant 0 : i32
            %dma_wait3A_389 = arith.constant 0 : i32
            %dma_wait3A_390 = tpu.memref_slice %run_scoped3A_2[%dma_wait3A_388, %dma_wait3A_389] : memref<128x64xf32, #tpu.memory_space<vmem>> -> memref<128x64xf32, #tpu.memory_space<vmem>>
            %dma_wait3A_391 = arith.constant 0 : i32
            %dma_wait3A_392 = tpu.memref_slice %arg4[%add3A_360, %dma_wait3A_391] : memref<100000x64xf32, #tpu.memory_space<hbm>> -> memref<128x64xf32, #tpu.memory_space<hbm>>
            %dma_wait3A_393 = arith.constant 0 : i32
            %dma_wait3A_394 = tpu.memref_slice %arg4[%add3A_360, %dma_wait3A_393] : memref<100000x64xf32, #tpu.memory_space<hbm>> -> memref<128x64xf32, #tpu.memory_space<hbm>>
            %dma_wait3A_395 = arith.constant 0 : i32
            %dma_wait3A_396 = arith.constant 0 : i32
            %dma_wait3A_397 = tpu.memref_slice %run_scoped3A_2[%dma_wait3A_395, %dma_wait3A_396] : memref<128x64xf32, #tpu.memory_space<vmem>> -> memref<128x64xf32, #tpu.memory_space<vmem>>
            tpu.wait_dma2 semaphore(%run_scoped3A_377 : memref<!tpu.dma_semaphore, #tpu.memory_space<semaphore_mem>>) src(%dma_wait3A_397 : memref<128x64xf32, #tpu.memory_space<vmem>>) dst(%dma_wait3A_394 : memref<128x64xf32, #tpu.memory_space<hbm>>)
            tpu.yield
          }) : () -> ()
          %dma_wait3A_361 = arith.constant 1920 : i32
          %dma_wait3A_362 = tpu.memref_slice %run_scoped3A[%dma_wait3A_361] : memref<2048xi32, #tpu.memory_space<vmem>> -> memref<128xi32, #tpu.memory_space<vmem>>
          %dma_wait3A_363 = arith.constant 0 : i32
          %dma_wait3A_364 = arith.constant 0 : i32
          %dma_wait3A_365 = tpu.memref_slice %arg2[%dma_wait3A_363, %dma_wait3A_364] : memref<1000000x64xf32, #tpu.memory_space<hbm>> -> memref<1000000x64xf32, #tpu.memory_space<hbm>>
          tpu.wait_indirect_dma semaphore(%arg6 : memref<!tpu.dma_semaphore, #tpu.memory_space<semaphore_mem>>) src(%dma_wait3A_365 : memref<1000000x64xf32, #tpu.memory_space<hbm>>) dst(%run_scoped3A_3 : memref<128x64xf32, #tpu.memory_space<vmem>>)
          %scan3A_366 = arith.constant 0 : i32
          %scan3A_367 = arith.constant 0 : i32
          %scan3A_368 = arith.constant 8 : i32
          %scan3A_369 = arith.addi %scan3A_367, %scan3A_368 : i32
          %scan3A_370 = arith.constant 1 : i32
          %scan3A_371 = scf.for %scan3A_377 = %scan3A_367 to %scan3A_369 step %scan3A_370 iter_args(%scan3A_378 = %scan3A_366) -> (i32)  : i32 {
            %mul3A_379 = arith.constant 16 : i32
            %mul3A_380 = arith.muli %scan3A_377, %mul3A_379 : i32
            %add3A_381 = arith.constant 1920 : i32
            %add3A_382 = arith.addi %add3A_381, %mul3A_380 : i32
            %get3A = arith.index_cast %add3A_382 : i32 to index
            %get3A_383 = tpu.vector_load %run_scoped3A_1[%get3A] {strides = array<i32>} : memref<2048xi32, #tpu.memory_space<vmem>>, vector<16xi32>,
            %eq3A = arith.constant 0 : i32
            %eq3A_384 = vector.broadcast %eq3A : i32 to vector<16xi32>
            %eq3A_385 = arith.cmpi eq, %get3A_383, %eq3A_384 : vector<16xi32>
            %reduce_or3A = arith.constant 1.000000e+00 : f32
            %reduce_or3A_386 = arith.constant 0.000000e+00 : f32
            %reduce_or3A_387 = vector.broadcast %reduce_or3A : f32 to vector<16xf32>
            %reduce_or3A_388 = vector.broadcast %reduce_or3A_386 : f32 to vector<16xf32>
            %reduce_or3A_389 = arith.select %eq3A_385, %reduce_or3A_387, %reduce_or3A_388 : vector<16xi1>, vector<16xf32>
            %reduce_or3A_390 = arith.constant true
            %reduce_or3A_391 = vector.broadcast %reduce_or3A_390 : i1 to vector<16xi1>
            %reduce_or3A_392 = tpu.scan <max>, %reduce_or3A_389 masked %reduce_or3A_391 : vector<16xf32>, vector<16xi1> -> vector<16xf32>
            %reduce_or3A_393 = vector.extract %reduce_or3A_392[15] : f32 from vector<16xf32>
            %reduce_or3A_394 = arith.constant 0.000000e+00 : f32
            %reduce_or3A_395 = arith.cmpf ogt, %reduce_or3A_393, %reduce_or3A_394 : f32
            %convert_element_type3A_396 = arith.extui %reduce_or3A_395 : i1 to i32
            %cond3A_397 = arith.constant 0 : i32
            %cond3A_398 = arith.cmpi ne, %convert_element_type3A_396, %cond3A_397 : i32
            scf.if %cond3A_398 {
              %scan3A_400 = arith.constant 0 : i32
              %scan3A_401 = arith.constant 0 : i32
              %scan3A_402 = arith.constant 16 : i32
              %scan3A_403 = arith.addi %scan3A_401, %scan3A_402 : i32
              %scan3A_404 = arith.constant 1 : i32
              %scan3A_405 = scf.for %scan3A_407 = %scan3A_401 to %scan3A_403 step %scan3A_404 iter_args(%scan3A_408 = %scan3A_400) -> (i32)  : i32 {
                %eq3A_409 = vector.broadcast %scan3A_407 : i32 to vector<16xi32>
                %eq3A_410 = arith.cmpi eq, %iota3A, %eq3A_409 : vector<16xi32>
                %and3A = arith.andi %eq3A_410, %eq3A_385 : vector<16xi1>
                %reduce_or3A_411 = arith.constant 1.000000e+00 : f32
                %reduce_or3A_412 = arith.constant 0.000000e+00 : f32
                %reduce_or3A_413 = vector.broadcast %reduce_or3A_411 : f32 to vector<16xf32>
                %reduce_or3A_414 = vector.broadcast %reduce_or3A_412 : f32 to vector<16xf32>
                %reduce_or3A_415 = arith.select %and3A, %reduce_or3A_413, %reduce_or3A_414 : vector<16xi1>, vector<16xf32>
                %reduce_or3A_416 = arith.constant true
                %reduce_or3A_417 = vector.broadcast %reduce_or3A_416 : i1 to vector<16xi1>
                %reduce_or3A_418 = tpu.scan <max>, %reduce_or3A_415 masked %reduce_or3A_417 : vector<16xf32>, vector<16xi1> -> vector<16xf32>
                %reduce_or3A_419 = vector.extract %reduce_or3A_418[15] : f32 from vector<16xf32>
                %reduce_or3A_420 = arith.constant 0.000000e+00 : f32
                %reduce_or3A_421 = arith.cmpf ogt, %reduce_or3A_419, %reduce_or3A_420 : f32
                %convert_element_type3A_422 = arith.extui %reduce_or3A_421 : i1 to i32
                %cond3A_423 = arith.constant 0 : i32
                %cond3A_424 = arith.cmpi ne, %convert_element_type3A_422, %cond3A_423 : i32
                scf.if %cond3A_424 {
                  %broadcast_in_dim3A_426 = arith.constant 0.000000e+00 : f32
                  %broadcast_in_dim3A_427 = vector.broadcast %broadcast_in_dim3A_426 : f32 to vector<16xf32>
                  %mul3A_428 = arith.constant 16 : i32
                  %mul3A_429 = arith.muli %scan3A_377, %mul3A_428 : i32
                  %add3A_430 = arith.addi %mul3A_429, %scan3A_407 : i32
                  %swap3A_431 = arith.index_cast %add3A_430 : i32 to index
                  %swap3A_432 = arith.constant 0 : index
                  %swap3A_433 = tpu.vector_load %run_scoped3A_3[%swap3A_431, %swap3A_432] {strides = array<i32>} : memref<128x64xf32, #tpu.memory_space<vmem>>, vector<16xf32>,
                  tpu.vector_store %run_scoped3A_3[%swap3A_431, %swap3A_432], %broadcast_in_dim3A_427 {strides = array<i32>} : memref<128x64xf32, #tpu.memory_space<vmem>>, vector<16xf32>,
                  %swap3A_434 = arith.index_cast %add3A_430 : i32 to index
                  %swap3A_435 = arith.constant 16 : index
                  %swap3A_436 = tpu.vector_load %run_scoped3A_3[%swap3A_434, %swap3A_435] {strides = array<i32>} : memref<128x64xf32, #tpu.memory_space<vmem>>, vector<16xf32>,
                  tpu.vector_store %run_scoped3A_3[%swap3A_434, %swap3A_435], %broadcast_in_dim3A_427 {strides = array<i32>} : memref<128x64xf32, #tpu.memory_space<vmem>>, vector<16xf32>,
                  %swap3A_437 = arith.index_cast %add3A_430 : i32 to index
                  %swap3A_438 = arith.constant 32 : index
                  %swap3A_439 = tpu.vector_load %run_scoped3A_3[%swap3A_437, %swap3A_438] {strides = array<i32>} : memref<128x64xf32, #tpu.memory_space<vmem>>, vector<16xf32>,
                  tpu.vector_store %run_scoped3A_3[%swap3A_437, %swap3A_438], %broadcast_in_dim3A_427 {strides = array<i32>} : memref<128x64xf32, #tpu.memory_space<vmem>>, vector<16xf32>,
                  %swap3A_440 = arith.index_cast %add3A_430 : i32 to index
                  %swap3A_441 = arith.constant 48 : index
                  %swap3A_442 = tpu.vector_load %run_scoped3A_3[%swap3A_440, %swap3A_441] {strides = array<i32>} : memref<128x64xf32, #tpu.memory_space<vmem>>, vector<16xf32>,
                  tpu.vector_store %run_scoped3A_3[%swap3A_440, %swap3A_441], %broadcast_in_dim3A_427 {strides = array<i32>} : memref<128x64xf32, #tpu.memory_space<vmem>>, vector<16xf32>,
                } else {
                }
                %scan3A_425 = arith.constant 0 : i32
                scf.yield %scan3A_425 : i32
              }
              %scan3A_406 = arith.constant 16 : i32
            } else {
            }
            %scan3A_399 = arith.constant 0 : i32
            scf.yield %scan3A_399 : i32
          }
          %scan3A_372 = arith.constant 8 : i32
          %mul3A_373 = arith.constant 2000 : i32
          %mul3A_374 = arith.muli %add3A_16, %mul3A_373 : i32
          %add3A_375 = arith.constant 1920 : i32
          %add3A_376 = arith.addi %mul3A_374, %add3A_375 : i32
          "tpu.region"() ({
            %run_scoped3A_377 = tpu.sem_alloc : memref<!tpu.dma_semaphore, #tpu.memory_space<semaphore_mem>>
            %dma_start3A_378 = arith.constant 0 : i32
            %dma_start3A_379 = arith.constant 0 : i32
            %dma_start3A_380 = tpu.memref_slice %run_scoped3A_3[%dma_start3A_378, %dma_start3A_379] : memref<128x64xf32, #tpu.memory_space<vmem>> -> memref<80x64xf32, #tpu.memory_space<vmem>>
            %dma_start3A_381 = arith.constant 0 : i32
            %dma_start3A_382 = tpu.memref_slice %arg4[%add3A_376, %dma_start3A_381] : memref<100000x64xf32, #tpu.memory_space<hbm>> -> memref<80x64xf32, #tpu.memory_space<hbm>>
            %dma_start3A_383 = arith.constant 0 : i32
            %dma_start3A_384 = tpu.memref_slice %arg4[%add3A_376, %dma_start3A_383] : memref<100000x64xf32, #tpu.memory_space<hbm>> -> memref<80x64xf32, #tpu.memory_space<hbm>>
            %dma_start3A_385 = arith.constant 0 : i32
            %dma_start3A_386 = arith.constant 0 : i32
            %dma_start3A_387 = tpu.memref_slice %run_scoped3A_3[%dma_start3A_385, %dma_start3A_386] : memref<128x64xf32, #tpu.memory_space<vmem>> -> memref<80x64xf32, #tpu.memory_space<vmem>>
            tpu.enqueue_dma source(%dma_start3A_387 : memref<80x64xf32, #tpu.memory_space<vmem>>) target(%dma_start3A_384 : memref<80x64xf32, #tpu.memory_space<hbm>>) target_semaphore(%run_scoped3A_377 : memref<!tpu.dma_semaphore, #tpu.memory_space<semaphore_mem>>)
            %dma_wait3A_388 = arith.constant 0 : i32
            %dma_wait3A_389 = arith.constant 0 : i32
            %dma_wait3A_390 = tpu.memref_slice %run_scoped3A_3[%dma_wait3A_388, %dma_wait3A_389] : memref<128x64xf32, #tpu.memory_space<vmem>> -> memref<80x64xf32, #tpu.memory_space<vmem>>
            %dma_wait3A_391 = arith.constant 0 : i32
            %dma_wait3A_392 = tpu.memref_slice %arg4[%add3A_376, %dma_wait3A_391] : memref<100000x64xf32, #tpu.memory_space<hbm>> -> memref<80x64xf32, #tpu.memory_space<hbm>>
            %dma_wait3A_393 = arith.constant 0 : i32
            %dma_wait3A_394 = tpu.memref_slice %arg4[%add3A_376, %dma_wait3A_393] : memref<100000x64xf32, #tpu.memory_space<hbm>> -> memref<80x64xf32, #tpu.memory_space<hbm>>
            %dma_wait3A_395 = arith.constant 0 : i32
            %dma_wait3A_396 = arith.constant 0 : i32
            %dma_wait3A_397 = tpu.memref_slice %run_scoped3A_3[%dma_wait3A_395, %dma_wait3A_396] : memref<128x64xf32, #tpu.memory_space<vmem>> -> memref<80x64xf32, #tpu.memory_space<vmem>>
            tpu.wait_dma2 semaphore(%run_scoped3A_377 : memref<!tpu.dma_semaphore, #tpu.memory_space<semaphore_mem>>) src(%dma_wait3A_397 : memref<80x64xf32, #tpu.memory_space<vmem>>) dst(%dma_wait3A_394 : memref<80x64xf32, #tpu.memory_space<hbm>>)
            tpu.yield
          }) : () -> ()
        } else {
        }
        %scan3A_19 = arith.constant 0 : i32
        scf.yield %scan3A_19 : i32
      }
      %scan3A_9 = arith.constant 2 : i32
      tpu.yield
    }) : () -> ()
    return
  }
}

</mosaic_0001>

<sc_bundles>
// kernel: kernel.4.cloned.1.call-start
scs
__scs_entry_jumppad:
0x0: {  	(pc) =	sbr.rel $0x88, $3  }
0x1: {  	(tag) =	ssettag $0x0;
	lr =	simm.s32 $0x1  }
0x2: {  	[smem:$0x3F9E] =	sst lr;
	_ =	strace $0xD0000000  }
0x3: {  	_ = 	snop  }
0x4: {  	_ = 	snop  }
0x5: {  	_ = 	snop  }
0x6: {  	_ = 	snop  }
0x7: {  	_ = 	snop  }
__scs_overlays_trampoline_lowered:
0x8: {  	[smem:$0x3FAD] =	sst s0  }
0x9: {  	[smem:$0x3FAE] =	sst s1  }
0xa: {  	[smem:$0x3FAF] =	sst s2  }
0xb: {  	[smem:$0x3FB0] =	sst s3  }
0xc: {  	[smem:$0x3FB1] =	sst s4  }
0xd: {  	[smem:$0x3FB2] =	sst s5  }
0xe: {  	[smem:$0x3FB3] =	sst s6  }
0xf: {  	[smem:$0x3FB4] =	sst s7  }
0x10: {  	[smem:$0x3FB5] =	sst s8  }
0x11: {  	[smem:$0x3FB6] =	sst s9;
	s0 =	simm.s32 @!p0 $0x0  }
0x12: {  	s1 =	sld [smem:$0x3F9C];
	s0 =	simm.s32 @p0 $0x1  }
0x13: {  	[smem:$0x3FB7] =	sst s0;
	s0 =	simm.s32 @!p1 $0x0  }
0x14: {  	s2 =	sld [smem:$0x3F9B];
	s0 =	simm.s32 @p1 $0x1  }
0x15: {  	[smem:$0x3FB8] =	sst s0;
	s0 =	simm.s32 @!p2 $0x0  }
0x16: {  	s3 =	sld [smem:$0x3FDB];
	s0 =	simm.s32 @p2 $0x1  }
0x17: {  	s4 =	simm.s32 $0x1BF5;
	[smem:$0x3FBA] =	sst s0  }
0x18: {  	s0 =	sld [smem:$0x3F9D];
	_ =	swait.ge [sflag:s4], $0x0  }
0x19: {  	s7 =	sld [smem:$0x3F9E]  }
0x1a: {  	s8 =	sadd.s32 $0xFFFFE003, lr  }
0x1b: {  	s9 =	sadd.s32 $0xFFFFFEF7, lr;
	s5 =	simm.s32 $0xFFFFFFFF;
	p2 =	slt.u32 s8, $0xFFFFF086  }
0x1c: {  	p1 =	slt.u32 s9, $0xF7A;
	s5 =	simm.s32 @!p2 $0x0  }
0x1d: {  	s5 =	simm.s32 @p1 $0x1;
	p0 =	seq.s32 s7, s2  }
0x1e: {  	s7 =	smul.u32 @!p0 $0xF7A, s2;
	p2 =	seq.s32 @!p0 s5, $0x0  }
0x1f: {  	s9 =	smul.u32 $0xF7A, s1;
	s8 =	simm.s32 @!p0 $0x1BF5;
	p2 =	por !p2, p0  }
0x20: {  	[sflag:s8] =	ssyncset.s32 @!p0 $0xFFFFF086;
	s6 =	sadd.s32 @!p0 s3, s7;
	s7 =	simm.s32 @!p0 $0x108  }
0x21: {  	s3 =	sadd.s32 s3, s9;
	s6 =	sadd.s32 @!p0 $0x88, s6;
	s7 =	simm.s32 @p2 $0x1082  }
0x22: {  	[simem:s7], [sflag:s8] =	dma.local @!p0 [hbm:s6], $0xF7A  }
0x23: {  	s9 =	sor.u32 $0xD0000000, s2;
	s6 =	simm.s32 $0x108;
	_ =	swait.ge @!p0 [sflag:s8], $0x0  }
0x24: {  	s3 =	sadd.s32 $0x88, s3;
	s6 =	simm.s32 @!p1 $0x1082;
	[sflag:s4] =	ssyncset.s32 $0xFFFFF086  }
0x25: {  	[simem:s6], [sflag:s4] =	dma.local [hbm:s3], $0xF7A  }
0x26: {  	[smem:$0x3F9E] =	sst s1;
	(tag) =	ssettag s2;
	_ =	strace s9  }
0x27: {  	s1 =	sld [smem:$0x3FAE]  }
0x28: {  	s2 =	sld [smem:$0x3FAF]  }
0x29: {  	s4 =	sld [smem:$0x3FB1]  }
0x2a: {  	p0 =	seq.s32 s5, $0x0;
	s5 =	sld [smem:$0x3FB2]  }
0x2b: {  	s6 =	sld [smem:$0x3FB3]  }
0x2c: {  	s7 =	sld [smem:$0x3FB4]  }
0x2d: {  	s3 =	simm.s32 $0x108;
	s8 =	sld [smem:$0x3FB5]  }
0x2e: {  	s3 =	simm.s32 @!p0 $0x1082;
	s9 =	sld [smem:$0x3FB6]  }
0x2f: {  	lr =	sadd.s32 s0, s3;
	s0 =	sld [smem:$0x3FAD]  }
0x30: {  	s3 =	sld [smem:$0x3FB0]  }
0x31: {  	[smem:$0x3FB9] =	sst s10  }
0x32: {  	s10 =	sld [smem:$0x3FB7];
	_ =	sdelay $0x3  }
0x33: {  	p0 =	seq.s32 s10, $0x1;
	s10 =	sld [smem:$0x3FB9];
	_ =	sdelay $0x3  }
0x34: {  	[smem:$0x3FB9] =	sst s10  }
0x35: {  	s10 =	sld [smem:$0x3FB8];
	_ =	sdelay $0x3  }
0x36: {  	p1 =	seq.s32 s10, $0x1;
	s10 =	sld [smem:$0x3FB9];
	_ =	sdelay $0x3  }
0x37: {  	[smem:$0x3FB9] =	sst s10  }
0x38: {  	s10 =	sld [smem:$0x3FBA]  }
0x39: {  	_ = 	snop;
	(pc) =	sbr.ind lr, $3  }
0x3a: {  	_ = 	snop  }
0x3b: {  	_ = 	snop  }
0x3c: {  	p2 =	seq.s32 s10, $0x1;
	s10 =	sld [smem:$0x3FB9]  }
0x3d: {  	_ =	shalt  }
0x3e: {  	_ =	shalt  }
0x3f: {  	_ =	shalt  }
0x40: {  	_ =	shalt  }
0x41: {  	_ =	shalt  }
0x42: {  	_ =	shalt  }
0x43: {  	_ =	shalt  }
0x44: {  	_ =	shalt  }
0x45: {  	_ =	shalt  }
0x46: {  	_ =	shalt  }
0x47: {  	_ =	shalt  }
0x48: {  	_ =	shalt  }
0x49: {  	_ =	shalt  }
0x4a: {  	_ =	shalt  }
0x4b: {  	_ =	shalt  }
0x4c: {  	_ =	shalt  }
0x4d: {  	_ =	shalt  }
0x4e: {  	_ =	shalt  }
0x4f: {  	_ =	shalt  }
0x50: {  	_ =	shalt  }
0x51: {  	_ =	shalt  }
0x52: {  	_ =	shalt  }
0x53: {  	_ =	shalt  }
0x54: {  	_ =	shalt  }
0x55: {  	_ =	shalt  }
0x56: {  	_ =	shalt  }
0x57: {  	_ =	shalt  }
0x58: {  	_ =	shalt  }
0x59: {  	_ =	shalt  }
0x5a: {  	_ =	shalt  }
0x5b: {  	_ =	shalt  }
0x5c: {  	_ =	shalt  }
0x5d: {  	_ =	shalt  }
0x5e: {  	_ =	shalt  }
0x5f: {  	_ =	shalt  }
0x60: {  	_ =	shalt  }
0x61: {  	_ =	shalt  }
0x62: {  	_ =	shalt  }
0x63: {  	_ =	shalt  }
0x64: {  	_ =	shalt  }
0x65: {  	_ =	shalt  }
0x66: {  	_ =	shalt  }
0x67: {  	_ =	shalt  }
0x68: {  	_ =	shalt  }
0x69: {  	_ =	shalt  }
0x6a: {  	_ =	shalt  }
0x6b: {  	_ =	shalt  }
0x6c: {  	_ =	shalt  }
0x6d: {  	_ =	shalt  }
0x6e: {  	_ =	shalt  }
0x6f: {  	_ =	shalt  }
0x70: {  	_ =	shalt  }
0x71: {  	_ =	shalt  }
0x72: {  	_ =	shalt  }
0x73: {  	_ =	shalt  }
0x74: {  	_ =	shalt  }
0x75: {  	_ =	shalt  }
0x76: {  	_ =	shalt  }
0x77: {  	_ =	shalt  }
0x78: {  	_ =	shalt  }
0x79: {  	_ =	shalt  }
0x7a: {  	_ =	shalt  }
0x7b: {  	_ =	shalt  }
0x7c: {  	_ =	shalt  }
0x7d: {  	_ =	shalt  }
0x7e: {  	_ =	shalt  }
0x7f: {  	_ =	shalt  }
0x80: {  	_ =	shalt  }
0x81: {  	_ =	shalt  }
0x82: {  	_ =	shalt  }
0x83: {  	_ =	shalt  }
0x84: {  	_ =	shalt  }
0x85: {  	_ =	shalt  }
0x86: {  	_ =	shalt  }
0x87: {  	_ =	shalt  }
.Lfunc_end0:
.L_simem_size_0:
called_computation_lowered:
.L_overlay_start_0:
0x88: {  	s2 =	sld [smem:$0x3FD9]  }
0x89: {  	s3 =	sld [smem:$0x3FFE];
	_ =	sdelay $0x1  }
0x8a: {  	s1 =	srdreg.scid  }
0x8b: {  	s0 =	sand.u32 $0x1, s1  }
0x8c: {  	s17 =	sshll.u32 s0, $0xA;
	s2 =	sadd.s32 s3, s2  }
0x8d: {  	s3 =	sadd.s32 s2, s17  }
0x8e: {  	[smem:$0x3FC5] =	sst s3  }
0x8f: {  	_ = 	snop  }
0x90: {  	s3 =	sld [smem:$0x3FC8]  }
0x91: {  	s4 =	sld [smem:$0x3FC7];
	(tm) =	ssettm $0x1  }
0x92: {  	s5 =	sld [smem:$0x3FFB];
	_ =	sdelay $0x3  }
0x93: {  	_ =	strace s5  }
0x94: {  	s5 =	sld [smem:$0x3FFC];
	_ =	sdelay $0x3  }
0x95: {  	_ =	strace s5  }
0x96: {  	s5 =	sld [smem:$0x3FFD];
	_ =	sdelay $0x3  }
0x97: {  	_ =	strace s5  }
0x98: {  	_ =	strace $0x8FFFFFFF  }
0x99: {  	s18 =	sld [smem:$0x3FDB];
	_ =	sdelay $0x1  }
0x9a: {  	s6 =	simm.s32 $_scs_section_size  }
0x9b: {  	s7 =	simm.s32 $_size__tile_overlayer_lowered;
	s8 =	simm.s32 $_tile_overlayer_lowered  }
0x9c: {  	s21 =	simm.s32 $0x1BFF;
	s20 =	sshll.u32 s8, $0x1;
	s5 =	sadd.s32 s6, s18  }
0x9d: {  	s9 =	simm.s32 $0x0;
	s19 =	sshll.u32 s7, $0x1;
	s7 =	sadd.s32 s20, s5  }
0x9e: {  	[timem:s9], [sflag:s21] =	dma.local [hbm:s7], s19  }
0x9f: {  	_ =	swait.ge [sflag:s21], s19  }
0xa0: {  	s6 =	ssub.s32 $0x0, s19;
	[sflag:s21] =	ssyncset.done $0x0  }
0xa1: {  	[sflag:s21] =	ssyncadd.s32 s6;
	_ =	sdelay $0x1  }
0xa2: {  	s22 =	simm.s32 $0x1B8B  }
0xa3: {  	_ =	swait.ge [sflag:s22], $0x1  }
0xa4: {  	[sflag:s22] =	ssyncset.done $0x0  }
0xa5: {  	s24 =	simm.s32 $0x1B8E;
	s23 =	sld [smem:$0x3FFE];
	[sflag:s22] =	ssyncadd.s32 $0xFFFFFFFF  }
0xa6: {  	s25 =	simm.s32 $execute0_lowered;
	[smem:$0x3FD2] =	sst s24  }
0xa7: {  	s7 =	sshll.u32 s25, $0x1;
	_ =	strace $0x80000046;
	[dreg:$0x1] =	wrdreg $0xFFFFFFFF  }
0xa8: {  	s26 =	simm.s32 $_size_execute0_lowered;
	s5 =	sadd.s32 s5, s7;
	[dreg:$0x0] =	wrdreg $0x0  }
0xa9: {  	s7 =	sshll.u32 s26, $0x1;
	[dreg:$0x2] =	wrdreg s5  }
0xaa: {  	[dreg:$0x3] =	wrdreg s7  }
0xab: {  	[dreg:$0x4] =	wrdreg $0xC0  }
0xac: {  	_ =	task [dreg:s9], $0x5FFFF  }
0xad: {  	[dreg:$0x1] =	wrdreg $0xFFFFFFFF  }
0xae: {  	[dreg:$0x0] =	wrdreg $0x60  }
0xaf: {  	[dreg:$0x2] =	wrdreg s3  }
0xb0: {  	[dreg:$0x3] =	wrdreg s4  }
0xb1: {  	s28 =	sadd.s32 $0x800, s2;
	[dreg:$0x4] =	wrdreg s23  }
0xb2: {  	s2 =	sadd.s32 $0x31540, s2;
	[dreg:$0x5] =	wrdreg s28  }
0xb3: {  	[dreg:$0x6] =	wrdreg s2  }
0xb4: {  	[dreg:$0x7] =	wrdreg $0x9  }
0xb5: {  	_ =	task.clear_ibuf [dreg:s9], $0x8FFFF;
	_ =	strace $0x90000046  }
0xb6: {  	s29 =	simm.s32 $0x9;
	_ =	strace $0x80000048  }
0xb7: {  	_ =	swait.ge [sflag:s29], $0x1  }
0xb8: {  	[sflag:s29] =	ssyncadd.s32 $0xFFFFFFFF  }
0xb9: {  	_ =	strace $0x90000048  }
0xba: {  	_ =	sfence  }
0xbb: {  	s30 =	sld [smem:$0x0];
	_ =	sdelay $0x2  }
0xbc: {  	s31 =	sshll.u32 s1, $0xD;
	s1 =	sshrl.u32 s1, $0x2  }
0xbd: {  	s3 =	sand.u32 $0x4000, s31;
	s1 =	sadd.s32 s1, s30  }
0xbe: {  	s0 =	sor.u32 s3, s0;
	s1 =	sshll.u32 s1, $0x11  }
0xbf: {  	s0 =	sor.u32 s1, s0  }
0xc0: {  	s0 =	sadd.s32 $0x8F2B, s0  }
0xc1: {  	[sflag:s0] =	ssyncadd.remote.s32 $0x1  }
0xc2: {  	_ =	sfence.sel $0xFFFF  }
0xc3: {  	[dreg:$0x0] =	wrdreg $0xFFFFFFFF;
	(pc) =	sbr.abs _section_cstart, $3  }
0xc4: {  	[dreg:$0x1] =	wrdreg $0xFFFFFFFF  }
0xc5: {  	_ =	task.clear_ibuf [dreg:s9], $0x2FFFF;
	_ =	strace $0x9FFFFFFF  }
0xc6: {  	(tm) =	ssettm $0x7FFFFFFF  }
0xc7: {  	_ =	shalt  }
tec
execute0_lowered:
.L_overlay_start_1:
0x0: {  	(tag) =	ssettag $0x1  }
0x1: {  	s1 =	rddreg [dreg:$0x0]  }
0x2: {  	s11 =	rddreg [dreg:$0x1]  }
0x3: {  	s5 =	rddreg [dreg:$0x2]  }
0x4: {  	s2 =	rddreg [dreg:$0x3]  }
0x5: {  	s3 =	rddreg [dreg:$0x4]  }
0x6: {  	s4 =	simm.s32 $0x0;
	s6 =	srdreg.scid;
	v0 =	vimm.s32 $0x8040201;
	v1 =	vimm.s32 $0x80402010;
	s17 =	simm.s32 $0x1B780  }
0x7: {  	s19 =	simm.s32 $0x1C720;
	s20 =	simm.s32 $0x7D0;
	s21 =	simm.s32 $0x2;
	v0 =	vunpack.c.0.s8.s32 v0;
	v1 =	vunpack.c.0.s8.s32 v1  }
0x8: {  	vm0 =	vcmask $0xF00;
	s22 =	simm.s32 $0x7D00;
	s23 =	simm.s32 $0xFA00;
	s13 =	sand.u32 $0x1, s6  }
0x9: {  	vm8 =	vcmask $0x1F10;
	s6 =	sadd.s32 $0x800, s5;
	s5 =	stileid.u32;
	s8 =	ssub.s32 $0x2, s13;
	v0 =	vnsel vm0, $0x8000, v0;
	v1 =	vand.u32 $0xFF, v1  }
0xa: {  	vm9 =	vcmask $0x2320;
	s7 =	smul.u32 $0xF424, s5;
	s10 =	sshll.u32 s13, $0x4;
	s9 =	sshrl.u32 s8, $0x1;
	v0 =	vsel vm8, v1, v0  }
0xb: {  	vm10 =	vcmask $0x2724;
	s31 =	sor.u32 s5, s10;
	s14 =	ssub.s32 s8, s9;
	s8 =	smul.u32 $0xC350, s13;
	v0 =	vsel vm9, $0x100, v0  }
0xc: {  	vm11 =	vcmask $0x2B28;
	s24 =	simm.s32 $0x0;
	[smem:$0x7FF] =	sst s4;
	s9 =	smul.u32 $0xC350, s31;
	v1 =	vsel vm10, $0x200, v0  }
.Ltmp0:
0xd: {  	vm12 =	vcmask $0x2F2C;
	vm13 =	vcmask $0x3330;
	_ =	strace $0x80000047;
	s12 =	sshrl.u32 s7, $0x3;
	v2 =	vsel vm11, $0x400, v1;
	(pc) =	sbr.rel .LBB2_1-.Ltmp0, $4  }
0xe: {  	vm14 =	vcmask $0x3734;
	vm15 =	vcmask $0x3B38;
	s15 =	sadd.s32 $0xF424, s7;
	s10 =	sand.u32 $0xFFFF8, s7;
	s13 =	smul.u32 $0xC3500, s13;
	v3 =	vsel vm12, $0x800, v2  }
0xf: {  	v5 =	vimm.f32 $0.0e+00;
	s15 =	sand.u32 $0x1FFFF8, s15;
	s16 =	sadd.s32 s1, s12;
	s11 =	sadd.s32 s11, s12;
	v0 =	vmov s8;
	v4 =	vsel vm13, $0x1000, v3  }
0x10: {  	s14 =	smax.u32 s14, $0x1;
	s12 =	sadd.s32 $0x1D4C, s16;
	s18 =	sshrl.u32 s9, $0x3;
	v1 =	vmov s15;
	v2 =	vmov s10;
	v6 =	vsel vm14, $0x2000, v4  }
0x11: {  	s16 =	simm.s32 $0x1;
	s15 =	simm.s32 $0xC350;
	s18 =	sadd.s32 s18, s2;
	v3 =	vimm.s32 $0xFFFFFFFF;
	v4 =	vlaneseq.u32;
	v6 =	vsel vm15, $0x4000, v6  }
.LBB2_25:
0x12: {  	s24 =	sadd.s32 $0x1, s24  }
0x13: {  	p0 =	sne.s32 s24, s14  }
.Ltmp1:
0x14: {  	_ = 	snop;
	(pc) =	sbr.rel @!p0 .LBB2_26-.Ltmp1, $1  }
0x15: {  	_ =	sdelay $0x3  }
.LBB2_1:
0x16: {  	s25 =	simm.s32 $0x40;
	s26 =	simm.s32 $0x0  }
.LBB2_2:
0x17: {  	p0 =	sne.s32 s25, $0x30D00;
	[tilespmem:s26+$0x0] =	vst v3;
	s26 =	smov.u32 s25;
	s25 =	sadd.s32 $0x40, s25  }
.Ltmp2:
0x18: {  	(pc) =	sbr.rel @p0 .LBB2_2-.Ltmp2, $2  }
0x19: {  	_ =	sdelay $0x2  }
0x1a: {  	s26 =	sshra.s32 s26, $0x2  }
.Ltmp3:
0x1b: {  	[tilespmem:s26+$0x0] =	vst v3;
	s25 =	simm.s32 $0x0;
	(pc) =	sbr.rel .LBB2_4-.Ltmp3, $4  }
0x1c: {  	[tilespmem:s15], [sflag:$0x1] =	stream.linear.gather [hbm4b:s11+s25], $0xF428, $0x38;
	[tilespmem:$0x1CEF0] =	vst v63  }
0x1d: {  	_ =	swait.ge [sflag:s16], $0xF428  }
0x1e: {  	[sflag:s16] =	ssyncset.done $0x0  }
0x1f: {  	s26 =	simm.s32 $0x0;
	[sflag:s16] =	ssyncadd.s32 $0xFFFF0BD8  }
.LBB2_9:
0x20: {  	s26 =	sadd.s32 $0x1, s26  }
0x21: {  	p0 =	sne.s32 s26, $0xF  }
.Ltmp4:
0x22: {  	_ = 	snop;
	(pc) =	sbr.rel @!p0 .LBB2_10-.Ltmp4, $1  }
0x23: {  	_ =	sdelay $0x3  }
.LBB2_4:
0x24: {  	s28 =	smul.u32 $0xFA0, s26;
	_ =	sdelay $0x1  }
0x25: {  	s29 =	sadd.s32 s7, s28  }
0x26: {  	s29 =	sshrl.u32 s29, $0x3  }
.Ltmp5:
0x27: {  	s29 =	sadd.s32 s1, s29;
	(pc) =	sbr.rel .LBB2_5-.Ltmp5, $4  }
0x28: {  	[tilespmem:s17], [sflag:$0x1] =	stream.linear.gather [hbm4b:s29+s25], $0xFA0, $0x38;
	[tilespmem:$0x1CEF0] =	vst v63  }
0x29: {  	_ =	swait.ge [sflag:s16], $0xFA0  }
0x2a: {  	[sflag:s16] =	ssyncset.done $0x0  }
0x2b: {  	v7 =	vmov s28;
	s29 =	simm.s32 $0x0;
	[sflag:s16] =	ssyncadd.s32 $0xFFFFF060  }
.LBB2_8:
0x2c: {  	s29 =	sadd.s32 $0x1, s29  }
0x2d: {  	p0 =	sne.s32 s29, $0xFA  }
.Ltmp6:
0x2e: {  	_ = 	snop;
	(pc) =	sbr.rel @!p0 .LBB2_9-.Ltmp6, $1  }
0x2f: {  	_ =	sdelay $0x3  }
.LBB2_5:
0x30: {  	s30 =	sshll.u32 s29, $0x4  }
0x31: {  	v9 =	vld [tilespmem:s30+$0x1B780];
	_ =	sdelay $0x2  }
0x32: {  	s31 =	sadd.s32 s28, s30  }
0x33: {  	s31 =	sadd.s32 s10, s31  }
0x34: {  	v8 =	vadd.s32 s31, v4;
	v9 =	vsub.s32 v9, v0  }
0x35: {  	vm0 =	vlt.u32 v8, v1;
	vm1 =	vlt.u32 v9, $0xC350  }
0x36: {  	vm0 =	vmand vm0, vm1  }
0x37: {  	v11 =	vnsel vm0, $0x0, v9;
	_ =	sdelay $0x4  }
0x38: {  	v12 =	vld.idx.msk [tilespmem:v11+s4+$0x0], $0xffff;
	_ =	sdelay $0x4  }
0x39: {  	vm1 =	vgt.s32 v12, $0xFFFFFFFF  }
0x3a: {  	v10 =	vsub.s32 v12, v2;
	vm1 =	vmand vm0, vm1  }
0x3b: {  	v13 =	vnsel vm1, $0x0, v10;
	_ =	sdelay $0x3  }
0x3c: {  	v10 =	vld.idx.msk [tilespmem:v7+s30+$0xC350 ss:$0x1], $0xffff  }
0x3d: {  	v13 =	vld.idx.msk [tilespmem:v13+s15+$0x0], $0xffff;
	_ =	sdelay $0x3  }
0x3e: {  	vm4 =	vgt.s32 v8, v12  }
0x3f: {  	vm1 =	vmneg vm1;
	vm2 =	vgt.f32 v10, v13;
	vm3 =	veq.f32 v10, v13  }
0x40: {  	vm1 =	vmor vm2, vm1;
	vm2 =	vmand vm4, vm3  }
0x41: {  	vm1 =	vmor vm1, vm2  }
0x42: {  	vm0 =	vmand vm0, vm1;
	_ =	sdelay $0x5  }
0x43: {  	[tilespmem:v11+s4+$0x0] =	vst.idx.msk vm0, v8  }
0x44: {  	v11 =	vld.idx.msk [tilespmem:v11+s4+$0x0], $0xffff;
	_ =	sdelay $0x4  }
0x45: {  	vm1 =	vne.s32 v11, v8  }
0x46: {  	vm0 =	vmand vm1, vm0  }
0x47: {  	v11 =	vsel vm0, $0x3F800000, v5  }
0x48: {  	(xrf0) =	vmax.scan.msk.f32 $0xffff, v11;
	_ =	sdelay $0x5  }
0x49: {  	v11, _, _ =	vpop (xrf0)  }
0x4a: {  	(v2sf) =	vpush v11, $0xF;
	_ =	sdelay $0xe  }
0x4b: {  	s31 =	spop (v2sf)  }
0x4c: {  	p0 =	sgt.f32 s31, $0.0e+00  }
.Ltmp7:
0x4d: {  	_ = 	snop;
	(pc) =	sbr.rel @!p0 .LBB2_8-.Ltmp7, $1  }
0x4e: {  	_ =	sdelay $0x3  }
0x4f: {  	v11 =	vnsel vm0, $0x0, v6  }
0x50: {  	(xrf0) =	vadd.scan.msk.s32 $0xffff, v11;
	_ =	sdelay $0x5  }
0x51: {  	v11, _, _ =	vpop (xrf0)  }
0x52: {  	(v2sf) =	vpush v11, $0xF;
	_ =	sdelay $0xe  }
0x53: {  	s30 =	simm.s32 $0xF;
	s31 =	spop (v2sf)  }
.LBB2_7:
0x54: {  	v11 =	vand.u32 s31, v6  }
0x55: {  	vm0 =	vne.s32 v11, $0x0  }
0x56: {  	v11 =	vnsel vm0, $0x0, v9;
	_ =	sdelay $0x4  }
0x57: {  	v12 =	vld.idx.msk [tilespmem:v11+s4+$0x0], $0xffff;
	_ =	sdelay $0x4  }
0x58: {  	vm1 =	vgt.s32 v12, $0xFFFFFFFF  }
0x59: {  	v13 =	vsub.s32 v12, v2;
	vm1 =	vmand vm0, vm1  }
0x5a: {  	v13 =	vnsel vm1, $0x0, v13;
	_ =	sdelay $0x4  }
0x5b: {  	v13 =	vld.idx.msk [tilespmem:v13+s15+$0x0], $0xffff;
	_ =	sdelay $0x3  }
0x5c: {  	vm4 =	vgt.s32 v8, v12  }
0x5d: {  	vm1 =	vmneg vm1;
	vm2 =	vgt.f32 v10, v13;
	vm3 =	veq.f32 v10, v13  }
0x5e: {  	vm1 =	vmor vm2, vm1;
	vm14 =	vmand vm4, vm3  }
0x5f: {  	vm1 =	vmor vm1, vm14  }
0x60: {  	vm0 =	vmand vm0, vm1;
	_ =	sdelay $0x5  }
0x61: {  	[tilespmem:v11+s4+$0x0] =	vst.idx.msk vm0, v8  }
0x62: {  	v11 =	vld.idx.msk [tilespmem:v11+s4+$0x0], $0xffff;
	_ =	sdelay $0x4  }
0x63: {  	vm15 =	vne.s32 v11, v8  }
0x64: {  	vm0 =	vmand vm15, vm0  }
0x65: {  	v11 =	vnsel vm0, $0x0, v6  }
0x66: {  	(xrf0) =	vadd.scan.msk.s32 $0xffff, v11;
	_ =	sdelay $0x5  }
0x67: {  	v11, _, _ =	vpop (xrf0)  }
0x68: {  	(v2sf) =	vpush v11, $0xF;
	_ =	sdelay $0x9  }
0x69: {  	p0 =	sne.s32 s30, $0x1  }
.Ltmp8:
0x6a: {  	_ = 	snop;
	(pc) =	sbr.rel @p0 .LBB2_7-.Ltmp8, $2  }
0x6b: {  	_ =	sdelay $0x2  }
0x6c: {  	s30 =	sadd.s32 $0xFFFFFFFF, s30;
	s31 =	spop (v2sf)  }
.Ltmp9:
0x6d: {  	_ = 	snop;
	(pc) =	sbr.rel .LBB2_8-.Ltmp9, $1  }
0x6e: {  	_ =	sdelay $0x3  }
.LBB2_10:
.Ltmp10:
0x6f: {  	s25 =	simm.s32 $0x0;
	(pc) =	sbr.rel .LBB2_11-.Ltmp10, $4  }
0x70: {  	[tilespmem:s17], [sflag:$0x1] =	stream.linear.gather [hbm4b:s12+s25], $0x9C8, $0x38;
	[tilespmem:$0x1CEF0] =	vst v63  }
0x71: {  	_ =	swait.ge [sflag:s16], $0x9C8  }
0x72: {  	[sflag:s16] =	ssyncset.done $0x0  }
0x73: {  	[sflag:s16] =	ssyncadd.s32 $0xFFFFF638  }
.LBB2_14:
0x74: {  	s25 =	sadd.s32 $0x1, s25  }
0x75: {  	p0 =	sne.s32 s25, $0x9D  }
.Ltmp11:
0x76: {  	_ = 	snop;
	(pc) =	sbr.rel @!p0 .LBB2_15-.Ltmp11, $1  }
0x77: {  	_ =	sdelay $0x3  }
.LBB2_11:
0x78: {  	s26 =	sshll.u32 s25, $0x4  }
0x79: {  	v8 =	vld [tilespmem:s26+$0x1B780];
	_ =	sdelay $0x2  }
0x7a: {  	s28 =	sadd.s32 s10, s26  }
0x7b: {  	s28 =	sadd.s32 $0xEA60, s28  }
0x7c: {  	v7 =	vadd.s32 s28, v4;
	v8 =	vsub.s32 v8, v0  }
0x7d: {  	vm0 =	vlt.u32 v7, v1;
	vm1 =	vlt.u32 v8, $0xC350  }
0x7e: {  	vm0 =	vmand vm0, vm1  }
0x7f: {  	v10 =	vnsel vm0, $0x0, v8;
	_ =	sdelay $0x4  }
0x80: {  	v11 =	vld.idx.msk [tilespmem:v10+s4+$0x0], $0xffff;
	_ =	sdelay $0x4  }
0x81: {  	vm1 =	vgt.s32 v11, $0xFFFFFFFF  }
0x82: {  	v9 =	vsub.s32 v11, v2;
	vm1 =	vmand vm0, vm1  }
0x83: {  	v12 =	vnsel vm1, $0x0, v9;
	_ =	sdelay $0x3  }
0x84: {  	v9 =	vld [tilespmem:s26+$0x1ADB0]  }
0x85: {  	v12 =	vld.idx.msk [tilespmem:v12+s15+$0x0], $0xffff;
	_ =	sdelay $0x3  }
0x86: {  	vm4 =	vgt.s32 v7, v11  }
0x87: {  	vm1 =	vmneg vm1;
	vm2 =	vgt.f32 v9, v12;
	vm3 =	veq.f32 v9, v12  }
0x88: {  	vm1 =	vmor vm2, vm1;
	vm2 =	vmand vm4, vm3  }
0x89: {  	vm1 =	vmor vm1, vm2  }
0x8a: {  	vm0 =	vmand vm0, vm1;
	_ =	sdelay $0x5  }
0x8b: {  	[tilespmem:v10+s4+$0x0] =	vst.idx.msk vm0, v7  }
0x8c: {  	v10 =	vld.idx.msk [tilespmem:v10+s4+$0x0], $0xffff;
	_ =	sdelay $0x4  }
0x8d: {  	vm1 =	vne.s32 v10, v7  }
0x8e: {  	vm0 =	vmand vm1, vm0  }
0x8f: {  	v10 =	vsel vm0, $0x3F800000, v5  }
0x90: {  	(xrf0) =	vmax.scan.msk.f32 $0xffff, v10;
	_ =	sdelay $0x5  }
0x91: {  	v10, _, _ =	vpop (xrf0)  }
0x92: {  	(v2sf) =	vpush v10, $0xF;
	_ =	sdelay $0xe  }
0x93: {  	s31 =	spop (v2sf)  }
0x94: {  	p0 =	sgt.f32 s31, $0.0e+00  }
.Ltmp12:
0x95: {  	_ = 	snop;
	(pc) =	sbr.rel @!p0 .LBB2_14-.Ltmp12, $1  }
0x96: {  	_ =	sdelay $0x3  }
0x97: {  	v10 =	vnsel vm0, $0x0, v6  }
0x98: {  	(xrf0) =	vadd.scan.msk.s32 $0xffff, v10;
	_ =	sdelay $0x5  }
0x99: {  	v10, _, _ =	vpop (xrf0)  }
0x9a: {  	(v2sf) =	vpush v10, $0xF;
	_ =	sdelay $0xe  }
0x9b: {  	s26 =	simm.s32 $0xF;
	s28 =	spop (v2sf)  }
.LBB2_13:
0x9c: {  	v10 =	vand.u32 s28, v6  }
0x9d: {  	vm0 =	vne.s32 v10, $0x0  }
0x9e: {  	v10 =	vnsel vm0, $0x0, v8;
	_ =	sdelay $0x4  }
0x9f: {  	v11 =	vld.idx.msk [tilespmem:v10+s4+$0x0], $0xffff;
	_ =	sdelay $0x4  }
0xa0: {  	vm1 =	vgt.s32 v11, $0xFFFFFFFF  }
0xa1: {  	v12 =	vsub.s32 v11, v2;
	vm1 =	vmand vm0, vm1  }
0xa2: {  	v12 =	vnsel vm1, $0x0, v12;
	_ =	sdelay $0x4  }
0xa3: {  	v12 =	vld.idx.msk [tilespmem:v12+s15+$0x0], $0xffff;
	_ =	sdelay $0x3  }
0xa4: {  	vm4 =	vgt.s32 v7, v11  }
0xa5: {  	vm1 =	vmneg vm1;
	vm2 =	vgt.f32 v9, v12;
	vm3 =	veq.f32 v9, v12  }
0xa6: {  	vm1 =	vmor vm2, vm1;
	vm14 =	vmand vm4, vm3  }
0xa7: {  	vm1 =	vmor vm1, vm14  }
0xa8: {  	vm0 =	vmand vm0, vm1;
	_ =	sdelay $0x5  }
0xa9: {  	[tilespmem:v10+s4+$0x0] =	vst.idx.msk vm0, v7  }
0xaa: {  	v10 =	vld.idx.msk [tilespmem:v10+s4+$0x0], $0xffff;
	_ =	sdelay $0x4  }
0xab: {  	vm15 =	vne.s32 v10, v7  }
0xac: {  	vm0 =	vmand vm15, vm0  }
0xad: {  	v10 =	vnsel vm0, $0x0, v6  }
0xae: {  	(xrf0) =	vadd.scan.msk.s32 $0xffff, v10;
	_ =	sdelay $0x5  }
0xaf: {  	v10, _, _ =	vpop (xrf0)  }
0xb0: {  	(v2sf) =	vpush v10, $0xF;
	_ =	sdelay $0x9  }
0xb1: {  	p0 =	sne.s32 s26, $0x1  }
.Ltmp13:
0xb2: {  	_ = 	snop;
	(pc) =	sbr.rel @p0 .LBB2_13-.Ltmp13, $2  }
0xb3: {  	_ =	sdelay $0x2  }
0xb4: {  	s26 =	sadd.s32 $0xFFFFFFFF, s26;
	s28 =	spop (v2sf)  }
.Ltmp14:
0xb5: {  	_ = 	snop;
	(pc) =	sbr.rel .LBB2_14-.Ltmp14, $1  }
0xb6: {  	_ =	sdelay $0x3  }
.LBB2_15:
0xb7: {  	s25 =	simm.s32 $0x0  }
0xb8: {  	[hbm4b:s18+s25] =	stream.linear.scatter [tilespmem:s25], [sflag:$0x1], $0xC350, $0x38;
	[tilespmem:$0x1CEF0] =	vst v63  }
0xb9: {  	_ =	swait.ge [sflag:s16], $0xC350  }
0xba: {  	[sflag:s16] =	ssyncset.done $0x0  }
0xbb: {  	s26 =	simm.s32 $0x0;
	[sflag:s16] =	ssyncadd.s32 $0xFFFF3CB0  }
.LBB2_16:
0xbc: {  	v7 =	vmov s25;
	_ =	sdelay $0x3  }
0xbd: {  	s30 =	simm.s32 $0x0  }
0xbe: {  	v8 =	vld.idx.msk [tilespmem:v7+s30+$0x0 ss:$0x1], $0xffff;
	_ =	sdelay $0x3  }
0xbf: {  	s28 =	simm.s32 $0x10  }
0xc0: {  	v10 =	vld.idx.msk [tilespmem:v7+s28+$0x0 ss:$0x1], $0xffff;
	vm0 =	vgt.s32 v8, $0xFFFFFFFF;
	v8 =	vsub.s32 v8, v2  }
0xc1: {  	v8 =	vnsel vm0, $0x0, v8;
	_ =	sdelay $0x2  }
0xc2: {  	s29 =	simm.s32 $0x20  }
0xc3: {  	v9 =	vld.idx.msk [tilespmem:v7+s29+$0x0 ss:$0x1], $0xffff;
	vm2 =	vgt.s32 v10, $0xFFFFFFFF;
	v10 =	vsub.s32 v10, v2;
	vm0 =	vmmov vm0  }
0xc4: {  	s31 =	simm.s32 $0xC0;
	v10 =	vnsel vm2, $0x0, v10;
	vm1 =	vmmov vm0;
	vm0 =	vmmov vm2;
	v8 =	vld.idx.msk [tilespmem:v8+s15+$0x0], $0xffff  }
.LBB2_17:
0xc5: {  	p0 =	sne.s32 s31, $0x1F00  }
.Ltmp15:
0xc6: {  	_ = 	snop;
	(pc) =	sbr.rel @p0 .LBB2_17-.Ltmp15, $4  }
0xc7: {  	_ = 	snop  }
0xc8: {  	s0 =	sshra.s32 s31, $0x2;
	v11 =	vmov v9  }
0xc9: {  	s31 =	sadd.s32 $0x40, s31;
	v9 =	vld.idx.msk [tilespmem:v7+s0+$0x0 ss:$0x1], $0xffff;
	v12 =	vnsel vm1, $0xBF800000, v8;
	vm2 =	vgt.s32 v11, $0xFFFFFFFF;
	v11 =	vsub.s32 v11, v2  }
0xca: {  	v8 =	vld.idx.msk [tilespmem:v10+s15+$0x0], $0xffff;
	vm1 =	vmmov vm0;
	[tilespmem:s30+$0x1C720] =	vst v12;
	s30 =	smov.u32 s28;
	s28 =	smov.u32 s29;
	s29 =	smov.u32 s0;
	v10 =	vnsel vm2, $0x0, v11;
	vm0 =	vmmov vm2  }
0xcb: {  	_ =	sdelay $0x2  }
0xcc: {  	vm2 =	vgt.s32 v9, $0xFFFFFFFF;
	v7 =	vsub.s32 v9, v2  }
0xcd: {  	v7 =	vnsel vm2, $0x0, v7;
	_ =	sdelay $0x3  }
0xce: {  	v63 =	vld.idx.msk [tilespmem:v10+s15+$0x0], $0xffff  }
0xcf: {  	v7 =	vld.idx.msk [tilespmem:v7+s15+$0x0], $0xffff;
	_ =	sdelay $0x1  }
0xd0: {  	s0 =	smul.u32 $0x7D0, s26  }
0xd1: {  	vm0 =	vmmov vm0;
	v8 =	vnsel vm1, $0xBF800000, v8;
	vm14 =	vmmov vm2  }
0xd2: {  	s26 =	sadd.s32 $0x1, s26;
	s0 =	sadd.s32 s9, s0;
	[tilespmem:s30+$0x1C720] =	vst v8;
	v8 =	vnsel vm0, $0xBF800000, v63;
	vm15 =	vmmov vm14  }
0xd3: {  	p0 =	sne.s32 s26, $0x19;
	s0 =	sshrl.u32 s0, $0x3;
	[tilespmem:s28+$0x1C720] =	vst v8;
	v7 =	vnsel vm15, $0xBF800000, v7  }
.Ltmp16:
0xd4: {  	s0 =	sadd.s32 s0, s3;
	[tilespmem:s29+$0x1C720] =	vst v7;
	(pc) =	sbr.rel @p0 .LBB2_16-.Ltmp16, $4  }
0xd5: {  	[hbm4b:s0+s4] =	stream.linear.scatter [tilespmem:s19], [sflag:$0x1], $0x7D0, $0x38;
	[tilespmem:$0x1CEF0] =	vst v63  }
0xd6: {  	_ =	swait.ge [sflag:s16], $0x7D0  }
0xd7: {  	[sflag:s16] =	ssyncset.done $0x0  }
0xd8: {  	s25 =	sadd.s32 $0x7D0, s25;
	[sflag:s16] =	ssyncadd.s32 $0xFFFFF830  }
.Ltmp17:
0xd9: {  	(pc) =	sbr.rel .LBB2_20-.Ltmp17, $3  }
0xda: {  	_ =	sdelay $0x1  }
0xdb: {  	[bflag:$0x0] =	sbarrier.arrive $0xFFFF  }
0xdc: {  	s25 =	simm.s32 $0x0;
	p1 =	por $0x1, $0x1  }
.LBB2_24:
.Ltmp18:
0xdd: {  	(pc) =	sbr.rel @!p0 .LBB2_25-.Ltmp18, $2  }
0xde: {  	_ =	sdelay $0x2  }
0xdf: {  	s25 =	simm.s32 $0x10;
	p1 =	por $0x0, $0x0  }
.LBB2_20:
0xe0: {  	s25 =	sor.u32 s5, s25  }
0xe1: {  	p2 =	sgt.u32 s25, $0x18  }
.Ltmp19:
0xe2: {  	_ = 	snop;
	(pc) =	sbr.rel @p2 .LBB2_24-.Ltmp19, $2  }
0xe3: {  	_ =	sdelay $0x2  }
0xe4: {  	p0 =	por p1, p1  }
0xe5: {  	s25 =	smul.u32 $0x7D0, s25;
	_ =	sdelay $0x1  }
0xe6: {  	s0 =	sadd.s32 s13, s25  }
0xe7: {  	s0 =	sshrl.u32 s0, $0x3  }
0xe8: {  	s28 =	simm.s32 $0x0;
	s26 =	sadd.s32 s2, s0  }
0xe9: {  	[tilespmem:s28], [sflag:$0x2] =	stream.strided.gather [hbm4b:s26+s20], $0x7D00, s15, s20, $0x38;
	[tilespmem:$0x1CEF0] =	vst v63  }
0xea: {  	_ =	swait.ge [sflag:s21], $0x7D00  }
0xeb: {  	[sflag:s21] =	ssyncset.done $0x0  }
0xec: {  	s0 =	sadd.s32 s0, s3;
	[sflag:s21] =	ssyncadd.s32 $0xFFFF8300  }
0xed: {  	[tilespmem:s22], [sflag:$0x2] =	stream.strided.gather [hbm4b:s0+s20], $0x7D00, s15, s20, $0x38;
	[tilespmem:$0x1CEF0] =	vst v63  }
0xee: {  	_ =	swait.ge [sflag:s21], $0x7D00  }
0xef: {  	[sflag:s21] =	ssyncset.done $0x0  }
0xf0: {  	s26 =	simm.s32 $0x0;
	[sflag:s21] =	ssyncadd.s32 $0xFFFF8300  }
0xf1: {  	v7 =	vld [tilespmem:s26+$0x7D00]  }
0xf2: {  	v8 =	vld [tilespmem:s26+$0x84D0]  }
0xf3: {  	v9 =	vld [tilespmem:s26+$0x0]  }
0xf4: {  	v10 =	vld [tilespmem:s26+$0x7D0];
	_ =	sdelay $0x2  }
0xf5: {  	v11 =	vld [tilespmem:s26+$0x8CA0]  }
0xf6: {  	v12 =	vld [tilespmem:s26+$0xFA0]  }
0xf7: {  	vm0 =	veq.f32 v8, v7;
	vm1 =	vgt.s32 v10, v9  }
0xf8: {  	vm2 =	vgt.f32 v8, v7;
	vm0 =	vmand vm0, vm1  }
0xf9: {  	v13 =	vld [tilespmem:s26+$0x9470];
	vm0 =	vmor vm2, vm0  }
0xfa: {  	v7 =	vsel vm0, v8, v7;
	v8 =	vsel vm0, v10, v9;
	v9 =	vld [tilespmem:s26+$0x1770]  }
0xfb: {  	vm0 =	veq.f32 v11, v7;
	vm1 =	vgt.s32 v12, v8  }
0xfc: {  	vm2 =	vgt.f32 v11, v7;
	vm0 =	vmand vm0, vm1  }
0xfd: {  	v10 =	vld [tilespmem:s26+$0x9C40];
	vm0 =	vmor vm2, vm0  }
0xfe: {  	v7 =	vsel vm0, v11, v7;
	v8 =	vsel vm0, v12, v8;
	v11 =	vld [tilespmem:s26+$0x1F40]  }
0xff: {  	vm0 =	veq.f32 v13, v7;
	vm1 =	vgt.s32 v9, v8  }
0x100: {  	vm2 =	vgt.f32 v13, v7;
	vm0 =	vmand vm0, vm1  }
0x101: {  	v12 =	vld [tilespmem:s26+$0xA410];
	vm0 =	vmor vm2, vm0  }
0x102: {  	v7 =	vsel vm0, v13, v7;
	v8 =	vsel vm0, v9, v8;
	v9 =	vld [tilespmem:s26+$0x2710]  }
0x103: {  	s28 =	simm.s32 $0x10;
	vm0 =	veq.f32 v10, v7;
	vm1 =	vgt.s32 v11, v8  }
0x104: {  	v16 =	vld [tilespmem:s28+$0x7D00];
	vm2 =	vgt.f32 v10, v7;
	vm0 =	vmand vm0, vm1  }
0x105: {  	v13 =	vld [tilespmem:s26+$0xABE0];
	vm0 =	vmor vm2, vm0  }
0x106: {  	v7 =	vsel vm0, v10, v7;
	v8 =	vsel vm0, v11, v8;
	v10 =	vld [tilespmem:s26+$0x2EE0]  }
0x107: {  	v14 =	vld [tilespmem:s26+$0x36B0];
	vm0 =	veq.f32 v12, v7;
	vm1 =	vgt.s32 v9, v8  }
0x108: {  	v18 =	vld [tilespmem:s28+$0x0];
	vm2 =	vgt.f32 v12, v7;
	vm0 =	vmand vm0, vm1  }
0x109: {  	v19 =	vld [tilespmem:s28+$0x7D0];
	vm0 =	vmor vm2, vm0  }
0x10a: {  	v11 =	vld [tilespmem:s26+$0xB3B0];
	v7 =	vsel vm0, v12, v7;
	v8 =	vsel vm0, v9, v8  }
0x10b: {  	v17 =	vld [tilespmem:s28+$0x84D0];
	vm0 =	veq.f32 v13, v7;
	vm1 =	vgt.s32 v10, v8  }
0x10c: {  	vm2 =	vgt.f32 v13, v7;
	vm0 =	vmand vm0, vm1  }
0x10d: {  	v9 =	vld [tilespmem:s26+$0xBB80];
	vm0 =	vmor vm2, vm0  }
0x10e: {  	v15 =	vsel vm0, v13, v7;
	v8 =	vsel vm0, v10, v8;
	v10 =	vld [tilespmem:s26+$0x3E80]  }
0x10f: {  	vm3 =	vgt.s32 v19, v18;
	v12 =	vld [tilespmem:s28+$0x8CA0];
	vm1 =	veq.f32 v11, v15;
	vm2 =	vgt.s32 v14, v8  }
0x110: {  	vm0 =	veq.f32 v17, v16;
	v7 =	vld [tilespmem:s26+$0xC350];
	vm4 =	vgt.f32 v11, v15;
	vm1 =	vmand vm1, vm2  }
0x111: {  	v13 =	vld [tilespmem:s28+$0xFA0];
	vm0 =	vmand vm0, vm3;
	vm2 =	vgt.f32 v17, v16;
	vm1 =	vmor vm4, vm1  }
0x112: {  	vm0 =	vmor vm2, vm0;
	v15 =	vsel vm1, v11, v15;
	v14 =	vsel vm1, v14, v8;
	v11 =	vld [tilespmem:s26+$0x4650]  }
0x113: {  	v16 =	vsel vm0, v17, v16;
	vm1 =	veq.f32 v9, v15;
	vm2 =	vgt.s32 v10, v14  }
0x114: {  	s29 =	simm.s32 $0x80;
	v17 =	vsel vm0, v19, v18;
	v8 =	vld [tilespmem:s26+$0xCB20];
	vm0 =	vgt.f32 v9, v15;
	vm1 =	vmand vm1, vm2  }
.LBB2_22:
0x115: {  	p1 =	sne.s32 s29, $0x1F00;
	vm2 =	vgt.f32 v12, v16;
	vm3 =	veq.f32 v12, v16;
	vm0 =	vmor vm0, vm1;
	v18 =	vld [tilespmem:s26+$0x4E20]  }
0x116: {  	vm1 =	vgt.s32 v13, v17;
	v19 =	vld [tilespmem:s28+$0x9470];
	v9 =	vsel vm0, v9, v15;
	v10 =	vsel vm0, v10, v14  }
0x117: {  	vm0 =	vmand vm3, vm1;
	v14 =	vld [tilespmem:s28+$0x1770];
	vm1 =	veq.f32 v7, v9;
	vm3 =	vgt.s32 v11, v10  }
0x118: {  	vm0 =	vmor vm2, vm0;
	vm2 =	vgt.f32 v7, v9;
	vm1 =	vmand vm1, vm3;
	v15 =	vld [tilespmem:s26+$0xE290]  }
0x119: {  	v12 =	vsel vm0, v12, v16;
	vm1 =	vmor vm2, vm1;
	v16 =	vld [tilespmem:s26+$0xD2F0]  }
0x11a: {  	v13 =	vsel vm0, v13, v17;
	v7 =	vsel vm1, v7, v9;
	v9 =	vsel vm1, v11, v10;
	v10 =	vld [tilespmem:s26+$0x55F0]  }
0x11b: {  	vm0 =	veq.f32 v19, v12;
	vm1 =	veq.f32 v8, v7;
	vm2 =	vgt.s32 v18, v9;
	v11 =	vld [tilespmem:s26+$0xDAC0]  }
0x11c: {  	vm4 =	vgt.f32 v8, v7;
	vm3 =	vgt.s32 v14, v13;
	v17 =	vld [tilespmem:s28+$0x9C40];
	vm1 =	vmand vm1, vm2  }
0x11d: {  	vm2 =	vgt.f32 v19, v12;
	vm0 =	vmand vm0, vm3;
	v20 =	vld [tilespmem:s28+$0x1F40];
	vm1 =	vmor vm4, vm1  }
0x11e: {  	s30 =	sshra.s32 s29, $0x2;
	vm0 =	vmor vm2, vm0;
	v7 =	vsel vm1, v8, v7;
	v8 =	vsel vm1, v18, v9;
	v9 =	vld [tilespmem:s26+$0x5DC0]  }
0x11f: {  	v18 =	vld [tilespmem:s30+$0x7D00];
	v12 =	vsel vm0, v19, v12;
	vm1 =	veq.f32 v16, v7;
	vm2 =	vgt.s32 v10, v8  }
0x120: {  	v13 =	vsel vm0, v14, v13;
	vm0 =	vgt.f32 v16, v7;
	v19 =	vld [tilespmem:s30+$0x84D0];
	vm1 =	vmand vm1, vm2  }
0x121: {  	vm2 =	vgt.f32 v17, v12;
	vm3 =	veq.f32 v17, v12;
	vm0 =	vmor vm0, vm1;
	v14 =	vld [tilespmem:s26+$0x6590]  }
0x122: {  	vm1 =	vgt.s32 v20, v13;
	v21 =	vld [tilespmem:s28+$0xA410];
	v7 =	vsel vm0, v16, v7;
	v8 =	vsel vm0, v10, v8  }
0x123: {  	vm0 =	vmand vm3, vm1;
	v10 =	vld [tilespmem:s28+$0x2710];
	vm1 =	veq.f32 v11, v7;
	vm3 =	vgt.s32 v9, v8  }
0x124: {  	vm4 =	vgt.f32 v11, v7;
	vm2 =	vmor vm2, vm0;
	vm1 =	vmand vm1, vm3  }
0x125: {  	vm0 =	veq.f32 v19, v18;
	v12 =	vsel vm2, v17, v12;
	vm1 =	vmor vm4, vm1;
	v16 =	vld [tilespmem:s26+$0xEA60]  }
0x126: {  	v13 =	vsel vm2, v20, v13;
	v7 =	vsel vm1, v11, v7;
	v8 =	vsel vm1, v9, v8;
	v9 =	vld [tilespmem:s26+$0x6D60]  }
0x127: {  	vm1 =	veq.f32 v21, v12;
	vm2 =	veq.f32 v15, v7;
	vm3 =	vgt.s32 v14, v8;
	v11 =	vld [tilespmem:s26+$0xF230]  }
0x128: {  	vm5 =	vgt.f32 v15, v7;
	vm4 =	vgt.s32 v10, v13;
	v17 =	vld [tilespmem:s28+$0xABE0];
	vm2 =	vmand vm2, vm3  }
0x129: {  	vm3 =	vgt.f32 v21, v12;
	vm1 =	vmand vm1, vm4;
	v20 =	vld [tilespmem:s28+$0x2EE0];
	vm2 =	vmor vm5, vm2  }
0x12a: {  	vm1 =	vmor vm3, vm1;
	v7 =	vsel vm2, v15, v7;
	v8 =	vsel vm2, v14, v8;
	v14 =	vld [tilespmem:s26+$0x7530]  }
0x12b: {  	v12 =	vsel vm1, v21, v12;
	v15 =	vld [tilespmem:s28+$0xB3B0];
	vm2 =	veq.f32 v16, v7;
	vm3 =	vgt.s32 v9, v8  }
0x12c: {  	v10 =	vsel vm1, v10, v13;
	vm1 =	vgt.f32 v16, v7;
	v21 =	vld [tilespmem:s28+$0x36B0];
	vm2 =	vmand vm2, vm3  }
0x12d: {  	v22 =	vld [tilespmem:s30+$0x0];
	vm3 =	vgt.f32 v17, v12;
	vm4 =	veq.f32 v17, v12;
	vm1 =	vmor vm1, vm2  }
0x12e: {  	v23 =	vld [tilespmem:s30+$0x7D0];
	vm2 =	vgt.s32 v20, v10;
	v7 =	vsel vm1, v16, v7;
	v8 =	vsel vm1, v9, v8  }
0x12f: {  	vm1 =	vmand vm4, vm2;
	vm2 =	veq.f32 v11, v7;
	vm4 =	vgt.s32 v14, v8  }
0x130: {  	vm1 =	vmor vm3, vm1;
	v9 =	vld [tilespmem:s28+$0xBB80];
	vm3 =	vgt.f32 v11, v7;
	vm2 =	vmand vm2, vm4  }
0x131: {  	v11 =	vsel vm1, v17, v12;
	v16 =	vsel vm1, v20, v10;
	v10 =	vld [tilespmem:s28+$0x3E80];
	vm1 =	vmor vm3, vm2  }
0x132: {  	vm2 =	veq.f32 v15, v11;
	vm3 =	vgt.s32 v21, v16;
	v7 =	vld [tilespmem:s28+$0xC350];
	v8 =	vsel vm1, v14, v8  }
.Ltmp20:
0x133: {  	vm4 =	vgt.f32 v15, v11;
	vm1 =	vgt.s32 v23, v22;
	v12 =	vld [tilespmem:s30+$0x8CA0];
	vm2 =	vmand vm2, vm3;
	[tilespmem:s26+$0xFA00] =	vst v8;
	s26 =	smov.u32 s28;
	s28 =	smov.u32 s30;
	(pc) =	sbr.rel @p1 .LBB2_22-.Ltmp20, $4  }
0x134: {  	vm3 =	vgt.f32 v19, v18;
	vm0 =	vmand vm0, vm1;
	v13 =	vld [tilespmem:s28+$0xFA0];
	vm1 =	vmor vm4, vm2  }
0x135: {  	vm0 =	vmor vm3, vm0;
	v15 =	vsel vm1, v15, v11;
	v14 =	vsel vm1, v21, v16;
	v11 =	vld [tilespmem:s26+$0x4650]  }
0x136: {  	v16 =	vsel vm0, v19, v18;
	vm1 =	veq.f32 v9, v15;
	vm2 =	vgt.s32 v10, v14  }
0x137: {  	s29 =	sadd.s32 $0x40, s29;
	v17 =	vsel vm0, v23, v22;
	vm0 =	vgt.f32 v9, v15;
	vm1 =	vmand vm1, vm2;
	v8 =	vld [tilespmem:s26+$0xCB20]  }
0x138: {  	v18 =	vld [tilespmem:s28+$0x9470]  }
0x139: {  	v19 =	vld [tilespmem:s28+$0x1770]  }
0x13a: {  	vm2 =	veq.f32 v12, v16;
	vm3 =	vgt.s32 v13, v17  }
0x13b: {  	vm4 =	vgt.f32 v12, v16;
	vm2 =	vmand vm2, vm3  }
0x13c: {  	v20 =	vld [tilespmem:s28+$0x9C40];
	vm2 =	vmor vm4, vm2  }
0x13d: {  	v28 =	vld [tilespmem:s28+$0x1F40];
	v26 =	vsel vm2, v12, v16;
	v27 =	vsel vm2, v13, v17  }
0x13e: {  	vm10 =	veq.f32 v18, v26;
	vm11 =	vgt.s32 v19, v27  }
0x13f: {  	vm12 =	vgt.f32 v18, v26;
	vm2 =	vmand vm10, vm11  }
0x140: {  	v29 =	vld [tilespmem:s28+$0xA410];
	vm2 =	vmor vm12, vm2  }
0x141: {  	v30 =	vld [tilespmem:s28+$0x2710];
	v12 =	vsel vm2, v18, v26;
	v13 =	vsel vm2, v19, v27  }
0x142: {  	vm13 =	veq.f32 v20, v12;
	vm14 =	vgt.s32 v28, v13  }
0x143: {  	vm15 =	vgt.f32 v20, v12;
	vm2 =	vmand vm13, vm14  }
0x144: {  	v31 =	vld [tilespmem:s28+$0xABE0];
	vm2 =	vmor vm15, vm2  }
0x145: {  	vm0 =	vmor vm0, vm1;
	v32 =	vld [tilespmem:s28+$0x2EE0];
	v12 =	vsel vm2, v20, v12;
	v13 =	vsel vm2, v28, v13  }
0x146: {  	v9 =	vsel vm0, v9, v15;
	vm5 =	veq.f32 v29, v12;
	vm2 =	vgt.s32 v30, v13  }
0x147: {  	v10 =	vsel vm0, v10, v14;
	vm6 =	vgt.f32 v29, v12;
	vm1 =	vmand vm5, vm2  }
0x148: {  	v33 =	vld [tilespmem:s28+$0xB3B0];
	vm7 =	veq.f32 v7, v9;
	vm8 =	vgt.s32 v11, v10;
	vm0 =	vmor vm6, vm1  }
0x149: {  	v34 =	vld [tilespmem:s28+$0x36B0];
	vm9 =	vgt.f32 v7, v9;
	v12 =	vsel vm0, v29, v12;
	v13 =	vsel vm0, v30, v13  }
0x14a: {  	v35 =	vld [tilespmem:s26+$0x4E20];
	vm10 =	vmand vm7, vm8;
	vm11 =	veq.f32 v31, v12;
	vm12 =	vgt.s32 v32, v13  }
0x14b: {  	vm0 =	vmor vm9, vm10;
	vm13 =	vgt.f32 v31, v12;
	vm2 =	vmand vm11, vm12  }
0x14c: {  	v36 =	vld [tilespmem:s28+$0xBB80];
	v7 =	vsel vm0, v7, v9;
	vm1 =	vmor vm13, vm2  }
0x14d: {  	v39 =	vld [tilespmem:s28+$0x3E80];
	v10 =	vsel vm0, v11, v10;
	v37 =	vsel vm1, v31, v12;
	v38 =	vsel vm1, v32, v13  }
0x14e: {  	v40 =	vld [tilespmem:s26+$0xD2F0];
	vm14 =	veq.f32 v8, v7;
	vm15 =	veq.f32 v33, v37;
	vm8 =	vgt.s32 v34, v38  }
0x14f: {  	v41 =	vld [tilespmem:s26+$0x55F0];
	vm9 =	vgt.s32 v35, v10;
	vm10 =	vgt.f32 v33, v37;
	vm1 =	vmand vm15, vm8  }
0x150: {  	v42 =	vld [tilespmem:s28+$0xC350];
	vm11 =	vgt.f32 v8, v7;
	vm0 =	vmand vm14, vm9;
	vm1 =	vmor vm10, vm1  }
0x151: {  	v43 =	vld [tilespmem:s28+$0x4650];
	vm0 =	vmor vm11, vm0;
	v11 =	vsel vm1, v33, v37;
	v12 =	vsel vm1, v34, v38  }
0x152: {  	v7 =	vsel vm0, v8, v7;
	vm12 =	veq.f32 v36, v11;
	vm13 =	vgt.s32 v39, v12  }
0x153: {  	v44 =	vld [tilespmem:s28+$0xCB20];
	v10 =	vsel vm0, v35, v10;
	vm14 =	vgt.f32 v36, v11;
	vm1 =	vmand vm12, vm13  }
0x154: {  	v45 =	vld [tilespmem:s28+$0x4E20];
	vm15 =	veq.f32 v40, v7;
	vm6 =	vgt.s32 v41, v10;
	vm0 =	vmor vm14, vm1  }
0x155: {  	v8 =	vld [tilespmem:s26+$0xDAC0];
	vm7 =	vgt.f32 v40, v7;
	v9 =	vsel vm0, v36, v11;
	v46 =	vsel vm0, v39, v12  }
0x156: {  	v47 =	vld [tilespmem:s26+$0x5DC0];
	vm8 =	vmand vm15, vm6;
	vm9 =	veq.f32 v42, v9;
	vm10 =	vgt.s32 v43, v46  }
0x157: {  	vm0 =	vmor vm7, vm8;
	vm11 =	vgt.f32 v42, v9;
	vm2 =	vmand vm9, vm10  }
0x158: {  	v48 =	vld [tilespmem:s28+$0xD2F0];
	v7 =	vsel vm0, v40, v7;
	vm1 =	vmor vm11, vm2  }
0x159: {  	v49 =	vld [tilespmem:s28+$0x55F0];
	v10 =	vsel vm0, v41, v10;
	v9 =	vsel vm1, v42, v9;
	v11 =	vsel vm1, v43, v46  }
0x15a: {  	v50 =	vld [tilespmem:s26+$0xE290];
	vm12 =	veq.f32 v8, v7;
	vm13 =	veq.f32 v44, v9;
	vm14 =	vgt.s32 v45, v11  }
0x15b: {  	v51 =	vld [tilespmem:s26+$0x6590];
	vm15 =	vgt.s32 v47, v10;
	vm8 =	vgt.f32 v44, v9;
	vm1 =	vmand vm13, vm14  }
0x15c: {  	v52 =	vld [tilespmem:s28+$0xDAC0];
	vm9 =	vgt.f32 v8, v7;
	vm0 =	vmand vm12, vm15;
	vm1 =	vmor vm8, vm1  }
0x15d: {  	v53 =	vld [tilespmem:s28+$0x5DC0];
	vm0 =	vmor vm9, vm0;
	v9 =	vsel vm1, v44, v9;
	v11 =	vsel vm1, v45, v11  }
0x15e: {  	v7 =	vsel vm0, v8, v7;
	vm10 =	veq.f32 v48, v9;
	vm11 =	vgt.s32 v49, v11  }
0x15f: {  	v54 =	vld [tilespmem:s28+$0xE290];
	v10 =	vsel vm0, v47, v10;
	vm12 =	vgt.f32 v48, v9;
	vm1 =	vmand vm10, vm11  }
0x160: {  	v55 =	vld [tilespmem:s28+$0x6590];
	vm13 =	veq.f32 v50, v7;
	vm14 =	vgt.s32 v51, v10;
	vm0 =	vmor vm12, vm1  }
0x161: {  	v8 =	vld [tilespmem:s26+$0xEA60];
	vm15 =	vgt.f32 v50, v7;
	v9 =	vsel vm0, v48, v9;
	v11 =	vsel vm0, v49, v11  }
0x162: {  	v56 =	vld [tilespmem:s26+$0x6D60];
	vm6 =	vmand vm13, vm14;
	vm7 =	veq.f32 v52, v9;
	vm8 =	vgt.s32 v53, v11  }
0x163: {  	vm0 =	vmor vm15, vm6;
	vm9 =	vgt.f32 v52, v9;
	vm2 =	vmand vm7, vm8  }
0x164: {  	v57 =	vld [tilespmem:s28+$0xEA60];
	v7 =	vsel vm0, v50, v7;
	vm1 =	vmor vm9, vm2  }
0x165: {  	v58 =	vld [tilespmem:s28+$0x6D60];
	v10 =	vsel vm0, v51, v10;
	v9 =	vsel vm1, v52, v9;
	v11 =	vsel vm1, v53, v11  }
0x166: {  	v59 =	vld [tilespmem:s26+$0xF230];
	vm10 =	veq.f32 v8, v7;
	vm11 =	veq.f32 v54, v9;
	vm12 =	vgt.s32 v55, v11  }
0x167: {  	v60 =	vld [tilespmem:s26+$0x7530];
	vm13 =	vgt.s32 v56, v10;
	vm14 =	vgt.f32 v54, v9;
	vm1 =	vmand vm11, vm12  }
0x168: {  	v61 =	vld [tilespmem:s28+$0xF230];
	vm15 =	vgt.f32 v8, v7;
	vm0 =	vmand vm10, vm13;
	vm1 =	vmor vm14, vm1  }
0x169: {  	v62 =	vld [tilespmem:s28+$0x7530];
	vm0 =	vmor vm15, vm0;
	v9 =	vsel vm1, v54, v9;
	v11 =	vsel vm1, v55, v11  }
0x16a: {  	v7 =	vsel vm0, v8, v7;
	vm5 =	veq.f32 v57, v9;
	vm6 =	vgt.s32 v58, v11  }
0x16b: {  	v8 =	vsel vm0, v56, v10;
	vm7 =	vgt.f32 v57, v9;
	vm1 =	vmand vm5, vm6  }
0x16c: {  	vm8 =	veq.f32 v59, v7;
	vm9 =	vgt.s32 v60, v8;
	vm0 =	vmor vm7, vm1  }
0x16d: {  	vm10 =	vgt.f32 v59, v7;
	v7 =	vsel vm0, v57, v9;
	v63 =	vsel vm0, v58, v11  }
0x16e: {  	vm11 =	vmand vm8, vm9;
	vm12 =	veq.f32 v61, v7;
	vm13 =	vgt.s32 v62, v63  }
0x16f: {  	vm0 =	vmor vm10, vm11;
	vm14 =	vgt.f32 v61, v7;
	vm2 =	vmand vm12, vm13  }
0x170: {  	s0 =	sadd.s32 s8, s25;
	v7 =	vsel vm0, v60, v8;
	vm15 =	vmor vm14, vm2  }
0x171: {  	s0 =	sshrl.u32 s0, $0x3;
	[tilespmem:s26+$0xFA00] =	vst v7;
	v7 =	vsel vm15, v62, v63  }
.Ltmp21:
0x172: {  	s0 =	sadd.s32 s6, s0;
	[tilespmem:s28+$0xFA00] =	vst v7;
	(pc) =	sbr.rel .LBB2_24-.Ltmp21, $4  }
0x173: {  	[hbm4b:s0+s4] =	stream.linear.scatter [tilespmem:s23], [sflag:$0x1], $0x7D0, $0x38;
	[tilespmem:$0x1CEF0] =	vst v63  }
0x174: {  	_ =	swait.ge [sflag:s16], $0x7D0  }
0x175: {  	[sflag:s16] =	ssyncset.done $0x0  }
0x176: {  	[sflag:s16] =	ssyncadd.s32 $0xFFFFF830  }
.LBB2_26:
0x177: {  	_ =	sfence.sel $0x180000  }
0x178: {  	[bflag:$0x0] =	sbarrier.arrive $0xFFFF  }
0x179: {  	_ =	strace $0x90000047  }
0x17a: {  	[bflag:$0x2] =	sbarrier.arrive $0xFFFF  }
0x17b: {  	p0 =	sne.s32 s5, $0x0;
	s0 =	rddreg [dreg:$0x5]  }
0x17c: {  	s0 =	sadd.s32 @!p0 $0x100000, s0  }
0x17d: {  	[sflag:s0] =	ssyncadd.tile.s32 @!p0 $0x1;
	_ =	shalt  }
.Lfunc_end2:
_tile_overlayer_lowered:
.L_overlay_start_2:
0x17e: {  	(tag) =	ssettag $0x2  }
0x17f: {  	s0 =	rddreg [dreg:$0x0];
	s2 =	stileid.u32  }
0x180: {  	s1 =	rddreg [dreg:$0x1];
	p0 =	sne.s32 s2, $0x0  }
0x181: {  	s3 =	rddreg [dreg:$0x2];
	[bflag:$0x3] =	sbarrier.arrive $0xFFFF;
	s2 =	simm.s32 @!p0 $0x1C01  }
0x182: {  	[timem:s3], [sflag:s2] =	dma.local @!p0 [hbm:s0], s1  }
0x183: {  	s0 =	simm.s32 @!p0 $0x1  }
0x184: {  	_ =	swait.ge @!p0 [sflag:s0], s1  }
0x185: {  	s1 =	ssub.s32 @!p0 $0x0, s1;
	[sflag:s0] =	ssyncset.done @!p0 $0x0  }
0x186: {  	[sflag:s0] =	ssyncadd.s32 @!p0 s1  }
0x187: {  	[bflag:$0x3] =	sbarrier.arrive $0xFFFF  }
0x188: {  	_ =	shalt  }

// kernel: kernel.7.cloned.1.call-start
scs
__scs_entry_jumppad:
0x0: {  	(pc) =	sbr.rel $0x88, $3  }
0x1: {  	(tag) =	ssettag $0x0;
	lr =	simm.s32 $0x1  }
0x2: {  	[smem:$0x3F9E] =	sst lr;
	_ =	strace $0xD0000000  }
0x3: {  	_ = 	snop  }
0x4: {  	_ = 	snop  }
0x5: {  	_ = 	snop  }
0x6: {  	_ = 	snop  }
0x7: {  	_ = 	snop  }
__scs_overlays_trampoline_lowered:
0x8: {  	[smem:$0x3FAD] =	sst s0  }
0x9: {  	[smem:$0x3FAE] =	sst s1  }
0xa: {  	[smem:$0x3FAF] =	sst s2  }
0xb: {  	[smem:$0x3FB0] =	sst s3  }
0xc: {  	[smem:$0x3FB1] =	sst s4  }
0xd: {  	[smem:$0x3FB2] =	sst s5  }
0xe: {  	[smem:$0x3FB3] =	sst s6  }
0xf: {  	[smem:$0x3FB4] =	sst s7  }
0x10: {  	[smem:$0x3FB5] =	sst s8  }
0x11: {  	[smem:$0x3FB6] =	sst s9;
	s0 =	simm.s32 @!p0 $0x0  }
0x12: {  	s1 =	sld [smem:$0x3F9C];
	s0 =	simm.s32 @p0 $0x1  }
0x13: {  	[smem:$0x3FB7] =	sst s0;
	s0 =	simm.s32 @!p1 $0x0  }
0x14: {  	s2 =	sld [smem:$0x3F9B];
	s0 =	simm.s32 @p1 $0x1  }
0x15: {  	[smem:$0x3FB8] =	sst s0;
	s0 =	simm.s32 @!p2 $0x0  }
0x16: {  	s3 =	sld [smem:$0x3FDB];
	s0 =	simm.s32 @p2 $0x1  }
0x17: {  	s4 =	simm.s32 $0x1BF5;
	[smem:$0x3FBA] =	sst s0  }
0x18: {  	s0 =	sld [smem:$0x3F9D];
	_ =	swait.ge [sflag:s4], $0x0  }
0x19: {  	s7 =	sld [smem:$0x3F9E]  }
0x1a: {  	s8 =	sadd.s32 $0xFFFFE003, lr  }
0x1b: {  	s9 =	sadd.s32 $0xFFFFFEF7, lr;
	s5 =	simm.s32 $0xFFFFFFFF;
	p2 =	slt.u32 s8, $0xFFFFF086  }
0x1c: {  	p1 =	slt.u32 s9, $0xF7A;
	s5 =	simm.s32 @!p2 $0x0  }
0x1d: {  	s5 =	simm.s32 @p1 $0x1;
	p0 =	seq.s32 s7, s2  }
0x1e: {  	s7 =	smul.u32 @!p0 $0xF7A, s2;
	p2 =	seq.s32 @!p0 s5, $0x0  }
0x1f: {  	s9 =	smul.u32 $0xF7A, s1;
	s8 =	simm.s32 @!p0 $0x1BF5;
	p2 =	por !p2, p0  }
0x20: {  	[sflag:s8] =	ssyncset.s32 @!p0 $0xFFFFF086;
	s6 =	sadd.s32 @!p0 s3, s7;
	s7 =	simm.s32 @!p0 $0x108  }
0x21: {  	s3 =	sadd.s32 s3, s9;
	s6 =	sadd.s32 @!p0 $0x88, s6;
	s7 =	simm.s32 @p2 $0x1082  }
0x22: {  	[simem:s7], [sflag:s8] =	dma.local @!p0 [hbm:s6], $0xF7A  }
0x23: {  	s9 =	sor.u32 $0xD0000000, s2;
	s6 =	simm.s32 $0x108;
	_ =	swait.ge @!p0 [sflag:s8], $0x0  }
0x24: {  	s3 =	sadd.s32 $0x88, s3;
	s6 =	simm.s32 @!p1 $0x1082;
	[sflag:s4] =	ssyncset.s32 $0xFFFFF086  }
0x25: {  	[simem:s6], [sflag:s4] =	dma.local [hbm:s3], $0xF7A  }
0x26: {  	[smem:$0x3F9E] =	sst s1;
	(tag) =	ssettag s2;
	_ =	strace s9  }
0x27: {  	s1 =	sld [smem:$0x3FAE]  }
0x28: {  	s2 =	sld [smem:$0x3FAF]  }
0x29: {  	s4 =	sld [smem:$0x3FB1]  }
0x2a: {  	p0 =	seq.s32 s5, $0x0;
	s5 =	sld [smem:$0x3FB2]  }
0x2b: {  	s6 =	sld [smem:$0x3FB3]  }
0x2c: {  	s7 =	sld [smem:$0x3FB4]  }
0x2d: {  	s3 =	simm.s32 $0x108;
	s8 =	sld [smem:$0x3FB5]  }
0x2e: {  	s3 =	simm.s32 @!p0 $0x1082;
	s9 =	sld [smem:$0x3FB6]  }
0x2f: {  	lr =	sadd.s32 s0, s3;
	s0 =	sld [smem:$0x3FAD]  }
0x30: {  	s3 =	sld [smem:$0x3FB0]  }
0x31: {  	[smem:$0x3FB9] =	sst s10  }
0x32: {  	s10 =	sld [smem:$0x3FB7];
	_ =	sdelay $0x3  }
0x33: {  	p0 =	seq.s32 s10, $0x1;
	s10 =	sld [smem:$0x3FB9];
	_ =	sdelay $0x3  }
0x34: {  	[smem:$0x3FB9] =	sst s10  }
0x35: {  	s10 =	sld [smem:$0x3FB8];
	_ =	sdelay $0x3  }
0x36: {  	p1 =	seq.s32 s10, $0x1;
	s10 =	sld [smem:$0x3FB9];
	_ =	sdelay $0x3  }
0x37: {  	[smem:$0x3FB9] =	sst s10  }
0x38: {  	s10 =	sld [smem:$0x3FBA]  }
0x39: {  	_ = 	snop;
	(pc) =	sbr.ind lr, $3  }
0x3a: {  	_ = 	snop  }
0x3b: {  	_ = 	snop  }
0x3c: {  	p2 =	seq.s32 s10, $0x1;
	s10 =	sld [smem:$0x3FB9]  }
0x3d: {  	_ =	shalt  }
0x3e: {  	_ =	shalt  }
0x3f: {  	_ =	shalt  }
0x40: {  	_ =	shalt  }
0x41: {  	_ =	shalt  }
0x42: {  	_ =	shalt  }
0x43: {  	_ =	shalt  }
0x44: {  	_ =	shalt  }
0x45: {  	_ =	shalt  }
0x46: {  	_ =	shalt  }
0x47: {  	_ =	shalt  }
0x48: {  	_ =	shalt  }
0x49: {  	_ =	shalt  }
0x4a: {  	_ =	shalt  }
0x4b: {  	_ =	shalt  }
0x4c: {  	_ =	shalt  }
0x4d: {  	_ =	shalt  }
0x4e: {  	_ =	shalt  }
0x4f: {  	_ =	shalt  }
0x50: {  	_ =	shalt  }
0x51: {  	_ =	shalt  }
0x52: {  	_ =	shalt  }
0x53: {  	_ =	shalt  }
0x54: {  	_ =	shalt  }
0x55: {  	_ =	shalt  }
0x56: {  	_ =	shalt  }
0x57: {  	_ =	shalt  }
0x58: {  	_ =	shalt  }
0x59: {  	_ =	shalt  }
0x5a: {  	_ =	shalt  }
0x5b: {  	_ =	shalt  }
0x5c: {  	_ =	shalt  }
0x5d: {  	_ =	shalt  }
0x5e: {  	_ =	shalt  }
0x5f: {  	_ =	shalt  }
0x60: {  	_ =	shalt  }
0x61: {  	_ =	shalt  }
0x62: {  	_ =	shalt  }
0x63: {  	_ =	shalt  }
0x64: {  	_ =	shalt  }
0x65: {  	_ =	shalt  }
0x66: {  	_ =	shalt  }
0x67: {  	_ =	shalt  }
0x68: {  	_ =	shalt  }
0x69: {  	_ =	shalt  }
0x6a: {  	_ =	shalt  }
0x6b: {  	_ =	shalt  }
0x6c: {  	_ =	shalt  }
0x6d: {  	_ =	shalt  }
0x6e: {  	_ =	shalt  }
0x6f: {  	_ =	shalt  }
0x70: {  	_ =	shalt  }
0x71: {  	_ =	shalt  }
0x72: {  	_ =	shalt  }
0x73: {  	_ =	shalt  }
0x74: {  	_ =	shalt  }
0x75: {  	_ =	shalt  }
0x76: {  	_ =	shalt  }
0x77: {  	_ =	shalt  }
0x78: {  	_ =	shalt  }
0x79: {  	_ =	shalt  }
0x7a: {  	_ =	shalt  }
0x7b: {  	_ =	shalt  }
0x7c: {  	_ =	shalt  }
0x7d: {  	_ =	shalt  }
0x7e: {  	_ =	shalt  }
0x7f: {  	_ =	shalt  }
0x80: {  	_ =	shalt  }
0x81: {  	_ =	shalt  }
0x82: {  	_ =	shalt  }
0x83: {  	_ =	shalt  }
0x84: {  	_ =	shalt  }
0x85: {  	_ =	shalt  }
0x86: {  	_ =	shalt  }
0x87: {  	_ =	shalt  }
.Lfunc_end0:
.L_simem_size_0:
called_computation.1_lowered:
.L_overlay_start_0:
0x88: {  	s2 =	sld [smem:$0x3FD9]  }
0x89: {  	s3 =	sld [smem:$0x3FFE];
	_ =	sdelay $0x1  }
0x8a: {  	s1 =	srdreg.scid  }
0x8b: {  	s0 =	sand.u32 $0x1, s1  }
0x8c: {  	s17 =	sshll.u32 s0, $0xA;
	s2 =	sadd.s32 s3, s2  }
0x8d: {  	s2 =	sadd.s32 s2, s17  }
0x8e: {  	[smem:$0x3FC5] =	sst s2  }
0x8f: {  	_ = 	snop  }
0x90: {  	s2 =	sld [smem:$0x3FD0];
	(tm) =	ssettm $0x1  }
0x91: {  	s18 =	sld [smem:$0x3FFB];
	_ =	sdelay $0x3  }
0x92: {  	_ =	strace s18  }
0x93: {  	s3 =	sld [smem:$0x3FFC];
	_ =	sdelay $0x3  }
0x94: {  	_ =	strace s3  }
0x95: {  	s3 =	sld [smem:$0x3FFD];
	_ =	sdelay $0x3  }
0x96: {  	_ =	strace s3  }
0x97: {  	_ =	strace $0x8FFFFFFF  }
0x98: {  	s19 =	sld [smem:$0x3FDB];
	_ =	sdelay $0x1  }
0x99: {  	s4 =	simm.s32 $_scs_section_size  }
0x9a: {  	s5 =	simm.s32 $_size__tile_overlayer_lowered;
	s6 =	simm.s32 $_tile_overlayer_lowered  }
0x9b: {  	s22 =	simm.s32 $0x1BFF;
	s21 =	sshll.u32 s6, $0x1;
	s3 =	sadd.s32 s4, s19  }
0x9c: {  	s7 =	simm.s32 $0x0;
	s20 =	sshll.u32 s5, $0x1;
	s5 =	sadd.s32 s21, s3  }
0x9d: {  	[timem:s7], [sflag:s22] =	dma.local [hbm:s5], s20  }
0x9e: {  	_ =	swait.ge [sflag:s22], s20  }
0x9f: {  	s4 =	ssub.s32 $0x0, s20;
	[sflag:s22] =	ssyncset.done $0x0  }
0xa0: {  	[sflag:s22] =	ssyncadd.s32 s4;
	_ =	sdelay $0x1  }
0xa1: {  	s23 =	simm.s32 $0x1B8B  }
0xa2: {  	_ =	swait.ge [sflag:s23], $0x1  }
0xa3: {  	[sflag:s23] =	ssyncset.done $0x0  }
0xa4: {  	s25 =	simm.s32 $0x1B8E;
	s24 =	sld [smem:$0x3FFE];
	[sflag:s23] =	ssyncadd.s32 $0xFFFFFFFF  }
0xa5: {  	s26 =	simm.s32 $execute0_lowered;
	[smem:$0x3FD2] =	sst s25  }
0xa6: {  	s5 =	sshll.u32 s26, $0x1;
	_ =	strace $0x80000049;
	[dreg:$0x1] =	wrdreg $0xFFFFFFFF  }
0xa7: {  	s28 =	simm.s32 $_size_execute0_lowered;
	s3 =	sadd.s32 s3, s5;
	[dreg:$0x0] =	wrdreg $0x0  }
0xa8: {  	s5 =	sshll.u32 s28, $0x1;
	[dreg:$0x2] =	wrdreg s3  }
0xa9: {  	[dreg:$0x3] =	wrdreg s5  }
0xaa: {  	[dreg:$0x4] =	wrdreg $0xC0  }
0xab: {  	_ =	task [dreg:s7], $0x5FFFF  }
0xac: {  	[dreg:$0x1] =	wrdreg $0xFFFFFFFF  }
0xad: {  	[dreg:$0x0] =	wrdreg $0x60  }
0xae: {  	[dreg:$0x2] =	wrdreg s24  }
0xaf: {  	[dreg:$0x3] =	wrdreg s2  }
0xb0: {  	[dreg:$0x4] =	wrdreg $0x9  }
0xb1: {  	_ =	task.clear_ibuf [dreg:s7], $0x5FFFF;
	_ =	strace $0x90000049  }
0xb2: {  	s29 =	simm.s32 $0x9;
	_ =	strace $0x8000004B  }
0xb3: {  	_ =	swait.ge [sflag:s29], $0x1  }
0xb4: {  	[sflag:s29] =	ssyncadd.s32 $0xFFFFFFFF  }
0xb5: {  	_ =	strace $0x9000004B  }
0xb6: {  	_ =	sfence  }
0xb7: {  	s30 =	sld [smem:$0x0];
	_ =	sdelay $0x2  }
0xb8: {  	s31 =	sshll.u32 s1, $0xD;
	s1 =	sshrl.u32 s1, $0x2  }
0xb9: {  	s3 =	sand.u32 $0x4000, s31;
	s1 =	sadd.s32 s1, s30  }
0xba: {  	s0 =	sor.u32 s3, s0;
	s1 =	sshll.u32 s1, $0x11  }
0xbb: {  	s0 =	sor.u32 s1, s0  }
0xbc: {  	s0 =	sadd.s32 $0x8F2B, s0  }
0xbd: {  	[sflag:s0] =	ssyncadd.remote.s32 $0x1  }
0xbe: {  	_ =	sfence.sel $0xFFFF  }
0xbf: {  	[dreg:$0x0] =	wrdreg $0xFFFFFFFF;
	(pc) =	sbr.abs _section_cstart, $3  }
0xc0: {  	[dreg:$0x1] =	wrdreg $0xFFFFFFFF  }
0xc1: {  	_ =	task.clear_ibuf [dreg:s7], $0x2FFFF;
	_ =	strace $0x9FFFFFFF  }
0xc2: {  	(tm) =	ssettm $0x7FFFFFFF  }
0xc3: {  	_ =	shalt  }
tec
execute0_lowered:
.L_overlay_start_1:
0x0: {  	(tag) =	ssettag $0x1  }
0x1: {  	s0 =	rddreg [dreg:$0x0]  }
0x2: {  	s1 =	rddreg [dreg:$0x1]  }
0x3: {  	s2 =	srdreg.scid;
	s3 =	simm.s32 $0x0;
	s8 =	simm.s32 $0x4  }
0x4: {  	s9 =	simm.s32 $0x80;
	s10 =	simm.s32 $0x1000;
	s11 =	simm.s32 $0x3000  }
0x5: {  	s12 =	simm.s32 $0x1;
	s14 =	simm.s32 $0x2;
	s18 =	simm.s32 $0x300  }
0x6: {  	s19 =	simm.s32 $0x380;
	s20 =	simm.s32 $0x400;
	s21 =	simm.s32 $0x480  }
0x7: {  	s22 =	simm.s32 $0x500;
	s23 =	simm.s32 $0x580;
	s24 =	simm.s32 $0x600  }
0x8: {  	s25 =	simm.s32 $0x680;
	s26 =	simm.s32 $0x700;
	s2 =	sand.u32 $0x1, s2  }
.Ltmp0:
0x9: {  	s28 =	simm.s32 $0x780;
	s6 =	ssub.s32 $0x2, s2;
	(pc) =	sbr.rel .LBB2_1-.Ltmp0, $4  }
0xa: {  	s29 =	simm.s32 $0x3;
	[smem:$0x7FF] =	sst s3;
	s7 =	sshrl.u32 s6, $0x1  }
0xb: {  	s4 =	sadd.s32 $0xF45E00, s0;
	s5 =	sadd.s32 $0x800, s0;
	s31 =	ssub.s32 s6, s7  }
0xc: {  	v0 =	vimm.s32 $0x0;
	s3 =	stileid.u32;
	_ =	strace $0x8000004A;
	s0 =	smax.u32 s31, $0x1  }
0xd: {  	v1 =	vimm.s32 $0x1;
	v2 =	vimm.f32 $0.0e+00;
	v3 =	vlaneseq.u32;
	s6 =	sshll.u32 s2, $0x4;
	s2 =	simm.s32 $0x0;
	[dreg:$0x3] =	wrdreg s0  }
.LBB2_103:
0xe: {  	s2 =	rddreg [dreg:$0x4]  }
0xf: {  	s0 =	rddreg [dreg:$0x3];
	s2 =	sadd.s32 $0x1, s2  }
0x10: {  	p0 =	sne.s32 s2, s0  }
.Ltmp1:
0x11: {  	_ = 	snop;
	(pc) =	sbr.rel @!p0 .LBB2_104-.Ltmp1, $1  }
0x12: {  	_ =	sdelay $0x3  }
.LBB2_1:
.Ltmp2:
0x13: {  	(pc) =	sbr.rel .LBB2_2-.Ltmp2, $2  }
0x14: {  	_ =	sdelay $0x2  }
0x15: {  	[dreg:$0x4] =	wrdreg s2;
	p1 =	por $0x1, $0x1;
	s0 =	simm.s32 $0x0  }
.LBB2_101:
0x16: {  	s0 =	sadd.s32 $0x3C00, s31;
	s2 =	simm.s32 $0x0  }
0x17: {  	[hbm4b:s0+s2] =	stream.linear.scatter [tilespmem:s11], [sflag:$0x3], $0x1400, $0x38;
	[tilespmem:$0x5000] =	vst v63  }
0x18: {  	_ =	swait.ge [sflag:s29], $0x1400  }
0x19: {  	[sflag:s29] =	ssyncset.done $0x0  }
0x1a: {  	[sflag:s29] =	ssyncadd.s32 $0xFFFFEC00  }
.LBB2_102:
.Ltmp3:
0x1b: {  	(pc) =	sbr.rel @!p0 .LBB2_103-.Ltmp3, $2  }
0x1c: {  	_ =	sdelay $0x2  }
0x1d: {  	s0 =	simm.s32 $0x20;
	p1 =	por $0x0, $0x0  }
.LBB2_2:
0x1e: {  	s0 =	sor.u32 s0, s6  }
0x1f: {  	s31 =	sor.u32 s3, s0  }
0x20: {  	p2 =	sgt.u32 s31, $0x31  }
.Ltmp4:
0x21: {  	_ = 	snop;
	(pc) =	sbr.rel @p2 .LBB2_102-.Ltmp4, $2  }
0x22: {  	_ =	sdelay $0x2  }
0x23: {  	p0 =	por p1, p1  }
0x24: {  	s0 =	smul.u32 $0xFA, s31;
	_ =	sdelay $0x1  }
0x25: {  	s2 =	simm.s32 $0x0;
	s0 =	sadd.s32 s5, s0  }
0x26: {  	[tilespmem:s2], [sflag:$0x4] =	stream.linear.gather [hbm4b:s0+s2], $0x7D0, $0x38;
	[tilespmem:$0x5000] =	vst v63  }
0x27: {  	_ =	swait.ge [sflag:s8], $0x7D0  }
0x28: {  	[sflag:s8] =	ssyncset.done $0x0  }
0x29: {  	s0 =	simm.s32 $0x0;
	[sflag:s8] =	ssyncadd.s32 $0xFFFFF830  }
0x2a: {  	v4 =	vld [tilespmem:s0+$0x0];
	_ =	sdelay $0x4  }
0x2b: {  	vm0 =	vgt.s32 v4, $0x0  }
0x2c: {  	vm1 =	vgt.s32 v4, $0xFFFFFFFF;
	v5 =	vnsel vm0, $0x0, v4  }
0x2d: {  	s7 =	simm.s32 $0x10;
	s2 =	simm.s32 $0x80;
	v4 =	vsel vm1, $0x1, v0;
	[tilespmem:s0+$0x0] =	vst v5  }
.LBB2_4:
0x2e: {  	p1 =	sne.s32 s2, $0x1F00;
	v5 =	vld [tilespmem:s7+$0x0];
	[tilespmem:s0+$0x800] =	vst v4;
	s0 =	smov.u32 s7;
	_ =	sdelay $0x2  }
.Ltmp5:
0x2f: {  	(pc) =	sbr.rel @p1 .LBB2_4-.Ltmp5, $4  }
0x30: {  	_ = 	snop  }
0x31: {  	vm0 =	vgt.s32 v5, $0xFFFFFFFF;
	vm1 =	vgt.s32 v5, $0x0  }
0x32: {  	v5 =	vnsel vm1, $0x0, v5;
	v4 =	vsel vm0, $0x1, v0  }
0x33: {  	s7 =	sshra.s32 s2, $0x2;
	s2 =	sadd.s32 $0x40, s2;
	[tilespmem:s0+$0x0] =	vst v5  }
0x34: {  	v5 =	vld [tilespmem:s7+$0x0];
	_ =	sdelay $0x4  }
0x35: {  	vm0 =	vgt.s32 v5, $0x0  }
0x36: {  	[tilespmem:s0+$0x800] =	vst v4;
	vm1 =	vgt.s32 v5, $0xFFFFFFFF;
	v4 =	vnsel vm0, $0x0, v5  }
0x37: {  	v5 =	vsel vm1, $0x1, v0;
	[tilespmem:s7+$0x0] =	vst v4  }
0x38: {  	[tilespmem:s7+$0x800] =	vst v5  }
0x39: {  	[tilespmem:$0x7D0] =	vst v0  }
0x3a: {  	[tilespmem:$0xFD0] =	vst v1  }
0x3b: {  	[tilespmem:$0x7E0] =	vst v0  }
0x3c: {  	[tilespmem:$0xFE0] =	vst v1  }
0x3d: {  	[tilespmem:$0x7F0] =	vst v0  }
0x3e: {  	s0 =	simm.s32 $0x0;
	[tilespmem:$0xFF0] =	vst v1  }
0x3f: {  	[tilespmem:s10], [sflag:$0x1] =	stream.indirect.gather [hbm4b:s4+s9], $0x40, s0, s9, $0xb8;
	[tilespmem:$0x5000] =	vst v63  }
.Ltmp6:
0x40: {  	_ = 	snop;
	(pc) =	sbr.rel .LBB2_6-.Ltmp6, $4  }
0x41: {  	[tilespmem:s11], [sflag:$0x2] =	stream.indirect.gather [hbm4b:s4+s9], $0x40, s9, s9, $0xb8;
	[tilespmem:$0x5000] =	vst v63  }
0x42: {  	_ =	swait.ge [sflag:s12], $0x2000  }
0x43: {  	[sflag:s12] =	ssyncset.done $0x0  }
0x44: {  	s13 =	simm.s32 $0x1020;
	s30 =	simm.s32 $0x0;
	[sflag:s12] =	ssyncadd.s32 $0xFFFFE000  }
.LBB2_9:
0x45: {  	v5 =	vmov s16  }
0x46: {  	vm1 =	veq.s32 v5, v3  }
0x47: {  	vm0 =	vmand vm0, vm1  }
0x48: {  	v5 =	vsel vm0, $0x3F800000, v2  }
0x49: {  	(xrf0) =	vmax.scan.msk.f32 $0xffff, v5;
	_ =	sdelay $0x1  }
0x4a: {  	v5, _, _ =	vpop (xrf0)  }
0x4b: {  	(v2sf) =	vpush v5, $0xF;
	_ =	sdelay $0x2  }
0x4c: {  	[tilespmem:s7+$0x10] =	vst @p1 v4;
	s15 =	spop (v2sf);
	v5, _, _ =	vpop (xrf0)  }
0x4d: {  	[tilespmem:s7+$0x0] =	vst @p1 v4;
	p2 =	sgt.f32 s15, $0.0e+00;
	(v2sf) =	vpush v5, $0xF  }
0x4e: {  	[tilespmem:s7+$0xFFFFFFE0] =	vst @p1 v4  }
0x4f: {  	s2 =	sadd.s32 $0x40, s2;
	[tilespmem:s7+$0xFFFFFFF0] =	vst @p1 v4;
	v4 =	vimm.f32 @p2 $0.0e+00  }
0x50: {  	s17 =	spop (v2sf);
	[tilespmem:s2+$0x10] =	vst @p2 v4  }
0x51: {  	p1 =	sgt.f32 s17, $0.0e+00;
	[tilespmem:s2+$0x0] =	vst @p2 v4  }
0x52: {  	[tilespmem:s2+$0xFFFFFFE0] =	vst @p2 v4  }
0x53: {  	s7 =	sadd.s32 $0x40, s2;
	[tilespmem:s2+$0xFFFFFFF0] =	vst @p2 v4;
	v4 =	vimm.f32 @p1 $0.0e+00  }
0x54: {  	[tilespmem:s7+$0x10] =	vst @p1 v4;
	s15 =	spop (v2sf)  }
0x55: {  	[tilespmem:s7+$0x0] =	vst @p1 v4;
	p2 =	sgt.f32 s15, $0.0e+00  }
0x56: {  	[tilespmem:s7+$0xFFFFFFE0] =	vst @p1 v4  }
0x57: {  	s2 =	sadd.s32 $0x40, s7;
	[tilespmem:s7+$0xFFFFFFF0] =	vst @p1 v4;
	v4 =	vimm.f32 @p2 $0.0e+00  }
0x58: {  	[tilespmem:s2+$0x10] =	vst @p2 v4;
	s16 =	spop (v2sf)  }
0x59: {  	[tilespmem:s2+$0x0] =	vst @p2 v4;
	p1 =	sgt.f32 s16, $0.0e+00  }
0x5a: {  	[tilespmem:s2+$0xFFFFFFE0] =	vst @p2 v4  }
0x5b: {  	s7 =	sadd.s32 $0x40, s2;
	[tilespmem:s2+$0xFFFFFFF0] =	vst @p2 v4;
	v4 =	vimm.f32 @p1 $0.0e+00  }
0x5c: {  	[tilespmem:s7+$0x10] =	vst @p1 v4;
	s17 =	spop (v2sf)  }
0x5d: {  	[tilespmem:s7+$0x0] =	vst @p1 v4;
	p2 =	sgt.f32 s17, $0.0e+00  }
0x5e: {  	[tilespmem:s7+$0xFFFFFFE0] =	vst @p1 v4  }
0x5f: {  	s2 =	sadd.s32 $0x40, s7;
	[tilespmem:s7+$0xFFFFFFF0] =	vst @p1 v4;
	v4 =	vimm.f32 @p2 $0.0e+00  }
0x60: {  	[tilespmem:s2+$0x10] =	vst @p2 v4  }
0x61: {  	[tilespmem:s2+$0x0] =	vst @p2 v4  }
0x62: {  	[tilespmem:s2+$0xFFFFFFE0] =	vst @p2 v4  }
0x63: {  	[tilespmem:s2+$0xFFFFFFF0] =	vst @p2 v4  }
.LBB2_10:
0x64: {  	s30 =	sadd.s32 $0x1, s30  }
0x65: {  	p1 =	sne.s32 s30, $0x8  }
.Ltmp7:
0x66: {  	_ = 	snop;
	(pc) =	sbr.rel @!p1 .LBB2_11-.Ltmp7, $2  }
0x67: {  	_ =	sdelay $0x2  }
0x68: {  	s13 =	sadd.s32 $0x400, s13  }
.LBB2_6:
0x69: {  	s2 =	sshll.u32 s30, $0x4  }
0x6a: {  	v4 =	vld [tilespmem:s2+$0x800];
	_ =	sdelay $0x4  }
0x6b: {  	vm0 =	veq.s32 v4, $0x0  }
0x6c: {  	v4 =	vsel vm0, $0x3F800000, v2  }
0x6d: {  	(xrf0) =	vmax.scan.msk.f32 $0xffff, v4;
	_ =	sdelay $0x5  }
0x6e: {  	v4, _, _ =	vpop (xrf0)  }
0x6f: {  	(v2sf) =	vpush v4, $0xF;
	_ =	sdelay $0xe  }
0x70: {  	s17 =	spop (v2sf)  }
0x71: {  	p1 =	sgt.f32 s17, $0.0e+00  }
.Ltmp8:
0x72: {  	_ = 	snop;
	(pc) =	sbr.rel @!p1 .LBB2_10-.Ltmp8, $1  }
0x73: {  	_ =	sdelay $0x3  }
0x74: {  	v4 =	vmov s0  }
0x75: {  	vm1 =	veq.s32 v4, v3  }
0x76: {  	vm1 =	vmand vm0, vm1  }
0x77: {  	v4 =	vsel vm1, $0x3F800000, v2  }
0x78: {  	(xrf0) =	vmax.scan.msk.f32 $0xffff, v4;
	_ =	sdelay $0x5  }
0x79: {  	s2 =	simm.s32 $0x1;
	v4, _, _ =	vpop (xrf0)  }
0x7a: {  	(v2sf) =	vpush v4, $0xF;
	v4 =	vmov s2  }
0x7b: {  	vm1 =	veq.s32 v4, v3  }
0x7c: {  	vm1 =	vmand vm0, vm1  }
0x7d: {  	v5 =	vsel vm1, $0x3F800000, v2  }
0x7e: {  	(xrf0) =	vmax.scan.msk.f32 $0xffff, v5;
	_ =	sdelay $0x1  }
0x7f: {  	s7 =	simm.s32 $0x2  }
0x80: {  	s15 =	simm.s32 $0x3;
	v4 =	vmov s7  }
0x81: {  	vm2 =	veq.s32 v4, v3;
	v4 =	vmov s15  }
0x82: {  	vm1 =	vmand vm0, vm2;
	vm2 =	veq.s32 v4, v3  }
0x83: {  	v4 =	vsel vm1, $0x3F800000, v2;
	vm1 =	vmand vm0, vm2;
	v5, _, _ =	vpop (xrf0)  }
0x84: {  	(xrf0) =	vmax.scan.msk.f32 $0xffff, v4;
	v4 =	vsel vm1, $0x3F800000, v2;
	(v2sf) =	vpush v5, $0xF  }
0x85: {  	(xrf0) =	vmax.scan.msk.f32 $0xffff, v4  }
0x86: {  	s16 =	simm.s32 $0x4  }
0x87: {  	v4 =	vmov s16;
	_ =	sdelay $0x2  }
0x88: {  	vm1 =	veq.s32 v4, v3;
	v4, _, _ =	vpop (xrf0)  }
0x89: {  	v5, _, _ =	vpop (xrf0);
	s17 =	spop (v2sf);
	(v2sf) =	vpush v4, $0xF  }
0x8a: {  	(v2sf) =	vpush v5, $0xF  }
0x8b: {  	vm1 =	vmand vm0, vm1;
	p1 =	sgt.f32 s17, $0.0e+00  }
0x8c: {  	s2 =	smov.u32 s13;
	v4 =	vsel vm1, $0x3F800000, v2  }
0x8d: {  	s7 =	smov.u32 s13;
	s15 =	simm.s32 $0x6;
	s16 =	simm.s32 $0x5;
	(xrf0) =	vmax.scan.msk.f32 $0xffff, v4;
	v4 =	vimm.f32 @p1 $0.0e+00  }
.LBB2_8:
0x8e: {  	v5 =	vmov s16;
	s16 =	smov.u32 s15;
	s15 =	sadd.s32 $0x1, s15  }
0x8f: {  	[tilespmem:s7+$0x10] =	vst @p1 v4;
	s2 =	sadd.s32 $0x40, s2;
	p2 =	sne.s32 s15, $0x10  }
.Ltmp9:
0x90: {  	vm1 =	veq.s32 v5, v3;
	[tilespmem:s7+$0x0] =	vst @p1 v4;
	(pc) =	sbr.rel @p2 .LBB2_8-.Ltmp9, $4  }
0x91: {  	vm1 =	vmand vm0, vm1;
	s17 =	spop (v2sf);
	[tilespmem:s7+$0xFFFFFFE0] =	vst @p1 v4  }
0x92: {  	v5 =	vsel vm1, $0x3F800000, v2;
	[tilespmem:s7+$0xFFFFFFF0] =	vst @p1 v4;
	p1 =	sgt.f32 s17, $0.0e+00;
	s7 =	smov.u32 s2  }
0x93: {  	(xrf0) =	vmax.scan.msk.f32 $0xffff, v5;
	v4, _, _ =	vpop (xrf0)  }
0x94: {  	(v2sf) =	vpush v4, $0xF;
	v4 =	vimm.f32 @p1 $0.0e+00  }
.Ltmp10:
0x95: {  	_ = 	snop;
	(pc) =	sbr.rel .LBB2_9-.Ltmp10, $1  }
0x96: {  	_ =	sdelay $0x3  }
.LBB2_11:
0x97: {  	s0 =	smul.u32 $0x3E80, s31;
	_ =	sdelay $0x1  }
0x98: {  	s2 =	sadd.s32 s1, s0;
	s0 =	simm.s32 $0x0  }
0x99: {  	[hbm4b:s2+s0] =	stream.linear.scatter [tilespmem:s10], [sflag:$0x4], $0x2000, $0x38;
	[tilespmem:$0x5000] =	vst v63  }
0x9a: {  	_ =	swait.ge [sflag:s8], $0x2000  }
0x9b: {  	[sflag:s8] =	ssyncset.done $0x0  }
.Ltmp11:
0x9c: {  	s17 =	simm.s32 $0x100;
	[sflag:s8] =	ssyncadd.s32 $0xFFFFE000;
	(pc) =	sbr.rel .LBB2_12-.Ltmp11, $4  }
0x9d: {  	[tilespmem:s10], [sflag:$0x1] =	stream.indirect.gather [hbm4b:s4+s9], $0x40, s17, s9, $0xb8;
	[tilespmem:$0x5000] =	vst v63  }
0x9e: {  	_ =	swait.ge [sflag:s14], $0x2000  }
0x9f: {  	[sflag:s14] =	ssyncset.done $0x0  }
0xa0: {  	s7 =	simm.s32 $0x3020;
	s30 =	simm.s32 $0x0;
	[sflag:s14] =	ssyncadd.s32 $0xFFFFE000  }
.LBB2_15:
0xa1: {  	v5 =	vmov s16  }
0xa2: {  	vm1 =	veq.s32 v5, v3  }
0xa3: {  	vm0 =	vmand vm0, vm1  }
0xa4: {  	v5 =	vsel vm0, $0x3F800000, v2  }
0xa5: {  	(xrf0) =	vmax.scan.msk.f32 $0xffff, v5;
	_ =	sdelay $0x1  }
0xa6: {  	v5, _, _ =	vpop (xrf0)  }
0xa7: {  	(v2sf) =	vpush v5, $0xF;
	_ =	sdelay $0x2  }
0xa8: {  	[tilespmem:s2+$0x10] =	vst @p1 v4;
	s15 =	spop (v2sf);
	v5, _, _ =	vpop (xrf0)  }
0xa9: {  	[tilespmem:s2+$0x0] =	vst @p1 v4;
	p2 =	sgt.f32 s15, $0.0e+00;
	(v2sf) =	vpush v5, $0xF  }
0xaa: {  	[tilespmem:s2+$0xFFFFFFE0] =	vst @p1 v4  }
0xab: {  	s13 =	sadd.s32 $0x40, s13;
	[tilespmem:s2+$0xFFFFFFF0] =	vst @p1 v4;
	v4 =	vimm.f32 @p2 $0.0e+00  }
0xac: {  	s17 =	spop (v2sf);
	[tilespmem:s13+$0x10] =	vst @p2 v4  }
0xad: {  	p1 =	sgt.f32 s17, $0.0e+00;
	[tilespmem:s13+$0x0] =	vst @p2 v4  }
0xae: {  	[tilespmem:s13+$0xFFFFFFE0] =	vst @p2 v4  }
0xaf: {  	s2 =	sadd.s32 $0x40, s13;
	[tilespmem:s13+$0xFFFFFFF0] =	vst @p2 v4;
	v4 =	vimm.f32 @p1 $0.0e+00  }
0xb0: {  	[tilespmem:s2+$0x10] =	vst @p1 v4;
	s15 =	spop (v2sf)  }
0xb1: {  	[tilespmem:s2+$0x0] =	vst @p1 v4;
	p2 =	sgt.f32 s15, $0.0e+00  }
0xb2: {  	[tilespmem:s2+$0xFFFFFFE0] =	vst @p1 v4  }
0xb3: {  	s13 =	sadd.s32 $0x40, s2;
	[tilespmem:s2+$0xFFFFFFF0] =	vst @p1 v4;
	v4 =	vimm.f32 @p2 $0.0e+00  }
0xb4: {  	[tilespmem:s13+$0x10] =	vst @p2 v4;
	s16 =	spop (v2sf)  }
0xb5: {  	[tilespmem:s13+$0x0] =	vst @p2 v4;
	p1 =	sgt.f32 s16, $0.0e+00  }
0xb6: {  	[tilespmem:s13+$0xFFFFFFE0] =	vst @p2 v4  }
0xb7: {  	s2 =	sadd.s32 $0x40, s13;
	[tilespmem:s13+$0xFFFFFFF0] =	vst @p2 v4;
	v4 =	vimm.f32 @p1 $0.0e+00  }
0xb8: {  	[tilespmem:s2+$0x10] =	vst @p1 v4;
	s17 =	spop (v2sf)  }
0xb9: {  	[tilespmem:s2+$0x0] =	vst @p1 v4;
	p2 =	sgt.f32 s17, $0.0e+00  }
0xba: {  	[tilespmem:s2+$0xFFFFFFE0] =	vst @p1 v4  }
0xbb: {  	s13 =	sadd.s32 $0x40, s2;
	[tilespmem:s2+$0xFFFFFFF0] =	vst @p1 v4;
	v4 =	vimm.f32 @p2 $0.0e+00  }
0xbc: {  	[tilespmem:s13+$0x10] =	vst @p2 v4  }
0xbd: {  	[tilespmem:s13+$0x0] =	vst @p2 v4  }
0xbe: {  	[tilespmem:s13+$0xFFFFFFE0] =	vst @p2 v4  }
0xbf: {  	[tilespmem:s13+$0xFFFFFFF0] =	vst @p2 v4  }
.LBB2_16:
0xc0: {  	s30 =	sadd.s32 $0x1, s30  }
0xc1: {  	p1 =	sne.s32 s30, $0x8  }
.Ltmp12:
0xc2: {  	_ = 	snop;
	(pc) =	sbr.rel @!p1 .LBB2_17-.Ltmp12, $2  }
0xc3: {  	_ =	sdelay $0x2  }
0xc4: {  	s7 =	sadd.s32 $0x400, s7  }
.LBB2_12:
0xc5: {  	s2 =	sshll.u32 s30, $0x4  }
0xc6: {  	v4 =	vld [tilespmem:s2+$0x880];
	_ =	sdelay $0x4  }
0xc7: {  	vm0 =	veq.s32 v4, $0x0  }
0xc8: {  	v4 =	vsel vm0, $0x3F800000, v2  }
0xc9: {  	(xrf0) =	vmax.scan.msk.f32 $0xffff, v4;
	_ =	sdelay $0x5  }
0xca: {  	v4, _, _ =	vpop (xrf0)  }
0xcb: {  	(v2sf) =	vpush v4, $0xF;
	_ =	sdelay $0xe  }
0xcc: {  	s17 =	spop (v2sf)  }
0xcd: {  	p1 =	sgt.f32 s17, $0.0e+00  }
.Ltmp13:
0xce: {  	_ = 	snop;
	(pc) =	sbr.rel @!p1 .LBB2_16-.Ltmp13, $1  }
0xcf: {  	_ =	sdelay $0x3  }
0xd0: {  	v4 =	vmov s0  }
0xd1: {  	vm1 =	veq.s32 v4, v3  }
0xd2: {  	vm1 =	vmand vm0, vm1  }
0xd3: {  	v4 =	vsel vm1, $0x3F800000, v2  }
0xd4: {  	(xrf0) =	vmax.scan.msk.f32 $0xffff, v4;
	_ =	sdelay $0x5  }
0xd5: {  	s2 =	simm.s32 $0x1;
	v4, _, _ =	vpop (xrf0)  }
0xd6: {  	(v2sf) =	vpush v4, $0xF;
	v4 =	vmov s2  }
0xd7: {  	vm1 =	veq.s32 v4, v3  }
0xd8: {  	vm1 =	vmand vm0, vm1  }
0xd9: {  	v5 =	vsel vm1, $0x3F800000, v2  }
0xda: {  	(xrf0) =	vmax.scan.msk.f32 $0xffff, v5;
	_ =	sdelay $0x1  }
0xdb: {  	s13 =	simm.s32 $0x2  }
0xdc: {  	s15 =	simm.s32 $0x3;
	v4 =	vmov s13  }
0xdd: {  	vm2 =	veq.s32 v4, v3;
	v4 =	vmov s15  }
0xde: {  	vm1 =	vmand vm0, vm2;
	vm2 =	veq.s32 v4, v3  }
0xdf: {  	v4 =	vsel vm1, $0x3F800000, v2;
	vm1 =	vmand vm0, vm2;
	v5, _, _ =	vpop (xrf0)  }
0xe0: {  	(xrf0) =	vmax.scan.msk.f32 $0xffff, v4;
	v4 =	vsel vm1, $0x3F800000, v2;
	(v2sf) =	vpush v5, $0xF  }
0xe1: {  	(xrf0) =	vmax.scan.msk.f32 $0xffff, v4  }
0xe2: {  	s16 =	simm.s32 $0x4  }
0xe3: {  	v4 =	vmov s16;
	_ =	sdelay $0x2  }
0xe4: {  	vm1 =	veq.s32 v4, v3;
	v4, _, _ =	vpop (xrf0)  }
0xe5: {  	v5, _, _ =	vpop (xrf0);
	s17 =	spop (v2sf);
	(v2sf) =	vpush v4, $0xF  }
0xe6: {  	(v2sf) =	vpush v5, $0xF  }
0xe7: {  	vm1 =	vmand vm0, vm1;
	p1 =	sgt.f32 s17, $0.0e+00  }
0xe8: {  	s2 =	smov.u32 s7;
	v4 =	vsel vm1, $0x3F800000, v2  }
0xe9: {  	s13 =	smov.u32 s7;
	s15 =	simm.s32 $0x6;
	s16 =	simm.s32 $0x5;
	(xrf0) =	vmax.scan.msk.f32 $0xffff, v4;
	v4 =	vimm.f32 @p1 $0.0e+00  }
.LBB2_14:
0xea: {  	v5 =	vmov s16;
	s16 =	smov.u32 s15;
	s15 =	sadd.s32 $0x1, s15  }
0xeb: {  	[tilespmem:s2+$0x10] =	vst @p1 v4;
	s13 =	sadd.s32 $0x40, s13;
	p2 =	sne.s32 s15, $0x10  }
.Ltmp14:
0xec: {  	vm1 =	veq.s32 v5, v3;
	[tilespmem:s2+$0x0] =	vst @p1 v4;
	(pc) =	sbr.rel @p2 .LBB2_14-.Ltmp14, $4  }
0xed: {  	vm1 =	vmand vm0, vm1;
	s17 =	spop (v2sf);
	[tilespmem:s2+$0xFFFFFFE0] =	vst @p1 v4  }
0xee: {  	v5 =	vsel vm1, $0x3F800000, v2;
	[tilespmem:s2+$0xFFFFFFF0] =	vst @p1 v4;
	p1 =	sgt.f32 s17, $0.0e+00;
	s2 =	smov.u32 s13  }
0xef: {  	(xrf0) =	vmax.scan.msk.f32 $0xffff, v5;
	v4, _, _ =	vpop (xrf0)  }
0xf0: {  	(v2sf) =	vpush v4, $0xF;
	v4 =	vimm.f32 @p1 $0.0e+00  }
.Ltmp15:
0xf1: {  	_ = 	snop;
	(pc) =	sbr.rel .LBB2_15-.Ltmp15, $1  }
0xf2: {  	_ =	sdelay $0x3  }
.LBB2_17:
0xf3: {  	s0 =	smul.u32 $0x1F400, s31;
	_ =	sdelay $0x1  }
0xf4: {  	s0 =	sshrl.u32 s0, $0x3  }
0xf5: {  	s31 =	sadd.s32 s1, s0  }
0xf6: {  	s0 =	simm.s32 $0x0;
	s2 =	sadd.s32 $0x400, s31  }
0xf7: {  	[hbm4b:s2+s0] =	stream.linear.scatter [tilespmem:s11], [sflag:$0x4], $0x2000, $0x38;
	[tilespmem:$0x5000] =	vst v63  }
0xf8: {  	_ =	swait.ge [sflag:s8], $0x2000  }
0xf9: {  	[sflag:s8] =	ssyncset.done $0x0  }
.Ltmp16:
0xfa: {  	s17 =	simm.s32 $0x180;
	[sflag:s8] =	ssyncadd.s32 $0xFFFFE000;
	(pc) =	sbr.rel .LBB2_18-.Ltmp16, $4  }
0xfb: {  	[tilespmem:s11], [sflag:$0x2] =	stream.indirect.gather [hbm4b:s4+s9], $0x40, s17, s9, $0xb8;
	[tilespmem:$0x5000] =	vst v63  }
0xfc: {  	_ =	swait.ge [sflag:s12], $0x2000  }
0xfd: {  	[sflag:s12] =	ssyncset.done $0x0  }
0xfe: {  	s7 =	simm.s32 $0x1020;
	s30 =	simm.s32 $0x0;
	[sflag:s12] =	ssyncadd.s32 $0xFFFFE000  }
.LBB2_21:
0xff: {  	v5 =	vmov s16  }
0x100: {  	vm1 =	veq.s32 v5, v3  }
0x101: {  	vm0 =	vmand vm0, vm1  }
0x102: {  	v5 =	vsel vm0, $0x3F800000, v2  }
0x103: {  	(xrf0) =	vmax.scan.msk.f32 $0xffff, v5;
	_ =	sdelay $0x1  }
0x104: {  	v5, _, _ =	vpop (xrf0)  }
0x105: {  	(v2sf) =	vpush v5, $0xF;
	_ =	sdelay $0x2  }
0x106: {  	[tilespmem:s2+$0x10] =	vst @p1 v4;
	s15 =	spop (v2sf);
	v5, _, _ =	vpop (xrf0)  }
0x107: {  	[tilespmem:s2+$0x0] =	vst @p1 v4;
	p2 =	sgt.f32 s15, $0.0e+00;
	(v2sf) =	vpush v5, $0xF  }
0x108: {  	[tilespmem:s2+$0xFFFFFFE0] =	vst @p1 v4  }
0x109: {  	s13 =	sadd.s32 $0x40, s13;
	[tilespmem:s2+$0xFFFFFFF0] =	vst @p1 v4;
	v4 =	vimm.f32 @p2 $0.0e+00  }
0x10a: {  	s17 =	spop (v2sf);
	[tilespmem:s13+$0x10] =	vst @p2 v4  }
0x10b: {  	p1 =	sgt.f32 s17, $0.0e+00;
	[tilespmem:s13+$0x0] =	vst @p2 v4  }
0x10c: {  	[tilespmem:s13+$0xFFFFFFE0] =	vst @p2 v4  }
0x10d: {  	s2 =	sadd.s32 $0x40, s13;
	[tilespmem:s13+$0xFFFFFFF0] =	vst @p2 v4;
	v4 =	vimm.f32 @p1 $0.0e+00  }
0x10e: {  	[tilespmem:s2+$0x10] =	vst @p1 v4;
	s15 =	spop (v2sf)  }
0x10f: {  	[tilespmem:s2+$0x0] =	vst @p1 v4;
	p2 =	sgt.f32 s15, $0.0e+00  }
0x110: {  	[tilespmem:s2+$0xFFFFFFE0] =	vst @p1 v4  }
0x111: {  	s13 =	sadd.s32 $0x40, s2;
	[tilespmem:s2+$0xFFFFFFF0] =	vst @p1 v4;
	v4 =	vimm.f32 @p2 $0.0e+00  }
0x112: {  	[tilespmem:s13+$0x10] =	vst @p2 v4;
	s16 =	spop (v2sf)  }
0x113: {  	[tilespmem:s13+$0x0] =	vst @p2 v4;
	p1 =	sgt.f32 s16, $0.0e+00  }
0x114: {  	[tilespmem:s13+$0xFFFFFFE0] =	vst @p2 v4  }
0x115: {  	s2 =	sadd.s32 $0x40, s13;
	[tilespmem:s13+$0xFFFFFFF0] =	vst @p2 v4;
	v4 =	vimm.f32 @p1 $0.0e+00  }
0x116: {  	[tilespmem:s2+$0x10] =	vst @p1 v4;
	s17 =	spop (v2sf)  }
0x117: {  	[tilespmem:s2+$0x0] =	vst @p1 v4;
	p2 =	sgt.f32 s17, $0.0e+00  }
0x118: {  	[tilespmem:s2+$0xFFFFFFE0] =	vst @p1 v4  }
0x119: {  	s13 =	sadd.s32 $0x40, s2;
	[tilespmem:s2+$0xFFFFFFF0] =	vst @p1 v4;
	v4 =	vimm.f32 @p2 $0.0e+00  }
0x11a: {  	[tilespmem:s13+$0x10] =	vst @p2 v4  }
0x11b: {  	[tilespmem:s13+$0x0] =	vst @p2 v4  }
0x11c: {  	[tilespmem:s13+$0xFFFFFFE0] =	vst @p2 v4  }
0x11d: {  	[tilespmem:s13+$0xFFFFFFF0] =	vst @p2 v4  }
.LBB2_22:
0x11e: {  	s30 =	sadd.s32 $0x1, s30  }
0x11f: {  	p1 =	sne.s32 s30, $0x8  }
.Ltmp17:
0x120: {  	_ = 	snop;
	(pc) =	sbr.rel @!p1 .LBB2_23-.Ltmp17, $2  }
0x121: {  	_ =	sdelay $0x2  }
0x122: {  	s7 =	sadd.s32 $0x400, s7  }
.LBB2_18:
0x123: {  	s2 =	sshll.u32 s30, $0x4  }
0x124: {  	v4 =	vld [tilespmem:s2+$0x900];
	_ =	sdelay $0x4  }
0x125: {  	vm0 =	veq.s32 v4, $0x0  }
0x126: {  	v4 =	vsel vm0, $0x3F800000, v2  }
0x127: {  	(xrf0) =	vmax.scan.msk.f32 $0xffff, v4;
	_ =	sdelay $0x5  }
0x128: {  	v4, _, _ =	vpop (xrf0)  }
0x129: {  	(v2sf) =	vpush v4, $0xF;
	_ =	sdelay $0xe  }
0x12a: {  	s17 =	spop (v2sf)  }
0x12b: {  	p1 =	sgt.f32 s17, $0.0e+00  }
.Ltmp18:
0x12c: {  	_ = 	snop;
	(pc) =	sbr.rel @!p1 .LBB2_22-.Ltmp18, $1  }
0x12d: {  	_ =	sdelay $0x3  }
0x12e: {  	v4 =	vmov s0  }
0x12f: {  	vm1 =	veq.s32 v4, v3  }
0x130: {  	vm1 =	vmand vm0, vm1  }
0x131: {  	v4 =	vsel vm1, $0x3F800000, v2  }
0x132: {  	(xrf0) =	vmax.scan.msk.f32 $0xffff, v4;
	_ =	sdelay $0x5  }
0x133: {  	s2 =	simm.s32 $0x1;
	v4, _, _ =	vpop (xrf0)  }
0x134: {  	(v2sf) =	vpush v4, $0xF;
	v4 =	vmov s2  }
0x135: {  	vm1 =	veq.s32 v4, v3  }
0x136: {  	vm1 =	vmand vm0, vm1  }
0x137: {  	v5 =	vsel vm1, $0x3F800000, v2  }
0x138: {  	(xrf0) =	vmax.scan.msk.f32 $0xffff, v5;
	_ =	sdelay $0x1  }
0x139: {  	s13 =	simm.s32 $0x2  }
0x13a: {  	s15 =	simm.s32 $0x3;
	v4 =	vmov s13  }
0x13b: {  	vm2 =	veq.s32 v4, v3;
	v4 =	vmov s15  }
0x13c: {  	vm1 =	vmand vm0, vm2;
	vm2 =	veq.s32 v4, v3  }
0x13d: {  	v4 =	vsel vm1, $0x3F800000, v2;
	vm1 =	vmand vm0, vm2;
	v5, _, _ =	vpop (xrf0)  }
0x13e: {  	(xrf0) =	vmax.scan.msk.f32 $0xffff, v4;
	v4 =	vsel vm1, $0x3F800000, v2;
	(v2sf) =	vpush v5, $0xF  }
0x13f: {  	(xrf0) =	vmax.scan.msk.f32 $0xffff, v4  }
0x140: {  	s16 =	simm.s32 $0x4  }
0x141: {  	v4 =	vmov s16;
	_ =	sdelay $0x2  }
0x142: {  	vm1 =	veq.s32 v4, v3;
	v4, _, _ =	vpop (xrf0)  }
0x143: {  	v5, _, _ =	vpop (xrf0);
	s17 =	spop (v2sf);
	(v2sf) =	vpush v4, $0xF  }
0x144: {  	(v2sf) =	vpush v5, $0xF  }
0x145: {  	vm1 =	vmand vm0, vm1;
	p1 =	sgt.f32 s17, $0.0e+00  }
0x146: {  	s2 =	smov.u32 s7;
	v4 =	vsel vm1, $0x3F800000, v2  }
0x147: {  	s13 =	smov.u32 s7;
	s15 =	simm.s32 $0x6;
	s16 =	simm.s32 $0x5;
	(xrf0) =	vmax.scan.msk.f32 $0xffff, v4;
	v4 =	vimm.f32 @p1 $0.0e+00  }
.LBB2_20:
0x148: {  	v5 =	vmov s16;
	s16 =	smov.u32 s15;
	s15 =	sadd.s32 $0x1, s15  }
0x149: {  	[tilespmem:s2+$0x10] =	vst @p1 v4;
	s13 =	sadd.s32 $0x40, s13;
	p2 =	sne.s32 s15, $0x10  }
.Ltmp19:
0x14a: {  	vm1 =	veq.s32 v5, v3;
	[tilespmem:s2+$0x0] =	vst @p1 v4;
	(pc) =	sbr.rel @p2 .LBB2_20-.Ltmp19, $4  }
0x14b: {  	vm1 =	vmand vm0, vm1;
	s17 =	spop (v2sf);
	[tilespmem:s2+$0xFFFFFFE0] =	vst @p1 v4  }
0x14c: {  	v5 =	vsel vm1, $0x3F800000, v2;
	[tilespmem:s2+$0xFFFFFFF0] =	vst @p1 v4;
	p1 =	sgt.f32 s17, $0.0e+00;
	s2 =	smov.u32 s13  }
0x14d: {  	(xrf0) =	vmax.scan.msk.f32 $0xffff, v5;
	v4, _, _ =	vpop (xrf0)  }
0x14e: {  	(v2sf) =	vpush v4, $0xF;
	v4 =	vimm.f32 @p1 $0.0e+00  }
.Ltmp20:
0x14f: {  	_ = 	snop;
	(pc) =	sbr.rel .LBB2_21-.Ltmp20, $1  }
0x150: {  	_ =	sdelay $0x3  }
.LBB2_23:
0x151: {  	s2 =	sadd.s32 $0x800, s31;
	s0 =	simm.s32 $0x0  }
0x152: {  	[hbm4b:s2+s0] =	stream.linear.scatter [tilespmem:s10], [sflag:$0x4], $0x2000, $0x38;
	[tilespmem:$0x5000] =	vst v63  }
0x153: {  	_ =	swait.ge [sflag:s8], $0x2000  }
0x154: {  	[sflag:s8] =	ssyncset.done $0x0  }
.Ltmp21:
0x155: {  	s17 =	simm.s32 $0x200;
	[sflag:s8] =	ssyncadd.s32 $0xFFFFE000;
	(pc) =	sbr.rel .LBB2_24-.Ltmp21, $4  }
0x156: {  	[tilespmem:s10], [sflag:$0x1] =	stream.indirect.gather [hbm4b:s4+s9], $0x40, s17, s9, $0xb8;
	[tilespmem:$0x5000] =	vst v63  }
0x157: {  	_ =	swait.ge [sflag:s14], $0x2000  }
0x158: {  	[sflag:s14] =	ssyncset.done $0x0  }
0x159: {  	s7 =	simm.s32 $0x3020;
	s30 =	simm.s32 $0x0;
	[sflag:s14] =	ssyncadd.s32 $0xFFFFE000  }
.LBB2_27:
0x15a: {  	v5 =	vmov s16  }
0x15b: {  	vm1 =	veq.s32 v5, v3  }
0x15c: {  	vm0 =	vmand vm0, vm1  }
0x15d: {  	v5 =	vsel vm0, $0x3F800000, v2  }
0x15e: {  	(xrf0) =	vmax.scan.msk.f32 $0xffff, v5;
	_ =	sdelay $0x1  }
0x15f: {  	v5, _, _ =	vpop (xrf0)  }
0x160: {  	(v2sf) =	vpush v5, $0xF;
	_ =	sdelay $0x2  }
0x161: {  	[tilespmem:s2+$0x10] =	vst @p1 v4;
	s15 =	spop (v2sf);
	v5, _, _ =	vpop (xrf0)  }
0x162: {  	[tilespmem:s2+$0x0] =	vst @p1 v4;
	p2 =	sgt.f32 s15, $0.0e+00;
	(v2sf) =	vpush v5, $0xF  }
0x163: {  	[tilespmem:s2+$0xFFFFFFE0] =	vst @p1 v4  }
0x164: {  	s13 =	sadd.s32 $0x40, s13;
	[tilespmem:s2+$0xFFFFFFF0] =	vst @p1 v4;
	v4 =	vimm.f32 @p2 $0.0e+00  }
0x165: {  	s17 =	spop (v2sf);
	[tilespmem:s13+$0x10] =	vst @p2 v4  }
0x166: {  	p1 =	sgt.f32 s17, $0.0e+00;
	[tilespmem:s13+$0x0] =	vst @p2 v4  }
0x167: {  	[tilespmem:s13+$0xFFFFFFE0] =	vst @p2 v4  }
0x168: {  	s2 =	sadd.s32 $0x40, s13;
	[tilespmem:s13+$0xFFFFFFF0] =	vst @p2 v4;
	v4 =	vimm.f32 @p1 $0.0e+00  }
0x169: {  	[tilespmem:s2+$0x10] =	vst @p1 v4;
	s15 =	spop (v2sf)  }
0x16a: {  	[tilespmem:s2+$0x0] =	vst @p1 v4;
	p2 =	sgt.f32 s15, $0.0e+00  }
0x16b: {  	[tilespmem:s2+$0xFFFFFFE0] =	vst @p1 v4  }
0x16c: {  	s13 =	sadd.s32 $0x40, s2;
	[tilespmem:s2+$0xFFFFFFF0] =	vst @p1 v4;
	v4 =	vimm.f32 @p2 $0.0e+00  }
0x16d: {  	[tilespmem:s13+$0x10] =	vst @p2 v4;
	s16 =	spop (v2sf)  }
0x16e: {  	[tilespmem:s13+$0x0] =	vst @p2 v4;
	p1 =	sgt.f32 s16, $0.0e+00  }
0x16f: {  	[tilespmem:s13+$0xFFFFFFE0] =	vst @p2 v4  }
0x170: {  	s2 =	sadd.s32 $0x40, s13;
	[tilespmem:s13+$0xFFFFFFF0] =	vst @p2 v4;
	v4 =	vimm.f32 @p1 $0.0e+00  }
0x171: {  	[tilespmem:s2+$0x10] =	vst @p1 v4;
	s17 =	spop (v2sf)  }
0x172: {  	[tilespmem:s2+$0x0] =	vst @p1 v4;
	p2 =	sgt.f32 s17, $0.0e+00  }
0x173: {  	[tilespmem:s2+$0xFFFFFFE0] =	vst @p1 v4  }
0x174: {  	s13 =	sadd.s32 $0x40, s2;
	[tilespmem:s2+$0xFFFFFFF0] =	vst @p1 v4;
	v4 =	vimm.f32 @p2 $0.0e+00  }
0x175: {  	[tilespmem:s13+$0x10] =	vst @p2 v4  }
0x176: {  	[tilespmem:s13+$0x0] =	vst @p2 v4  }
0x177: {  	[tilespmem:s13+$0xFFFFFFE0] =	vst @p2 v4  }
0x178: {  	[tilespmem:s13+$0xFFFFFFF0] =	vst @p2 v4  }
.LBB2_28:
0x179: {  	s30 =	sadd.s32 $0x1, s30  }
0x17a: {  	p1 =	sne.s32 s30, $0x8  }
.Ltmp22:
0x17b: {  	_ = 	snop;
	(pc) =	sbr.rel @!p1 .LBB2_29-.Ltmp22, $2  }
0x17c: {  	_ =	sdelay $0x2  }
0x17d: {  	s7 =	sadd.s32 $0x400, s7  }
.LBB2_24:
0x17e: {  	s2 =	sshll.u32 s30, $0x4  }
0x17f: {  	v4 =	vld [tilespmem:s2+$0x980];
	_ =	sdelay $0x4  }
0x180: {  	vm0 =	veq.s32 v4, $0x0  }
0x181: {  	v4 =	vsel vm0, $0x3F800000, v2  }
0x182: {  	(xrf0) =	vmax.scan.msk.f32 $0xffff, v4;
	_ =	sdelay $0x5  }
0x183: {  	v4, _, _ =	vpop (xrf0)  }
0x184: {  	(v2sf) =	vpush v4, $0xF;
	_ =	sdelay $0xe  }
0x185: {  	s17 =	spop (v2sf)  }
0x186: {  	p1 =	sgt.f32 s17, $0.0e+00  }
.Ltmp23:
0x187: {  	_ = 	snop;
	(pc) =	sbr.rel @!p1 .LBB2_28-.Ltmp23, $1  }
0x188: {  	_ =	sdelay $0x3  }
0x189: {  	v4 =	vmov s0  }
0x18a: {  	vm1 =	veq.s32 v4, v3  }
0x18b: {  	vm1 =	vmand vm0, vm1  }
0x18c: {  	v4 =	vsel vm1, $0x3F800000, v2  }
0x18d: {  	(xrf0) =	vmax.scan.msk.f32 $0xffff, v4;
	_ =	sdelay $0x5  }
0x18e: {  	s2 =	simm.s32 $0x1;
	v4, _, _ =	vpop (xrf0)  }
0x18f: {  	(v2sf) =	vpush v4, $0xF;
	v4 =	vmov s2  }
0x190: {  	vm1 =	veq.s32 v4, v3  }
0x191: {  	vm1 =	vmand vm0, vm1  }
0x192: {  	v5 =	vsel vm1, $0x3F800000, v2  }
0x193: {  	(xrf0) =	vmax.scan.msk.f32 $0xffff, v5;
	_ =	sdelay $0x1  }
0x194: {  	s13 =	simm.s32 $0x2  }
0x195: {  	s15 =	simm.s32 $0x3;
	v4 =	vmov s13  }
0x196: {  	vm2 =	veq.s32 v4, v3;
	v4 =	vmov s15  }
0x197: {  	vm1 =	vmand vm0, vm2;
	vm2 =	veq.s32 v4, v3  }
0x198: {  	v4 =	vsel vm1, $0x3F800000, v2;
	vm1 =	vmand vm0, vm2;
	v5, _, _ =	vpop (xrf0)  }
0x199: {  	(xrf0) =	vmax.scan.msk.f32 $0xffff, v4;
	v4 =	vsel vm1, $0x3F800000, v2;
	(v2sf) =	vpush v5, $0xF  }
0x19a: {  	(xrf0) =	vmax.scan.msk.f32 $0xffff, v4  }
0x19b: {  	s16 =	simm.s32 $0x4  }
0x19c: {  	v4 =	vmov s16;
	_ =	sdelay $0x2  }
0x19d: {  	vm1 =	veq.s32 v4, v3;
	v4, _, _ =	vpop (xrf0)  }
0x19e: {  	v5, _, _ =	vpop (xrf0);
	s17 =	spop (v2sf);
	(v2sf) =	vpush v4, $0xF  }
0x19f: {  	(v2sf) =	vpush v5, $0xF  }
0x1a0: {  	vm1 =	vmand vm0, vm1;
	p1 =	sgt.f32 s17, $0.0e+00  }
0x1a1: {  	s2 =	smov.u32 s7;
	v4 =	vsel vm1, $0x3F800000, v2  }
0x1a2: {  	s13 =	smov.u32 s7;
	s15 =	simm.s32 $0x6;
	s16 =	simm.s32 $0x5;
	(xrf0) =	vmax.scan.msk.f32 $0xffff, v4;
	v4 =	vimm.f32 @p1 $0.0e+00  }
.LBB2_26:
0x1a3: {  	v5 =	vmov s16;
	s16 =	smov.u32 s15;
	s15 =	sadd.s32 $0x1, s15  }
0x1a4: {  	[tilespmem:s2+$0x10] =	vst @p1 v4;
	s13 =	sadd.s32 $0x40, s13;
	p2 =	sne.s32 s15, $0x10  }
.Ltmp24:
0x1a5: {  	vm1 =	veq.s32 v5, v3;
	[tilespmem:s2+$0x0] =	vst @p1 v4;
	(pc) =	sbr.rel @p2 .LBB2_26-.Ltmp24, $4  }
0x1a6: {  	vm1 =	vmand vm0, vm1;
	s17 =	spop (v2sf);
	[tilespmem:s2+$0xFFFFFFE0] =	vst @p1 v4  }
0x1a7: {  	v5 =	vsel vm1, $0x3F800000, v2;
	[tilespmem:s2+$0xFFFFFFF0] =	vst @p1 v4;
	p1 =	sgt.f32 s17, $0.0e+00;
	s2 =	smov.u32 s13  }
0x1a8: {  	(xrf0) =	vmax.scan.msk.f32 $0xffff, v5;
	v4, _, _ =	vpop (xrf0)  }
0x1a9: {  	(v2sf) =	vpush v4, $0xF;
	v4 =	vimm.f32 @p1 $0.0e+00  }
.Ltmp25:
0x1aa: {  	_ = 	snop;
	(pc) =	sbr.rel .LBB2_27-.Ltmp25, $1  }
0x1ab: {  	_ =	sdelay $0x3  }
.LBB2_29:
0x1ac: {  	s2 =	sadd.s32 $0xC00, s31;
	s0 =	simm.s32 $0x0  }
0x1ad: {  	[hbm4b:s2+s0] =	stream.linear.scatter [tilespmem:s11], [sflag:$0x4], $0x2000, $0x38;
	[tilespmem:$0x5000] =	vst v63  }
0x1ae: {  	_ =	swait.ge [sflag:s8], $0x2000  }
0x1af: {  	[sflag:s8] =	ssyncset.done $0x0  }
.Ltmp26:
0x1b0: {  	s17 =	simm.s32 $0x280;
	[sflag:s8] =	ssyncadd.s32 $0xFFFFE000;
	(pc) =	sbr.rel .LBB2_30-.Ltmp26, $4  }
0x1b1: {  	[tilespmem:s11], [sflag:$0x2] =	stream.indirect.gather [hbm4b:s4+s9], $0x40, s17, s9, $0xb8;
	[tilespmem:$0x5000] =	vst v63  }
0x1b2: {  	_ =	swait.ge [sflag:s12], $0x2000  }
0x1b3: {  	[sflag:s12] =	ssyncset.done $0x0  }
0x1b4: {  	s7 =	simm.s32 $0x1020;
	s30 =	simm.s32 $0x0;
	[sflag:s12] =	ssyncadd.s32 $0xFFFFE000  }
.LBB2_33:
0x1b5: {  	v5 =	vmov s16  }
0x1b6: {  	vm1 =	veq.s32 v5, v3  }
0x1b7: {  	vm0 =	vmand vm0, vm1  }
0x1b8: {  	v5 =	vsel vm0, $0x3F800000, v2  }
0x1b9: {  	(xrf0) =	vmax.scan.msk.f32 $0xffff, v5;
	_ =	sdelay $0x1  }
0x1ba: {  	v5, _, _ =	vpop (xrf0)  }
0x1bb: {  	(v2sf) =	vpush v5, $0xF;
	_ =	sdelay $0x2  }
0x1bc: {  	[tilespmem:s2+$0x10] =	vst @p1 v4;
	s15 =	spop (v2sf);
	v5, _, _ =	vpop (xrf0)  }
0x1bd: {  	[tilespmem:s2+$0x0] =	vst @p1 v4;
	p2 =	sgt.f32 s15, $0.0e+00;
	(v2sf) =	vpush v5, $0xF  }
0x1be: {  	[tilespmem:s2+$0xFFFFFFE0] =	vst @p1 v4  }
0x1bf: {  	s13 =	sadd.s32 $0x40, s13;
	[tilespmem:s2+$0xFFFFFFF0] =	vst @p1 v4;
	v4 =	vimm.f32 @p2 $0.0e+00  }
0x1c0: {  	s17 =	spop (v2sf);
	[tilespmem:s13+$0x10] =	vst @p2 v4  }
0x1c1: {  	p1 =	sgt.f32 s17, $0.0e+00;
	[tilespmem:s13+$0x0] =	vst @p2 v4  }
0x1c2: {  	[tilespmem:s13+$0xFFFFFFE0] =	vst @p2 v4  }
0x1c3: {  	s2 =	sadd.s32 $0x40, s13;
	[tilespmem:s13+$0xFFFFFFF0] =	vst @p2 v4;
	v4 =	vimm.f32 @p1 $0.0e+00  }
0x1c4: {  	[tilespmem:s2+$0x10] =	vst @p1 v4;
	s15 =	spop (v2sf)  }
0x1c5: {  	[tilespmem:s2+$0x0] =	vst @p1 v4;
	p2 =	sgt.f32 s15, $0.0e+00  }
0x1c6: {  	[tilespmem:s2+$0xFFFFFFE0] =	vst @p1 v4  }
0x1c7: {  	s13 =	sadd.s32 $0x40, s2;
	[tilespmem:s2+$0xFFFFFFF0] =	vst @p1 v4;
	v4 =	vimm.f32 @p2 $0.0e+00  }
0x1c8: {  	[tilespmem:s13+$0x10] =	vst @p2 v4;
	s16 =	spop (v2sf)  }
0x1c9: {  	[tilespmem:s13+$0x0] =	vst @p2 v4;
	p1 =	sgt.f32 s16, $0.0e+00  }
0x1ca: {  	[tilespmem:s13+$0xFFFFFFE0] =	vst @p2 v4  }
0x1cb: {  	s2 =	sadd.s32 $0x40, s13;
	[tilespmem:s13+$0xFFFFFFF0] =	vst @p2 v4;
	v4 =	vimm.f32 @p1 $0.0e+00  }
0x1cc: {  	[tilespmem:s2+$0x10] =	vst @p1 v4;
	s17 =	spop (v2sf)  }
0x1cd: {  	[tilespmem:s2+$0x0] =	vst @p1 v4;
	p2 =	sgt.f32 s17, $0.0e+00  }
0x1ce: {  	[tilespmem:s2+$0xFFFFFFE0] =	vst @p1 v4  }
0x1cf: {  	s13 =	sadd.s32 $0x40, s2;
	[tilespmem:s2+$0xFFFFFFF0] =	vst @p1 v4;
	v4 =	vimm.f32 @p2 $0.0e+00  }
0x1d0: {  	[tilespmem:s13+$0x10] =	vst @p2 v4  }
0x1d1: {  	[tilespmem:s13+$0x0] =	vst @p2 v4  }
0x1d2: {  	[tilespmem:s13+$0xFFFFFFE0] =	vst @p2 v4  }
0x1d3: {  	[tilespmem:s13+$0xFFFFFFF0] =	vst @p2 v4  }
.LBB2_34:
0x1d4: {  	s30 =	sadd.s32 $0x1, s30  }
0x1d5: {  	p1 =	sne.s32 s30, $0x8  }
.Ltmp27:
0x1d6: {  	_ = 	snop;
	(pc) =	sbr.rel @!p1 .LBB2_35-.Ltmp27, $2  }
0x1d7: {  	_ =	sdelay $0x2  }
0x1d8: {  	s7 =	sadd.s32 $0x400, s7  }
.LBB2_30:
0x1d9: {  	s2 =	sshll.u32 s30, $0x4  }
0x1da: {  	v4 =	vld [tilespmem:s2+$0xA00];
	_ =	sdelay $0x4  }
0x1db: {  	vm0 =	veq.s32 v4, $0x0  }
0x1dc: {  	v4 =	vsel vm0, $0x3F800000, v2  }
0x1dd: {  	(xrf0) =	vmax.scan.msk.f32 $0xffff, v4;
	_ =	sdelay $0x5  }
0x1de: {  	v4, _, _ =	vpop (xrf0)  }
0x1df: {  	(v2sf) =	vpush v4, $0xF;
	_ =	sdelay $0xe  }
0x1e0: {  	s17 =	spop (v2sf)  }
0x1e1: {  	p1 =	sgt.f32 s17, $0.0e+00  }
.Ltmp28:
0x1e2: {  	_ = 	snop;
	(pc) =	sbr.rel @!p1 .LBB2_34-.Ltmp28, $1  }
0x1e3: {  	_ =	sdelay $0x3  }
0x1e4: {  	v4 =	vmov s0  }
0x1e5: {  	vm1 =	veq.s32 v4, v3  }
0x1e6: {  	vm1 =	vmand vm0, vm1  }
0x1e7: {  	v4 =	vsel vm1, $0x3F800000, v2  }
0x1e8: {  	(xrf0) =	vmax.scan.msk.f32 $0xffff, v4;
	_ =	sdelay $0x5  }
0x1e9: {  	s2 =	simm.s32 $0x1;
	v4, _, _ =	vpop (xrf0)  }
0x1ea: {  	(v2sf) =	vpush v4, $0xF;
	v4 =	vmov s2  }
0x1eb: {  	vm1 =	veq.s32 v4, v3  }
0x1ec: {  	vm1 =	vmand vm0, vm1  }
0x1ed: {  	v5 =	vsel vm1, $0x3F800000, v2  }
0x1ee: {  	(xrf0) =	vmax.scan.msk.f32 $0xffff, v5;
	_ =	sdelay $0x1  }
0x1ef: {  	s13 =	simm.s32 $0x2  }
0x1f0: {  	s15 =	simm.s32 $0x3;
	v4 =	vmov s13  }
0x1f1: {  	vm2 =	veq.s32 v4, v3;
	v4 =	vmov s15  }
0x1f2: {  	vm1 =	vmand vm0, vm2;
	vm2 =	veq.s32 v4, v3  }
0x1f3: {  	v4 =	vsel vm1, $0x3F800000, v2;
	vm1 =	vmand vm0, vm2;
	v5, _, _ =	vpop (xrf0)  }
0x1f4: {  	(xrf0) =	vmax.scan.msk.f32 $0xffff, v4;
	v4 =	vsel vm1, $0x3F800000, v2;
	(v2sf) =	vpush v5, $0xF  }
0x1f5: {  	(xrf0) =	vmax.scan.msk.f32 $0xffff, v4  }
0x1f6: {  	s16 =	simm.s32 $0x4  }
0x1f7: {  	v4 =	vmov s16;
	_ =	sdelay $0x2  }
0x1f8: {  	vm1 =	veq.s32 v4, v3;
	v4, _, _ =	vpop (xrf0)  }
0x1f9: {  	v5, _, _ =	vpop (xrf0);
	s17 =	spop (v2sf);
	(v2sf) =	vpush v4, $0xF  }
0x1fa: {  	(v2sf) =	vpush v5, $0xF  }
0x1fb: {  	vm1 =	vmand vm0, vm1;
	p1 =	sgt.f32 s17, $0.0e+00  }
0x1fc: {  	s2 =	smov.u32 s7;
	v4 =	vsel vm1, $0x3F800000, v2  }
0x1fd: {  	s13 =	smov.u32 s7;
	s15 =	simm.s32 $0x6;
	s16 =	simm.s32 $0x5;
	(xrf0) =	vmax.scan.msk.f32 $0xffff, v4;
	v4 =	vimm.f32 @p1 $0.0e+00  }
.LBB2_32:
0x1fe: {  	v5 =	vmov s16;
	s16 =	smov.u32 s15;
	s15 =	sadd.s32 $0x1, s15  }
0x1ff: {  	[tilespmem:s2+$0x10] =	vst @p1 v4;
	s13 =	sadd.s32 $0x40, s13;
	p2 =	sne.s32 s15, $0x10  }
.Ltmp29:
0x200: {  	vm1 =	veq.s32 v5, v3;
	[tilespmem:s2+$0x0] =	vst @p1 v4;
	(pc) =	sbr.rel @p2 .LBB2_32-.Ltmp29, $4  }
0x201: {  	vm1 =	vmand vm0, vm1;
	s17 =	spop (v2sf);
	[tilespmem:s2+$0xFFFFFFE0] =	vst @p1 v4  }
0x202: {  	v5 =	vsel vm1, $0x3F800000, v2;
	[tilespmem:s2+$0xFFFFFFF0] =	vst @p1 v4;
	p1 =	sgt.f32 s17, $0.0e+00;
	s2 =	smov.u32 s13  }
0x203: {  	(xrf0) =	vmax.scan.msk.f32 $0xffff, v5;
	v4, _, _ =	vpop (xrf0)  }
0x204: {  	(v2sf) =	vpush v4, $0xF;
	v4 =	vimm.f32 @p1 $0.0e+00  }
.Ltmp30:
0x205: {  	_ = 	snop;
	(pc) =	sbr.rel .LBB2_33-.Ltmp30, $1  }
0x206: {  	_ =	sdelay $0x3  }
.LBB2_35:
0x207: {  	s2 =	sadd.s32 $0x1000, s31;
	s0 =	simm.s32 $0x0  }
0x208: {  	[hbm4b:s2+s0] =	stream.linear.scatter [tilespmem:s10], [sflag:$0x4], $0x2000, $0x38;
	[tilespmem:$0x5000] =	vst v63  }
0x209: {  	_ =	swait.ge [sflag:s8], $0x2000  }
0x20a: {  	[sflag:s8] =	ssyncset.done $0x0  }
.Ltmp31:
0x20b: {  	[sflag:s8] =	ssyncadd.s32 $0xFFFFE000;
	(pc) =	sbr.rel .LBB2_36-.Ltmp31, $4  }
0x20c: {  	[tilespmem:s10], [sflag:$0x1] =	stream.indirect.gather [hbm4b:s4+s9], $0x40, s18, s9, $0xb8;
	[tilespmem:$0x5000] =	vst v63  }
0x20d: {  	_ =	swait.ge [sflag:s14], $0x2000  }
0x20e: {  	[sflag:s14] =	ssyncset.done $0x0  }
0x20f: {  	s7 =	simm.s32 $0x3020;
	s30 =	simm.s32 $0x0;
	[sflag:s14] =	ssyncadd.s32 $0xFFFFE000  }
.LBB2_39:
0x210: {  	v5 =	vmov s16  }
0x211: {  	vm1 =	veq.s32 v5, v3  }
0x212: {  	vm0 =	vmand vm0, vm1  }
0x213: {  	v5 =	vsel vm0, $0x3F800000, v2  }
0x214: {  	(xrf0) =	vmax.scan.msk.f32 $0xffff, v5;
	_ =	sdelay $0x1  }
0x215: {  	v5, _, _ =	vpop (xrf0)  }
0x216: {  	(v2sf) =	vpush v5, $0xF;
	_ =	sdelay $0x2  }
0x217: {  	[tilespmem:s2+$0x10] =	vst @p1 v4;
	s15 =	spop (v2sf);
	v5, _, _ =	vpop (xrf0)  }
0x218: {  	[tilespmem:s2+$0x0] =	vst @p1 v4;
	p2 =	sgt.f32 s15, $0.0e+00;
	(v2sf) =	vpush v5, $0xF  }
0x219: {  	[tilespmem:s2+$0xFFFFFFE0] =	vst @p1 v4  }
0x21a: {  	s13 =	sadd.s32 $0x40, s13;
	[tilespmem:s2+$0xFFFFFFF0] =	vst @p1 v4;
	v4 =	vimm.f32 @p2 $0.0e+00  }
0x21b: {  	s17 =	spop (v2sf);
	[tilespmem:s13+$0x10] =	vst @p2 v4  }
0x21c: {  	p1 =	sgt.f32 s17, $0.0e+00;
	[tilespmem:s13+$0x0] =	vst @p2 v4  }
0x21d: {  	[tilespmem:s13+$0xFFFFFFE0] =	vst @p2 v4  }
0x21e: {  	s2 =	sadd.s32 $0x40, s13;
	[tilespmem:s13+$0xFFFFFFF0] =	vst @p2 v4;
	v4 =	vimm.f32 @p1 $0.0e+00  }
0x21f: {  	[tilespmem:s2+$0x10] =	vst @p1 v4;
	s15 =	spop (v2sf)  }
0x220: {  	[tilespmem:s2+$0x0] =	vst @p1 v4;
	p2 =	sgt.f32 s15, $0.0e+00  }
0x221: {  	[tilespmem:s2+$0xFFFFFFE0] =	vst @p1 v4  }
0x222: {  	s13 =	sadd.s32 $0x40, s2;
	[tilespmem:s2+$0xFFFFFFF0] =	vst @p1 v4;
	v4 =	vimm.f32 @p2 $0.0e+00  }
0x223: {  	[tilespmem:s13+$0x10] =	vst @p2 v4;
	s16 =	spop (v2sf)  }
0x224: {  	[tilespmem:s13+$0x0] =	vst @p2 v4;
	p1 =	sgt.f32 s16, $0.0e+00  }
0x225: {  	[tilespmem:s13+$0xFFFFFFE0] =	vst @p2 v4  }
0x226: {  	s2 =	sadd.s32 $0x40, s13;
	[tilespmem:s13+$0xFFFFFFF0] =	vst @p2 v4;
	v4 =	vimm.f32 @p1 $0.0e+00  }
0x227: {  	[tilespmem:s2+$0x10] =	vst @p1 v4;
	s17 =	spop (v2sf)  }
0x228: {  	[tilespmem:s2+$0x0] =	vst @p1 v4;
	p2 =	sgt.f32 s17, $0.0e+00  }
0x229: {  	[tilespmem:s2+$0xFFFFFFE0] =	vst @p1 v4  }
0x22a: {  	s13 =	sadd.s32 $0x40, s2;
	[tilespmem:s2+$0xFFFFFFF0] =	vst @p1 v4;
	v4 =	vimm.f32 @p2 $0.0e+00  }
0x22b: {  	[tilespmem:s13+$0x10] =	vst @p2 v4  }
0x22c: {  	[tilespmem:s13+$0x0] =	vst @p2 v4  }
0x22d: {  	[tilespmem:s13+$0xFFFFFFE0] =	vst @p2 v4  }
0x22e: {  	[tilespmem:s13+$0xFFFFFFF0] =	vst @p2 v4  }
.LBB2_40:
0x22f: {  	s30 =	sadd.s32 $0x1, s30  }
0x230: {  	p1 =	sne.s32 s30, $0x8  }
.Ltmp32:
0x231: {  	_ = 	snop;
	(pc) =	sbr.rel @!p1 .LBB2_41-.Ltmp32, $2  }
0x232: {  	_ =	sdelay $0x2  }
0x233: {  	s7 =	sadd.s32 $0x400, s7  }
.LBB2_36:
0x234: {  	s2 =	sshll.u32 s30, $0x4  }
0x235: {  	v4 =	vld [tilespmem:s2+$0xA80];
	_ =	sdelay $0x4  }
0x236: {  	vm0 =	veq.s32 v4, $0x0  }
0x237: {  	v4 =	vsel vm0, $0x3F800000, v2  }
0x238: {  	(xrf0) =	vmax.scan.msk.f32 $0xffff, v4;
	_ =	sdelay $0x5  }
0x239: {  	v4, _, _ =	vpop (xrf0)  }
0x23a: {  	(v2sf) =	vpush v4, $0xF;
	_ =	sdelay $0xe  }
0x23b: {  	s17 =	spop (v2sf)  }
0x23c: {  	p1 =	sgt.f32 s17, $0.0e+00  }
.Ltmp33:
0x23d: {  	_ = 	snop;
	(pc) =	sbr.rel @!p1 .LBB2_40-.Ltmp33, $1  }
0x23e: {  	_ =	sdelay $0x3  }
0x23f: {  	v4 =	vmov s0  }
0x240: {  	vm1 =	veq.s32 v4, v3  }
0x241: {  	vm1 =	vmand vm0, vm1  }
0x242: {  	v4 =	vsel vm1, $0x3F800000, v2  }
0x243: {  	(xrf0) =	vmax.scan.msk.f32 $0xffff, v4;
	_ =	sdelay $0x5  }
0x244: {  	s2 =	simm.s32 $0x1;
	v4, _, _ =	vpop (xrf0)  }
0x245: {  	(v2sf) =	vpush v4, $0xF;
	v4 =	vmov s2  }
0x246: {  	vm1 =	veq.s32 v4, v3  }
0x247: {  	vm1 =	vmand vm0, vm1  }
0x248: {  	v5 =	vsel vm1, $0x3F800000, v2  }
0x249: {  	(xrf0) =	vmax.scan.msk.f32 $0xffff, v5;
	_ =	sdelay $0x1  }
0x24a: {  	s13 =	simm.s32 $0x2  }
0x24b: {  	s15 =	simm.s32 $0x3;
	v4 =	vmov s13  }
0x24c: {  	vm2 =	veq.s32 v4, v3;
	v4 =	vmov s15  }
0x24d: {  	vm1 =	vmand vm0, vm2;
	vm2 =	veq.s32 v4, v3  }
0x24e: {  	v4 =	vsel vm1, $0x3F800000, v2;
	vm1 =	vmand vm0, vm2;
	v5, _, _ =	vpop (xrf0)  }
0x24f: {  	(xrf0) =	vmax.scan.msk.f32 $0xffff, v4;
	v4 =	vsel vm1, $0x3F800000, v2;
	(v2sf) =	vpush v5, $0xF  }
0x250: {  	(xrf0) =	vmax.scan.msk.f32 $0xffff, v4  }
0x251: {  	s16 =	simm.s32 $0x4  }
0x252: {  	v4 =	vmov s16;
	_ =	sdelay $0x2  }
0x253: {  	vm1 =	veq.s32 v4, v3;
	v4, _, _ =	vpop (xrf0)  }
0x254: {  	v5, _, _ =	vpop (xrf0);
	s17 =	spop (v2sf);
	(v2sf) =	vpush v4, $0xF  }
0x255: {  	(v2sf) =	vpush v5, $0xF  }
0x256: {  	vm1 =	vmand vm0, vm1;
	p1 =	sgt.f32 s17, $0.0e+00  }
0x257: {  	s2 =	smov.u32 s7;
	v4 =	vsel vm1, $0x3F800000, v2  }
0x258: {  	s13 =	smov.u32 s7;
	s15 =	simm.s32 $0x6;
	s16 =	simm.s32 $0x5;
	(xrf0) =	vmax.scan.msk.f32 $0xffff, v4;
	v4 =	vimm.f32 @p1 $0.0e+00  }
.LBB2_38:
0x259: {  	v5 =	vmov s16;
	s16 =	smov.u32 s15;
	s15 =	sadd.s32 $0x1, s15  }
0x25a: {  	[tilespmem:s2+$0x10] =	vst @p1 v4;
	s13 =	sadd.s32 $0x40, s13;
	p2 =	sne.s32 s15, $0x10  }
.Ltmp34:
0x25b: {  	vm1 =	veq.s32 v5, v3;
	[tilespmem:s2+$0x0] =	vst @p1 v4;
	(pc) =	sbr.rel @p2 .LBB2_38-.Ltmp34, $4  }
0x25c: {  	vm1 =	vmand vm0, vm1;
	s17 =	spop (v2sf);
	[tilespmem:s2+$0xFFFFFFE0] =	vst @p1 v4  }
0x25d: {  	v5 =	vsel vm1, $0x3F800000, v2;
	[tilespmem:s2+$0xFFFFFFF0] =	vst @p1 v4;
	p1 =	sgt.f32 s17, $0.0e+00;
	s2 =	smov.u32 s13  }
0x25e: {  	(xrf0) =	vmax.scan.msk.f32 $0xffff, v5;
	v4, _, _ =	vpop (xrf0)  }
0x25f: {  	(v2sf) =	vpush v4, $0xF;
	v4 =	vimm.f32 @p1 $0.0e+00  }
.Ltmp35:
0x260: {  	_ = 	snop;
	(pc) =	sbr.rel .LBB2_39-.Ltmp35, $1  }
0x261: {  	_ =	sdelay $0x3  }
.LBB2_41:
0x262: {  	s2 =	sadd.s32 $0x1400, s31;
	s0 =	simm.s32 $0x0  }
0x263: {  	[hbm4b:s2+s0] =	stream.linear.scatter [tilespmem:s11], [sflag:$0x4], $0x2000, $0x38;
	[tilespmem:$0x5000] =	vst v63  }
0x264: {  	_ =	swait.ge [sflag:s8], $0x2000  }
0x265: {  	[sflag:s8] =	ssyncset.done $0x0  }
.Ltmp36:
0x266: {  	[sflag:s8] =	ssyncadd.s32 $0xFFFFE000;
	(pc) =	sbr.rel .LBB2_42-.Ltmp36, $4  }
0x267: {  	[tilespmem:s11], [sflag:$0x2] =	stream.indirect.gather [hbm4b:s4+s9], $0x40, s19, s9, $0xb8;
	[tilespmem:$0x5000] =	vst v63  }
0x268: {  	_ =	swait.ge [sflag:s12], $0x2000  }
0x269: {  	[sflag:s12] =	ssyncset.done $0x0  }
0x26a: {  	s7 =	simm.s32 $0x1020;
	s30 =	simm.s32 $0x0;
	[sflag:s12] =	ssyncadd.s32 $0xFFFFE000  }
.LBB2_45:
0x26b: {  	v5 =	vmov s16  }
0x26c: {  	vm1 =	veq.s32 v5, v3  }
0x26d: {  	vm0 =	vmand vm0, vm1  }
0x26e: {  	v5 =	vsel vm0, $0x3F800000, v2  }
0x26f: {  	(xrf0) =	vmax.scan.msk.f32 $0xffff, v5;
	_ =	sdelay $0x1  }
0x270: {  	v5, _, _ =	vpop (xrf0)  }
0x271: {  	(v2sf) =	vpush v5, $0xF;
	_ =	sdelay $0x2  }
0x272: {  	[tilespmem:s2+$0x10] =	vst @p1 v4;
	s15 =	spop (v2sf);
	v5, _, _ =	vpop (xrf0)  }
0x273: {  	[tilespmem:s2+$0x0] =	vst @p1 v4;
	p2 =	sgt.f32 s15, $0.0e+00;
	(v2sf) =	vpush v5, $0xF  }
0x274: {  	[tilespmem:s2+$0xFFFFFFE0] =	vst @p1 v4  }
0x275: {  	s13 =	sadd.s32 $0x40, s13;
	[tilespmem:s2+$0xFFFFFFF0] =	vst @p1 v4;
	v4 =	vimm.f32 @p2 $0.0e+00  }
0x276: {  	s17 =	spop (v2sf);
	[tilespmem:s13+$0x10] =	vst @p2 v4  }
0x277: {  	p1 =	sgt.f32 s17, $0.0e+00;
	[tilespmem:s13+$0x0] =	vst @p2 v4  }
0x278: {  	[tilespmem:s13+$0xFFFFFFE0] =	vst @p2 v4  }
0x279: {  	s2 =	sadd.s32 $0x40, s13;
	[tilespmem:s13+$0xFFFFFFF0] =	vst @p2 v4;
	v4 =	vimm.f32 @p1 $0.0e+00  }
0x27a: {  	[tilespmem:s2+$0x10] =	vst @p1 v4;
	s15 =	spop (v2sf)  }
0x27b: {  	[tilespmem:s2+$0x0] =	vst @p1 v4;
	p2 =	sgt.f32 s15, $0.0e+00  }
0x27c: {  	[tilespmem:s2+$0xFFFFFFE0] =	vst @p1 v4  }
0x27d: {  	s13 =	sadd.s32 $0x40, s2;
	[tilespmem:s2+$0xFFFFFFF0] =	vst @p1 v4;
	v4 =	vimm.f32 @p2 $0.0e+00  }
0x27e: {  	[tilespmem:s13+$0x10] =	vst @p2 v4;
	s16 =	spop (v2sf)  }
0x27f: {  	[tilespmem:s13+$0x0] =	vst @p2 v4;
	p1 =	sgt.f32 s16, $0.0e+00  }
0x280: {  	[tilespmem:s13+$0xFFFFFFE0] =	vst @p2 v4  }
0x281: {  	s2 =	sadd.s32 $0x40, s13;
	[tilespmem:s13+$0xFFFFFFF0] =	vst @p2 v4;
	v4 =	vimm.f32 @p1 $0.0e+00  }
0x282: {  	[tilespmem:s2+$0x10] =	vst @p1 v4;
	s17 =	spop (v2sf)  }
0x283: {  	[tilespmem:s2+$0x0] =	vst @p1 v4;
	p2 =	sgt.f32 s17, $0.0e+00  }
0x284: {  	[tilespmem:s2+$0xFFFFFFE0] =	vst @p1 v4  }
0x285: {  	s13 =	sadd.s32 $0x40, s2;
	[tilespmem:s2+$0xFFFFFFF0] =	vst @p1 v4;
	v4 =	vimm.f32 @p2 $0.0e+00  }
0x286: {  	[tilespmem:s13+$0x10] =	vst @p2 v4  }
0x287: {  	[tilespmem:s13+$0x0] =	vst @p2 v4  }
0x288: {  	[tilespmem:s13+$0xFFFFFFE0] =	vst @p2 v4  }
0x289: {  	[tilespmem:s13+$0xFFFFFFF0] =	vst @p2 v4  }
.LBB2_46:
0x28a: {  	s30 =	sadd.s32 $0x1, s30  }
0x28b: {  	p1 =	sne.s32 s30, $0x8  }
.Ltmp37:
0x28c: {  	_ = 	snop;
	(pc) =	sbr.rel @!p1 .LBB2_47-.Ltmp37, $2  }
0x28d: {  	_ =	sdelay $0x2  }
0x28e: {  	s7 =	sadd.s32 $0x400, s7  }
.LBB2_42:
0x28f: {  	s2 =	sshll.u32 s30, $0x4  }
0x290: {  	v4 =	vld [tilespmem:s2+$0xB00];
	_ =	sdelay $0x4  }
0x291: {  	vm0 =	veq.s32 v4, $0x0  }
0x292: {  	v4 =	vsel vm0, $0x3F800000, v2  }
0x293: {  	(xrf0) =	vmax.scan.msk.f32 $0xffff, v4;
	_ =	sdelay $0x5  }
0x294: {  	v4, _, _ =	vpop (xrf0)  }
0x295: {  	(v2sf) =	vpush v4, $0xF;
	_ =	sdelay $0xe  }
0x296: {  	s17 =	spop (v2sf)  }
0x297: {  	p1 =	sgt.f32 s17, $0.0e+00  }
.Ltmp38:
0x298: {  	_ = 	snop;
	(pc) =	sbr.rel @!p1 .LBB2_46-.Ltmp38, $1  }
0x299: {  	_ =	sdelay $0x3  }
0x29a: {  	v4 =	vmov s0  }
0x29b: {  	vm1 =	veq.s32 v4, v3  }
0x29c: {  	vm1 =	vmand vm0, vm1  }
0x29d: {  	v4 =	vsel vm1, $0x3F800000, v2  }
0x29e: {  	(xrf0) =	vmax.scan.msk.f32 $0xffff, v4;
	_ =	sdelay $0x5  }
0x29f: {  	s2 =	simm.s32 $0x1;
	v4, _, _ =	vpop (xrf0)  }
0x2a0: {  	(v2sf) =	vpush v4, $0xF;
	v4 =	vmov s2  }
0x2a1: {  	vm1 =	veq.s32 v4, v3  }
0x2a2: {  	vm1 =	vmand vm0, vm1  }
0x2a3: {  	v5 =	vsel vm1, $0x3F800000, v2  }
0x2a4: {  	(xrf0) =	vmax.scan.msk.f32 $0xffff, v5;
	_ =	sdelay $0x1  }
0x2a5: {  	s13 =	simm.s32 $0x2  }
0x2a6: {  	s15 =	simm.s32 $0x3;
	v4 =	vmov s13  }
0x2a7: {  	vm2 =	veq.s32 v4, v3;
	v4 =	vmov s15  }
0x2a8: {  	vm1 =	vmand vm0, vm2;
	vm2 =	veq.s32 v4, v3  }
0x2a9: {  	v4 =	vsel vm1, $0x3F800000, v2;
	vm1 =	vmand vm0, vm2;
	v5, _, _ =	vpop (xrf0)  }
0x2aa: {  	(xrf0) =	vmax.scan.msk.f32 $0xffff, v4;
	v4 =	vsel vm1, $0x3F800000, v2;
	(v2sf) =	vpush v5, $0xF  }
0x2ab: {  	(xrf0) =	vmax.scan.msk.f32 $0xffff, v4  }
0x2ac: {  	s16 =	simm.s32 $0x4  }
0x2ad: {  	v4 =	vmov s16;
	_ =	sdelay $0x2  }
0x2ae: {  	vm1 =	veq.s32 v4, v3;
	v4, _, _ =	vpop (xrf0)  }
0x2af: {  	v5, _, _ =	vpop (xrf0);
	s17 =	spop (v2sf);
	(v2sf) =	vpush v4, $0xF  }
0x2b0: {  	(v2sf) =	vpush v5, $0xF  }
0x2b1: {  	vm1 =	vmand vm0, vm1;
	p1 =	sgt.f32 s17, $0.0e+00  }
0x2b2: {  	s2 =	smov.u32 s7;
	v4 =	vsel vm1, $0x3F800000, v2  }
0x2b3: {  	s13 =	smov.u32 s7;
	s15 =	simm.s32 $0x6;
	s16 =	simm.s32 $0x5;
	(xrf0) =	vmax.scan.msk.f32 $0xffff, v4;
	v4 =	vimm.f32 @p1 $0.0e+00  }
.LBB2_44:
0x2b4: {  	v5 =	vmov s16;
	s16 =	smov.u32 s15;
	s15 =	sadd.s32 $0x1, s15  }
0x2b5: {  	[tilespmem:s2+$0x10] =	vst @p1 v4;
	s13 =	sadd.s32 $0x40, s13;
	p2 =	sne.s32 s15, $0x10  }
.Ltmp39:
0x2b6: {  	vm1 =	veq.s32 v5, v3;
	[tilespmem:s2+$0x0] =	vst @p1 v4;
	(pc) =	sbr.rel @p2 .LBB2_44-.Ltmp39, $4  }
0x2b7: {  	vm1 =	vmand vm0, vm1;
	s17 =	spop (v2sf);
	[tilespmem:s2+$0xFFFFFFE0] =	vst @p1 v4  }
0x2b8: {  	v5 =	vsel vm1, $0x3F800000, v2;
	[tilespmem:s2+$0xFFFFFFF0] =	vst @p1 v4;
	p1 =	sgt.f32 s17, $0.0e+00;
	s2 =	smov.u32 s13  }
0x2b9: {  	(xrf0) =	vmax.scan.msk.f32 $0xffff, v5;
	v4, _, _ =	vpop (xrf0)  }
0x2ba: {  	(v2sf) =	vpush v4, $0xF;
	v4 =	vimm.f32 @p1 $0.0e+00  }
.Ltmp40:
0x2bb: {  	_ = 	snop;
	(pc) =	sbr.rel .LBB2_45-.Ltmp40, $1  }
0x2bc: {  	_ =	sdelay $0x3  }
.LBB2_47:
0x2bd: {  	s2 =	sadd.s32 $0x1800, s31;
	s0 =	simm.s32 $0x0  }
0x2be: {  	[hbm4b:s2+s0] =	stream.linear.scatter [tilespmem:s10], [sflag:$0x4], $0x2000, $0x38;
	[tilespmem:$0x5000] =	vst v63  }
0x2bf: {  	_ =	swait.ge [sflag:s8], $0x2000  }
0x2c0: {  	[sflag:s8] =	ssyncset.done $0x0  }
.Ltmp41:
0x2c1: {  	[sflag:s8] =	ssyncadd.s32 $0xFFFFE000;
	(pc) =	sbr.rel .LBB2_48-.Ltmp41, $4  }
0x2c2: {  	[tilespmem:s10], [sflag:$0x1] =	stream.indirect.gather [hbm4b:s4+s9], $0x40, s20, s9, $0xb8;
	[tilespmem:$0x5000] =	vst v63  }
0x2c3: {  	_ =	swait.ge [sflag:s14], $0x2000  }
0x2c4: {  	[sflag:s14] =	ssyncset.done $0x0  }
0x2c5: {  	s7 =	simm.s32 $0x3020;
	s30 =	simm.s32 $0x0;
	[sflag:s14] =	ssyncadd.s32 $0xFFFFE000  }
.LBB2_51:
0x2c6: {  	v5 =	vmov s16  }
0x2c7: {  	vm1 =	veq.s32 v5, v3  }
0x2c8: {  	vm0 =	vmand vm0, vm1  }
0x2c9: {  	v5 =	vsel vm0, $0x3F800000, v2  }
0x2ca: {  	(xrf0) =	vmax.scan.msk.f32 $0xffff, v5;
	_ =	sdelay $0x1  }
0x2cb: {  	v5, _, _ =	vpop (xrf0)  }
0x2cc: {  	(v2sf) =	vpush v5, $0xF;
	_ =	sdelay $0x2  }
0x2cd: {  	[tilespmem:s2+$0x10] =	vst @p1 v4;
	s15 =	spop (v2sf);
	v5, _, _ =	vpop (xrf0)  }
0x2ce: {  	[tilespmem:s2+$0x0] =	vst @p1 v4;
	p2 =	sgt.f32 s15, $0.0e+00;
	(v2sf) =	vpush v5, $0xF  }
0x2cf: {  	[tilespmem:s2+$0xFFFFFFE0] =	vst @p1 v4  }
0x2d0: {  	s13 =	sadd.s32 $0x40, s13;
	[tilespmem:s2+$0xFFFFFFF0] =	vst @p1 v4;
	v4 =	vimm.f32 @p2 $0.0e+00  }
0x2d1: {  	s17 =	spop (v2sf);
	[tilespmem:s13+$0x10] =	vst @p2 v4  }
0x2d2: {  	p1 =	sgt.f32 s17, $0.0e+00;
	[tilespmem:s13+$0x0] =	vst @p2 v4  }
0x2d3: {  	[tilespmem:s13+$0xFFFFFFE0] =	vst @p2 v4  }
0x2d4: {  	s2 =	sadd.s32 $0x40, s13;
	[tilespmem:s13+$0xFFFFFFF0] =	vst @p2 v4;
	v4 =	vimm.f32 @p1 $0.0e+00  }
0x2d5: {  	[tilespmem:s2+$0x10] =	vst @p1 v4;
	s15 =	spop (v2sf)  }
0x2d6: {  	[tilespmem:s2+$0x0] =	vst @p1 v4;
	p2 =	sgt.f32 s15, $0.0e+00  }
0x2d7: {  	[tilespmem:s2+$0xFFFFFFE0] =	vst @p1 v4  }
0x2d8: {  	s13 =	sadd.s32 $0x40, s2;
	[tilespmem:s2+$0xFFFFFFF0] =	vst @p1 v4;
	v4 =	vimm.f32 @p2 $0.0e+00  }
0x2d9: {  	[tilespmem:s13+$0x10] =	vst @p2 v4;
	s16 =	spop (v2sf)  }
0x2da: {  	[tilespmem:s13+$0x0] =	vst @p2 v4;
	p1 =	sgt.f32 s16, $0.0e+00  }
0x2db: {  	[tilespmem:s13+$0xFFFFFFE0] =	vst @p2 v4  }
0x2dc: {  	s2 =	sadd.s32 $0x40, s13;
	[tilespmem:s13+$0xFFFFFFF0] =	vst @p2 v4;
	v4 =	vimm.f32 @p1 $0.0e+00  }
0x2dd: {  	[tilespmem:s2+$0x10] =	vst @p1 v4;
	s17 =	spop (v2sf)  }
0x2de: {  	[tilespmem:s2+$0x0] =	vst @p1 v4;
	p2 =	sgt.f32 s17, $0.0e+00  }
0x2df: {  	[tilespmem:s2+$0xFFFFFFE0] =	vst @p1 v4  }
0x2e0: {  	s13 =	sadd.s32 $0x40, s2;
	[tilespmem:s2+$0xFFFFFFF0] =	vst @p1 v4;
	v4 =	vimm.f32 @p2 $0.0e+00  }
0x2e1: {  	[tilespmem:s13+$0x10] =	vst @p2 v4  }
0x2e2: {  	[tilespmem:s13+$0x0] =	vst @p2 v4  }
0x2e3: {  	[tilespmem:s13+$0xFFFFFFE0] =	vst @p2 v4  }
0x2e4: {  	[tilespmem:s13+$0xFFFFFFF0] =	vst @p2 v4  }
.LBB2_52:
0x2e5: {  	s30 =	sadd.s32 $0x1, s30  }
0x2e6: {  	p1 =	sne.s32 s30, $0x8  }
.Ltmp42:
0x2e7: {  	_ = 	snop;
	(pc) =	sbr.rel @!p1 .LBB2_53-.Ltmp42, $2  }
0x2e8: {  	_ =	sdelay $0x2  }
0x2e9: {  	s7 =	sadd.s32 $0x400, s7  }
.LBB2_48:
0x2ea: {  	s2 =	sshll.u32 s30, $0x4  }
0x2eb: {  	v4 =	vld [tilespmem:s2+$0xB80];
	_ =	sdelay $0x4  }
0x2ec: {  	vm0 =	veq.s32 v4, $0x0  }
0x2ed: {  	v4 =	vsel vm0, $0x3F800000, v2  }
0x2ee: {  	(xrf0) =	vmax.scan.msk.f32 $0xffff, v4;
	_ =	sdelay $0x5  }
0x2ef: {  	v4, _, _ =	vpop (xrf0)  }
0x2f0: {  	(v2sf) =	vpush v4, $0xF;
	_ =	sdelay $0xe  }
0x2f1: {  	s17 =	spop (v2sf)  }
0x2f2: {  	p1 =	sgt.f32 s17, $0.0e+00  }
.Ltmp43:
0x2f3: {  	_ = 	snop;
	(pc) =	sbr.rel @!p1 .LBB2_52-.Ltmp43, $1  }
0x2f4: {  	_ =	sdelay $0x3  }
0x2f5: {  	v4 =	vmov s0  }
0x2f6: {  	vm1 =	veq.s32 v4, v3  }
0x2f7: {  	vm1 =	vmand vm0, vm1  }
0x2f8: {  	v4 =	vsel vm1, $0x3F800000, v2  }
0x2f9: {  	(xrf0) =	vmax.scan.msk.f32 $0xffff, v4;
	_ =	sdelay $0x5  }
0x2fa: {  	s2 =	simm.s32 $0x1;
	v4, _, _ =	vpop (xrf0)  }
0x2fb: {  	(v2sf) =	vpush v4, $0xF;
	v4 =	vmov s2  }
0x2fc: {  	vm1 =	veq.s32 v4, v3  }
0x2fd: {  	vm1 =	vmand vm0, vm1  }
0x2fe: {  	v5 =	vsel vm1, $0x3F800000, v2  }
0x2ff: {  	(xrf0) =	vmax.scan.msk.f32 $0xffff, v5;
	_ =	sdelay $0x1  }
0x300: {  	s13 =	simm.s32 $0x2  }
0x301: {  	s15 =	simm.s32 $0x3;
	v4 =	vmov s13  }
0x302: {  	vm2 =	veq.s32 v4, v3;
	v4 =	vmov s15  }
0x303: {  	vm1 =	vmand vm0, vm2;
	vm2 =	veq.s32 v4, v3  }
0x304: {  	v4 =	vsel vm1, $0x3F800000, v2;
	vm1 =	vmand vm0, vm2;
	v5, _, _ =	vpop (xrf0)  }
0x305: {  	(xrf0) =	vmax.scan.msk.f32 $0xffff, v4;
	v4 =	vsel vm1, $0x3F800000, v2;
	(v2sf) =	vpush v5, $0xF  }
0x306: {  	(xrf0) =	vmax.scan.msk.f32 $0xffff, v4  }
0x307: {  	s16 =	simm.s32 $0x4  }
0x308: {  	v4 =	vmov s16;
	_ =	sdelay $0x2  }
0x309: {  	vm1 =	veq.s32 v4, v3;
	v4, _, _ =	vpop (xrf0)  }
0x30a: {  	v5, _, _ =	vpop (xrf0);
	s17 =	spop (v2sf);
	(v2sf) =	vpush v4, $0xF  }
0x30b: {  	(v2sf) =	vpush v5, $0xF  }
0x30c: {  	vm1 =	vmand vm0, vm1;
	p1 =	sgt.f32 s17, $0.0e+00  }
0x30d: {  	s2 =	smov.u32 s7;
	v4 =	vsel vm1, $0x3F800000, v2  }
0x30e: {  	s13 =	smov.u32 s7;
	s15 =	simm.s32 $0x6;
	s16 =	simm.s32 $0x5;
	(xrf0) =	vmax.scan.msk.f32 $0xffff, v4;
	v4 =	vimm.f32 @p1 $0.0e+00  }
.LBB2_50:
0x30f: {  	v5 =	vmov s16;
	s16 =	smov.u32 s15;
	s15 =	sadd.s32 $0x1, s15  }
0x310: {  	[tilespmem:s2+$0x10] =	vst @p1 v4;
	s13 =	sadd.s32 $0x40, s13;
	p2 =	sne.s32 s15, $0x10  }
.Ltmp44:
0x311: {  	vm1 =	veq.s32 v5, v3;
	[tilespmem:s2+$0x0] =	vst @p1 v4;
	(pc) =	sbr.rel @p2 .LBB2_50-.Ltmp44, $4  }
0x312: {  	vm1 =	vmand vm0, vm1;
	s17 =	spop (v2sf);
	[tilespmem:s2+$0xFFFFFFE0] =	vst @p1 v4  }
0x313: {  	v5 =	vsel vm1, $0x3F800000, v2;
	[tilespmem:s2+$0xFFFFFFF0] =	vst @p1 v4;
	p1 =	sgt.f32 s17, $0.0e+00;
	s2 =	smov.u32 s13  }
0x314: {  	(xrf0) =	vmax.scan.msk.f32 $0xffff, v5;
	v4, _, _ =	vpop (xrf0)  }
0x315: {  	(v2sf) =	vpush v4, $0xF;
	v4 =	vimm.f32 @p1 $0.0e+00  }
.Ltmp45:
0x316: {  	_ = 	snop;
	(pc) =	sbr.rel .LBB2_51-.Ltmp45, $1  }
0x317: {  	_ =	sdelay $0x3  }
.LBB2_53:
0x318: {  	s2 =	sadd.s32 $0x1C00, s31;
	s0 =	simm.s32 $0x0  }
0x319: {  	[hbm4b:s2+s0] =	stream.linear.scatter [tilespmem:s11], [sflag:$0x4], $0x2000, $0x38;
	[tilespmem:$0x5000] =	vst v63  }
0x31a: {  	_ =	swait.ge [sflag:s8], $0x2000  }
0x31b: {  	[sflag:s8] =	ssyncset.done $0x0  }
.Ltmp46:
0x31c: {  	[sflag:s8] =	ssyncadd.s32 $0xFFFFE000;
	(pc) =	sbr.rel .LBB2_54-.Ltmp46, $4  }
0x31d: {  	[tilespmem:s11], [sflag:$0x2] =	stream.indirect.gather [hbm4b:s4+s9], $0x40, s21, s9, $0xb8;
	[tilespmem:$0x5000] =	vst v63  }
0x31e: {  	_ =	swait.ge [sflag:s12], $0x2000  }
0x31f: {  	[sflag:s12] =	ssyncset.done $0x0  }
0x320: {  	s7 =	simm.s32 $0x1020;
	s30 =	simm.s32 $0x0;
	[sflag:s12] =	ssyncadd.s32 $0xFFFFE000  }
.LBB2_57:
0x321: {  	v5 =	vmov s16  }
0x322: {  	vm1 =	veq.s32 v5, v3  }
0x323: {  	vm0 =	vmand vm0, vm1  }
0x324: {  	v5 =	vsel vm0, $0x3F800000, v2  }
0x325: {  	(xrf0) =	vmax.scan.msk.f32 $0xffff, v5;
	_ =	sdelay $0x1  }
0x326: {  	v5, _, _ =	vpop (xrf0)  }
0x327: {  	(v2sf) =	vpush v5, $0xF;
	_ =	sdelay $0x2  }
0x328: {  	[tilespmem:s2+$0x10] =	vst @p1 v4;
	s15 =	spop (v2sf);
	v5, _, _ =	vpop (xrf0)  }
0x329: {  	[tilespmem:s2+$0x0] =	vst @p1 v4;
	p2 =	sgt.f32 s15, $0.0e+00;
	(v2sf) =	vpush v5, $0xF  }
0x32a: {  	[tilespmem:s2+$0xFFFFFFE0] =	vst @p1 v4  }
0x32b: {  	s13 =	sadd.s32 $0x40, s13;
	[tilespmem:s2+$0xFFFFFFF0] =	vst @p1 v4;
	v4 =	vimm.f32 @p2 $0.0e+00  }
0x32c: {  	s17 =	spop (v2sf);
	[tilespmem:s13+$0x10] =	vst @p2 v4  }
0x32d: {  	p1 =	sgt.f32 s17, $0.0e+00;
	[tilespmem:s13+$0x0] =	vst @p2 v4  }
0x32e: {  	[tilespmem:s13+$0xFFFFFFE0] =	vst @p2 v4  }
0x32f: {  	s2 =	sadd.s32 $0x40, s13;
	[tilespmem:s13+$0xFFFFFFF0] =	vst @p2 v4;
	v4 =	vimm.f32 @p1 $0.0e+00  }
0x330: {  	[tilespmem:s2+$0x10] =	vst @p1 v4;
	s15 =	spop (v2sf)  }
0x331: {  	[tilespmem:s2+$0x0] =	vst @p1 v4;
	p2 =	sgt.f32 s15, $0.0e+00  }
0x332: {  	[tilespmem:s2+$0xFFFFFFE0] =	vst @p1 v4  }
0x333: {  	s13 =	sadd.s32 $0x40, s2;
	[tilespmem:s2+$0xFFFFFFF0] =	vst @p1 v4;
	v4 =	vimm.f32 @p2 $0.0e+00  }
0x334: {  	[tilespmem:s13+$0x10] =	vst @p2 v4;
	s16 =	spop (v2sf)  }
0x335: {  	[tilespmem:s13+$0x0] =	vst @p2 v4;
	p1 =	sgt.f32 s16, $0.0e+00  }
0x336: {  	[tilespmem:s13+$0xFFFFFFE0] =	vst @p2 v4  }
0x337: {  	s2 =	sadd.s32 $0x40, s13;
	[tilespmem:s13+$0xFFFFFFF0] =	vst @p2 v4;
	v4 =	vimm.f32 @p1 $0.0e+00  }
0x338: {  	[tilespmem:s2+$0x10] =	vst @p1 v4;
	s17 =	spop (v2sf)  }
0x339: {  	[tilespmem:s2+$0x0] =	vst @p1 v4;
	p2 =	sgt.f32 s17, $0.0e+00  }
0x33a: {  	[tilespmem:s2+$0xFFFFFFE0] =	vst @p1 v4  }
0x33b: {  	s13 =	sadd.s32 $0x40, s2;
	[tilespmem:s2+$0xFFFFFFF0] =	vst @p1 v4;
	v4 =	vimm.f32 @p2 $0.0e+00  }
0x33c: {  	[tilespmem:s13+$0x10] =	vst @p2 v4  }
0x33d: {  	[tilespmem:s13+$0x0] =	vst @p2 v4  }
0x33e: {  	[tilespmem:s13+$0xFFFFFFE0] =	vst @p2 v4  }
0x33f: {  	[tilespmem:s13+$0xFFFFFFF0] =	vst @p2 v4  }
.LBB2_58:
0x340: {  	s30 =	sadd.s32 $0x1, s30  }
0x341: {  	p1 =	sne.s32 s30, $0x8  }
.Ltmp47:
0x342: {  	_ = 	snop;
	(pc) =	sbr.rel @!p1 .LBB2_59-.Ltmp47, $2  }
0x343: {  	_ =	sdelay $0x2  }
0x344: {  	s7 =	sadd.s32 $0x400, s7  }
.LBB2_54:
0x345: {  	s2 =	sshll.u32 s30, $0x4  }
0x346: {  	v4 =	vld [tilespmem:s2+$0xC00];
	_ =	sdelay $0x4  }
0x347: {  	vm0 =	veq.s32 v4, $0x0  }
0x348: {  	v4 =	vsel vm0, $0x3F800000, v2  }
0x349: {  	(xrf0) =	vmax.scan.msk.f32 $0xffff, v4;
	_ =	sdelay $0x5  }
0x34a: {  	v4, _, _ =	vpop (xrf0)  }
0x34b: {  	(v2sf) =	vpush v4, $0xF;
	_ =	sdelay $0xe  }
0x34c: {  	s17 =	spop (v2sf)  }
0x34d: {  	p1 =	sgt.f32 s17, $0.0e+00  }
.Ltmp48:
0x34e: {  	_ = 	snop;
	(pc) =	sbr.rel @!p1 .LBB2_58-.Ltmp48, $1  }
0x34f: {  	_ =	sdelay $0x3  }
0x350: {  	v4 =	vmov s0  }
0x351: {  	vm1 =	veq.s32 v4, v3  }
0x352: {  	vm1 =	vmand vm0, vm1  }
0x353: {  	v4 =	vsel vm1, $0x3F800000, v2  }
0x354: {  	(xrf0) =	vmax.scan.msk.f32 $0xffff, v4;
	_ =	sdelay $0x5  }
0x355: {  	s2 =	simm.s32 $0x1;
	v4, _, _ =	vpop (xrf0)  }
0x356: {  	(v2sf) =	vpush v4, $0xF;
	v4 =	vmov s2  }
0x357: {  	vm1 =	veq.s32 v4, v3  }
0x358: {  	vm1 =	vmand vm0, vm1  }
0x359: {  	v5 =	vsel vm1, $0x3F800000, v2  }
0x35a: {  	(xrf0) =	vmax.scan.msk.f32 $0xffff, v5;
	_ =	sdelay $0x1  }
0x35b: {  	s13 =	simm.s32 $0x2  }
0x35c: {  	s15 =	simm.s32 $0x3;
	v4 =	vmov s13  }
0x35d: {  	vm2 =	veq.s32 v4, v3;
	v4 =	vmov s15  }
0x35e: {  	vm1 =	vmand vm0, vm2;
	vm2 =	veq.s32 v4, v3  }
0x35f: {  	v4 =	vsel vm1, $0x3F800000, v2;
	vm1 =	vmand vm0, vm2;
	v5, _, _ =	vpop (xrf0)  }
0x360: {  	(xrf0) =	vmax.scan.msk.f32 $0xffff, v4;
	v4 =	vsel vm1, $0x3F800000, v2;
	(v2sf) =	vpush v5, $0xF  }
0x361: {  	(xrf0) =	vmax.scan.msk.f32 $0xffff, v4  }
0x362: {  	s16 =	simm.s32 $0x4  }
0x363: {  	v4 =	vmov s16;
	_ =	sdelay $0x2  }
0x364: {  	vm1 =	veq.s32 v4, v3;
	v4, _, _ =	vpop (xrf0)  }
0x365: {  	v5, _, _ =	vpop (xrf0);
	s17 =	spop (v2sf);
	(v2sf) =	vpush v4, $0xF  }
0x366: {  	(v2sf) =	vpush v5, $0xF  }
0x367: {  	vm1 =	vmand vm0, vm1;
	p1 =	sgt.f32 s17, $0.0e+00  }
0x368: {  	s2 =	smov.u32 s7;
	v4 =	vsel vm1, $0x3F800000, v2  }
0x369: {  	s13 =	smov.u32 s7;
	s15 =	simm.s32 $0x6;
	s16 =	simm.s32 $0x5;
	(xrf0) =	vmax.scan.msk.f32 $0xffff, v4;
	v4 =	vimm.f32 @p1 $0.0e+00  }
.LBB2_56:
0x36a: {  	v5 =	vmov s16;
	s16 =	smov.u32 s15;
	s15 =	sadd.s32 $0x1, s15  }
0x36b: {  	[tilespmem:s2+$0x10] =	vst @p1 v4;
	s13 =	sadd.s32 $0x40, s13;
	p2 =	sne.s32 s15, $0x10  }
.Ltmp49:
0x36c: {  	vm1 =	veq.s32 v5, v3;
	[tilespmem:s2+$0x0] =	vst @p1 v4;
	(pc) =	sbr.rel @p2 .LBB2_56-.Ltmp49, $4  }
0x36d: {  	vm1 =	vmand vm0, vm1;
	s17 =	spop (v2sf);
	[tilespmem:s2+$0xFFFFFFE0] =	vst @p1 v4  }
0x36e: {  	v5 =	vsel vm1, $0x3F800000, v2;
	[tilespmem:s2+$0xFFFFFFF0] =	vst @p1 v4;
	p1 =	sgt.f32 s17, $0.0e+00;
	s2 =	smov.u32 s13  }
0x36f: {  	(xrf0) =	vmax.scan.msk.f32 $0xffff, v5;
	v4, _, _ =	vpop (xrf0)  }
0x370: {  	(v2sf) =	vpush v4, $0xF;
	v4 =	vimm.f32 @p1 $0.0e+00  }
.Ltmp50:
0x371: {  	_ = 	snop;
	(pc) =	sbr.rel .LBB2_57-.Ltmp50, $1  }
0x372: {  	_ =	sdelay $0x3  }
.LBB2_59:
0x373: {  	s2 =	sadd.s32 $0x2000, s31;
	s0 =	simm.s32 $0x0  }
0x374: {  	[hbm4b:s2+s0] =	stream.linear.scatter [tilespmem:s10], [sflag:$0x4], $0x2000, $0x38;
	[tilespmem:$0x5000] =	vst v63  }
0x375: {  	_ =	swait.ge [sflag:s8], $0x2000  }
0x376: {  	[sflag:s8] =	ssyncset.done $0x0  }
.Ltmp51:
0x377: {  	[sflag:s8] =	ssyncadd.s32 $0xFFFFE000;
	(pc) =	sbr.rel .LBB2_60-.Ltmp51, $4  }
0x378: {  	[tilespmem:s10], [sflag:$0x1] =	stream.indirect.gather [hbm4b:s4+s9], $0x40, s22, s9, $0xb8;
	[tilespmem:$0x5000] =	vst v63  }
0x379: {  	_ =	swait.ge [sflag:s14], $0x2000  }
0x37a: {  	[sflag:s14] =	ssyncset.done $0x0  }
0x37b: {  	s7 =	simm.s32 $0x3020;
	s30 =	simm.s32 $0x0;
	[sflag:s14] =	ssyncadd.s32 $0xFFFFE000  }
.LBB2_63:
0x37c: {  	v5 =	vmov s16  }
0x37d: {  	vm1 =	veq.s32 v5, v3  }
0x37e: {  	vm0 =	vmand vm0, vm1  }
0x37f: {  	v5 =	vsel vm0, $0x3F800000, v2  }
0x380: {  	(xrf0) =	vmax.scan.msk.f32 $0xffff, v5;
	_ =	sdelay $0x1  }
0x381: {  	v5, _, _ =	vpop (xrf0)  }
0x382: {  	(v2sf) =	vpush v5, $0xF;
	_ =	sdelay $0x2  }
0x383: {  	[tilespmem:s2+$0x10] =	vst @p1 v4;
	s15 =	spop (v2sf);
	v5, _, _ =	vpop (xrf0)  }
0x384: {  	[tilespmem:s2+$0x0] =	vst @p1 v4;
	p2 =	sgt.f32 s15, $0.0e+00;
	(v2sf) =	vpush v5, $0xF  }
0x385: {  	[tilespmem:s2+$0xFFFFFFE0] =	vst @p1 v4  }
0x386: {  	s13 =	sadd.s32 $0x40, s13;
	[tilespmem:s2+$0xFFFFFFF0] =	vst @p1 v4;
	v4 =	vimm.f32 @p2 $0.0e+00  }
0x387: {  	s17 =	spop (v2sf);
	[tilespmem:s13+$0x10] =	vst @p2 v4  }
0x388: {  	p1 =	sgt.f32 s17, $0.0e+00;
	[tilespmem:s13+$0x0] =	vst @p2 v4  }
0x389: {  	[tilespmem:s13+$0xFFFFFFE0] =	vst @p2 v4  }
0x38a: {  	s2 =	sadd.s32 $0x40, s13;
	[tilespmem:s13+$0xFFFFFFF0] =	vst @p2 v4;
	v4 =	vimm.f32 @p1 $0.0e+00  }
0x38b: {  	[tilespmem:s2+$0x10] =	vst @p1 v4;
	s15 =	spop (v2sf)  }
0x38c: {  	[tilespmem:s2+$0x0] =	vst @p1 v4;
	p2 =	sgt.f32 s15, $0.0e+00  }
0x38d: {  	[tilespmem:s2+$0xFFFFFFE0] =	vst @p1 v4  }
0x38e: {  	s13 =	sadd.s32 $0x40, s2;
	[tilespmem:s2+$0xFFFFFFF0] =	vst @p1 v4;
	v4 =	vimm.f32 @p2 $0.0e+00  }
0x38f: {  	[tilespmem:s13+$0x10] =	vst @p2 v4;
	s16 =	spop (v2sf)  }
0x390: {  	[tilespmem:s13+$0x0] =	vst @p2 v4;
	p1 =	sgt.f32 s16, $0.0e+00  }
0x391: {  	[tilespmem:s13+$0xFFFFFFE0] =	vst @p2 v4  }
0x392: {  	s2 =	sadd.s32 $0x40, s13;
	[tilespmem:s13+$0xFFFFFFF0] =	vst @p2 v4;
	v4 =	vimm.f32 @p1 $0.0e+00  }
0x393: {  	[tilespmem:s2+$0x10] =	vst @p1 v4;
	s17 =	spop (v2sf)  }
0x394: {  	[tilespmem:s2+$0x0] =	vst @p1 v4;
	p2 =	sgt.f32 s17, $0.0e+00  }
0x395: {  	[tilespmem:s2+$0xFFFFFFE0] =	vst @p1 v4  }
0x396: {  	s13 =	sadd.s32 $0x40, s2;
	[tilespmem:s2+$0xFFFFFFF0] =	vst @p1 v4;
	v4 =	vimm.f32 @p2 $0.0e+00  }
0x397: {  	[tilespmem:s13+$0x10] =	vst @p2 v4  }
0x398: {  	[tilespmem:s13+$0x0] =	vst @p2 v4  }
0x399: {  	[tilespmem:s13+$0xFFFFFFE0] =	vst @p2 v4  }
0x39a: {  	[tilespmem:s13+$0xFFFFFFF0] =	vst @p2 v4  }
.LBB2_64:
0x39b: {  	s30 =	sadd.s32 $0x1, s30  }
0x39c: {  	p1 =	sne.s32 s30, $0x8  }
.Ltmp52:
0x39d: {  	_ = 	snop;
	(pc) =	sbr.rel @!p1 .LBB2_65-.Ltmp52, $2  }
0x39e: {  	_ =	sdelay $0x2  }
0x39f: {  	s7 =	sadd.s32 $0x400, s7  }
.LBB2_60:
0x3a0: {  	s2 =	sshll.u32 s30, $0x4  }
0x3a1: {  	v4 =	vld [tilespmem:s2+$0xC80];
	_ =	sdelay $0x4  }
0x3a2: {  	vm0 =	veq.s32 v4, $0x0  }
0x3a3: {  	v4 =	vsel vm0, $0x3F800000, v2  }
0x3a4: {  	(xrf0) =	vmax.scan.msk.f32 $0xffff, v4;
	_ =	sdelay $0x5  }
0x3a5: {  	v4, _, _ =	vpop (xrf0)  }
0x3a6: {  	(v2sf) =	vpush v4, $0xF;
	_ =	sdelay $0xe  }
0x3a7: {  	s17 =	spop (v2sf)  }
0x3a8: {  	p1 =	sgt.f32 s17, $0.0e+00  }
.Ltmp53:
0x3a9: {  	_ = 	snop;
	(pc) =	sbr.rel @!p1 .LBB2_64-.Ltmp53, $1  }
0x3aa: {  	_ =	sdelay $0x3  }
0x3ab: {  	v4 =	vmov s0  }
0x3ac: {  	vm1 =	veq.s32 v4, v3  }
0x3ad: {  	vm1 =	vmand vm0, vm1  }
0x3ae: {  	v4 =	vsel vm1, $0x3F800000, v2  }
0x3af: {  	(xrf0) =	vmax.scan.msk.f32 $0xffff, v4;
	_ =	sdelay $0x5  }
0x3b0: {  	s2 =	simm.s32 $0x1;
	v4, _, _ =	vpop (xrf0)  }
0x3b1: {  	(v2sf) =	vpush v4, $0xF;
	v4 =	vmov s2  }
0x3b2: {  	vm1 =	veq.s32 v4, v3  }
0x3b3: {  	vm1 =	vmand vm0, vm1  }
0x3b4: {  	v5 =	vsel vm1, $0x3F800000, v2  }
0x3b5: {  	(xrf0) =	vmax.scan.msk.f32 $0xffff, v5;
	_ =	sdelay $0x1  }
0x3b6: {  	s13 =	simm.s32 $0x2  }
0x3b7: {  	s15 =	simm.s32 $0x3;
	v4 =	vmov s13  }
0x3b8: {  	vm2 =	veq.s32 v4, v3;
	v4 =	vmov s15  }
0x3b9: {  	vm1 =	vmand vm0, vm2;
	vm2 =	veq.s32 v4, v3  }
0x3ba: {  	v4 =	vsel vm1, $0x3F800000, v2;
	vm1 =	vmand vm0, vm2;
	v5, _, _ =	vpop (xrf0)  }
0x3bb: {  	(xrf0) =	vmax.scan.msk.f32 $0xffff, v4;
	v4 =	vsel vm1, $0x3F800000, v2;
	(v2sf) =	vpush v5, $0xF  }
0x3bc: {  	(xrf0) =	vmax.scan.msk.f32 $0xffff, v4  }
0x3bd: {  	s16 =	simm.s32 $0x4  }
0x3be: {  	v4 =	vmov s16;
	_ =	sdelay $0x2  }
0x3bf: {  	vm1 =	veq.s32 v4, v3;
	v4, _, _ =	vpop (xrf0)  }
0x3c0: {  	v5, _, _ =	vpop (xrf0);
	s17 =	spop (v2sf);
	(v2sf) =	vpush v4, $0xF  }
0x3c1: {  	(v2sf) =	vpush v5, $0xF  }
0x3c2: {  	vm1 =	vmand vm0, vm1;
	p1 =	sgt.f32 s17, $0.0e+00  }
0x3c3: {  	s2 =	smov.u32 s7;
	v4 =	vsel vm1, $0x3F800000, v2  }
0x3c4: {  	s13 =	smov.u32 s7;
	s15 =	simm.s32 $0x6;
	s16 =	simm.s32 $0x5;
	(xrf0) =	vmax.scan.msk.f32 $0xffff, v4;
	v4 =	vimm.f32 @p1 $0.0e+00  }
.LBB2_62:
0x3c5: {  	v5 =	vmov s16;
	s16 =	smov.u32 s15;
	s15 =	sadd.s32 $0x1, s15  }
0x3c6: {  	[tilespmem:s2+$0x10] =	vst @p1 v4;
	s13 =	sadd.s32 $0x40, s13;
	p2 =	sne.s32 s15, $0x10  }
.Ltmp54:
0x3c7: {  	vm1 =	veq.s32 v5, v3;
	[tilespmem:s2+$0x0] =	vst @p1 v4;
	(pc) =	sbr.rel @p2 .LBB2_62-.Ltmp54, $4  }
0x3c8: {  	vm1 =	vmand vm0, vm1;
	s17 =	spop (v2sf);
	[tilespmem:s2+$0xFFFFFFE0] =	vst @p1 v4  }
0x3c9: {  	v5 =	vsel vm1, $0x3F800000, v2;
	[tilespmem:s2+$0xFFFFFFF0] =	vst @p1 v4;
	p1 =	sgt.f32 s17, $0.0e+00;
	s2 =	smov.u32 s13  }
0x3ca: {  	(xrf0) =	vmax.scan.msk.f32 $0xffff, v5;
	v4, _, _ =	vpop (xrf0)  }
0x3cb: {  	(v2sf) =	vpush v4, $0xF;
	v4 =	vimm.f32 @p1 $0.0e+00  }
.Ltmp55:
0x3cc: {  	_ = 	snop;
	(pc) =	sbr.rel .LBB2_63-.Ltmp55, $1  }
0x3cd: {  	_ =	sdelay $0x3  }
.LBB2_65:
0x3ce: {  	s2 =	sadd.s32 $0x2400, s31;
	s0 =	simm.s32 $0x0  }
0x3cf: {  	[hbm4b:s2+s0] =	stream.linear.scatter [tilespmem:s11], [sflag:$0x4], $0x2000, $0x38;
	[tilespmem:$0x5000] =	vst v63  }
0x3d0: {  	_ =	swait.ge [sflag:s8], $0x2000  }
0x3d1: {  	[sflag:s8] =	ssyncset.done $0x0  }
.Ltmp56:
0x3d2: {  	[sflag:s8] =	ssyncadd.s32 $0xFFFFE000;
	(pc) =	sbr.rel .LBB2_66-.Ltmp56, $4  }
0x3d3: {  	[tilespmem:s11], [sflag:$0x2] =	stream.indirect.gather [hbm4b:s4+s9], $0x40, s23, s9, $0xb8;
	[tilespmem:$0x5000] =	vst v63  }
0x3d4: {  	_ =	swait.ge [sflag:s12], $0x2000  }
0x3d5: {  	[sflag:s12] =	ssyncset.done $0x0  }
0x3d6: {  	s7 =	simm.s32 $0x1020;
	s30 =	simm.s32 $0x0;
	[sflag:s12] =	ssyncadd.s32 $0xFFFFE000  }
.LBB2_69:
0x3d7: {  	v5 =	vmov s16  }
0x3d8: {  	vm1 =	veq.s32 v5, v3  }
0x3d9: {  	vm0 =	vmand vm0, vm1  }
0x3da: {  	v5 =	vsel vm0, $0x3F800000, v2  }
0x3db: {  	(xrf0) =	vmax.scan.msk.f32 $0xffff, v5;
	_ =	sdelay $0x1  }
0x3dc: {  	v5, _, _ =	vpop (xrf0)  }
0x3dd: {  	(v2sf) =	vpush v5, $0xF;
	_ =	sdelay $0x2  }
0x3de: {  	[tilespmem:s2+$0x10] =	vst @p1 v4;
	s15 =	spop (v2sf);
	v5, _, _ =	vpop (xrf0)  }
0x3df: {  	[tilespmem:s2+$0x0] =	vst @p1 v4;
	p2 =	sgt.f32 s15, $0.0e+00;
	(v2sf) =	vpush v5, $0xF  }
0x3e0: {  	[tilespmem:s2+$0xFFFFFFE0] =	vst @p1 v4  }
0x3e1: {  	s13 =	sadd.s32 $0x40, s13;
	[tilespmem:s2+$0xFFFFFFF0] =	vst @p1 v4;
	v4 =	vimm.f32 @p2 $0.0e+00  }
0x3e2: {  	s17 =	spop (v2sf);
	[tilespmem:s13+$0x10] =	vst @p2 v4  }
0x3e3: {  	p1 =	sgt.f32 s17, $0.0e+00;
	[tilespmem:s13+$0x0] =	vst @p2 v4  }
0x3e4: {  	[tilespmem:s13+$0xFFFFFFE0] =	vst @p2 v4  }
0x3e5: {  	s2 =	sadd.s32 $0x40, s13;
	[tilespmem:s13+$0xFFFFFFF0] =	vst @p2 v4;
	v4 =	vimm.f32 @p1 $0.0e+00  }
0x3e6: {  	[tilespmem:s2+$0x10] =	vst @p1 v4;
	s15 =	spop (v2sf)  }
0x3e7: {  	[tilespmem:s2+$0x0] =	vst @p1 v4;
	p2 =	sgt.f32 s15, $0.0e+00  }
0x3e8: {  	[tilespmem:s2+$0xFFFFFFE0] =	vst @p1 v4  }
0x3e9: {  	s13 =	sadd.s32 $0x40, s2;
	[tilespmem:s2+$0xFFFFFFF0] =	vst @p1 v4;
	v4 =	vimm.f32 @p2 $0.0e+00  }
0x3ea: {  	[tilespmem:s13+$0x10] =	vst @p2 v4;
	s16 =	spop (v2sf)  }
0x3eb: {  	[tilespmem:s13+$0x0] =	vst @p2 v4;
	p1 =	sgt.f32 s16, $0.0e+00  }
0x3ec: {  	[tilespmem:s13+$0xFFFFFFE0] =	vst @p2 v4  }
0x3ed: {  	s2 =	sadd.s32 $0x40, s13;
	[tilespmem:s13+$0xFFFFFFF0] =	vst @p2 v4;
	v4 =	vimm.f32 @p1 $0.0e+00  }
0x3ee: {  	[tilespmem:s2+$0x10] =	vst @p1 v4;
	s17 =	spop (v2sf)  }
0x3ef: {  	[tilespmem:s2+$0x0] =	vst @p1 v4;
	p2 =	sgt.f32 s17, $0.0e+00  }
0x3f0: {  	[tilespmem:s2+$0xFFFFFFE0] =	vst @p1 v4  }
0x3f1: {  	s13 =	sadd.s32 $0x40, s2;
	[tilespmem:s2+$0xFFFFFFF0] =	vst @p1 v4;
	v4 =	vimm.f32 @p2 $0.0e+00  }
0x3f2: {  	[tilespmem:s13+$0x10] =	vst @p2 v4  }
0x3f3: {  	[tilespmem:s13+$0x0] =	vst @p2 v4  }
0x3f4: {  	[tilespmem:s13+$0xFFFFFFE0] =	vst @p2 v4  }
0x3f5: {  	[tilespmem:s13+$0xFFFFFFF0] =	vst @p2 v4  }
.LBB2_70:
0x3f6: {  	s30 =	sadd.s32 $0x1, s30  }
0x3f7: {  	p1 =	sne.s32 s30, $0x8  }
.Ltmp57:
0x3f8: {  	_ = 	snop;
	(pc) =	sbr.rel @!p1 .LBB2_71-.Ltmp57, $2  }
0x3f9: {  	_ =	sdelay $0x2  }
0x3fa: {  	s7 =	sadd.s32 $0x400, s7  }
.LBB2_66:
0x3fb: {  	s2 =	sshll.u32 s30, $0x4  }
0x3fc: {  	v4 =	vld [tilespmem:s2+$0xD00];
	_ =	sdelay $0x4  }
0x3fd: {  	vm0 =	veq.s32 v4, $0x0  }
0x3fe: {  	v4 =	vsel vm0, $0x3F800000, v2  }
0x3ff: {  	(xrf0) =	vmax.scan.msk.f32 $0xffff, v4;
	_ =	sdelay $0x5  }
0x400: {  	v4, _, _ =	vpop (xrf0)  }
0x401: {  	(v2sf) =	vpush v4, $0xF;
	_ =	sdelay $0xe  }
0x402: {  	s17 =	spop (v2sf)  }
0x403: {  	p1 =	sgt.f32 s17, $0.0e+00  }
.Ltmp58:
0x404: {  	_ = 	snop;
	(pc) =	sbr.rel @!p1 .LBB2_70-.Ltmp58, $1  }
0x405: {  	_ =	sdelay $0x3  }
0x406: {  	v4 =	vmov s0  }
0x407: {  	vm1 =	veq.s32 v4, v3  }
0x408: {  	vm1 =	vmand vm0, vm1  }
0x409: {  	v4 =	vsel vm1, $0x3F800000, v2  }
0x40a: {  	(xrf0) =	vmax.scan.msk.f32 $0xffff, v4;
	_ =	sdelay $0x5  }
0x40b: {  	s2 =	simm.s32 $0x1;
	v4, _, _ =	vpop (xrf0)  }
0x40c: {  	(v2sf) =	vpush v4, $0xF;
	v4 =	vmov s2  }
0x40d: {  	vm1 =	veq.s32 v4, v3  }
0x40e: {  	vm1 =	vmand vm0, vm1  }
0x40f: {  	v5 =	vsel vm1, $0x3F800000, v2  }
0x410: {  	(xrf0) =	vmax.scan.msk.f32 $0xffff, v5;
	_ =	sdelay $0x1  }
0x411: {  	s13 =	simm.s32 $0x2  }
0x412: {  	s15 =	simm.s32 $0x3;
	v4 =	vmov s13  }
0x413: {  	vm2 =	veq.s32 v4, v3;
	v4 =	vmov s15  }
0x414: {  	vm1 =	vmand vm0, vm2;
	vm2 =	veq.s32 v4, v3  }
0x415: {  	v4 =	vsel vm1, $0x3F800000, v2;
	vm1 =	vmand vm0, vm2;
	v5, _, _ =	vpop (xrf0)  }
0x416: {  	(xrf0) =	vmax.scan.msk.f32 $0xffff, v4;
	v4 =	vsel vm1, $0x3F800000, v2;
	(v2sf) =	vpush v5, $0xF  }
0x417: {  	(xrf0) =	vmax.scan.msk.f32 $0xffff, v4  }
0x418: {  	s16 =	simm.s32 $0x4  }
0x419: {  	v4 =	vmov s16;
	_ =	sdelay $0x2  }
0x41a: {  	vm1 =	veq.s32 v4, v3;
	v4, _, _ =	vpop (xrf0)  }
0x41b: {  	v5, _, _ =	vpop (xrf0);
	s17 =	spop (v2sf);
	(v2sf) =	vpush v4, $0xF  }
0x41c: {  	(v2sf) =	vpush v5, $0xF  }
0x41d: {  	vm1 =	vmand vm0, vm1;
	p1 =	sgt.f32 s17, $0.0e+00  }
0x41e: {  	s2 =	smov.u32 s7;
	v4 =	vsel vm1, $0x3F800000, v2  }
0x41f: {  	s13 =	smov.u32 s7;
	s15 =	simm.s32 $0x6;
	s16 =	simm.s32 $0x5;
	(xrf0) =	vmax.scan.msk.f32 $0xffff, v4;
	v4 =	vimm.f32 @p1 $0.0e+00  }
.LBB2_68:
0x420: {  	v5 =	vmov s16;
	s16 =	smov.u32 s15;
	s15 =	sadd.s32 $0x1, s15  }
0x421: {  	[tilespmem:s2+$0x10] =	vst @p1 v4;
	s13 =	sadd.s32 $0x40, s13;
	p2 =	sne.s32 s15, $0x10  }
.Ltmp59:
0x422: {  	vm1 =	veq.s32 v5, v3;
	[tilespmem:s2+$0x0] =	vst @p1 v4;
	(pc) =	sbr.rel @p2 .LBB2_68-.Ltmp59, $4  }
0x423: {  	vm1 =	vmand vm0, vm1;
	s17 =	spop (v2sf);
	[tilespmem:s2+$0xFFFFFFE0] =	vst @p1 v4  }
0x424: {  	v5 =	vsel vm1, $0x3F800000, v2;
	[tilespmem:s2+$0xFFFFFFF0] =	vst @p1 v4;
	p1 =	sgt.f32 s17, $0.0e+00;
	s2 =	smov.u32 s13  }
0x425: {  	(xrf0) =	vmax.scan.msk.f32 $0xffff, v5;
	v4, _, _ =	vpop (xrf0)  }
0x426: {  	(v2sf) =	vpush v4, $0xF;
	v4 =	vimm.f32 @p1 $0.0e+00  }
.Ltmp60:
0x427: {  	_ = 	snop;
	(pc) =	sbr.rel .LBB2_69-.Ltmp60, $1  }
0x428: {  	_ =	sdelay $0x3  }
.LBB2_71:
0x429: {  	s2 =	sadd.s32 $0x2800, s31;
	s0 =	simm.s32 $0x0  }
0x42a: {  	[hbm4b:s2+s0] =	stream.linear.scatter [tilespmem:s10], [sflag:$0x4], $0x2000, $0x38;
	[tilespmem:$0x5000] =	vst v63  }
0x42b: {  	_ =	swait.ge [sflag:s8], $0x2000  }
0x42c: {  	[sflag:s8] =	ssyncset.done $0x0  }
.Ltmp61:
0x42d: {  	[sflag:s8] =	ssyncadd.s32 $0xFFFFE000;
	(pc) =	sbr.rel .LBB2_72-.Ltmp61, $4  }
0x42e: {  	[tilespmem:s10], [sflag:$0x1] =	stream.indirect.gather [hbm4b:s4+s9], $0x40, s24, s9, $0xb8;
	[tilespmem:$0x5000] =	vst v63  }
0x42f: {  	_ =	swait.ge [sflag:s14], $0x2000  }
0x430: {  	[sflag:s14] =	ssyncset.done $0x0  }
0x431: {  	s7 =	simm.s32 $0x3020;
	s30 =	simm.s32 $0x0;
	[sflag:s14] =	ssyncadd.s32 $0xFFFFE000  }
.LBB2_75:
0x432: {  	v5 =	vmov s16  }
0x433: {  	vm1 =	veq.s32 v5, v3  }
0x434: {  	vm0 =	vmand vm0, vm1  }
0x435: {  	v5 =	vsel vm0, $0x3F800000, v2  }
0x436: {  	(xrf0) =	vmax.scan.msk.f32 $0xffff, v5;
	_ =	sdelay $0x1  }
0x437: {  	v5, _, _ =	vpop (xrf0)  }
0x438: {  	(v2sf) =	vpush v5, $0xF;
	_ =	sdelay $0x2  }
0x439: {  	[tilespmem:s2+$0x10] =	vst @p1 v4;
	s15 =	spop (v2sf);
	v5, _, _ =	vpop (xrf0)  }
0x43a: {  	[tilespmem:s2+$0x0] =	vst @p1 v4;
	p2 =	sgt.f32 s15, $0.0e+00;
	(v2sf) =	vpush v5, $0xF  }
0x43b: {  	[tilespmem:s2+$0xFFFFFFE0] =	vst @p1 v4  }
0x43c: {  	s13 =	sadd.s32 $0x40, s13;
	[tilespmem:s2+$0xFFFFFFF0] =	vst @p1 v4;
	v4 =	vimm.f32 @p2 $0.0e+00  }
0x43d: {  	s17 =	spop (v2sf);
	[tilespmem:s13+$0x10] =	vst @p2 v4  }
0x43e: {  	p1 =	sgt.f32 s17, $0.0e+00;
	[tilespmem:s13+$0x0] =	vst @p2 v4  }
0x43f: {  	[tilespmem:s13+$0xFFFFFFE0] =	vst @p2 v4  }
0x440: {  	s2 =	sadd.s32 $0x40, s13;
	[tilespmem:s13+$0xFFFFFFF0] =	vst @p2 v4;
	v4 =	vimm.f32 @p1 $0.0e+00  }
0x441: {  	[tilespmem:s2+$0x10] =	vst @p1 v4;
	s15 =	spop (v2sf)  }
0x442: {  	[tilespmem:s2+$0x0] =	vst @p1 v4;
	p2 =	sgt.f32 s15, $0.0e+00  }
0x443: {  	[tilespmem:s2+$0xFFFFFFE0] =	vst @p1 v4  }
0x444: {  	s13 =	sadd.s32 $0x40, s2;
	[tilespmem:s2+$0xFFFFFFF0] =	vst @p1 v4;
	v4 =	vimm.f32 @p2 $0.0e+00  }
0x445: {  	[tilespmem:s13+$0x10] =	vst @p2 v4;
	s16 =	spop (v2sf)  }
0x446: {  	[tilespmem:s13+$0x0] =	vst @p2 v4;
	p1 =	sgt.f32 s16, $0.0e+00  }
0x447: {  	[tilespmem:s13+$0xFFFFFFE0] =	vst @p2 v4  }
0x448: {  	s2 =	sadd.s32 $0x40, s13;
	[tilespmem:s13+$0xFFFFFFF0] =	vst @p2 v4;
	v4 =	vimm.f32 @p1 $0.0e+00  }
0x449: {  	[tilespmem:s2+$0x10] =	vst @p1 v4;
	s17 =	spop (v2sf)  }
0x44a: {  	[tilespmem:s2+$0x0] =	vst @p1 v4;
	p2 =	sgt.f32 s17, $0.0e+00  }
0x44b: {  	[tilespmem:s2+$0xFFFFFFE0] =	vst @p1 v4  }
0x44c: {  	s13 =	sadd.s32 $0x40, s2;
	[tilespmem:s2+$0xFFFFFFF0] =	vst @p1 v4;
	v4 =	vimm.f32 @p2 $0.0e+00  }
0x44d: {  	[tilespmem:s13+$0x10] =	vst @p2 v4  }
0x44e: {  	[tilespmem:s13+$0x0] =	vst @p2 v4  }
0x44f: {  	[tilespmem:s13+$0xFFFFFFE0] =	vst @p2 v4  }
0x450: {  	[tilespmem:s13+$0xFFFFFFF0] =	vst @p2 v4  }
.LBB2_76:
0x451: {  	s30 =	sadd.s32 $0x1, s30  }
0x452: {  	p1 =	sne.s32 s30, $0x8  }
.Ltmp62:
0x453: {  	_ = 	snop;
	(pc) =	sbr.rel @!p1 .LBB2_77-.Ltmp62, $2  }
0x454: {  	_ =	sdelay $0x2  }
0x455: {  	s7 =	sadd.s32 $0x400, s7  }
.LBB2_72:
0x456: {  	s2 =	sshll.u32 s30, $0x4  }
0x457: {  	v4 =	vld [tilespmem:s2+$0xD80];
	_ =	sdelay $0x4  }
0x458: {  	vm0 =	veq.s32 v4, $0x0  }
0x459: {  	v4 =	vsel vm0, $0x3F800000, v2  }
0x45a: {  	(xrf0) =	vmax.scan.msk.f32 $0xffff, v4;
	_ =	sdelay $0x5  }
0x45b: {  	v4, _, _ =	vpop (xrf0)  }
0x45c: {  	(v2sf) =	vpush v4, $0xF;
	_ =	sdelay $0xe  }
0x45d: {  	s17 =	spop (v2sf)  }
0x45e: {  	p1 =	sgt.f32 s17, $0.0e+00  }
.Ltmp63:
0x45f: {  	_ = 	snop;
	(pc) =	sbr.rel @!p1 .LBB2_76-.Ltmp63, $1  }
0x460: {  	_ =	sdelay $0x3  }
0x461: {  	v4 =	vmov s0  }
0x462: {  	vm1 =	veq.s32 v4, v3  }
0x463: {  	vm1 =	vmand vm0, vm1  }
0x464: {  	v4 =	vsel vm1, $0x3F800000, v2  }
0x465: {  	(xrf0) =	vmax.scan.msk.f32 $0xffff, v4;
	_ =	sdelay $0x5  }
0x466: {  	s2 =	simm.s32 $0x1;
	v4, _, _ =	vpop (xrf0)  }
0x467: {  	(v2sf) =	vpush v4, $0xF;
	v4 =	vmov s2  }
0x468: {  	vm1 =	veq.s32 v4, v3  }
0x469: {  	vm1 =	vmand vm0, vm1  }
0x46a: {  	v5 =	vsel vm1, $0x3F800000, v2  }
0x46b: {  	(xrf0) =	vmax.scan.msk.f32 $0xffff, v5;
	_ =	sdelay $0x1  }
0x46c: {  	s13 =	simm.s32 $0x2  }
0x46d: {  	s15 =	simm.s32 $0x3;
	v4 =	vmov s13  }
0x46e: {  	vm2 =	veq.s32 v4, v3;
	v4 =	vmov s15  }
0x46f: {  	vm1 =	vmand vm0, vm2;
	vm2 =	veq.s32 v4, v3  }
0x470: {  	v4 =	vsel vm1, $0x3F800000, v2;
	vm1 =	vmand vm0, vm2;
	v5, _, _ =	vpop (xrf0)  }
0x471: {  	(xrf0) =	vmax.scan.msk.f32 $0xffff, v4;
	v4 =	vsel vm1, $0x3F800000, v2;
	(v2sf) =	vpush v5, $0xF  }
0x472: {  	(xrf0) =	vmax.scan.msk.f32 $0xffff, v4  }
0x473: {  	s16 =	simm.s32 $0x4  }
0x474: {  	v4 =	vmov s16;
	_ =	sdelay $0x2  }
0x475: {  	vm1 =	veq.s32 v4, v3;
	v4, _, _ =	vpop (xrf0)  }
0x476: {  	v5, _, _ =	vpop (xrf0);
	s17 =	spop (v2sf);
	(v2sf) =	vpush v4, $0xF  }
0x477: {  	(v2sf) =	vpush v5, $0xF  }
0x478: {  	vm1 =	vmand vm0, vm1;
	p1 =	sgt.f32 s17, $0.0e+00  }
0x479: {  	s2 =	smov.u32 s7;
	v4 =	vsel vm1, $0x3F800000, v2  }
0x47a: {  	s13 =	smov.u32 s7;
	s15 =	simm.s32 $0x6;
	s16 =	simm.s32 $0x5;
	(xrf0) =	vmax.scan.msk.f32 $0xffff, v4;
	v4 =	vimm.f32 @p1 $0.0e+00  }
.LBB2_74:
0x47b: {  	v5 =	vmov s16;
	s16 =	smov.u32 s15;
	s15 =	sadd.s32 $0x1, s15  }
0x47c: {  	[tilespmem:s2+$0x10] =	vst @p1 v4;
	s13 =	sadd.s32 $0x40, s13;
	p2 =	sne.s32 s15, $0x10  }
.Ltmp64:
0x47d: {  	vm1 =	veq.s32 v5, v3;
	[tilespmem:s2+$0x0] =	vst @p1 v4;
	(pc) =	sbr.rel @p2 .LBB2_74-.Ltmp64, $4  }
0x47e: {  	vm1 =	vmand vm0, vm1;
	s17 =	spop (v2sf);
	[tilespmem:s2+$0xFFFFFFE0] =	vst @p1 v4  }
0x47f: {  	v5 =	vsel vm1, $0x3F800000, v2;
	[tilespmem:s2+$0xFFFFFFF0] =	vst @p1 v4;
	p1 =	sgt.f32 s17, $0.0e+00;
	s2 =	smov.u32 s13  }
0x480: {  	(xrf0) =	vmax.scan.msk.f32 $0xffff, v5;
	v4, _, _ =	vpop (xrf0)  }
0x481: {  	(v2sf) =	vpush v4, $0xF;
	v4 =	vimm.f32 @p1 $0.0e+00  }
.Ltmp65:
0x482: {  	_ = 	snop;
	(pc) =	sbr.rel .LBB2_75-.Ltmp65, $1  }
0x483: {  	_ =	sdelay $0x3  }
.LBB2_77:
0x484: {  	s2 =	sadd.s32 $0x2C00, s31;
	s0 =	simm.s32 $0x0  }
0x485: {  	[hbm4b:s2+s0] =	stream.linear.scatter [tilespmem:s11], [sflag:$0x4], $0x2000, $0x38;
	[tilespmem:$0x5000] =	vst v63  }
0x486: {  	_ =	swait.ge [sflag:s8], $0x2000  }
0x487: {  	[sflag:s8] =	ssyncset.done $0x0  }
.Ltmp66:
0x488: {  	[sflag:s8] =	ssyncadd.s32 $0xFFFFE000;
	(pc) =	sbr.rel .LBB2_78-.Ltmp66, $4  }
0x489: {  	[tilespmem:s11], [sflag:$0x2] =	stream.indirect.gather [hbm4b:s4+s9], $0x40, s25, s9, $0xb8;
	[tilespmem:$0x5000] =	vst v63  }
0x48a: {  	_ =	swait.ge [sflag:s12], $0x2000  }
0x48b: {  	[sflag:s12] =	ssyncset.done $0x0  }
0x48c: {  	s7 =	simm.s32 $0x1020;
	s30 =	simm.s32 $0x0;
	[sflag:s12] =	ssyncadd.s32 $0xFFFFE000  }
.LBB2_81:
0x48d: {  	v5 =	vmov s16  }
0x48e: {  	vm1 =	veq.s32 v5, v3  }
0x48f: {  	vm0 =	vmand vm0, vm1  }
0x490: {  	v5 =	vsel vm0, $0x3F800000, v2  }
0x491: {  	(xrf0) =	vmax.scan.msk.f32 $0xffff, v5;
	_ =	sdelay $0x1  }
0x492: {  	v5, _, _ =	vpop (xrf0)  }
0x493: {  	(v2sf) =	vpush v5, $0xF;
	_ =	sdelay $0x2  }
0x494: {  	[tilespmem:s2+$0x10] =	vst @p1 v4;
	s15 =	spop (v2sf);
	v5, _, _ =	vpop (xrf0)  }
0x495: {  	[tilespmem:s2+$0x0] =	vst @p1 v4;
	p2 =	sgt.f32 s15, $0.0e+00;
	(v2sf) =	vpush v5, $0xF  }
0x496: {  	[tilespmem:s2+$0xFFFFFFE0] =	vst @p1 v4  }
0x497: {  	s13 =	sadd.s32 $0x40, s13;
	[tilespmem:s2+$0xFFFFFFF0] =	vst @p1 v4;
	v4 =	vimm.f32 @p2 $0.0e+00  }
0x498: {  	s17 =	spop (v2sf);
	[tilespmem:s13+$0x10] =	vst @p2 v4  }
0x499: {  	p1 =	sgt.f32 s17, $0.0e+00;
	[tilespmem:s13+$0x0] =	vst @p2 v4  }
0x49a: {  	[tilespmem:s13+$0xFFFFFFE0] =	vst @p2 v4  }
0x49b: {  	s2 =	sadd.s32 $0x40, s13;
	[tilespmem:s13+$0xFFFFFFF0] =	vst @p2 v4;
	v4 =	vimm.f32 @p1 $0.0e+00  }
0x49c: {  	[tilespmem:s2+$0x10] =	vst @p1 v4;
	s15 =	spop (v2sf)  }
0x49d: {  	[tilespmem:s2+$0x0] =	vst @p1 v4;
	p2 =	sgt.f32 s15, $0.0e+00  }
0x49e: {  	[tilespmem:s2+$0xFFFFFFE0] =	vst @p1 v4  }
0x49f: {  	s13 =	sadd.s32 $0x40, s2;
	[tilespmem:s2+$0xFFFFFFF0] =	vst @p1 v4;
	v4 =	vimm.f32 @p2 $0.0e+00  }
0x4a0: {  	[tilespmem:s13+$0x10] =	vst @p2 v4;
	s16 =	spop (v2sf)  }
0x4a1: {  	[tilespmem:s13+$0x0] =	vst @p2 v4;
	p1 =	sgt.f32 s16, $0.0e+00  }
0x4a2: {  	[tilespmem:s13+$0xFFFFFFE0] =	vst @p2 v4  }
0x4a3: {  	s2 =	sadd.s32 $0x40, s13;
	[tilespmem:s13+$0xFFFFFFF0] =	vst @p2 v4;
	v4 =	vimm.f32 @p1 $0.0e+00  }
0x4a4: {  	[tilespmem:s2+$0x10] =	vst @p1 v4;
	s17 =	spop (v2sf)  }
0x4a5: {  	[tilespmem:s2+$0x0] =	vst @p1 v4;
	p2 =	sgt.f32 s17, $0.0e+00  }
0x4a6: {  	[tilespmem:s2+$0xFFFFFFE0] =	vst @p1 v4  }
0x4a7: {  	s13 =	sadd.s32 $0x40, s2;
	[tilespmem:s2+$0xFFFFFFF0] =	vst @p1 v4;
	v4 =	vimm.f32 @p2 $0.0e+00  }
0x4a8: {  	[tilespmem:s13+$0x10] =	vst @p2 v4  }
0x4a9: {  	[tilespmem:s13+$0x0] =	vst @p2 v4  }
0x4aa: {  	[tilespmem:s13+$0xFFFFFFE0] =	vst @p2 v4  }
0x4ab: {  	[tilespmem:s13+$0xFFFFFFF0] =	vst @p2 v4  }
.LBB2_82:
0x4ac: {  	s30 =	sadd.s32 $0x1, s30  }
0x4ad: {  	p1 =	sne.s32 s30, $0x8  }
.Ltmp67:
0x4ae: {  	_ = 	snop;
	(pc) =	sbr.rel @!p1 .LBB2_83-.Ltmp67, $2  }
0x4af: {  	_ =	sdelay $0x2  }
0x4b0: {  	s7 =	sadd.s32 $0x400, s7  }
.LBB2_78:
0x4b1: {  	s2 =	sshll.u32 s30, $0x4  }
0x4b2: {  	v4 =	vld [tilespmem:s2+$0xE00];
	_ =	sdelay $0x4  }
0x4b3: {  	vm0 =	veq.s32 v4, $0x0  }
0x4b4: {  	v4 =	vsel vm0, $0x3F800000, v2  }
0x4b5: {  	(xrf0) =	vmax.scan.msk.f32 $0xffff, v4;
	_ =	sdelay $0x5  }
0x4b6: {  	v4, _, _ =	vpop (xrf0)  }
0x4b7: {  	(v2sf) =	vpush v4, $0xF;
	_ =	sdelay $0xe  }
0x4b8: {  	s17 =	spop (v2sf)  }
0x4b9: {  	p1 =	sgt.f32 s17, $0.0e+00  }
.Ltmp68:
0x4ba: {  	_ = 	snop;
	(pc) =	sbr.rel @!p1 .LBB2_82-.Ltmp68, $1  }
0x4bb: {  	_ =	sdelay $0x3  }
0x4bc: {  	v4 =	vmov s0  }
0x4bd: {  	vm1 =	veq.s32 v4, v3  }
0x4be: {  	vm1 =	vmand vm0, vm1  }
0x4bf: {  	v4 =	vsel vm1, $0x3F800000, v2  }
0x4c0: {  	(xrf0) =	vmax.scan.msk.f32 $0xffff, v4;
	_ =	sdelay $0x5  }
0x4c1: {  	s2 =	simm.s32 $0x1;
	v4, _, _ =	vpop (xrf0)  }
0x4c2: {  	(v2sf) =	vpush v4, $0xF;
	v4 =	vmov s2  }
0x4c3: {  	vm1 =	veq.s32 v4, v3  }
0x4c4: {  	vm1 =	vmand vm0, vm1  }
0x4c5: {  	v5 =	vsel vm1, $0x3F800000, v2  }
0x4c6: {  	(xrf0) =	vmax.scan.msk.f32 $0xffff, v5;
	_ =	sdelay $0x1  }
0x4c7: {  	s13 =	simm.s32 $0x2  }
0x4c8: {  	s15 =	simm.s32 $0x3;
	v4 =	vmov s13  }
0x4c9: {  	vm2 =	veq.s32 v4, v3;
	v4 =	vmov s15  }
0x4ca: {  	vm1 =	vmand vm0, vm2;
	vm2 =	veq.s32 v4, v3  }
0x4cb: {  	v4 =	vsel vm1, $0x3F800000, v2;
	vm1 =	vmand vm0, vm2;
	v5, _, _ =	vpop (xrf0)  }
0x4cc: {  	(xrf0) =	vmax.scan.msk.f32 $0xffff, v4;
	v4 =	vsel vm1, $0x3F800000, v2;
	(v2sf) =	vpush v5, $0xF  }
0x4cd: {  	(xrf0) =	vmax.scan.msk.f32 $0xffff, v4  }
0x4ce: {  	s16 =	simm.s32 $0x4  }
0x4cf: {  	v4 =	vmov s16;
	_ =	sdelay $0x2  }
0x4d0: {  	vm1 =	veq.s32 v4, v3;
	v4, _, _ =	vpop (xrf0)  }
0x4d1: {  	v5, _, _ =	vpop (xrf0);
	s17 =	spop (v2sf);
	(v2sf) =	vpush v4, $0xF  }
0x4d2: {  	(v2sf) =	vpush v5, $0xF  }
0x4d3: {  	vm1 =	vmand vm0, vm1;
	p1 =	sgt.f32 s17, $0.0e+00  }
0x4d4: {  	s2 =	smov.u32 s7;
	v4 =	vsel vm1, $0x3F800000, v2  }
0x4d5: {  	s13 =	smov.u32 s7;
	s15 =	simm.s32 $0x6;
	s16 =	simm.s32 $0x5;
	(xrf0) =	vmax.scan.msk.f32 $0xffff, v4;
	v4 =	vimm.f32 @p1 $0.0e+00  }
.LBB2_80:
0x4d6: {  	v5 =	vmov s16;
	s16 =	smov.u32 s15;
	s15 =	sadd.s32 $0x1, s15  }
0x4d7: {  	[tilespmem:s2+$0x10] =	vst @p1 v4;
	s13 =	sadd.s32 $0x40, s13;
	p2 =	sne.s32 s15, $0x10  }
.Ltmp69:
0x4d8: {  	vm1 =	veq.s32 v5, v3;
	[tilespmem:s2+$0x0] =	vst @p1 v4;
	(pc) =	sbr.rel @p2 .LBB2_80-.Ltmp69, $4  }
0x4d9: {  	vm1 =	vmand vm0, vm1;
	s17 =	spop (v2sf);
	[tilespmem:s2+$0xFFFFFFE0] =	vst @p1 v4  }
0x4da: {  	v5 =	vsel vm1, $0x3F800000, v2;
	[tilespmem:s2+$0xFFFFFFF0] =	vst @p1 v4;
	p1 =	sgt.f32 s17, $0.0e+00;
	s2 =	smov.u32 s13  }
0x4db: {  	(xrf0) =	vmax.scan.msk.f32 $0xffff, v5;
	v4, _, _ =	vpop (xrf0)  }
0x4dc: {  	(v2sf) =	vpush v4, $0xF;
	v4 =	vimm.f32 @p1 $0.0e+00  }
.Ltmp70:
0x4dd: {  	_ = 	snop;
	(pc) =	sbr.rel .LBB2_81-.Ltmp70, $1  }
0x4de: {  	_ =	sdelay $0x3  }
.LBB2_83:
0x4df: {  	s2 =	sadd.s32 $0x3000, s31;
	s0 =	simm.s32 $0x0  }
0x4e0: {  	[hbm4b:s2+s0] =	stream.linear.scatter [tilespmem:s10], [sflag:$0x4], $0x2000, $0x38;
	[tilespmem:$0x5000] =	vst v63  }
0x4e1: {  	_ =	swait.ge [sflag:s8], $0x2000  }
0x4e2: {  	[sflag:s8] =	ssyncset.done $0x0  }
.Ltmp71:
0x4e3: {  	[sflag:s8] =	ssyncadd.s32 $0xFFFFE000;
	(pc) =	sbr.rel .LBB2_84-.Ltmp71, $4  }
0x4e4: {  	[tilespmem:s10], [sflag:$0x1] =	stream.indirect.gather [hbm4b:s4+s9], $0x40, s26, s9, $0xb8;
	[tilespmem:$0x5000] =	vst v63  }
0x4e5: {  	_ =	swait.ge [sflag:s14], $0x2000  }
0x4e6: {  	[sflag:s14] =	ssyncset.done $0x0  }
0x4e7: {  	s7 =	simm.s32 $0x3020;
	s30 =	simm.s32 $0x0;
	[sflag:s14] =	ssyncadd.s32 $0xFFFFE000  }
.LBB2_87:
0x4e8: {  	v5 =	vmov s16  }
0x4e9: {  	vm1 =	veq.s32 v5, v3  }
0x4ea: {  	vm0 =	vmand vm0, vm1  }
0x4eb: {  	v5 =	vsel vm0, $0x3F800000, v2  }
0x4ec: {  	(xrf0) =	vmax.scan.msk.f32 $0xffff, v5;
	_ =	sdelay $0x1  }
0x4ed: {  	v5, _, _ =	vpop (xrf0)  }
0x4ee: {  	(v2sf) =	vpush v5, $0xF;
	_ =	sdelay $0x2  }
0x4ef: {  	[tilespmem:s2+$0x10] =	vst @p1 v4;
	s15 =	spop (v2sf);
	v5, _, _ =	vpop (xrf0)  }
0x4f0: {  	[tilespmem:s2+$0x0] =	vst @p1 v4;
	p2 =	sgt.f32 s15, $0.0e+00;
	(v2sf) =	vpush v5, $0xF  }
0x4f1: {  	[tilespmem:s2+$0xFFFFFFE0] =	vst @p1 v4  }
0x4f2: {  	s13 =	sadd.s32 $0x40, s13;
	[tilespmem:s2+$0xFFFFFFF0] =	vst @p1 v4;
	v4 =	vimm.f32 @p2 $0.0e+00  }
0x4f3: {  	s17 =	spop (v2sf);
	[tilespmem:s13+$0x10] =	vst @p2 v4  }
0x4f4: {  	p1 =	sgt.f32 s17, $0.0e+00;
	[tilespmem:s13+$0x0] =	vst @p2 v4  }
0x4f5: {  	[tilespmem:s13+$0xFFFFFFE0] =	vst @p2 v4  }
0x4f6: {  	s2 =	sadd.s32 $0x40, s13;
	[tilespmem:s13+$0xFFFFFFF0] =	vst @p2 v4;
	v4 =	vimm.f32 @p1 $0.0e+00  }
0x4f7: {  	[tilespmem:s2+$0x10] =	vst @p1 v4;
	s15 =	spop (v2sf)  }
0x4f8: {  	[tilespmem:s2+$0x0] =	vst @p1 v4;
	p2 =	sgt.f32 s15, $0.0e+00  }
0x4f9: {  	[tilespmem:s2+$0xFFFFFFE0] =	vst @p1 v4  }
0x4fa: {  	s13 =	sadd.s32 $0x40, s2;
	[tilespmem:s2+$0xFFFFFFF0] =	vst @p1 v4;
	v4 =	vimm.f32 @p2 $0.0e+00  }
0x4fb: {  	[tilespmem:s13+$0x10] =	vst @p2 v4;
	s16 =	spop (v2sf)  }
0x4fc: {  	[tilespmem:s13+$0x0] =	vst @p2 v4;
	p1 =	sgt.f32 s16, $0.0e+00  }
0x4fd: {  	[tilespmem:s13+$0xFFFFFFE0] =	vst @p2 v4  }
0x4fe: {  	s2 =	sadd.s32 $0x40, s13;
	[tilespmem:s13+$0xFFFFFFF0] =	vst @p2 v4;
	v4 =	vimm.f32 @p1 $0.0e+00  }
0x4ff: {  	[tilespmem:s2+$0x10] =	vst @p1 v4;
	s17 =	spop (v2sf)  }
0x500: {  	[tilespmem:s2+$0x0] =	vst @p1 v4;
	p2 =	sgt.f32 s17, $0.0e+00  }
0x501: {  	[tilespmem:s2+$0xFFFFFFE0] =	vst @p1 v4  }
0x502: {  	s13 =	sadd.s32 $0x40, s2;
	[tilespmem:s2+$0xFFFFFFF0] =	vst @p1 v4;
	v4 =	vimm.f32 @p2 $0.0e+00  }
0x503: {  	[tilespmem:s13+$0x10] =	vst @p2 v4  }
0x504: {  	[tilespmem:s13+$0x0] =	vst @p2 v4  }
0x505: {  	[tilespmem:s13+$0xFFFFFFE0] =	vst @p2 v4  }
0x506: {  	[tilespmem:s13+$0xFFFFFFF0] =	vst @p2 v4  }
.LBB2_88:
0x507: {  	s30 =	sadd.s32 $0x1, s30  }
0x508: {  	p1 =	sne.s32 s30, $0x8  }
.Ltmp72:
0x509: {  	_ = 	snop;
	(pc) =	sbr.rel @!p1 .LBB2_89-.Ltmp72, $2  }
0x50a: {  	_ =	sdelay $0x2  }
0x50b: {  	s7 =	sadd.s32 $0x400, s7  }
.LBB2_84:
0x50c: {  	s2 =	sshll.u32 s30, $0x4  }
0x50d: {  	v4 =	vld [tilespmem:s2+$0xE80];
	_ =	sdelay $0x4  }
0x50e: {  	vm0 =	veq.s32 v4, $0x0  }
0x50f: {  	v4 =	vsel vm0, $0x3F800000, v2  }
0x510: {  	(xrf0) =	vmax.scan.msk.f32 $0xffff, v4;
	_ =	sdelay $0x5  }
0x511: {  	v4, _, _ =	vpop (xrf0)  }
0x512: {  	(v2sf) =	vpush v4, $0xF;
	_ =	sdelay $0xe  }
0x513: {  	s17 =	spop (v2sf)  }
0x514: {  	p1 =	sgt.f32 s17, $0.0e+00  }
.Ltmp73:
0x515: {  	_ = 	snop;
	(pc) =	sbr.rel @!p1 .LBB2_88-.Ltmp73, $1  }
0x516: {  	_ =	sdelay $0x3  }
0x517: {  	v4 =	vmov s0  }
0x518: {  	vm1 =	veq.s32 v4, v3  }
0x519: {  	vm1 =	vmand vm0, vm1  }
0x51a: {  	v4 =	vsel vm1, $0x3F800000, v2  }
0x51b: {  	(xrf0) =	vmax.scan.msk.f32 $0xffff, v4;
	_ =	sdelay $0x5  }
0x51c: {  	s2 =	simm.s32 $0x1;
	v4, _, _ =	vpop (xrf0)  }
0x51d: {  	(v2sf) =	vpush v4, $0xF;
	v4 =	vmov s2  }
0x51e: {  	vm1 =	veq.s32 v4, v3  }
0x51f: {  	vm1 =	vmand vm0, vm1  }
0x520: {  	v5 =	vsel vm1, $0x3F800000, v2  }
0x521: {  	(xrf0) =	vmax.scan.msk.f32 $0xffff, v5;
	_ =	sdelay $0x1  }
0x522: {  	s13 =	simm.s32 $0x2  }
0x523: {  	s15 =	simm.s32 $0x3;
	v4 =	vmov s13  }
0x524: {  	vm2 =	veq.s32 v4, v3;
	v4 =	vmov s15  }
0x525: {  	vm1 =	vmand vm0, vm2;
	vm2 =	veq.s32 v4, v3  }
0x526: {  	v4 =	vsel vm1, $0x3F800000, v2;
	vm1 =	vmand vm0, vm2;
	v5, _, _ =	vpop (xrf0)  }
0x527: {  	(xrf0) =	vmax.scan.msk.f32 $0xffff, v4;
	v4 =	vsel vm1, $0x3F800000, v2;
	(v2sf) =	vpush v5, $0xF  }
0x528: {  	(xrf0) =	vmax.scan.msk.f32 $0xffff, v4  }
0x529: {  	s16 =	simm.s32 $0x4  }
0x52a: {  	v4 =	vmov s16;
	_ =	sdelay $0x2  }
0x52b: {  	vm1 =	veq.s32 v4, v3;
	v4, _, _ =	vpop (xrf0)  }
0x52c: {  	v5, _, _ =	vpop (xrf0);
	s17 =	spop (v2sf);
	(v2sf) =	vpush v4, $0xF  }
0x52d: {  	(v2sf) =	vpush v5, $0xF  }
0x52e: {  	vm1 =	vmand vm0, vm1;
	p1 =	sgt.f32 s17, $0.0e+00  }
0x52f: {  	s2 =	smov.u32 s7;
	v4 =	vsel vm1, $0x3F800000, v2  }
0x530: {  	s13 =	smov.u32 s7;
	s15 =	simm.s32 $0x6;
	s16 =	simm.s32 $0x5;
	(xrf0) =	vmax.scan.msk.f32 $0xffff, v4;
	v4 =	vimm.f32 @p1 $0.0e+00  }
.LBB2_86:
0x531: {  	v5 =	vmov s16;
	s16 =	smov.u32 s15;
	s15 =	sadd.s32 $0x1, s15  }
0x532: {  	[tilespmem:s2+$0x10] =	vst @p1 v4;
	s13 =	sadd.s32 $0x40, s13;
	p2 =	sne.s32 s15, $0x10  }
.Ltmp74:
0x533: {  	vm1 =	veq.s32 v5, v3;
	[tilespmem:s2+$0x0] =	vst @p1 v4;
	(pc) =	sbr.rel @p2 .LBB2_86-.Ltmp74, $4  }
0x534: {  	vm1 =	vmand vm0, vm1;
	s17 =	spop (v2sf);
	[tilespmem:s2+$0xFFFFFFE0] =	vst @p1 v4  }
0x535: {  	v5 =	vsel vm1, $0x3F800000, v2;
	[tilespmem:s2+$0xFFFFFFF0] =	vst @p1 v4;
	p1 =	sgt.f32 s17, $0.0e+00;
	s2 =	smov.u32 s13  }
0x536: {  	(xrf0) =	vmax.scan.msk.f32 $0xffff, v5;
	v4, _, _ =	vpop (xrf0)  }
0x537: {  	(v2sf) =	vpush v4, $0xF;
	v4 =	vimm.f32 @p1 $0.0e+00  }
.Ltmp75:
0x538: {  	_ = 	snop;
	(pc) =	sbr.rel .LBB2_87-.Ltmp75, $1  }
0x539: {  	_ =	sdelay $0x3  }
.LBB2_89:
0x53a: {  	s2 =	sadd.s32 $0x3400, s31;
	s0 =	simm.s32 $0x0  }
0x53b: {  	[hbm4b:s2+s0] =	stream.linear.scatter [tilespmem:s11], [sflag:$0x4], $0x2000, $0x38;
	[tilespmem:$0x5000] =	vst v63  }
0x53c: {  	_ =	swait.ge [sflag:s8], $0x2000  }
0x53d: {  	[sflag:s8] =	ssyncset.done $0x0  }
.Ltmp76:
0x53e: {  	[sflag:s8] =	ssyncadd.s32 $0xFFFFE000;
	(pc) =	sbr.rel .LBB2_90-.Ltmp76, $4  }
0x53f: {  	[tilespmem:s11], [sflag:$0x2] =	stream.indirect.gather [hbm4b:s4+s9], $0x40, s28, s9, $0xb8;
	[tilespmem:$0x5000] =	vst v63  }
0x540: {  	_ =	swait.ge [sflag:s12], $0x2000  }
0x541: {  	[sflag:s12] =	ssyncset.done $0x0  }
0x542: {  	s7 =	simm.s32 $0x1020;
	s30 =	simm.s32 $0x0;
	[sflag:s12] =	ssyncadd.s32 $0xFFFFE000  }
.LBB2_93:
0x543: {  	v5 =	vmov s16  }
0x544: {  	vm1 =	veq.s32 v5, v3  }
0x545: {  	vm0 =	vmand vm0, vm1  }
0x546: {  	v5 =	vsel vm0, $0x3F800000, v2  }
0x547: {  	(xrf0) =	vmax.scan.msk.f32 $0xffff, v5;
	_ =	sdelay $0x1  }
0x548: {  	v5, _, _ =	vpop (xrf0)  }
0x549: {  	(v2sf) =	vpush v5, $0xF;
	_ =	sdelay $0x2  }
0x54a: {  	[tilespmem:s2+$0x10] =	vst @p1 v4;
	s15 =	spop (v2sf);
	v5, _, _ =	vpop (xrf0)  }
0x54b: {  	[tilespmem:s2+$0x0] =	vst @p1 v4;
	p2 =	sgt.f32 s15, $0.0e+00;
	(v2sf) =	vpush v5, $0xF  }
0x54c: {  	[tilespmem:s2+$0xFFFFFFE0] =	vst @p1 v4  }
0x54d: {  	s13 =	sadd.s32 $0x40, s13;
	[tilespmem:s2+$0xFFFFFFF0] =	vst @p1 v4;
	v4 =	vimm.f32 @p2 $0.0e+00  }
0x54e: {  	s17 =	spop (v2sf);
	[tilespmem:s13+$0x10] =	vst @p2 v4  }
0x54f: {  	p1 =	sgt.f32 s17, $0.0e+00;
	[tilespmem:s13+$0x0] =	vst @p2 v4  }
0x550: {  	[tilespmem:s13+$0xFFFFFFE0] =	vst @p2 v4  }
0x551: {  	s2 =	sadd.s32 $0x40, s13;
	[tilespmem:s13+$0xFFFFFFF0] =	vst @p2 v4;
	v4 =	vimm.f32 @p1 $0.0e+00  }
0x552: {  	[tilespmem:s2+$0x10] =	vst @p1 v4;
	s15 =	spop (v2sf)  }
0x553: {  	[tilespmem:s2+$0x0] =	vst @p1 v4;
	p2 =	sgt.f32 s15, $0.0e+00  }
0x554: {  	[tilespmem:s2+$0xFFFFFFE0] =	vst @p1 v4  }
0x555: {  	s13 =	sadd.s32 $0x40, s2;
	[tilespmem:s2+$0xFFFFFFF0] =	vst @p1 v4;
	v4 =	vimm.f32 @p2 $0.0e+00  }
0x556: {  	[tilespmem:s13+$0x10] =	vst @p2 v4;
	s16 =	spop (v2sf)  }
0x557: {  	[tilespmem:s13+$0x0] =	vst @p2 v4;
	p1 =	sgt.f32 s16, $0.0e+00  }
0x558: {  	[tilespmem:s13+$0xFFFFFFE0] =	vst @p2 v4  }
0x559: {  	s2 =	sadd.s32 $0x40, s13;
	[tilespmem:s13+$0xFFFFFFF0] =	vst @p2 v4;
	v4 =	vimm.f32 @p1 $0.0e+00  }
0x55a: {  	[tilespmem:s2+$0x10] =	vst @p1 v4;
	s17 =	spop (v2sf)  }
0x55b: {  	[tilespmem:s2+$0x0] =	vst @p1 v4;
	p2 =	sgt.f32 s17, $0.0e+00  }
0x55c: {  	[tilespmem:s2+$0xFFFFFFE0] =	vst @p1 v4  }
0x55d: {  	s13 =	sadd.s32 $0x40, s2;
	[tilespmem:s2+$0xFFFFFFF0] =	vst @p1 v4;
	v4 =	vimm.f32 @p2 $0.0e+00  }
0x55e: {  	[tilespmem:s13+$0x10] =	vst @p2 v4  }
0x55f: {  	[tilespmem:s13+$0x0] =	vst @p2 v4  }
0x560: {  	[tilespmem:s13+$0xFFFFFFE0] =	vst @p2 v4  }
0x561: {  	[tilespmem:s13+$0xFFFFFFF0] =	vst @p2 v4  }
.LBB2_94:
0x562: {  	s30 =	sadd.s32 $0x1, s30  }
0x563: {  	p1 =	sne.s32 s30, $0x8  }
.Ltmp77:
0x564: {  	_ = 	snop;
	(pc) =	sbr.rel @!p1 .LBB2_95-.Ltmp77, $2  }
0x565: {  	_ =	sdelay $0x2  }
0x566: {  	s7 =	sadd.s32 $0x400, s7  }
.LBB2_90:
0x567: {  	s2 =	sshll.u32 s30, $0x4  }
0x568: {  	v4 =	vld [tilespmem:s2+$0xF00];
	_ =	sdelay $0x4  }
0x569: {  	vm0 =	veq.s32 v4, $0x0  }
0x56a: {  	v4 =	vsel vm0, $0x3F800000, v2  }
0x56b: {  	(xrf0) =	vmax.scan.msk.f32 $0xffff, v4;
	_ =	sdelay $0x5  }
0x56c: {  	v4, _, _ =	vpop (xrf0)  }
0x56d: {  	(v2sf) =	vpush v4, $0xF;
	_ =	sdelay $0xe  }
0x56e: {  	s17 =	spop (v2sf)  }
0x56f: {  	p1 =	sgt.f32 s17, $0.0e+00  }
.Ltmp78:
0x570: {  	_ = 	snop;
	(pc) =	sbr.rel @!p1 .LBB2_94-.Ltmp78, $1  }
0x571: {  	_ =	sdelay $0x3  }
0x572: {  	v4 =	vmov s0  }
0x573: {  	vm1 =	veq.s32 v4, v3  }
0x574: {  	vm1 =	vmand vm0, vm1  }
0x575: {  	v4 =	vsel vm1, $0x3F800000, v2  }
0x576: {  	(xrf0) =	vmax.scan.msk.f32 $0xffff, v4;
	_ =	sdelay $0x5  }
0x577: {  	s2 =	simm.s32 $0x1;
	v4, _, _ =	vpop (xrf0)  }
0x578: {  	(v2sf) =	vpush v4, $0xF;
	v4 =	vmov s2  }
0x579: {  	vm1 =	veq.s32 v4, v3  }
0x57a: {  	vm1 =	vmand vm0, vm1  }
0x57b: {  	v5 =	vsel vm1, $0x3F800000, v2  }
0x57c: {  	(xrf0) =	vmax.scan.msk.f32 $0xffff, v5;
	_ =	sdelay $0x1  }
0x57d: {  	s13 =	simm.s32 $0x2  }
0x57e: {  	s15 =	simm.s32 $0x3;
	v4 =	vmov s13  }
0x57f: {  	vm2 =	veq.s32 v4, v3;
	v4 =	vmov s15  }
0x580: {  	vm1 =	vmand vm0, vm2;
	vm2 =	veq.s32 v4, v3  }
0x581: {  	v4 =	vsel vm1, $0x3F800000, v2;
	vm1 =	vmand vm0, vm2;
	v5, _, _ =	vpop (xrf0)  }
0x582: {  	(xrf0) =	vmax.scan.msk.f32 $0xffff, v4;
	v4 =	vsel vm1, $0x3F800000, v2;
	(v2sf) =	vpush v5, $0xF  }
0x583: {  	(xrf0) =	vmax.scan.msk.f32 $0xffff, v4  }
0x584: {  	s16 =	simm.s32 $0x4  }
0x585: {  	v4 =	vmov s16;
	_ =	sdelay $0x2  }
0x586: {  	vm1 =	veq.s32 v4, v3;
	v4, _, _ =	vpop (xrf0)  }
0x587: {  	v5, _, _ =	vpop (xrf0);
	s17 =	spop (v2sf);
	(v2sf) =	vpush v4, $0xF  }
0x588: {  	(v2sf) =	vpush v5, $0xF  }
0x589: {  	vm1 =	vmand vm0, vm1;
	p1 =	sgt.f32 s17, $0.0e+00  }
0x58a: {  	s2 =	smov.u32 s7;
	v4 =	vsel vm1, $0x3F800000, v2  }
0x58b: {  	s13 =	smov.u32 s7;
	s15 =	simm.s32 $0x6;
	s16 =	simm.s32 $0x5;
	(xrf0) =	vmax.scan.msk.f32 $0xffff, v4;
	v4 =	vimm.f32 @p1 $0.0e+00  }
.LBB2_92:
0x58c: {  	v5 =	vmov s16;
	s16 =	smov.u32 s15;
	s15 =	sadd.s32 $0x1, s15  }
0x58d: {  	[tilespmem:s2+$0x10] =	vst @p1 v4;
	s13 =	sadd.s32 $0x40, s13;
	p2 =	sne.s32 s15, $0x10  }
.Ltmp79:
0x58e: {  	vm1 =	veq.s32 v5, v3;
	[tilespmem:s2+$0x0] =	vst @p1 v4;
	(pc) =	sbr.rel @p2 .LBB2_92-.Ltmp79, $4  }
0x58f: {  	vm1 =	vmand vm0, vm1;
	s17 =	spop (v2sf);
	[tilespmem:s2+$0xFFFFFFE0] =	vst @p1 v4  }
0x590: {  	v5 =	vsel vm1, $0x3F800000, v2;
	[tilespmem:s2+$0xFFFFFFF0] =	vst @p1 v4;
	p1 =	sgt.f32 s17, $0.0e+00;
	s2 =	smov.u32 s13  }
0x591: {  	(xrf0) =	vmax.scan.msk.f32 $0xffff, v5;
	v4, _, _ =	vpop (xrf0)  }
0x592: {  	(v2sf) =	vpush v4, $0xF;
	v4 =	vimm.f32 @p1 $0.0e+00  }
.Ltmp80:
0x593: {  	_ = 	snop;
	(pc) =	sbr.rel .LBB2_93-.Ltmp80, $1  }
0x594: {  	_ =	sdelay $0x3  }
.LBB2_95:
0x595: {  	s2 =	sadd.s32 $0x3800, s31;
	s0 =	simm.s32 $0x0  }
0x596: {  	[hbm4b:s2+s0] =	stream.linear.scatter [tilespmem:s10], [sflag:$0x4], $0x2000, $0x38;
	[tilespmem:$0x5000] =	vst v63  }
0x597: {  	_ =	swait.ge [sflag:s8], $0x2000  }
.Ltmp81:
0x598: {  	[sflag:s8] =	ssyncset.done $0x0;
	(pc) =	sbr.rel .LBB2_96-.Ltmp81, $4  }
0x599: {  	[sflag:s8] =	ssyncadd.s32 $0xFFFFE000  }
0x59a: {  	_ =	swait.ge [sflag:s14], $0x2000  }
0x59b: {  	[sflag:s14] =	ssyncset.done $0x0  }
0x59c: {  	s7 =	simm.s32 $0x3020;
	s30 =	simm.s32 $0x0;
	[sflag:s14] =	ssyncadd.s32 $0xFFFFE000  }
.LBB2_99:
0x59d: {  	v5 =	vmov s16  }
0x59e: {  	vm1 =	veq.s32 v5, v3  }
0x59f: {  	vm0 =	vmand vm0, vm1  }
0x5a0: {  	v5 =	vsel vm0, $0x3F800000, v2  }
0x5a1: {  	(xrf0) =	vmax.scan.msk.f32 $0xffff, v5;
	_ =	sdelay $0x1  }
0x5a2: {  	v5, _, _ =	vpop (xrf0)  }
0x5a3: {  	(v2sf) =	vpush v5, $0xF;
	_ =	sdelay $0x2  }
0x5a4: {  	[tilespmem:s2+$0x10] =	vst @p1 v4;
	s15 =	spop (v2sf);
	v5, _, _ =	vpop (xrf0)  }
0x5a5: {  	[tilespmem:s2+$0x0] =	vst @p1 v4;
	p2 =	sgt.f32 s15, $0.0e+00;
	(v2sf) =	vpush v5, $0xF  }
0x5a6: {  	[tilespmem:s2+$0xFFFFFFE0] =	vst @p1 v4  }
0x5a7: {  	s13 =	sadd.s32 $0x40, s13;
	[tilespmem:s2+$0xFFFFFFF0] =	vst @p1 v4;
	v4 =	vimm.f32 @p2 $0.0e+00  }
0x5a8: {  	s17 =	spop (v2sf);
	[tilespmem:s13+$0x10] =	vst @p2 v4  }
0x5a9: {  	p1 =	sgt.f32 s17, $0.0e+00;
	[tilespmem:s13+$0x0] =	vst @p2 v4  }
0x5aa: {  	[tilespmem:s13+$0xFFFFFFE0] =	vst @p2 v4  }
0x5ab: {  	s2 =	sadd.s32 $0x40, s13;
	[tilespmem:s13+$0xFFFFFFF0] =	vst @p2 v4;
	v4 =	vimm.f32 @p1 $0.0e+00  }
0x5ac: {  	[tilespmem:s2+$0x10] =	vst @p1 v4;
	s15 =	spop (v2sf)  }
0x5ad: {  	[tilespmem:s2+$0x0] =	vst @p1 v4;
	p2 =	sgt.f32 s15, $0.0e+00  }
0x5ae: {  	[tilespmem:s2+$0xFFFFFFE0] =	vst @p1 v4  }
0x5af: {  	s13 =	sadd.s32 $0x40, s2;
	[tilespmem:s2+$0xFFFFFFF0] =	vst @p1 v4;
	v4 =	vimm.f32 @p2 $0.0e+00  }
0x5b0: {  	[tilespmem:s13+$0x10] =	vst @p2 v4;
	s16 =	spop (v2sf)  }
0x5b1: {  	[tilespmem:s13+$0x0] =	vst @p2 v4;
	p1 =	sgt.f32 s16, $0.0e+00  }
0x5b2: {  	[tilespmem:s13+$0xFFFFFFE0] =	vst @p2 v4  }
0x5b3: {  	s2 =	sadd.s32 $0x40, s13;
	[tilespmem:s13+$0xFFFFFFF0] =	vst @p2 v4;
	v4 =	vimm.f32 @p1 $0.0e+00  }
0x5b4: {  	[tilespmem:s2+$0x10] =	vst @p1 v4;
	s17 =	spop (v2sf)  }
0x5b5: {  	[tilespmem:s2+$0x0] =	vst @p1 v4;
	p2 =	sgt.f32 s17, $0.0e+00  }
0x5b6: {  	[tilespmem:s2+$0xFFFFFFE0] =	vst @p1 v4  }
0x5b7: {  	s13 =	sadd.s32 $0x40, s2;
	[tilespmem:s2+$0xFFFFFFF0] =	vst @p1 v4;
	v4 =	vimm.f32 @p2 $0.0e+00  }
0x5b8: {  	[tilespmem:s13+$0x10] =	vst @p2 v4  }
0x5b9: {  	[tilespmem:s13+$0x0] =	vst @p2 v4  }
0x5ba: {  	[tilespmem:s13+$0xFFFFFFE0] =	vst @p2 v4  }
0x5bb: {  	[tilespmem:s13+$0xFFFFFFF0] =	vst @p2 v4  }
.LBB2_100:
0x5bc: {  	s30 =	sadd.s32 $0x1, s30  }
0x5bd: {  	p1 =	sne.s32 s30, $0x8  }
.Ltmp82:
0x5be: {  	_ = 	snop;
	(pc) =	sbr.rel @!p1 .LBB2_101-.Ltmp82, $2  }
0x5bf: {  	_ =	sdelay $0x2  }
0x5c0: {  	s7 =	sadd.s32 $0x400, s7  }
.LBB2_96:
0x5c1: {  	s2 =	sshll.u32 s30, $0x4  }
0x5c2: {  	v4 =	vld [tilespmem:s2+$0xF80];
	_ =	sdelay $0x4  }
0x5c3: {  	vm0 =	veq.s32 v4, $0x0  }
0x5c4: {  	v4 =	vsel vm0, $0x3F800000, v2  }
0x5c5: {  	(xrf0) =	vmax.scan.msk.f32 $0xffff, v4;
	_ =	sdelay $0x5  }
0x5c6: {  	v4, _, _ =	vpop (xrf0)  }
0x5c7: {  	(v2sf) =	vpush v4, $0xF;
	_ =	sdelay $0xe  }
0x5c8: {  	s17 =	spop (v2sf)  }
0x5c9: {  	p1 =	sgt.f32 s17, $0.0e+00  }
.Ltmp83:
0x5ca: {  	_ = 	snop;
	(pc) =	sbr.rel @!p1 .LBB2_100-.Ltmp83, $1  }
0x5cb: {  	_ =	sdelay $0x3  }
0x5cc: {  	v4 =	vmov s0  }
0x5cd: {  	vm1 =	veq.s32 v4, v3  }
0x5ce: {  	vm1 =	vmand vm0, vm1  }
0x5cf: {  	v4 =	vsel vm1, $0x3F800000, v2  }
0x5d0: {  	(xrf0) =	vmax.scan.msk.f32 $0xffff, v4;
	_ =	sdelay $0x5  }
0x5d1: {  	s2 =	simm.s32 $0x1;
	v4, _, _ =	vpop (xrf0)  }
0x5d2: {  	(v2sf) =	vpush v4, $0xF;
	v4 =	vmov s2  }
0x5d3: {  	vm1 =	veq.s32 v4, v3  }
0x5d4: {  	vm1 =	vmand vm0, vm1  }
0x5d5: {  	v5 =	vsel vm1, $0x3F800000, v2  }
0x5d6: {  	(xrf0) =	vmax.scan.msk.f32 $0xffff, v5;
	_ =	sdelay $0x1  }
0x5d7: {  	s13 =	simm.s32 $0x2  }
0x5d8: {  	s15 =	simm.s32 $0x3;
	v4 =	vmov s13  }
0x5d9: {  	vm2 =	veq.s32 v4, v3;
	v4 =	vmov s15  }
0x5da: {  	vm1 =	vmand vm0, vm2;
	vm2 =	veq.s32 v4, v3  }
0x5db: {  	v4 =	vsel vm1, $0x3F800000, v2;
	vm1 =	vmand vm0, vm2;
	v5, _, _ =	vpop (xrf0)  }
0x5dc: {  	(xrf0) =	vmax.scan.msk.f32 $0xffff, v4;
	v4 =	vsel vm1, $0x3F800000, v2;
	(v2sf) =	vpush v5, $0xF  }
0x5dd: {  	(xrf0) =	vmax.scan.msk.f32 $0xffff, v4  }
0x5de: {  	s16 =	simm.s32 $0x4  }
0x5df: {  	v4 =	vmov s16;
	_ =	sdelay $0x2  }
0x5e0: {  	vm1 =	veq.s32 v4, v3;
	v4, _, _ =	vpop (xrf0)  }
0x5e1: {  	v5, _, _ =	vpop (xrf0);
	s17 =	spop (v2sf);
	(v2sf) =	vpush v4, $0xF  }
0x5e2: {  	(v2sf) =	vpush v5, $0xF  }
0x5e3: {  	vm1 =	vmand vm0, vm1;
	p1 =	sgt.f32 s17, $0.0e+00  }
0x5e4: {  	s2 =	smov.u32 s7;
	v4 =	vsel vm1, $0x3F800000, v2  }
0x5e5: {  	s13 =	smov.u32 s7;
	s15 =	simm.s32 $0x6;
	s16 =	simm.s32 $0x5;
	(xrf0) =	vmax.scan.msk.f32 $0xffff, v4;
	v4 =	vimm.f32 @p1 $0.0e+00  }
.LBB2_98:
0x5e6: {  	v5 =	vmov s16;
	s16 =	smov.u32 s15;
	s15 =	sadd.s32 $0x1, s15  }
0x5e7: {  	[tilespmem:s2+$0x10] =	vst @p1 v4;
	s13 =	sadd.s32 $0x40, s13;
	p2 =	sne.s32 s15, $0x10  }
.Ltmp84:
0x5e8: {  	vm1 =	veq.s32 v5, v3;
	[tilespmem:s2+$0x0] =	vst @p1 v4;
	(pc) =	sbr.rel @p2 .LBB2_98-.Ltmp84, $4  }
0x5e9: {  	vm1 =	vmand vm0, vm1;
	s17 =	spop (v2sf);
	[tilespmem:s2+$0xFFFFFFE0] =	vst @p1 v4  }
0x5ea: {  	v5 =	vsel vm1, $0x3F800000, v2;
	[tilespmem:s2+$0xFFFFFFF0] =	vst @p1 v4;
	p1 =	sgt.f32 s17, $0.0e+00;
	s2 =	smov.u32 s13  }
0x5eb: {  	(xrf0) =	vmax.scan.msk.f32 $0xffff, v5;
	v4, _, _ =	vpop (xrf0)  }
0x5ec: {  	(v2sf) =	vpush v4, $0xF;
	v4 =	vimm.f32 @p1 $0.0e+00  }
.Ltmp85:
0x5ed: {  	_ = 	snop;
	(pc) =	sbr.rel .LBB2_99-.Ltmp85, $1  }
0x5ee: {  	_ =	sdelay $0x3  }
.LBB2_104:
0x5ef: {  	_ =	sfence.sel $0x180000  }
0x5f0: {  	[bflag:$0x0] =	sbarrier.arrive $0xFFFF  }
0x5f1: {  	_ =	strace $0x9000004A  }
0x5f2: {  	[bflag:$0x2] =	sbarrier.arrive $0xFFFF  }
0x5f3: {  	p0 =	sne.s32 s3, $0x0;
	s0 =	rddreg [dreg:$0x2]  }
0x5f4: {  	s0 =	sadd.s32 @!p0 $0x100000, s0  }
0x5f5: {  	[sflag:s0] =	ssyncadd.tile.s32 @!p0 $0x1;
	_ =	shalt  }
.Lfunc_end2:
_tile_overlayer_lowered:
.L_overlay_start_2:
0x5f6: {  	(tag) =	ssettag $0x2  }
0x5f7: {  	s0 =	rddreg [dreg:$0x0];
	s2 =	stileid.u32  }
0x5f8: {  	s1 =	rddreg [dreg:$0x1];
	p0 =	sne.s32 s2, $0x0  }
0x5f9: {  	s3 =	rddreg [dreg:$0x2];
	[bflag:$0x3] =	sbarrier.arrive $0xFFFF;
	s2 =	simm.s32 @!p0 $0x1C03  }
0x5fa: {  	[timem:s3], [sflag:s2] =	dma.local @!p0 [hbm:s0], s1  }
0x5fb: {  	s0 =	simm.s32 @!p0 $0x3  }
0x5fc: {  	_ =	swait.ge @!p0 [sflag:s0], s1  }
0x5fd: {  	s1 =	ssub.s32 @!p0 $0x0, s1;
	[sflag:s0] =	ssyncset.done @!p0 $0x0  }
0x5fe: {  	[sflag:s0] =	ssyncadd.s32 @!p0 s1  }
0x5ff: {  	[bflag:$0x3] =	sbarrier.arrive $0xFFFF  }
0x600: {  	_ =	shalt  }

</sc_bundles>
